<compile_context>
chip_gen: v7x
topology: tpu7x:2x2x1
jax: 0.10.2.dev20260603
libtpu: 0.0.44.dev20260713+nightly
codegen_flags: <defaults>
</compile_context>

<pallas_src>
import functools

import jax
import jax.numpy as jnp
from jax import lax
from jax.experimental import pallas as pl
from jax.experimental.pallas import tpu as pltpu, tpu_sc as plsc

N = 10000
P = 320000
M = 512
NH = 10000

NC = 2
NS = 16
NW = NC * NS

RL = 1024
RW = 10
PPW = RL * RW
PP = PPW * NW
NP = 10016
ROWS_PER_TILE = NP // NS
MROWS = 520
TRASH = 1024
ACC_ROWS = M + TRASH + 16

F32 = jnp.float32
I32 = jnp.int32

_mesh = plsc.VectorSubcoreMesh(core_axis_name="c", subcore_axis_name="s")


def _leaky(a):
    return jnp.where(a >= 0, a, 0.1 * a)


@functools.partial(
    pl.kernel,
    out_type=[
        jax.ShapeDtypeStruct((NP,), I32),
        jax.ShapeDtypeStruct((M,), I32),
        jax.ShapeDtypeStruct((M, 4), F32),
    ],
    mesh=_mesh,
    compiler_params=pltpu.CompilerParams(needs_layout_passes=False, use_tc_tiling_on_sc=False),
    scratch_types=[
        pltpu.VMEM((M,), I32),
        pltpu.VMEM((NP,), I32),
        pltpu.VMEM((M,), I32),
        pltpu.VMEM((M, 4), F32),
        pltpu.VMEM((NP * 2,), F32),
        pltpu.VMEM((NP * 2,), F32),
    ],
)
def _sc_prep(mi_hbm, x_hbm, fp_hbm, nm_hbm, ms_hbm, mg_hbm,
             mib, nmb, msb, mgb, xb, fpb):
    c = lax.axis_index("c")
    s = lax.axis_index("s")

    @pl.when(jnp.logical_and(c == 0, s == 0))
    def _():
        pltpu.sync_copy(mi_hbm, mib)
        pltpu.sync_copy(x_hbm, xb)
        pltpu.sync_copy(fp_hbm, fpb)
        mval = jnp.full((16,), M, I32)

        def fill(i, carry):
            nmb[pl.ds(i * 16, 16)] = mval
            return carry

        lax.fori_loop(0, NP // 16, fill, 0)
        lane = jnp.arange(16, dtype=I32)
        for i in range(M // 16):
            mi = mib[pl.ds(i * 16, 16)]
            plsc.store_scatter(nmb, [mi], i * 16 + lane)
        for i in range(M // 16):
            mi = mib[pl.ds(i * 16, 16)]
            slots = plsc.load_gather(nmb, [mi])
            msb[pl.ds(i * 16, 16)] = slots
            dst = i * 16 + lane
            for col in range(2):
                cc = jnp.full((16,), col, I32)
                plsc.store_scatter(mgb, [dst, cc], plsc.load_gather(fpb, [mi * 2 + col]))
                plsc.store_scatter(mgb, [dst, cc + 2], plsc.load_gather(xb, [mi * 2 + col]))
        pltpu.sync_copy(nmb, nm_hbm)
        pltpu.sync_copy(msb, ms_hbm)
        pltpu.sync_copy(mgb, mg_hbm)


def _tc_xin_body(x_ref, fp_ref, nm_ref, out_ref):
    flag = (nm_ref[...] != M).astype(F32)
    z = jnp.zeros((NP, 1), F32)
    o = jnp.ones((NP, 1), F32)
    out_ref[...] = jnp.concatenate(
        [x_ref[...], fp_ref[...], flag, z, z, z, z, o, z, z, z, z, z, z], axis=1)


_tc_xin = pl.pallas_call(
    _tc_xin_body, out_shape=jax.ShapeDtypeStruct((NP, 16), F32))



@functools.partial(
    pl.kernel,
    out_type=jax.ShapeDtypeStruct((NC, NP, 16), F32),
    mesh=_mesh,
    compiler_params=pltpu.CompilerParams(needs_layout_passes=False, use_tc_tiling_on_sc=False),
    scratch_types=[
        pltpu.VMEM((RW, RL), I32),
        pltpu.VMEM((RW, RL), I32),
        pltpu.VMEM((RL, 16), F32),
        pltpu.VMEM((RL, 16), F32),
        pltpu.VMEM((RL, 16), F32),
        pltpu.VMEM((RL, 16), F32),
        pltpu.VMEM_SHARED((NP, 16), F32),
        pltpu.SemaphoreType.DMA,
        pltpu.SemaphoreType.DMA,
        pltpu.SemaphoreType.DMA,
        pltpu.SemaphoreType.DMA,
    ],
)
def _sc_stage_a(xin_hbm, pfw_hbm, node_hbm, hedge_hbm, z_hbm, out_hbm,
                nodeb, hedgeb, xr0, xr1, pf0, pf1, accS, sg0, sg1, sp0, sp1):
    c = lax.axis_index("c")
    s = lax.axis_index("s")
    wid = s * NC + c
    rowbase = wid * RW
    pinbase = wid * PPW

    pltpu.sync_copy(z_hbm.at[pl.ds(s * ROWS_PER_TILE, ROWS_PER_TILE)],
                    accS.at[pl.ds(s * ROWS_PER_TILE, ROWS_PER_TILE)])
    pltpu.sync_copy(node_hbm.at[pl.ds(rowbase, RW)], nodeb)
    pltpu.sync_copy(hedge_hbm.at[pl.ds(rowbase, RW)], hedgeb)
    plsc.subcore_barrier()

    def issue(j, xr, pf, sg, sp):
        pltpu.async_copy(xin_hbm.at[nodeb.at[j]], xr, sg)
        pltpu.async_copy(pfw_hbm.at[pl.ds(pinbase + j * RL, RL)], pf, sp)

    def drain(j, xr, pf, sg, sp):
        pltpu.make_async_copy(xin_hbm.at[nodeb.at[j]], xr, sg).wait()
        pltpu.make_async_copy(pfw_hbm.at[pl.ds(pinbase + j * RL, RL)], pf, sp).wait()
        pltpu.sync_copy(xr, accS.at[hedgeb.at[j]], add=True)
        pltpu.sync_copy(pf, accS.at[hedgeb.at[j]], add=True)

    issue(0, xr0, pf0, sg0, sp0)

    def body(jj, carry):
        j0 = jj * 2
        j1 = j0 + 1
        issue(j1, xr1, pf1, sg1, sp1)
        drain(j0, xr0, pf0, sg0, sp0)

        @pl.when(jj < RW // 2 - 1)
        def _():
            issue(j0 + 2, xr0, pf0, sg0, sp0)

        drain(j1, xr1, pf1, sg1, sp1)
        return carry

    lax.fori_loop(0, RW // 2, body, 0)
    plsc.subcore_barrier()
    pltpu.sync_copy(accS.at[pl.ds(s * ROWS_PER_TILE, ROWS_PER_TILE)],
                    out_hbm.at[c, pl.ds(s * ROWS_PER_TILE, ROWS_PER_TILE)])


def _tc_ubar_body(acc_ref, out_ref):
    a = acc_ref[0] + acc_ref[1]
    cnt = a[:, 9:10]
    inv = 1.0 / jnp.maximum(cnt, 1.0)
    t = jnp.where(cnt > 0.5, 1.0, 0.0)
    u = a[:, :9] * inv
    z = jnp.zeros((NP, 1), F32)
    out_ref[...] = jnp.concatenate([u, t, jnp.ones((NP, 1), F32), z, z, z, z, z], axis=1)


_tc_ubar = pl.pallas_call(
    _tc_ubar_body, out_shape=jax.ShapeDtypeStruct((NP, 16), F32))


@functools.partial(
    pl.kernel,
    out_type=jax.ShapeDtypeStruct((NC, MROWS, 16), F32),
    mesh=_mesh,
    compiler_params=pltpu.CompilerParams(needs_layout_passes=False, use_tc_tiling_on_sc=False),
    scratch_types=[
        pltpu.VMEM((NP,), I32),
        pltpu.VMEM((RW, RL), I32),
        pltpu.VMEM((RW, RL), I32),
        pltpu.VMEM((RL, 16), F32),
        pltpu.VMEM((RL, 16), F32),
        pltpu.VMEM((RL,), I32),
        pltpu.VMEM((RL,), I32),
        pltpu.VMEM_SHARED((ACC_ROWS, 16), F32),
        pltpu.SemaphoreType.DMA,
        pltpu.SemaphoreType.DMA,
    ],
)
def _sc_stage_b(ubar_hbm, nm_hbm, node_hbm, hedge_hbm, z_hbm, out_hbm,
                nmv, nodeb, hedgeb, ur0, ur1, sl0, sl1, accS, sg0, sg1):
    c = lax.axis_index("c")
    s = lax.axis_index("s")
    wid = s * NC + c
    rowbase = wid * RW
    zrows = ACC_ROWS // NS

    pltpu.sync_copy(z_hbm.at[pl.ds(s * zrows, zrows)],
                    accS.at[pl.ds(s * zrows, zrows)])
    pltpu.sync_copy(nm_hbm, nmv)
    pltpu.sync_copy(node_hbm.at[pl.ds(rowbase, RW)], nodeb)
    pltpu.sync_copy(hedge_hbm.at[pl.ds(rowbase, RW)], hedgeb)
    plsc.subcore_barrier()

    def issue(j, ur, sg, slotb):
        pltpu.async_copy(ubar_hbm.at[hedgeb.at[j]], ur, sg)

        def inner(i, icarry):
            idx = nodeb[j, pl.ds(i * 16, 16)]
            sl = plsc.load_gather(nmv, [idx])
            slotb[pl.ds(i * 16, 16)] = jnp.where(
                sl == M, M + jnp.bitwise_and(idx, TRASH - 1), sl)
            return icarry

        lax.fori_loop(0, RL // 16, inner, 0)

    def drain(j, ur, sg, slotb):
        pltpu.make_async_copy(ubar_hbm.at[hedgeb.at[j]], ur, sg).wait()
        pltpu.sync_copy(ur, accS.at[slotb], add=True)

    issue(0, ur0, sg0, sl0)

    def body(jj, carry):
        j0 = jj * 2
        j1 = j0 + 1
        issue(j1, ur1, sg1, sl1)
        drain(j0, ur0, sg0, sl0)

        @pl.when(jj < RW // 2 - 1)
        def _():
            issue(j0 + 2, ur0, sg0, sl0)

        drain(j1, ur1, sg1, sl1)
        return carry

    lax.fori_loop(0, RW // 2, body, 0)
    plsc.subcore_barrier()

    @pl.when(s < 13)
    def _():
        pltpu.sync_copy(accS.at[pl.ds(s * 40, 40)],
                        out_hbm.at[c, pl.ds(s * 40, 40)])


def _tc_macro_body(acc_ref, ms_ref, mg_ref,
                   W1_ref, b1_ref, Wp_ref, W2l_ref, b2l_ref, W2r_ref,
                   W3l_ref, b3l_ref, W3r_ref, Wm1_ref, bm1_ref,
                   Wm2_ref, bm2_ref, Wm3_ref, bm3_ref, out_ref):
    hi = lax.Precision.HIGHEST
    acc = acc_ref[0] + acc_ref[1]
    cols = lax.broadcasted_iota(I32, (M, MROWS), 1)
    onehot = (cols == ms_ref[...]).astype(F32)
    H = jnp.dot(onehot, acc, precision=hi)
    U5, U4 = H[:, 0:5], H[:, 5:9]
    T, C = H[:, 9:10], H[:, 10:11]
    pre = (jnp.dot(U5, W1_ref[...], precision=hi) + T * b1_ref[...]
           + jnp.dot(U4, Wp_ref[...], precision=hi))
    hm = _leaky(pre / jnp.maximum(C, 1.0))

    mg = mg_ref[...]
    px, py, sx, sy = mg[:, 0:1], mg[:, 1:2], mg[:, 2:3], mg[:, 3:4]
    ri = lax.broadcasted_iota(I32, (M, M), 0)
    ci = lax.broadcasted_iota(I32, (M, M), 1)
    eye = (ri == ci).astype(F32)
    noteye = 1.0 - eye
    dn = (((0,), (0,)), ((), ()))
    pxr = lax.dot_general(px, eye, dn, precision=hi)
    pyr = lax.dot_general(py, eye, dn, precision=hi)
    adj_v = ((px + sx) <= pxr).astype(F32) * noteye
    adj_h = ((py + sy) <= pyr).astype(F32) * noteye
    ones_col = jnp.ones((M, 1), F32)

    def sage(xf, adj, Wl, bl, Wr):
        deg = lax.dot_general(adj, ones_col, dn, precision=hi)
        agg = lax.dot_general(adj, xf, dn)
        return jnp.dot(agg / jnp.maximum(deg, 1.0), Wl) + bl + jnp.dot(xf, Wr)

    xv = _leaky(sage(hm, adj_v, W2l_ref[...], b2l_ref[...], W2r_ref[...]))
    xh = _leaky(sage(hm, adj_h, W2l_ref[...], b2l_ref[...], W2r_ref[...]))
    xc = jnp.concatenate([xv, xh], axis=1)
    xv2 = _leaky(sage(xc, adj_v, W3l_ref[...], b3l_ref[...], W3r_ref[...]))
    xh2 = _leaky(sage(xc, adj_h, W3l_ref[...], b3l_ref[...], W3r_ref[...]))
    xc2 = jnp.concatenate([xv2, xh2], axis=1)
    o = _leaky(jnp.dot(xc2, Wm1_ref[...]) + bm1_ref[...])
    o = _leaky(jnp.dot(o, Wm2_ref[...]) + bm2_ref[...])
    out_ref[...] = jnp.dot(o, Wm3_ref[...]) + bm3_ref[...]


_tc_macro = pl.pallas_call(
    _tc_macro_body, out_shape=jax.ShapeDtypeStruct((M, 4), F32))


def kernel(x, edge_index, pin_feature, batch, fake_pos, macro_index,
           W1, b1, Wp, W2l, b2l, W2r, W3l, b3l, W3r,
           Wm1, bm1, Wm2, bm2, Wm3, bm3):
    del batch
    node_idx = edge_index[0]
    hedge_idx = edge_index[1]

    pad = PP - P
    prng = jnp.arange(pad, dtype=I32)
    node_pa = jnp.concatenate([node_idx, prng % N]).reshape(NW * RW, RL)
    node_pb = jnp.concatenate([node_idx, N + (prng % 16)]).reshape(NW * RW, RL)
    hedge_p = jnp.concatenate([hedge_idx, NH + (prng % 16)]).reshape(NW * RW, RL)
    pfw = jnp.concatenate(
        [jnp.zeros((P, 5), F32), pin_feature, jnp.zeros((P, 7), F32)], axis=1)
    pfw = jnp.concatenate([pfw, jnp.zeros((pad, 16), F32)], axis=0)
    x_p = jnp.concatenate([x, jnp.zeros((NP - N, 2), F32)], axis=0)
    fp_p = jnp.concatenate([fake_pos, jnp.zeros((NP - N, 2), F32)], axis=0)
    zeros16 = jnp.zeros((NP, 16), F32)

    nodemap, macroslot, mgeo = _sc_prep(macro_index, x_p.reshape(-1), fp_p.reshape(-1))
    xin16 = _tc_xin(x_p, fp_p, nodemap.reshape(NP, 1))
    accA = _sc_stage_a(xin16, pfw, node_pa, hedge_p, zeros16)
    ubar = _tc_ubar(accA)
    accB = _sc_stage_b(ubar, nodemap, node_pb, hedge_p, zeros16)
    out = _tc_macro(accB, macroslot.reshape(M, 1), mgeo,
                    W1, b1.reshape(1, 128), Wp, W2l, b2l.reshape(1, 128), W2r,
                    W3l, b3l.reshape(1, 128), W3r, Wm1, bm1.reshape(1, 128),
                    Wm2, bm2.reshape(1, 64), Wm3, bm3.reshape(1, 4))
    return out

# --- scband reference (transcript-rebuilt; emitter-appended) ---
"""Pipeline reference for scband-toponet-60601988547116 (READ-ONLY COPY).

The authoritative reference and input builder live on the scoring server;
editing this copy changes nothing except your own understanding.
"""

import jax, jax.numpy as jnp
import numpy as np

N = 10000
P = 320000
M = 512
NH = 10000

def _leaky(a):
    return jnp.where(a >= 0, a, 0.1 * a)

def setup_inputs(seed: int = 0):
    key = jax.random.key(seed)
    ks = jax.random.split(key, 24)
    s = 0.05
    x = jax.random.uniform(ks[0], (N, 2), dtype=jnp.float32)
    edge_index = jnp.stack([
        jax.random.randint(ks[1], (P,), 0, N, dtype=jnp.int32),
        jax.random.randint(ks[2], (P,), 0, NH, dtype=jnp.int32)])
    pin_feature = jax.random.normal(ks[3], (P, 4), dtype=jnp.float32)
    batch = jnp.zeros((N,), dtype=jnp.int32)
    fake_pos = jax.random.uniform(ks[4], (N, 2), dtype=jnp.float32)
    macro_index = jax.random.randint(ks[5], (M,), 0, N, dtype=jnp.int32)
    W1 = jax.random.normal(ks[6], (5, 128), jnp.float32) * s
    b1 = jnp.zeros((128,), jnp.float32)
    Wp = jax.random.normal(ks[7], (4, 128), jnp.float32) * s
    W2l = jax.random.normal(ks[8], (128, 128), jnp.float32) * s
    b2l = jnp.zeros((128,), jnp.float32)
    W2r = jax.random.normal(ks[9], (128, 128), jnp.float32) * s
    W3l = jax.random.normal(ks[10], (256, 128), jnp.float32) * s
    b3l = jnp.zeros((128,), jnp.float32)
    W3r = jax.random.normal(ks[11], (256, 128), jnp.float32) * s
    Wm1 = jax.random.normal(ks[12], (256, 128), jnp.float32) * s
    bm1 = jnp.zeros((128,), jnp.float32)
    Wm2 = jax.random.normal(ks[13], (128, 64), jnp.float32) * s
    bm2 = jnp.zeros((64,), jnp.float32)
    Wm3 = jax.random.normal(ks[14], (64, 4), jnp.float32) * s
    bm3 = jnp.zeros((4,), jnp.float32)
    return {"x": x, "edge_index": edge_index, "pin_feature": pin_feature, "batch": batch,
            "fake_pos": fake_pos, "macro_index": macro_index,
            "W1": W1, "b1": b1, "Wp": Wp,
            "W2l": W2l, "b2l": b2l, "W2r": W2r,
            "W3l": W3l, "b3l": b3l, "W3r": W3r,
            "Wm1": Wm1, "bm1": bm1, "Wm2": Wm2, "bm2": bm2, "Wm3": Wm3, "bm3": bm3}

def _sage(xf, adj, Wl, bl, Wr):
    deg = adj.sum(axis=0)
    agg = (adj.T @ xf) / jnp.maximum(deg, 1.0)[:, None]
    return agg @ Wl + bl + xf @ Wr

def _forward(x, pin_feature, fake_pos, W1, b1, Wp, W2l, b2l, W2r, W3l, b3l, W3r, Wm1, bm1, Wm2, bm2, Wm3, bm3, edge_index, macro_index):
    ismacro = jnp.zeros((N, 1), jnp.float32).at[macro_index].set(1.0)
    xin = jnp.concatenate([x, fake_pos, ismacro], axis=-1)
    node_idx = edge_index[0]
    hedge_idx = edge_index[1]
    xw = xin @ W1 + b1
    msg = xw[node_idx] + pin_feature @ Wp
    ones = jnp.ones((P, 1), jnp.float32)
    e = jax.ops.segment_sum(msg, hedge_idx, num_segments=NH) / jnp.maximum(
        jax.ops.segment_sum(ones, hedge_idx, num_segments=NH), 1.0)
    h = jax.ops.segment_sum(e[hedge_idx], node_idx, num_segments=N) / jnp.maximum(
        jax.ops.segment_sum(ones, node_idx, num_segments=N), 1.0)
    h = _leaky(h)
    hm = h[macro_index]
    # constraint-graph build (no_grad in torch -> stop_gradient here)
    macro_pos = jax.lax.stop_gradient(fake_pos[macro_index])
    macro_size = jax.lax.stop_gradient(x[macro_index])
    eye = jnp.eye(M, dtype=jnp.float32)
    adj_v = ((macro_pos[:, 0] + macro_size[:, 0])[:, None] <= macro_pos[:, 0][None, :]).astype(jnp.float32) * (1.0 - eye)
    adj_h = ((macro_pos[:, 1] + macro_size[:, 1])[:, None] <= macro_pos[:, 1][None, :]).astype(jnp.float32) * (1.0 - eye)
    xv = _leaky(_sage(hm, adj_v, W2l, b2l, W2r))
    xh = _leaky(_sage(hm, adj_h, W2l, b2l, W2r))
    xc = jnp.concatenate([xv, xh], axis=-1)
    xv = _leaky(_sage(xc, adj_v, W3l, b3l, W3r))
    xh = _leaky(_sage(xc, adj_h, W3l, b3l, W3r))
    xc = jnp.concatenate([xv, xh], axis=-1)
    out = _leaky(xc @ Wm1 + bm1)
    out = _leaky(out @ Wm2 + bm2)
    out = out @ Wm3 + bm3
    return out

def reference(x, edge_index, pin_feature, batch, fake_pos, macro_index,
              W1, b1, Wp, W2l, b2l, W2r, W3l, b3l, W3r, Wm1, bm1, Wm2, bm2, Wm3, bm3):
    del batch
    return _forward(x, pin_feature, fake_pos, W1, b1, Wp, W2l, b2l, W2r, W3l, b3l, W3r,
                    Wm1, bm1, Wm2, bm2, Wm3, bm3, edge_index, macro_index)

if __name__ == "__main__":
    import jax
    _d = setup_inputs()
    print(jax.jit(kernel)(*tuple(_d.values())))

</pallas_src>

<mosaic_0001>
#map = affine_map<(d0, d1) -> (0)>
#map1 = affine_map<(d0, d1) -> (0, 0)>
module attributes {stable_mosaic.version = 14 : i64} {
  func.func @_sc_prep(%arg0: i32, %arg1: i32, %arg2: memref<512xi32, #tpu.memory_space<hbm>>, %arg3: memref<20032xf32, #tpu.memory_space<hbm>>, %arg4: memref<20032xf32, #tpu.memory_space<hbm>>, %arg5: memref<10016xi32, #tpu.memory_space<hbm>>, %arg6: memref<512xi32, #tpu.memory_space<hbm>>, %arg7: memref<512x4xf32, #tpu.memory_space<hbm>>, %arg8: memref<512xi32, #tpu.memory_space<vmem>>, %arg9: memref<10016xi32, #tpu.memory_space<vmem>>, %arg10: memref<512xi32, #tpu.memory_space<vmem>>, %arg11: memref<512x4xf32, #tpu.memory_space<vmem>>, %arg12: memref<20032xf32, #tpu.memory_space<vmem>>, %arg13: memref<20032xf32, #tpu.memory_space<vmem>>) attributes {dimension_semantics = [#tpu.dimension_semantics<core_parallel>, #tpu.dimension_semantics<subcore_parallel>], iteration_bounds = array<i64: 2, 16>, scalar_prefetch = 0 : i64, scratch_operands = 6 : i64, tpu.core_type = #tpu.core_type<sc_vector_subcore>, window_params = [{transform_indices = #map}, {transform_indices = #map}, {transform_indices = #map}, {transform_indices = #map}, {transform_indices = #map}, {transform_indices = #map1}]} {
    %eq3A = arith.constant 0 : i32
    %eq3A_0 = arith.cmpi eq, %arg0, %eq3A : i32
    %eq3A_1 = arith.constant 0 : i32
    %eq3A_2 = arith.cmpi eq, %arg1, %eq3A_1 : i32
    %and3A = arith.andi %eq3A_0, %eq3A_2 : i1
    %convert_element_type3A = arith.extui %and3A : i1 to i32
    %cond3A = arith.constant 0 : i32
    %cond3A_3 = arith.cmpi ne, %convert_element_type3A, %cond3A : i32
    scf.if %cond3A_3 {
      "tpu.region"() ({
        %run_scoped3A = tpu.sem_alloc : memref<!tpu.dma_semaphore, #tpu.memory_space<semaphore_mem>>
        tpu.enqueue_dma source(%arg2 : memref<512xi32, #tpu.memory_space<hbm>>) target(%arg8 : memref<512xi32, #tpu.memory_space<vmem>>) target_semaphore(%run_scoped3A : memref<!tpu.dma_semaphore, #tpu.memory_space<semaphore_mem>>)
        tpu.wait_dma2 semaphore(%run_scoped3A : memref<!tpu.dma_semaphore, #tpu.memory_space<semaphore_mem>>) src(%arg2 : memref<512xi32, #tpu.memory_space<hbm>>) dst(%arg8 : memref<512xi32, #tpu.memory_space<vmem>>)
        tpu.yield
      }) : () -> ()
      "tpu.region"() ({
        %run_scoped3A = tpu.sem_alloc : memref<!tpu.dma_semaphore, #tpu.memory_space<semaphore_mem>>
        tpu.enqueue_dma source(%arg3 : memref<20032xf32, #tpu.memory_space<hbm>>) target(%arg12 : memref<20032xf32, #tpu.memory_space<vmem>>) target_semaphore(%run_scoped3A : memref<!tpu.dma_semaphore, #tpu.memory_space<semaphore_mem>>)
        tpu.wait_dma2 semaphore(%run_scoped3A : memref<!tpu.dma_semaphore, #tpu.memory_space<semaphore_mem>>) src(%arg3 : memref<20032xf32, #tpu.memory_space<hbm>>) dst(%arg12 : memref<20032xf32, #tpu.memory_space<vmem>>)
        tpu.yield
      }) : () -> ()
      "tpu.region"() ({
        %run_scoped3A = tpu.sem_alloc : memref<!tpu.dma_semaphore, #tpu.memory_space<semaphore_mem>>
        tpu.enqueue_dma source(%arg4 : memref<20032xf32, #tpu.memory_space<hbm>>) target(%arg13 : memref<20032xf32, #tpu.memory_space<vmem>>) target_semaphore(%run_scoped3A : memref<!tpu.dma_semaphore, #tpu.memory_space<semaphore_mem>>)
        tpu.wait_dma2 semaphore(%run_scoped3A : memref<!tpu.dma_semaphore, #tpu.memory_space<semaphore_mem>>) src(%arg4 : memref<20032xf32, #tpu.memory_space<hbm>>) dst(%arg13 : memref<20032xf32, #tpu.memory_space<vmem>>)
        tpu.yield
      }) : () -> ()
      %broadcast_in_dim3A = arith.constant 512 : i32
      %broadcast_in_dim3A_4 = vector.broadcast %broadcast_in_dim3A : i32 to vector<16xi32>
      %scan3A = arith.constant 0 : i32
      %scan3A_5 = arith.constant 0 : i32
      %scan3A_6 = arith.constant 626 : i32
      %scan3A_7 = arith.addi %scan3A_5, %scan3A_6 : i32
      %scan3A_8 = arith.constant 1 : i32
      scf.for %scan3A_1637 = %scan3A_5 to %scan3A_7 step %scan3A_8  : i32 {
        %mul3A_1638 = arith.constant 16 : i32
        %mul3A_1639 = arith.muli %scan3A_1637, %mul3A_1638 : i32
        %swap3A_1640 = arith.index_cast %mul3A_1639 : i32 to index
        %swap3A_1641 = tpu.vector_load %arg9[%swap3A_1640] {strides = array<i32>} : memref<10016xi32, #tpu.memory_space<vmem>>, vector<16xi32>,
        tpu.vector_store %arg9[%swap3A_1640], %broadcast_in_dim3A_4 {strides = array<i32>} : memref<10016xi32, #tpu.memory_space<vmem>>, vector<16xi32>,
      }
      %scan3A_9 = arith.constant 626 : i32
      %iota3A = tpu.iota {dimensions = array<i32: 0>} : vector<16xi32>
      %get3A = arith.constant 0 : index
      %get3A_10 = tpu.vector_load %arg8[%get3A] {strides = array<i32>} : memref<512xi32, #tpu.memory_space<vmem>>, vector<16xi32>,
      %add3A = arith.constant 0 : i32
      %add3A_11 = vector.broadcast %add3A : i32 to vector<16xi32>
      %add3A_12 = arith.addi %add3A_11, %iota3A : vector<16xi32>
      tpu.vector_store_idx %arg9[%get3A_10], %add3A_12 : memref<10016xi32, #tpu.memory_space<vmem>>[vector<16xi32>], vector<16xi32>,
      %get3A_13 = arith.constant 16 : index
      %get3A_14 = tpu.vector_load %arg8[%get3A_13] {strides = array<i32>} : memref<512xi32, #tpu.memory_space<vmem>>, vector<16xi32>,
      %add3A_15 = arith.constant 16 : i32
      %add3A_16 = vector.broadcast %add3A_15 : i32 to vector<16xi32>
      %add3A_17 = arith.addi %add3A_16, %iota3A : vector<16xi32>
      tpu.vector_store_idx %arg9[%get3A_14], %add3A_17 : memref<10016xi32, #tpu.memory_space<vmem>>[vector<16xi32>], vector<16xi32>,
      %get3A_18 = arith.constant 32 : index
      %get3A_19 = tpu.vector_load %arg8[%get3A_18] {strides = array<i32>} : memref<512xi32, #tpu.memory_space<vmem>>, vector<16xi32>,
      %add3A_20 = arith.constant 32 : i32
      %add3A_21 = vector.broadcast %add3A_20 : i32 to vector<16xi32>
      %add3A_22 = arith.addi %add3A_21, %iota3A : vector<16xi32>
      tpu.vector_store_idx %arg9[%get3A_19], %add3A_22 : memref<10016xi32, #tpu.memory_space<vmem>>[vector<16xi32>], vector<16xi32>,
      %get3A_23 = arith.constant 48 : index
      %get3A_24 = tpu.vector_load %arg8[%get3A_23] {strides = array<i32>} : memref<512xi32, #tpu.memory_space<vmem>>, vector<16xi32>,
      %add3A_25 = arith.constant 48 : i32
      %add3A_26 = vector.broadcast %add3A_25 : i32 to vector<16xi32>
      %add3A_27 = arith.addi %add3A_26, %iota3A : vector<16xi32>
      tpu.vector_store_idx %arg9[%get3A_24], %add3A_27 : memref<10016xi32, #tpu.memory_space<vmem>>[vector<16xi32>], vector<16xi32>,
      %get3A_28 = arith.constant 64 : index
      %get3A_29 = tpu.vector_load %arg8[%get3A_28] {strides = array<i32>} : memref<512xi32, #tpu.memory_space<vmem>>, vector<16xi32>,
      %add3A_30 = arith.constant 64 : i32
      %add3A_31 = vector.broadcast %add3A_30 : i32 to vector<16xi32>
      %add3A_32 = arith.addi %add3A_31, %iota3A : vector<16xi32>
      tpu.vector_store_idx %arg9[%get3A_29], %add3A_32 : memref<10016xi32, #tpu.memory_space<vmem>>[vector<16xi32>], vector<16xi32>,
      %get3A_33 = arith.constant 80 : index
      %get3A_34 = tpu.vector_load %arg8[%get3A_33] {strides = array<i32>} : memref<512xi32, #tpu.memory_space<vmem>>, vector<16xi32>,
      %add3A_35 = arith.constant 80 : i32
      %add3A_36 = vector.broadcast %add3A_35 : i32 to vector<16xi32>
      %add3A_37 = arith.addi %add3A_36, %iota3A : vector<16xi32>
      tpu.vector_store_idx %arg9[%get3A_34], %add3A_37 : memref<10016xi32, #tpu.memory_space<vmem>>[vector<16xi32>], vector<16xi32>,
      %get3A_38 = arith.constant 96 : index
      %get3A_39 = tpu.vector_load %arg8[%get3A_38] {strides = array<i32>} : memref<512xi32, #tpu.memory_space<vmem>>, vector<16xi32>,
      %add3A_40 = arith.constant 96 : i32
      %add3A_41 = vector.broadcast %add3A_40 : i32 to vector<16xi32>
      %add3A_42 = arith.addi %add3A_41, %iota3A : vector<16xi32>
      tpu.vector_store_idx %arg9[%get3A_39], %add3A_42 : memref<10016xi32, #tpu.memory_space<vmem>>[vector<16xi32>], vector<16xi32>,
      %get3A_43 = arith.constant 112 : index
      %get3A_44 = tpu.vector_load %arg8[%get3A_43] {strides = array<i32>} : memref<512xi32, #tpu.memory_space<vmem>>, vector<16xi32>,
      %add3A_45 = arith.constant 112 : i32
      %add3A_46 = vector.broadcast %add3A_45 : i32 to vector<16xi32>
      %add3A_47 = arith.addi %add3A_46, %iota3A : vector<16xi32>
      tpu.vector_store_idx %arg9[%get3A_44], %add3A_47 : memref<10016xi32, #tpu.memory_space<vmem>>[vector<16xi32>], vector<16xi32>,
      %get3A_48 = arith.constant 128 : index
      %get3A_49 = tpu.vector_load %arg8[%get3A_48] {strides = array<i32>} : memref<512xi32, #tpu.memory_space<vmem>>, vector<16xi32>,
      %add3A_50 = arith.constant 128 : i32
      %add3A_51 = vector.broadcast %add3A_50 : i32 to vector<16xi32>
      %add3A_52 = arith.addi %add3A_51, %iota3A : vector<16xi32>
      tpu.vector_store_idx %arg9[%get3A_49], %add3A_52 : memref<10016xi32, #tpu.memory_space<vmem>>[vector<16xi32>], vector<16xi32>,
      %get3A_53 = arith.constant 144 : index
      %get3A_54 = tpu.vector_load %arg8[%get3A_53] {strides = array<i32>} : memref<512xi32, #tpu.memory_space<vmem>>, vector<16xi32>,
      %add3A_55 = arith.constant 144 : i32
      %add3A_56 = vector.broadcast %add3A_55 : i32 to vector<16xi32>
      %add3A_57 = arith.addi %add3A_56, %iota3A : vector<16xi32>
      tpu.vector_store_idx %arg9[%get3A_54], %add3A_57 : memref<10016xi32, #tpu.memory_space<vmem>>[vector<16xi32>], vector<16xi32>,
      %get3A_58 = arith.constant 160 : index
      %get3A_59 = tpu.vector_load %arg8[%get3A_58] {strides = array<i32>} : memref<512xi32, #tpu.memory_space<vmem>>, vector<16xi32>,
      %add3A_60 = arith.constant 160 : i32
      %add3A_61 = vector.broadcast %add3A_60 : i32 to vector<16xi32>
      %add3A_62 = arith.addi %add3A_61, %iota3A : vector<16xi32>
      tpu.vector_store_idx %arg9[%get3A_59], %add3A_62 : memref<10016xi32, #tpu.memory_space<vmem>>[vector<16xi32>], vector<16xi32>,
      %get3A_63 = arith.constant 176 : index
      %get3A_64 = tpu.vector_load %arg8[%get3A_63] {strides = array<i32>} : memref<512xi32, #tpu.memory_space<vmem>>, vector<16xi32>,
      %add3A_65 = arith.constant 176 : i32
      %add3A_66 = vector.broadcast %add3A_65 : i32 to vector<16xi32>
      %add3A_67 = arith.addi %add3A_66, %iota3A : vector<16xi32>
      tpu.vector_store_idx %arg9[%get3A_64], %add3A_67 : memref<10016xi32, #tpu.memory_space<vmem>>[vector<16xi32>], vector<16xi32>,
      %get3A_68 = arith.constant 192 : index
      %get3A_69 = tpu.vector_load %arg8[%get3A_68] {strides = array<i32>} : memref<512xi32, #tpu.memory_space<vmem>>, vector<16xi32>,
      %add3A_70 = arith.constant 192 : i32
      %add3A_71 = vector.broadcast %add3A_70 : i32 to vector<16xi32>
      %add3A_72 = arith.addi %add3A_71, %iota3A : vector<16xi32>
      tpu.vector_store_idx %arg9[%get3A_69], %add3A_72 : memref<10016xi32, #tpu.memory_space<vmem>>[vector<16xi32>], vector<16xi32>,
      %get3A_73 = arith.constant 208 : index
      %get3A_74 = tpu.vector_load %arg8[%get3A_73] {strides = array<i32>} : memref<512xi32, #tpu.memory_space<vmem>>, vector<16xi32>,
      %add3A_75 = arith.constant 208 : i32
      %add3A_76 = vector.broadcast %add3A_75 : i32 to vector<16xi32>
      %add3A_77 = arith.addi %add3A_76, %iota3A : vector<16xi32>
      tpu.vector_store_idx %arg9[%get3A_74], %add3A_77 : memref<10016xi32, #tpu.memory_space<vmem>>[vector<16xi32>], vector<16xi32>,
      %get3A_78 = arith.constant 224 : index
      %get3A_79 = tpu.vector_load %arg8[%get3A_78] {strides = array<i32>} : memref<512xi32, #tpu.memory_space<vmem>>, vector<16xi32>,
      %add3A_80 = arith.constant 224 : i32
      %add3A_81 = vector.broadcast %add3A_80 : i32 to vector<16xi32>
      %add3A_82 = arith.addi %add3A_81, %iota3A : vector<16xi32>
      tpu.vector_store_idx %arg9[%get3A_79], %add3A_82 : memref<10016xi32, #tpu.memory_space<vmem>>[vector<16xi32>], vector<16xi32>,
      %get3A_83 = arith.constant 240 : index
      %get3A_84 = tpu.vector_load %arg8[%get3A_83] {strides = array<i32>} : memref<512xi32, #tpu.memory_space<vmem>>, vector<16xi32>,
      %add3A_85 = arith.constant 240 : i32
      %add3A_86 = vector.broadcast %add3A_85 : i32 to vector<16xi32>
      %add3A_87 = arith.addi %add3A_86, %iota3A : vector<16xi32>
      tpu.vector_store_idx %arg9[%get3A_84], %add3A_87 : memref<10016xi32, #tpu.memory_space<vmem>>[vector<16xi32>], vector<16xi32>,
      %get3A_88 = arith.constant 256 : index
      %get3A_89 = tpu.vector_load %arg8[%get3A_88] {strides = array<i32>} : memref<512xi32, #tpu.memory_space<vmem>>, vector<16xi32>,
      %add3A_90 = arith.constant 256 : i32
      %add3A_91 = vector.broadcast %add3A_90 : i32 to vector<16xi32>
      %add3A_92 = arith.addi %add3A_91, %iota3A : vector<16xi32>
      tpu.vector_store_idx %arg9[%get3A_89], %add3A_92 : memref<10016xi32, #tpu.memory_space<vmem>>[vector<16xi32>], vector<16xi32>,
      %get3A_93 = arith.constant 272 : index
      %get3A_94 = tpu.vector_load %arg8[%get3A_93] {strides = array<i32>} : memref<512xi32, #tpu.memory_space<vmem>>, vector<16xi32>,
      %add3A_95 = arith.constant 272 : i32
      %add3A_96 = vector.broadcast %add3A_95 : i32 to vector<16xi32>
      %add3A_97 = arith.addi %add3A_96, %iota3A : vector<16xi32>
      tpu.vector_store_idx %arg9[%get3A_94], %add3A_97 : memref<10016xi32, #tpu.memory_space<vmem>>[vector<16xi32>], vector<16xi32>,
      %get3A_98 = arith.constant 288 : index
      %get3A_99 = tpu.vector_load %arg8[%get3A_98] {strides = array<i32>} : memref<512xi32, #tpu.memory_space<vmem>>, vector<16xi32>,
      %add3A_100 = arith.constant 288 : i32
      %add3A_101 = vector.broadcast %add3A_100 : i32 to vector<16xi32>
      %add3A_102 = arith.addi %add3A_101, %iota3A : vector<16xi32>
      tpu.vector_store_idx %arg9[%get3A_99], %add3A_102 : memref<10016xi32, #tpu.memory_space<vmem>>[vector<16xi32>], vector<16xi32>,
      %get3A_103 = arith.constant 304 : index
      %get3A_104 = tpu.vector_load %arg8[%get3A_103] {strides = array<i32>} : memref<512xi32, #tpu.memory_space<vmem>>, vector<16xi32>,
      %add3A_105 = arith.constant 304 : i32
      %add3A_106 = vector.broadcast %add3A_105 : i32 to vector<16xi32>
      %add3A_107 = arith.addi %add3A_106, %iota3A : vector<16xi32>
      tpu.vector_store_idx %arg9[%get3A_104], %add3A_107 : memref<10016xi32, #tpu.memory_space<vmem>>[vector<16xi32>], vector<16xi32>,
      %get3A_108 = arith.constant 320 : index
      %get3A_109 = tpu.vector_load %arg8[%get3A_108] {strides = array<i32>} : memref<512xi32, #tpu.memory_space<vmem>>, vector<16xi32>,
      %add3A_110 = arith.constant 320 : i32
      %add3A_111 = vector.broadcast %add3A_110 : i32 to vector<16xi32>
      %add3A_112 = arith.addi %add3A_111, %iota3A : vector<16xi32>
      tpu.vector_store_idx %arg9[%get3A_109], %add3A_112 : memref<10016xi32, #tpu.memory_space<vmem>>[vector<16xi32>], vector<16xi32>,
      %get3A_113 = arith.constant 336 : index
      %get3A_114 = tpu.vector_load %arg8[%get3A_113] {strides = array<i32>} : memref<512xi32, #tpu.memory_space<vmem>>, vector<16xi32>,
      %add3A_115 = arith.constant 336 : i32
      %add3A_116 = vector.broadcast %add3A_115 : i32 to vector<16xi32>
      %add3A_117 = arith.addi %add3A_116, %iota3A : vector<16xi32>
      tpu.vector_store_idx %arg9[%get3A_114], %add3A_117 : memref<10016xi32, #tpu.memory_space<vmem>>[vector<16xi32>], vector<16xi32>,
      %get3A_118 = arith.constant 352 : index
      %get3A_119 = tpu.vector_load %arg8[%get3A_118] {strides = array<i32>} : memref<512xi32, #tpu.memory_space<vmem>>, vector<16xi32>,
      %add3A_120 = arith.constant 352 : i32
      %add3A_121 = vector.broadcast %add3A_120 : i32 to vector<16xi32>
      %add3A_122 = arith.addi %add3A_121, %iota3A : vector<16xi32>
      tpu.vector_store_idx %arg9[%get3A_119], %add3A_122 : memref<10016xi32, #tpu.memory_space<vmem>>[vector<16xi32>], vector<16xi32>,
      %get3A_123 = arith.constant 368 : index
      %get3A_124 = tpu.vector_load %arg8[%get3A_123] {strides = array<i32>} : memref<512xi32, #tpu.memory_space<vmem>>, vector<16xi32>,
      %add3A_125 = arith.constant 368 : i32
      %add3A_126 = vector.broadcast %add3A_125 : i32 to vector<16xi32>
      %add3A_127 = arith.addi %add3A_126, %iota3A : vector<16xi32>
      tpu.vector_store_idx %arg9[%get3A_124], %add3A_127 : memref<10016xi32, #tpu.memory_space<vmem>>[vector<16xi32>], vector<16xi32>,
      %get3A_128 = arith.constant 384 : index
      %get3A_129 = tpu.vector_load %arg8[%get3A_128] {strides = array<i32>} : memref<512xi32, #tpu.memory_space<vmem>>, vector<16xi32>,
      %add3A_130 = arith.constant 384 : i32
      %add3A_131 = vector.broadcast %add3A_130 : i32 to vector<16xi32>
      %add3A_132 = arith.addi %add3A_131, %iota3A : vector<16xi32>
      tpu.vector_store_idx %arg9[%get3A_129], %add3A_132 : memref<10016xi32, #tpu.memory_space<vmem>>[vector<16xi32>], vector<16xi32>,
      %get3A_133 = arith.constant 400 : index
      %get3A_134 = tpu.vector_load %arg8[%get3A_133] {strides = array<i32>} : memref<512xi32, #tpu.memory_space<vmem>>, vector<16xi32>,
      %add3A_135 = arith.constant 400 : i32
      %add3A_136 = vector.broadcast %add3A_135 : i32 to vector<16xi32>
      %add3A_137 = arith.addi %add3A_136, %iota3A : vector<16xi32>
      tpu.vector_store_idx %arg9[%get3A_134], %add3A_137 : memref<10016xi32, #tpu.memory_space<vmem>>[vector<16xi32>], vector<16xi32>,
      %get3A_138 = arith.constant 416 : index
      %get3A_139 = tpu.vector_load %arg8[%get3A_138] {strides = array<i32>} : memref<512xi32, #tpu.memory_space<vmem>>, vector<16xi32>,
      %add3A_140 = arith.constant 416 : i32
      %add3A_141 = vector.broadcast %add3A_140 : i32 to vector<16xi32>
      %add3A_142 = arith.addi %add3A_141, %iota3A : vector<16xi32>
      tpu.vector_store_idx %arg9[%get3A_139], %add3A_142 : memref<10016xi32, #tpu.memory_space<vmem>>[vector<16xi32>], vector<16xi32>,
      %get3A_143 = arith.constant 432 : index
      %get3A_144 = tpu.vector_load %arg8[%get3A_143] {strides = array<i32>} : memref<512xi32, #tpu.memory_space<vmem>>, vector<16xi32>,
      %add3A_145 = arith.constant 432 : i32
      %add3A_146 = vector.broadcast %add3A_145 : i32 to vector<16xi32>
      %add3A_147 = arith.addi %add3A_146, %iota3A : vector<16xi32>
      tpu.vector_store_idx %arg9[%get3A_144], %add3A_147 : memref<10016xi32, #tpu.memory_space<vmem>>[vector<16xi32>], vector<16xi32>,
      %get3A_148 = arith.constant 448 : index
      %get3A_149 = tpu.vector_load %arg8[%get3A_148] {strides = array<i32>} : memref<512xi32, #tpu.memory_space<vmem>>, vector<16xi32>,
      %add3A_150 = arith.constant 448 : i32
      %add3A_151 = vector.broadcast %add3A_150 : i32 to vector<16xi32>
      %add3A_152 = arith.addi %add3A_151, %iota3A : vector<16xi32>
      tpu.vector_store_idx %arg9[%get3A_149], %add3A_152 : memref<10016xi32, #tpu.memory_space<vmem>>[vector<16xi32>], vector<16xi32>,
      %get3A_153 = arith.constant 464 : index
      %get3A_154 = tpu.vector_load %arg8[%get3A_153] {strides = array<i32>} : memref<512xi32, #tpu.memory_space<vmem>>, vector<16xi32>,
      %add3A_155 = arith.constant 464 : i32
      %add3A_156 = vector.broadcast %add3A_155 : i32 to vector<16xi32>
      %add3A_157 = arith.addi %add3A_156, %iota3A : vector<16xi32>
      tpu.vector_store_idx %arg9[%get3A_154], %add3A_157 : memref<10016xi32, #tpu.memory_space<vmem>>[vector<16xi32>], vector<16xi32>,
      %get3A_158 = arith.constant 480 : index
      %get3A_159 = tpu.vector_load %arg8[%get3A_158] {strides = array<i32>} : memref<512xi32, #tpu.memory_space<vmem>>, vector<16xi32>,
      %add3A_160 = arith.constant 480 : i32
      %add3A_161 = vector.broadcast %add3A_160 : i32 to vector<16xi32>
      %add3A_162 = arith.addi %add3A_161, %iota3A : vector<16xi32>
      tpu.vector_store_idx %arg9[%get3A_159], %add3A_162 : memref<10016xi32, #tpu.memory_space<vmem>>[vector<16xi32>], vector<16xi32>,
      %get3A_163 = arith.constant 496 : index
      %get3A_164 = tpu.vector_load %arg8[%get3A_163] {strides = array<i32>} : memref<512xi32, #tpu.memory_space<vmem>>, vector<16xi32>,
      %add3A_165 = arith.constant 496 : i32
      %add3A_166 = vector.broadcast %add3A_165 : i32 to vector<16xi32>
      %add3A_167 = arith.addi %add3A_166, %iota3A : vector<16xi32>
      tpu.vector_store_idx %arg9[%get3A_164], %add3A_167 : memref<10016xi32, #tpu.memory_space<vmem>>[vector<16xi32>], vector<16xi32>,
      %get3A_168 = arith.constant 0 : index
      %get3A_169 = tpu.vector_load %arg8[%get3A_168] {strides = array<i32>} : memref<512xi32, #tpu.memory_space<vmem>>, vector<16xi32>,
      %gather3A = tpu.vector_load_idx %arg9[%get3A_169] : memref<10016xi32, #tpu.memory_space<vmem>>[vector<16xi32>], vector<16xi32>,
      %swap3A = arith.constant 0 : index
      %swap3A_170 = tpu.vector_load %arg10[%swap3A] {strides = array<i32>} : memref<512xi32, #tpu.memory_space<vmem>>, vector<16xi32>,
      tpu.vector_store %arg10[%swap3A], %gather3A {strides = array<i32>} : memref<512xi32, #tpu.memory_space<vmem>>, vector<16xi32>,
      %add3A_171 = arith.constant 0 : i32
      %add3A_172 = vector.broadcast %add3A_171 : i32 to vector<16xi32>
      %add3A_173 = arith.addi %add3A_172, %iota3A : vector<16xi32>
      %broadcast_in_dim3A_174 = arith.constant 0 : i32
      %broadcast_in_dim3A_175 = vector.broadcast %broadcast_in_dim3A_174 : i32 to vector<16xi32>
      %mul3A = arith.constant 2 : i32
      %mul3A_176 = vector.broadcast %mul3A : i32 to vector<16xi32>
      %mul3A_177 = arith.muli %get3A_169, %mul3A_176 : vector<16xi32>
      %add3A_178 = arith.constant 0 : i32
      %add3A_179 = vector.broadcast %add3A_178 : i32 to vector<16xi32>
      %add3A_180 = arith.addi %mul3A_177, %add3A_179 : vector<16xi32>
      %gather3A_181 = tpu.vector_load_idx %arg13[%add3A_180] : memref<20032xf32, #tpu.memory_space<vmem>>[vector<16xi32>], vector<16xf32>,
      tpu.vector_store_idx %arg11[%add3A_173, %broadcast_in_dim3A_175], %gather3A_181 : memref<512x4xf32, #tpu.memory_space<vmem>>[vector<16xi32>, vector<16xi32>], vector<16xf32>,
      %add3A_182 = arith.constant 2 : i32
      %add3A_183 = vector.broadcast %add3A_182 : i32 to vector<16xi32>
      %add3A_184 = arith.addi %broadcast_in_dim3A_175, %add3A_183 : vector<16xi32>
      %mul3A_185 = arith.constant 2 : i32
      %mul3A_186 = vector.broadcast %mul3A_185 : i32 to vector<16xi32>
      %mul3A_187 = arith.muli %get3A_169, %mul3A_186 : vector<16xi32>
      %add3A_188 = arith.constant 0 : i32
      %add3A_189 = vector.broadcast %add3A_188 : i32 to vector<16xi32>
      %add3A_190 = arith.addi %mul3A_187, %add3A_189 : vector<16xi32>
      %gather3A_191 = tpu.vector_load_idx %arg12[%add3A_190] : memref<20032xf32, #tpu.memory_space<vmem>>[vector<16xi32>], vector<16xf32>,
      tpu.vector_store_idx %arg11[%add3A_173, %add3A_184], %gather3A_191 : memref<512x4xf32, #tpu.memory_space<vmem>>[vector<16xi32>, vector<16xi32>], vector<16xf32>,
      %broadcast_in_dim3A_192 = arith.constant 1 : i32
      %broadcast_in_dim3A_193 = vector.broadcast %broadcast_in_dim3A_192 : i32 to vector<16xi32>
      %mul3A_194 = arith.constant 2 : i32
      %mul3A_195 = vector.broadcast %mul3A_194 : i32 to vector<16xi32>
      %mul3A_196 = arith.muli %get3A_169, %mul3A_195 : vector<16xi32>
      %add3A_197 = arith.constant 1 : i32
      %add3A_198 = vector.broadcast %add3A_197 : i32 to vector<16xi32>
      %add3A_199 = arith.addi %mul3A_196, %add3A_198 : vector<16xi32>
      %gather3A_200 = tpu.vector_load_idx %arg13[%add3A_199] : memref<20032xf32, #tpu.memory_space<vmem>>[vector<16xi32>], vector<16xf32>,
      tpu.vector_store_idx %arg11[%add3A_173, %broadcast_in_dim3A_193], %gather3A_200 : memref<512x4xf32, #tpu.memory_space<vmem>>[vector<16xi32>, vector<16xi32>], vector<16xf32>,
      %add3A_201 = arith.constant 2 : i32
      %add3A_202 = vector.broadcast %add3A_201 : i32 to vector<16xi32>
      %add3A_203 = arith.addi %broadcast_in_dim3A_193, %add3A_202 : vector<16xi32>
      %mul3A_204 = arith.constant 2 : i32
      %mul3A_205 = vector.broadcast %mul3A_204 : i32 to vector<16xi32>
      %mul3A_206 = arith.muli %get3A_169, %mul3A_205 : vector<16xi32>
      %add3A_207 = arith.constant 1 : i32
      %add3A_208 = vector.broadcast %add3A_207 : i32 to vector<16xi32>
      %add3A_209 = arith.addi %mul3A_206, %add3A_208 : vector<16xi32>
      %gather3A_210 = tpu.vector_load_idx %arg12[%add3A_209] : memref<20032xf32, #tpu.memory_space<vmem>>[vector<16xi32>], vector<16xf32>,
      tpu.vector_store_idx %arg11[%add3A_173, %add3A_203], %gather3A_210 : memref<512x4xf32, #tpu.memory_space<vmem>>[vector<16xi32>, vector<16xi32>], vector<16xf32>,
      %get3A_211 = arith.constant 16 : index
      %get3A_212 = tpu.vector_load %arg8[%get3A_211] {strides = array<i32>} : memref<512xi32, #tpu.memory_space<vmem>>, vector<16xi32>,
      %gather3A_213 = tpu.vector_load_idx %arg9[%get3A_212] : memref<10016xi32, #tpu.memory_space<vmem>>[vector<16xi32>], vector<16xi32>,
      %swap3A_214 = arith.constant 16 : index
      %swap3A_215 = tpu.vector_load %arg10[%swap3A_214] {strides = array<i32>} : memref<512xi32, #tpu.memory_space<vmem>>, vector<16xi32>,
      tpu.vector_store %arg10[%swap3A_214], %gather3A_213 {strides = array<i32>} : memref<512xi32, #tpu.memory_space<vmem>>, vector<16xi32>,
      %add3A_216 = arith.constant 16 : i32
      %add3A_217 = vector.broadcast %add3A_216 : i32 to vector<16xi32>
      %add3A_218 = arith.addi %add3A_217, %iota3A : vector<16xi32>
      %broadcast_in_dim3A_219 = arith.constant 0 : i32
      %broadcast_in_dim3A_220 = vector.broadcast %broadcast_in_dim3A_219 : i32 to vector<16xi32>
      %mul3A_221 = arith.constant 2 : i32
      %mul3A_222 = vector.broadcast %mul3A_221 : i32 to vector<16xi32>
      %mul3A_223 = arith.muli %get3A_212, %mul3A_222 : vector<16xi32>
      %add3A_224 = arith.constant 0 : i32
      %add3A_225 = vector.broadcast %add3A_224 : i32 to vector<16xi32>
      %add3A_226 = arith.addi %mul3A_223, %add3A_225 : vector<16xi32>
      %gather3A_227 = tpu.vector_load_idx %arg13[%add3A_226] : memref<20032xf32, #tpu.memory_space<vmem>>[vector<16xi32>], vector<16xf32>,
      tpu.vector_store_idx %arg11[%add3A_218, %broadcast_in_dim3A_220], %gather3A_227 : memref<512x4xf32, #tpu.memory_space<vmem>>[vector<16xi32>, vector<16xi32>], vector<16xf32>,
      %add3A_228 = arith.constant 2 : i32
      %add3A_229 = vector.broadcast %add3A_228 : i32 to vector<16xi32>
      %add3A_230 = arith.addi %broadcast_in_dim3A_220, %add3A_229 : vector<16xi32>
      %mul3A_231 = arith.constant 2 : i32
      %mul3A_232 = vector.broadcast %mul3A_231 : i32 to vector<16xi32>
      %mul3A_233 = arith.muli %get3A_212, %mul3A_232 : vector<16xi32>
      %add3A_234 = arith.constant 0 : i32
      %add3A_235 = vector.broadcast %add3A_234 : i32 to vector<16xi32>
      %add3A_236 = arith.addi %mul3A_233, %add3A_235 : vector<16xi32>
      %gather3A_237 = tpu.vector_load_idx %arg12[%add3A_236] : memref<20032xf32, #tpu.memory_space<vmem>>[vector<16xi32>], vector<16xf32>,
      tpu.vector_store_idx %arg11[%add3A_218, %add3A_230], %gather3A_237 : memref<512x4xf32, #tpu.memory_space<vmem>>[vector<16xi32>, vector<16xi32>], vector<16xf32>,
      %broadcast_in_dim3A_238 = arith.constant 1 : i32
      %broadcast_in_dim3A_239 = vector.broadcast %broadcast_in_dim3A_238 : i32 to vector<16xi32>
      %mul3A_240 = arith.constant 2 : i32
      %mul3A_241 = vector.broadcast %mul3A_240 : i32 to vector<16xi32>
      %mul3A_242 = arith.muli %get3A_212, %mul3A_241 : vector<16xi32>
      %add3A_243 = arith.constant 1 : i32
      %add3A_244 = vector.broadcast %add3A_243 : i32 to vector<16xi32>
      %add3A_245 = arith.addi %mul3A_242, %add3A_244 : vector<16xi32>
      %gather3A_246 = tpu.vector_load_idx %arg13[%add3A_245] : memref<20032xf32, #tpu.memory_space<vmem>>[vector<16xi32>], vector<16xf32>,
      tpu.vector_store_idx %arg11[%add3A_218, %broadcast_in_dim3A_239], %gather3A_246 : memref<512x4xf32, #tpu.memory_space<vmem>>[vector<16xi32>, vector<16xi32>], vector<16xf32>,
      %add3A_247 = arith.constant 2 : i32
      %add3A_248 = vector.broadcast %add3A_247 : i32 to vector<16xi32>
      %add3A_249 = arith.addi %broadcast_in_dim3A_239, %add3A_248 : vector<16xi32>
      %mul3A_250 = arith.constant 2 : i32
      %mul3A_251 = vector.broadcast %mul3A_250 : i32 to vector<16xi32>
      %mul3A_252 = arith.muli %get3A_212, %mul3A_251 : vector<16xi32>
      %add3A_253 = arith.constant 1 : i32
      %add3A_254 = vector.broadcast %add3A_253 : i32 to vector<16xi32>
      %add3A_255 = arith.addi %mul3A_252, %add3A_254 : vector<16xi32>
      %gather3A_256 = tpu.vector_load_idx %arg12[%add3A_255] : memref<20032xf32, #tpu.memory_space<vmem>>[vector<16xi32>], vector<16xf32>,
      tpu.vector_store_idx %arg11[%add3A_218, %add3A_249], %gather3A_256 : memref<512x4xf32, #tpu.memory_space<vmem>>[vector<16xi32>, vector<16xi32>], vector<16xf32>,
      %get3A_257 = arith.constant 32 : index
      %get3A_258 = tpu.vector_load %arg8[%get3A_257] {strides = array<i32>} : memref<512xi32, #tpu.memory_space<vmem>>, vector<16xi32>,
      %gather3A_259 = tpu.vector_load_idx %arg9[%get3A_258] : memref<10016xi32, #tpu.memory_space<vmem>>[vector<16xi32>], vector<16xi32>,
      %swap3A_260 = arith.constant 32 : index
      %swap3A_261 = tpu.vector_load %arg10[%swap3A_260] {strides = array<i32>} : memref<512xi32, #tpu.memory_space<vmem>>, vector<16xi32>,
      tpu.vector_store %arg10[%swap3A_260], %gather3A_259 {strides = array<i32>} : memref<512xi32, #tpu.memory_space<vmem>>, vector<16xi32>,
      %add3A_262 = arith.constant 32 : i32
      %add3A_263 = vector.broadcast %add3A_262 : i32 to vector<16xi32>
      %add3A_264 = arith.addi %add3A_263, %iota3A : vector<16xi32>
      %broadcast_in_dim3A_265 = arith.constant 0 : i32
      %broadcast_in_dim3A_266 = vector.broadcast %broadcast_in_dim3A_265 : i32 to vector<16xi32>
      %mul3A_267 = arith.constant 2 : i32
      %mul3A_268 = vector.broadcast %mul3A_267 : i32 to vector<16xi32>
      %mul3A_269 = arith.muli %get3A_258, %mul3A_268 : vector<16xi32>
      %add3A_270 = arith.constant 0 : i32
      %add3A_271 = vector.broadcast %add3A_270 : i32 to vector<16xi32>
      %add3A_272 = arith.addi %mul3A_269, %add3A_271 : vector<16xi32>
      %gather3A_273 = tpu.vector_load_idx %arg13[%add3A_272] : memref<20032xf32, #tpu.memory_space<vmem>>[vector<16xi32>], vector<16xf32>,
      tpu.vector_store_idx %arg11[%add3A_264, %broadcast_in_dim3A_266], %gather3A_273 : memref<512x4xf32, #tpu.memory_space<vmem>>[vector<16xi32>, vector<16xi32>], vector<16xf32>,
      %add3A_274 = arith.constant 2 : i32
      %add3A_275 = vector.broadcast %add3A_274 : i32 to vector<16xi32>
      %add3A_276 = arith.addi %broadcast_in_dim3A_266, %add3A_275 : vector<16xi32>
      %mul3A_277 = arith.constant 2 : i32
      %mul3A_278 = vector.broadcast %mul3A_277 : i32 to vector<16xi32>
      %mul3A_279 = arith.muli %get3A_258, %mul3A_278 : vector<16xi32>
      %add3A_280 = arith.constant 0 : i32
      %add3A_281 = vector.broadcast %add3A_280 : i32 to vector<16xi32>
      %add3A_282 = arith.addi %mul3A_279, %add3A_281 : vector<16xi32>
      %gather3A_283 = tpu.vector_load_idx %arg12[%add3A_282] : memref<20032xf32, #tpu.memory_space<vmem>>[vector<16xi32>], vector<16xf32>,
      tpu.vector_store_idx %arg11[%add3A_264, %add3A_276], %gather3A_283 : memref<512x4xf32, #tpu.memory_space<vmem>>[vector<16xi32>, vector<16xi32>], vector<16xf32>,
      %broadcast_in_dim3A_284 = arith.constant 1 : i32
      %broadcast_in_dim3A_285 = vector.broadcast %broadcast_in_dim3A_284 : i32 to vector<16xi32>
      %mul3A_286 = arith.constant 2 : i32
      %mul3A_287 = vector.broadcast %mul3A_286 : i32 to vector<16xi32>
      %mul3A_288 = arith.muli %get3A_258, %mul3A_287 : vector<16xi32>
      %add3A_289 = arith.constant 1 : i32
      %add3A_290 = vector.broadcast %add3A_289 : i32 to vector<16xi32>
      %add3A_291 = arith.addi %mul3A_288, %add3A_290 : vector<16xi32>
      %gather3A_292 = tpu.vector_load_idx %arg13[%add3A_291] : memref<20032xf32, #tpu.memory_space<vmem>>[vector<16xi32>], vector<16xf32>,
      tpu.vector_store_idx %arg11[%add3A_264, %broadcast_in_dim3A_285], %gather3A_292 : memref<512x4xf32, #tpu.memory_space<vmem>>[vector<16xi32>, vector<16xi32>], vector<16xf32>,
      %add3A_293 = arith.constant 2 : i32
      %add3A_294 = vector.broadcast %add3A_293 : i32 to vector<16xi32>
      %add3A_295 = arith.addi %broadcast_in_dim3A_285, %add3A_294 : vector<16xi32>
      %mul3A_296 = arith.constant 2 : i32
      %mul3A_297 = vector.broadcast %mul3A_296 : i32 to vector<16xi32>
      %mul3A_298 = arith.muli %get3A_258, %mul3A_297 : vector<16xi32>
      %add3A_299 = arith.constant 1 : i32
      %add3A_300 = vector.broadcast %add3A_299 : i32 to vector<16xi32>
      %add3A_301 = arith.addi %mul3A_298, %add3A_300 : vector<16xi32>
      %gather3A_302 = tpu.vector_load_idx %arg12[%add3A_301] : memref<20032xf32, #tpu.memory_space<vmem>>[vector<16xi32>], vector<16xf32>,
      tpu.vector_store_idx %arg11[%add3A_264, %add3A_295], %gather3A_302 : memref<512x4xf32, #tpu.memory_space<vmem>>[vector<16xi32>, vector<16xi32>], vector<16xf32>,
      %get3A_303 = arith.constant 48 : index
      %get3A_304 = tpu.vector_load %arg8[%get3A_303] {strides = array<i32>} : memref<512xi32, #tpu.memory_space<vmem>>, vector<16xi32>,
      %gather3A_305 = tpu.vector_load_idx %arg9[%get3A_304] : memref<10016xi32, #tpu.memory_space<vmem>>[vector<16xi32>], vector<16xi32>,
      %swap3A_306 = arith.constant 48 : index
      %swap3A_307 = tpu.vector_load %arg10[%swap3A_306] {strides = array<i32>} : memref<512xi32, #tpu.memory_space<vmem>>, vector<16xi32>,
      tpu.vector_store %arg10[%swap3A_306], %gather3A_305 {strides = array<i32>} : memref<512xi32, #tpu.memory_space<vmem>>, vector<16xi32>,
      %add3A_308 = arith.constant 48 : i32
      %add3A_309 = vector.broadcast %add3A_308 : i32 to vector<16xi32>
      %add3A_310 = arith.addi %add3A_309, %iota3A : vector<16xi32>
      %broadcast_in_dim3A_311 = arith.constant 0 : i32
      %broadcast_in_dim3A_312 = vector.broadcast %broadcast_in_dim3A_311 : i32 to vector<16xi32>
      %mul3A_313 = arith.constant 2 : i32
      %mul3A_314 = vector.broadcast %mul3A_313 : i32 to vector<16xi32>
      %mul3A_315 = arith.muli %get3A_304, %mul3A_314 : vector<16xi32>
      %add3A_316 = arith.constant 0 : i32
      %add3A_317 = vector.broadcast %add3A_316 : i32 to vector<16xi32>
      %add3A_318 = arith.addi %mul3A_315, %add3A_317 : vector<16xi32>
      %gather3A_319 = tpu.vector_load_idx %arg13[%add3A_318] : memref<20032xf32, #tpu.memory_space<vmem>>[vector<16xi32>], vector<16xf32>,
      tpu.vector_store_idx %arg11[%add3A_310, %broadcast_in_dim3A_312], %gather3A_319 : memref<512x4xf32, #tpu.memory_space<vmem>>[vector<16xi32>, vector<16xi32>], vector<16xf32>,
      %add3A_320 = arith.constant 2 : i32
      %add3A_321 = vector.broadcast %add3A_320 : i32 to vector<16xi32>
      %add3A_322 = arith.addi %broadcast_in_dim3A_312, %add3A_321 : vector<16xi32>
      %mul3A_323 = arith.constant 2 : i32
      %mul3A_324 = vector.broadcast %mul3A_323 : i32 to vector<16xi32>
      %mul3A_325 = arith.muli %get3A_304, %mul3A_324 : vector<16xi32>
      %add3A_326 = arith.constant 0 : i32
      %add3A_327 = vector.broadcast %add3A_326 : i32 to vector<16xi32>
      %add3A_328 = arith.addi %mul3A_325, %add3A_327 : vector<16xi32>
      %gather3A_329 = tpu.vector_load_idx %arg12[%add3A_328] : memref<20032xf32, #tpu.memory_space<vmem>>[vector<16xi32>], vector<16xf32>,
      tpu.vector_store_idx %arg11[%add3A_310, %add3A_322], %gather3A_329 : memref<512x4xf32, #tpu.memory_space<vmem>>[vector<16xi32>, vector<16xi32>], vector<16xf32>,
      %broadcast_in_dim3A_330 = arith.constant 1 : i32
      %broadcast_in_dim3A_331 = vector.broadcast %broadcast_in_dim3A_330 : i32 to vector<16xi32>
      %mul3A_332 = arith.constant 2 : i32
      %mul3A_333 = vector.broadcast %mul3A_332 : i32 to vector<16xi32>
      %mul3A_334 = arith.muli %get3A_304, %mul3A_333 : vector<16xi32>
      %add3A_335 = arith.constant 1 : i32
      %add3A_336 = vector.broadcast %add3A_335 : i32 to vector<16xi32>
      %add3A_337 = arith.addi %mul3A_334, %add3A_336 : vector<16xi32>
      %gather3A_338 = tpu.vector_load_idx %arg13[%add3A_337] : memref<20032xf32, #tpu.memory_space<vmem>>[vector<16xi32>], vector<16xf32>,
      tpu.vector_store_idx %arg11[%add3A_310, %broadcast_in_dim3A_331], %gather3A_338 : memref<512x4xf32, #tpu.memory_space<vmem>>[vector<16xi32>, vector<16xi32>], vector<16xf32>,
      %add3A_339 = arith.constant 2 : i32
      %add3A_340 = vector.broadcast %add3A_339 : i32 to vector<16xi32>
      %add3A_341 = arith.addi %broadcast_in_dim3A_331, %add3A_340 : vector<16xi32>
      %mul3A_342 = arith.constant 2 : i32
      %mul3A_343 = vector.broadcast %mul3A_342 : i32 to vector<16xi32>
      %mul3A_344 = arith.muli %get3A_304, %mul3A_343 : vector<16xi32>
      %add3A_345 = arith.constant 1 : i32
      %add3A_346 = vector.broadcast %add3A_345 : i32 to vector<16xi32>
      %add3A_347 = arith.addi %mul3A_344, %add3A_346 : vector<16xi32>
      %gather3A_348 = tpu.vector_load_idx %arg12[%add3A_347] : memref<20032xf32, #tpu.memory_space<vmem>>[vector<16xi32>], vector<16xf32>,
      tpu.vector_store_idx %arg11[%add3A_310, %add3A_341], %gather3A_348 : memref<512x4xf32, #tpu.memory_space<vmem>>[vector<16xi32>, vector<16xi32>], vector<16xf32>,
      %get3A_349 = arith.constant 64 : index
      %get3A_350 = tpu.vector_load %arg8[%get3A_349] {strides = array<i32>} : memref<512xi32, #tpu.memory_space<vmem>>, vector<16xi32>,
      %gather3A_351 = tpu.vector_load_idx %arg9[%get3A_350] : memref<10016xi32, #tpu.memory_space<vmem>>[vector<16xi32>], vector<16xi32>,
      %swap3A_352 = arith.constant 64 : index
      %swap3A_353 = tpu.vector_load %arg10[%swap3A_352] {strides = array<i32>} : memref<512xi32, #tpu.memory_space<vmem>>, vector<16xi32>,
      tpu.vector_store %arg10[%swap3A_352], %gather3A_351 {strides = array<i32>} : memref<512xi32, #tpu.memory_space<vmem>>, vector<16xi32>,
      %add3A_354 = arith.constant 64 : i32
      %add3A_355 = vector.broadcast %add3A_354 : i32 to vector<16xi32>
      %add3A_356 = arith.addi %add3A_355, %iota3A : vector<16xi32>
      %broadcast_in_dim3A_357 = arith.constant 0 : i32
      %broadcast_in_dim3A_358 = vector.broadcast %broadcast_in_dim3A_357 : i32 to vector<16xi32>
      %mul3A_359 = arith.constant 2 : i32
      %mul3A_360 = vector.broadcast %mul3A_359 : i32 to vector<16xi32>
      %mul3A_361 = arith.muli %get3A_350, %mul3A_360 : vector<16xi32>
      %add3A_362 = arith.constant 0 : i32
      %add3A_363 = vector.broadcast %add3A_362 : i32 to vector<16xi32>
      %add3A_364 = arith.addi %mul3A_361, %add3A_363 : vector<16xi32>
      %gather3A_365 = tpu.vector_load_idx %arg13[%add3A_364] : memref<20032xf32, #tpu.memory_space<vmem>>[vector<16xi32>], vector<16xf32>,
      tpu.vector_store_idx %arg11[%add3A_356, %broadcast_in_dim3A_358], %gather3A_365 : memref<512x4xf32, #tpu.memory_space<vmem>>[vector<16xi32>, vector<16xi32>], vector<16xf32>,
      %add3A_366 = arith.constant 2 : i32
      %add3A_367 = vector.broadcast %add3A_366 : i32 to vector<16xi32>
      %add3A_368 = arith.addi %broadcast_in_dim3A_358, %add3A_367 : vector<16xi32>
      %mul3A_369 = arith.constant 2 : i32
      %mul3A_370 = vector.broadcast %mul3A_369 : i32 to vector<16xi32>
      %mul3A_371 = arith.muli %get3A_350, %mul3A_370 : vector<16xi32>
      %add3A_372 = arith.constant 0 : i32
      %add3A_373 = vector.broadcast %add3A_372 : i32 to vector<16xi32>
      %add3A_374 = arith.addi %mul3A_371, %add3A_373 : vector<16xi32>
      %gather3A_375 = tpu.vector_load_idx %arg12[%add3A_374] : memref<20032xf32, #tpu.memory_space<vmem>>[vector<16xi32>], vector<16xf32>,
      tpu.vector_store_idx %arg11[%add3A_356, %add3A_368], %gather3A_375 : memref<512x4xf32, #tpu.memory_space<vmem>>[vector<16xi32>, vector<16xi32>], vector<16xf32>,
      %broadcast_in_dim3A_376 = arith.constant 1 : i32
      %broadcast_in_dim3A_377 = vector.broadcast %broadcast_in_dim3A_376 : i32 to vector<16xi32>
      %mul3A_378 = arith.constant 2 : i32
      %mul3A_379 = vector.broadcast %mul3A_378 : i32 to vector<16xi32>
      %mul3A_380 = arith.muli %get3A_350, %mul3A_379 : vector<16xi32>
      %add3A_381 = arith.constant 1 : i32
      %add3A_382 = vector.broadcast %add3A_381 : i32 to vector<16xi32>
      %add3A_383 = arith.addi %mul3A_380, %add3A_382 : vector<16xi32>
      %gather3A_384 = tpu.vector_load_idx %arg13[%add3A_383] : memref<20032xf32, #tpu.memory_space<vmem>>[vector<16xi32>], vector<16xf32>,
      tpu.vector_store_idx %arg11[%add3A_356, %broadcast_in_dim3A_377], %gather3A_384 : memref<512x4xf32, #tpu.memory_space<vmem>>[vector<16xi32>, vector<16xi32>], vector<16xf32>,
      %add3A_385 = arith.constant 2 : i32
      %add3A_386 = vector.broadcast %add3A_385 : i32 to vector<16xi32>
      %add3A_387 = arith.addi %broadcast_in_dim3A_377, %add3A_386 : vector<16xi32>
      %mul3A_388 = arith.constant 2 : i32
      %mul3A_389 = vector.broadcast %mul3A_388 : i32 to vector<16xi32>
      %mul3A_390 = arith.muli %get3A_350, %mul3A_389 : vector<16xi32>
      %add3A_391 = arith.constant 1 : i32
      %add3A_392 = vector.broadcast %add3A_391 : i32 to vector<16xi32>
      %add3A_393 = arith.addi %mul3A_390, %add3A_392 : vector<16xi32>
      %gather3A_394 = tpu.vector_load_idx %arg12[%add3A_393] : memref<20032xf32, #tpu.memory_space<vmem>>[vector<16xi32>], vector<16xf32>,
      tpu.vector_store_idx %arg11[%add3A_356, %add3A_387], %gather3A_394 : memref<512x4xf32, #tpu.memory_space<vmem>>[vector<16xi32>, vector<16xi32>], vector<16xf32>,
      %get3A_395 = arith.constant 80 : index
      %get3A_396 = tpu.vector_load %arg8[%get3A_395] {strides = array<i32>} : memref<512xi32, #tpu.memory_space<vmem>>, vector<16xi32>,
      %gather3A_397 = tpu.vector_load_idx %arg9[%get3A_396] : memref<10016xi32, #tpu.memory_space<vmem>>[vector<16xi32>], vector<16xi32>,
      %swap3A_398 = arith.constant 80 : index
      %swap3A_399 = tpu.vector_load %arg10[%swap3A_398] {strides = array<i32>} : memref<512xi32, #tpu.memory_space<vmem>>, vector<16xi32>,
      tpu.vector_store %arg10[%swap3A_398], %gather3A_397 {strides = array<i32>} : memref<512xi32, #tpu.memory_space<vmem>>, vector<16xi32>,
      %add3A_400 = arith.constant 80 : i32
      %add3A_401 = vector.broadcast %add3A_400 : i32 to vector<16xi32>
      %add3A_402 = arith.addi %add3A_401, %iota3A : vector<16xi32>
      %broadcast_in_dim3A_403 = arith.constant 0 : i32
      %broadcast_in_dim3A_404 = vector.broadcast %broadcast_in_dim3A_403 : i32 to vector<16xi32>
      %mul3A_405 = arith.constant 2 : i32
      %mul3A_406 = vector.broadcast %mul3A_405 : i32 to vector<16xi32>
      %mul3A_407 = arith.muli %get3A_396, %mul3A_406 : vector<16xi32>
      %add3A_408 = arith.constant 0 : i32
      %add3A_409 = vector.broadcast %add3A_408 : i32 to vector<16xi32>
      %add3A_410 = arith.addi %mul3A_407, %add3A_409 : vector<16xi32>
      %gather3A_411 = tpu.vector_load_idx %arg13[%add3A_410] : memref<20032xf32, #tpu.memory_space<vmem>>[vector<16xi32>], vector<16xf32>,
      tpu.vector_store_idx %arg11[%add3A_402, %broadcast_in_dim3A_404], %gather3A_411 : memref<512x4xf32, #tpu.memory_space<vmem>>[vector<16xi32>, vector<16xi32>], vector<16xf32>,
      %add3A_412 = arith.constant 2 : i32
      %add3A_413 = vector.broadcast %add3A_412 : i32 to vector<16xi32>
      %add3A_414 = arith.addi %broadcast_in_dim3A_404, %add3A_413 : vector<16xi32>
      %mul3A_415 = arith.constant 2 : i32
      %mul3A_416 = vector.broadcast %mul3A_415 : i32 to vector<16xi32>
      %mul3A_417 = arith.muli %get3A_396, %mul3A_416 : vector<16xi32>
      %add3A_418 = arith.constant 0 : i32
      %add3A_419 = vector.broadcast %add3A_418 : i32 to vector<16xi32>
      %add3A_420 = arith.addi %mul3A_417, %add3A_419 : vector<16xi32>
      %gather3A_421 = tpu.vector_load_idx %arg12[%add3A_420] : memref<20032xf32, #tpu.memory_space<vmem>>[vector<16xi32>], vector<16xf32>,
      tpu.vector_store_idx %arg11[%add3A_402, %add3A_414], %gather3A_421 : memref<512x4xf32, #tpu.memory_space<vmem>>[vector<16xi32>, vector<16xi32>], vector<16xf32>,
      %broadcast_in_dim3A_422 = arith.constant 1 : i32
      %broadcast_in_dim3A_423 = vector.broadcast %broadcast_in_dim3A_422 : i32 to vector<16xi32>
      %mul3A_424 = arith.constant 2 : i32
      %mul3A_425 = vector.broadcast %mul3A_424 : i32 to vector<16xi32>
      %mul3A_426 = arith.muli %get3A_396, %mul3A_425 : vector<16xi32>
      %add3A_427 = arith.constant 1 : i32
      %add3A_428 = vector.broadcast %add3A_427 : i32 to vector<16xi32>
      %add3A_429 = arith.addi %mul3A_426, %add3A_428 : vector<16xi32>
      %gather3A_430 = tpu.vector_load_idx %arg13[%add3A_429] : memref<20032xf32, #tpu.memory_space<vmem>>[vector<16xi32>], vector<16xf32>,
      tpu.vector_store_idx %arg11[%add3A_402, %broadcast_in_dim3A_423], %gather3A_430 : memref<512x4xf32, #tpu.memory_space<vmem>>[vector<16xi32>, vector<16xi32>], vector<16xf32>,
      %add3A_431 = arith.constant 2 : i32
      %add3A_432 = vector.broadcast %add3A_431 : i32 to vector<16xi32>
      %add3A_433 = arith.addi %broadcast_in_dim3A_423, %add3A_432 : vector<16xi32>
      %mul3A_434 = arith.constant 2 : i32
      %mul3A_435 = vector.broadcast %mul3A_434 : i32 to vector<16xi32>
      %mul3A_436 = arith.muli %get3A_396, %mul3A_435 : vector<16xi32>
      %add3A_437 = arith.constant 1 : i32
      %add3A_438 = vector.broadcast %add3A_437 : i32 to vector<16xi32>
      %add3A_439 = arith.addi %mul3A_436, %add3A_438 : vector<16xi32>
      %gather3A_440 = tpu.vector_load_idx %arg12[%add3A_439] : memref<20032xf32, #tpu.memory_space<vmem>>[vector<16xi32>], vector<16xf32>,
      tpu.vector_store_idx %arg11[%add3A_402, %add3A_433], %gather3A_440 : memref<512x4xf32, #tpu.memory_space<vmem>>[vector<16xi32>, vector<16xi32>], vector<16xf32>,
      %get3A_441 = arith.constant 96 : index
      %get3A_442 = tpu.vector_load %arg8[%get3A_441] {strides = array<i32>} : memref<512xi32, #tpu.memory_space<vmem>>, vector<16xi32>,
      %gather3A_443 = tpu.vector_load_idx %arg9[%get3A_442] : memref<10016xi32, #tpu.memory_space<vmem>>[vector<16xi32>], vector<16xi32>,
      %swap3A_444 = arith.constant 96 : index
      %swap3A_445 = tpu.vector_load %arg10[%swap3A_444] {strides = array<i32>} : memref<512xi32, #tpu.memory_space<vmem>>, vector<16xi32>,
      tpu.vector_store %arg10[%swap3A_444], %gather3A_443 {strides = array<i32>} : memref<512xi32, #tpu.memory_space<vmem>>, vector<16xi32>,
      %add3A_446 = arith.constant 96 : i32
      %add3A_447 = vector.broadcast %add3A_446 : i32 to vector<16xi32>
      %add3A_448 = arith.addi %add3A_447, %iota3A : vector<16xi32>
      %broadcast_in_dim3A_449 = arith.constant 0 : i32
      %broadcast_in_dim3A_450 = vector.broadcast %broadcast_in_dim3A_449 : i32 to vector<16xi32>
      %mul3A_451 = arith.constant 2 : i32
      %mul3A_452 = vector.broadcast %mul3A_451 : i32 to vector<16xi32>
      %mul3A_453 = arith.muli %get3A_442, %mul3A_452 : vector<16xi32>
      %add3A_454 = arith.constant 0 : i32
      %add3A_455 = vector.broadcast %add3A_454 : i32 to vector<16xi32>
      %add3A_456 = arith.addi %mul3A_453, %add3A_455 : vector<16xi32>
      %gather3A_457 = tpu.vector_load_idx %arg13[%add3A_456] : memref<20032xf32, #tpu.memory_space<vmem>>[vector<16xi32>], vector<16xf32>,
      tpu.vector_store_idx %arg11[%add3A_448, %broadcast_in_dim3A_450], %gather3A_457 : memref<512x4xf32, #tpu.memory_space<vmem>>[vector<16xi32>, vector<16xi32>], vector<16xf32>,
      %add3A_458 = arith.constant 2 : i32
      %add3A_459 = vector.broadcast %add3A_458 : i32 to vector<16xi32>
      %add3A_460 = arith.addi %broadcast_in_dim3A_450, %add3A_459 : vector<16xi32>
      %mul3A_461 = arith.constant 2 : i32
      %mul3A_462 = vector.broadcast %mul3A_461 : i32 to vector<16xi32>
      %mul3A_463 = arith.muli %get3A_442, %mul3A_462 : vector<16xi32>
      %add3A_464 = arith.constant 0 : i32
      %add3A_465 = vector.broadcast %add3A_464 : i32 to vector<16xi32>
      %add3A_466 = arith.addi %mul3A_463, %add3A_465 : vector<16xi32>
      %gather3A_467 = tpu.vector_load_idx %arg12[%add3A_466] : memref<20032xf32, #tpu.memory_space<vmem>>[vector<16xi32>], vector<16xf32>,
      tpu.vector_store_idx %arg11[%add3A_448, %add3A_460], %gather3A_467 : memref<512x4xf32, #tpu.memory_space<vmem>>[vector<16xi32>, vector<16xi32>], vector<16xf32>,
      %broadcast_in_dim3A_468 = arith.constant 1 : i32
      %broadcast_in_dim3A_469 = vector.broadcast %broadcast_in_dim3A_468 : i32 to vector<16xi32>
      %mul3A_470 = arith.constant 2 : i32
      %mul3A_471 = vector.broadcast %mul3A_470 : i32 to vector<16xi32>
      %mul3A_472 = arith.muli %get3A_442, %mul3A_471 : vector<16xi32>
      %add3A_473 = arith.constant 1 : i32
      %add3A_474 = vector.broadcast %add3A_473 : i32 to vector<16xi32>
      %add3A_475 = arith.addi %mul3A_472, %add3A_474 : vector<16xi32>
      %gather3A_476 = tpu.vector_load_idx %arg13[%add3A_475] : memref<20032xf32, #tpu.memory_space<vmem>>[vector<16xi32>], vector<16xf32>,
      tpu.vector_store_idx %arg11[%add3A_448, %broadcast_in_dim3A_469], %gather3A_476 : memref<512x4xf32, #tpu.memory_space<vmem>>[vector<16xi32>, vector<16xi32>], vector<16xf32>,
      %add3A_477 = arith.constant 2 : i32
      %add3A_478 = vector.broadcast %add3A_477 : i32 to vector<16xi32>
      %add3A_479 = arith.addi %broadcast_in_dim3A_469, %add3A_478 : vector<16xi32>
      %mul3A_480 = arith.constant 2 : i32
      %mul3A_481 = vector.broadcast %mul3A_480 : i32 to vector<16xi32>
      %mul3A_482 = arith.muli %get3A_442, %mul3A_481 : vector<16xi32>
      %add3A_483 = arith.constant 1 : i32
      %add3A_484 = vector.broadcast %add3A_483 : i32 to vector<16xi32>
      %add3A_485 = arith.addi %mul3A_482, %add3A_484 : vector<16xi32>
      %gather3A_486 = tpu.vector_load_idx %arg12[%add3A_485] : memref<20032xf32, #tpu.memory_space<vmem>>[vector<16xi32>], vector<16xf32>,
      tpu.vector_store_idx %arg11[%add3A_448, %add3A_479], %gather3A_486 : memref<512x4xf32, #tpu.memory_space<vmem>>[vector<16xi32>, vector<16xi32>], vector<16xf32>,
      %get3A_487 = arith.constant 112 : index
      %get3A_488 = tpu.vector_load %arg8[%get3A_487] {strides = array<i32>} : memref<512xi32, #tpu.memory_space<vmem>>, vector<16xi32>,
      %gather3A_489 = tpu.vector_load_idx %arg9[%get3A_488] : memref<10016xi32, #tpu.memory_space<vmem>>[vector<16xi32>], vector<16xi32>,
      %swap3A_490 = arith.constant 112 : index
      %swap3A_491 = tpu.vector_load %arg10[%swap3A_490] {strides = array<i32>} : memref<512xi32, #tpu.memory_space<vmem>>, vector<16xi32>,
      tpu.vector_store %arg10[%swap3A_490], %gather3A_489 {strides = array<i32>} : memref<512xi32, #tpu.memory_space<vmem>>, vector<16xi32>,
      %add3A_492 = arith.constant 112 : i32
      %add3A_493 = vector.broadcast %add3A_492 : i32 to vector<16xi32>
      %add3A_494 = arith.addi %add3A_493, %iota3A : vector<16xi32>
      %broadcast_in_dim3A_495 = arith.constant 0 : i32
      %broadcast_in_dim3A_496 = vector.broadcast %broadcast_in_dim3A_495 : i32 to vector<16xi32>
      %mul3A_497 = arith.constant 2 : i32
      %mul3A_498 = vector.broadcast %mul3A_497 : i32 to vector<16xi32>
      %mul3A_499 = arith.muli %get3A_488, %mul3A_498 : vector<16xi32>
      %add3A_500 = arith.constant 0 : i32
      %add3A_501 = vector.broadcast %add3A_500 : i32 to vector<16xi32>
      %add3A_502 = arith.addi %mul3A_499, %add3A_501 : vector<16xi32>
      %gather3A_503 = tpu.vector_load_idx %arg13[%add3A_502] : memref<20032xf32, #tpu.memory_space<vmem>>[vector<16xi32>], vector<16xf32>,
      tpu.vector_store_idx %arg11[%add3A_494, %broadcast_in_dim3A_496], %gather3A_503 : memref<512x4xf32, #tpu.memory_space<vmem>>[vector<16xi32>, vector<16xi32>], vector<16xf32>,
      %add3A_504 = arith.constant 2 : i32
      %add3A_505 = vector.broadcast %add3A_504 : i32 to vector<16xi32>
      %add3A_506 = arith.addi %broadcast_in_dim3A_496, %add3A_505 : vector<16xi32>
      %mul3A_507 = arith.constant 2 : i32
      %mul3A_508 = vector.broadcast %mul3A_507 : i32 to vector<16xi32>
      %mul3A_509 = arith.muli %get3A_488, %mul3A_508 : vector<16xi32>
      %add3A_510 = arith.constant 0 : i32
      %add3A_511 = vector.broadcast %add3A_510 : i32 to vector<16xi32>
      %add3A_512 = arith.addi %mul3A_509, %add3A_511 : vector<16xi32>
      %gather3A_513 = tpu.vector_load_idx %arg12[%add3A_512] : memref<20032xf32, #tpu.memory_space<vmem>>[vector<16xi32>], vector<16xf32>,
      tpu.vector_store_idx %arg11[%add3A_494, %add3A_506], %gather3A_513 : memref<512x4xf32, #tpu.memory_space<vmem>>[vector<16xi32>, vector<16xi32>], vector<16xf32>,
      %broadcast_in_dim3A_514 = arith.constant 1 : i32
      %broadcast_in_dim3A_515 = vector.broadcast %broadcast_in_dim3A_514 : i32 to vector<16xi32>
      %mul3A_516 = arith.constant 2 : i32
      %mul3A_517 = vector.broadcast %mul3A_516 : i32 to vector<16xi32>
      %mul3A_518 = arith.muli %get3A_488, %mul3A_517 : vector<16xi32>
      %add3A_519 = arith.constant 1 : i32
      %add3A_520 = vector.broadcast %add3A_519 : i32 to vector<16xi32>
      %add3A_521 = arith.addi %mul3A_518, %add3A_520 : vector<16xi32>
      %gather3A_522 = tpu.vector_load_idx %arg13[%add3A_521] : memref<20032xf32, #tpu.memory_space<vmem>>[vector<16xi32>], vector<16xf32>,
      tpu.vector_store_idx %arg11[%add3A_494, %broadcast_in_dim3A_515], %gather3A_522 : memref<512x4xf32, #tpu.memory_space<vmem>>[vector<16xi32>, vector<16xi32>], vector<16xf32>,
      %add3A_523 = arith.constant 2 : i32
      %add3A_524 = vector.broadcast %add3A_523 : i32 to vector<16xi32>
      %add3A_525 = arith.addi %broadcast_in_dim3A_515, %add3A_524 : vector<16xi32>
      %mul3A_526 = arith.constant 2 : i32
      %mul3A_527 = vector.broadcast %mul3A_526 : i32 to vector<16xi32>
      %mul3A_528 = arith.muli %get3A_488, %mul3A_527 : vector<16xi32>
      %add3A_529 = arith.constant 1 : i32
      %add3A_530 = vector.broadcast %add3A_529 : i32 to vector<16xi32>
      %add3A_531 = arith.addi %mul3A_528, %add3A_530 : vector<16xi32>
      %gather3A_532 = tpu.vector_load_idx %arg12[%add3A_531] : memref<20032xf32, #tpu.memory_space<vmem>>[vector<16xi32>], vector<16xf32>,
      tpu.vector_store_idx %arg11[%add3A_494, %add3A_525], %gather3A_532 : memref<512x4xf32, #tpu.memory_space<vmem>>[vector<16xi32>, vector<16xi32>], vector<16xf32>,
      %get3A_533 = arith.constant 128 : index
      %get3A_534 = tpu.vector_load %arg8[%get3A_533] {strides = array<i32>} : memref<512xi32, #tpu.memory_space<vmem>>, vector<16xi32>,
      %gather3A_535 = tpu.vector_load_idx %arg9[%get3A_534] : memref<10016xi32, #tpu.memory_space<vmem>>[vector<16xi32>], vector<16xi32>,
      %swap3A_536 = arith.constant 128 : index
      %swap3A_537 = tpu.vector_load %arg10[%swap3A_536] {strides = array<i32>} : memref<512xi32, #tpu.memory_space<vmem>>, vector<16xi32>,
      tpu.vector_store %arg10[%swap3A_536], %gather3A_535 {strides = array<i32>} : memref<512xi32, #tpu.memory_space<vmem>>, vector<16xi32>,
      %add3A_538 = arith.constant 128 : i32
      %add3A_539 = vector.broadcast %add3A_538 : i32 to vector<16xi32>
      %add3A_540 = arith.addi %add3A_539, %iota3A : vector<16xi32>
      %broadcast_in_dim3A_541 = arith.constant 0 : i32
      %broadcast_in_dim3A_542 = vector.broadcast %broadcast_in_dim3A_541 : i32 to vector<16xi32>
      %mul3A_543 = arith.constant 2 : i32
      %mul3A_544 = vector.broadcast %mul3A_543 : i32 to vector<16xi32>
      %mul3A_545 = arith.muli %get3A_534, %mul3A_544 : vector<16xi32>
      %add3A_546 = arith.constant 0 : i32
      %add3A_547 = vector.broadcast %add3A_546 : i32 to vector<16xi32>
      %add3A_548 = arith.addi %mul3A_545, %add3A_547 : vector<16xi32>
      %gather3A_549 = tpu.vector_load_idx %arg13[%add3A_548] : memref<20032xf32, #tpu.memory_space<vmem>>[vector<16xi32>], vector<16xf32>,
      tpu.vector_store_idx %arg11[%add3A_540, %broadcast_in_dim3A_542], %gather3A_549 : memref<512x4xf32, #tpu.memory_space<vmem>>[vector<16xi32>, vector<16xi32>], vector<16xf32>,
      %add3A_550 = arith.constant 2 : i32
      %add3A_551 = vector.broadcast %add3A_550 : i32 to vector<16xi32>
      %add3A_552 = arith.addi %broadcast_in_dim3A_542, %add3A_551 : vector<16xi32>
      %mul3A_553 = arith.constant 2 : i32
      %mul3A_554 = vector.broadcast %mul3A_553 : i32 to vector<16xi32>
      %mul3A_555 = arith.muli %get3A_534, %mul3A_554 : vector<16xi32>
      %add3A_556 = arith.constant 0 : i32
      %add3A_557 = vector.broadcast %add3A_556 : i32 to vector<16xi32>
      %add3A_558 = arith.addi %mul3A_555, %add3A_557 : vector<16xi32>
      %gather3A_559 = tpu.vector_load_idx %arg12[%add3A_558] : memref<20032xf32, #tpu.memory_space<vmem>>[vector<16xi32>], vector<16xf32>,
      tpu.vector_store_idx %arg11[%add3A_540, %add3A_552], %gather3A_559 : memref<512x4xf32, #tpu.memory_space<vmem>>[vector<16xi32>, vector<16xi32>], vector<16xf32>,
      %broadcast_in_dim3A_560 = arith.constant 1 : i32
      %broadcast_in_dim3A_561 = vector.broadcast %broadcast_in_dim3A_560 : i32 to vector<16xi32>
      %mul3A_562 = arith.constant 2 : i32
      %mul3A_563 = vector.broadcast %mul3A_562 : i32 to vector<16xi32>
      %mul3A_564 = arith.muli %get3A_534, %mul3A_563 : vector<16xi32>
      %add3A_565 = arith.constant 1 : i32
      %add3A_566 = vector.broadcast %add3A_565 : i32 to vector<16xi32>
      %add3A_567 = arith.addi %mul3A_564, %add3A_566 : vector<16xi32>
      %gather3A_568 = tpu.vector_load_idx %arg13[%add3A_567] : memref<20032xf32, #tpu.memory_space<vmem>>[vector<16xi32>], vector<16xf32>,
      tpu.vector_store_idx %arg11[%add3A_540, %broadcast_in_dim3A_561], %gather3A_568 : memref<512x4xf32, #tpu.memory_space<vmem>>[vector<16xi32>, vector<16xi32>], vector<16xf32>,
      %add3A_569 = arith.constant 2 : i32
      %add3A_570 = vector.broadcast %add3A_569 : i32 to vector<16xi32>
      %add3A_571 = arith.addi %broadcast_in_dim3A_561, %add3A_570 : vector<16xi32>
      %mul3A_572 = arith.constant 2 : i32
      %mul3A_573 = vector.broadcast %mul3A_572 : i32 to vector<16xi32>
      %mul3A_574 = arith.muli %get3A_534, %mul3A_573 : vector<16xi32>
      %add3A_575 = arith.constant 1 : i32
      %add3A_576 = vector.broadcast %add3A_575 : i32 to vector<16xi32>
      %add3A_577 = arith.addi %mul3A_574, %add3A_576 : vector<16xi32>
      %gather3A_578 = tpu.vector_load_idx %arg12[%add3A_577] : memref<20032xf32, #tpu.memory_space<vmem>>[vector<16xi32>], vector<16xf32>,
      tpu.vector_store_idx %arg11[%add3A_540, %add3A_571], %gather3A_578 : memref<512x4xf32, #tpu.memory_space<vmem>>[vector<16xi32>, vector<16xi32>], vector<16xf32>,
      %get3A_579 = arith.constant 144 : index
      %get3A_580 = tpu.vector_load %arg8[%get3A_579] {strides = array<i32>} : memref<512xi32, #tpu.memory_space<vmem>>, vector<16xi32>,
      %gather3A_581 = tpu.vector_load_idx %arg9[%get3A_580] : memref<10016xi32, #tpu.memory_space<vmem>>[vector<16xi32>], vector<16xi32>,
      %swap3A_582 = arith.constant 144 : index
      %swap3A_583 = tpu.vector_load %arg10[%swap3A_582] {strides = array<i32>} : memref<512xi32, #tpu.memory_space<vmem>>, vector<16xi32>,
      tpu.vector_store %arg10[%swap3A_582], %gather3A_581 {strides = array<i32>} : memref<512xi32, #tpu.memory_space<vmem>>, vector<16xi32>,
      %add3A_584 = arith.constant 144 : i32
      %add3A_585 = vector.broadcast %add3A_584 : i32 to vector<16xi32>
      %add3A_586 = arith.addi %add3A_585, %iota3A : vector<16xi32>
      %broadcast_in_dim3A_587 = arith.constant 0 : i32
      %broadcast_in_dim3A_588 = vector.broadcast %broadcast_in_dim3A_587 : i32 to vector<16xi32>
      %mul3A_589 = arith.constant 2 : i32
      %mul3A_590 = vector.broadcast %mul3A_589 : i32 to vector<16xi32>
      %mul3A_591 = arith.muli %get3A_580, %mul3A_590 : vector<16xi32>
      %add3A_592 = arith.constant 0 : i32
      %add3A_593 = vector.broadcast %add3A_592 : i32 to vector<16xi32>
      %add3A_594 = arith.addi %mul3A_591, %add3A_593 : vector<16xi32>
      %gather3A_595 = tpu.vector_load_idx %arg13[%add3A_594] : memref<20032xf32, #tpu.memory_space<vmem>>[vector<16xi32>], vector<16xf32>,
      tpu.vector_store_idx %arg11[%add3A_586, %broadcast_in_dim3A_588], %gather3A_595 : memref<512x4xf32, #tpu.memory_space<vmem>>[vector<16xi32>, vector<16xi32>], vector<16xf32>,
      %add3A_596 = arith.constant 2 : i32
      %add3A_597 = vector.broadcast %add3A_596 : i32 to vector<16xi32>
      %add3A_598 = arith.addi %broadcast_in_dim3A_588, %add3A_597 : vector<16xi32>
      %mul3A_599 = arith.constant 2 : i32
      %mul3A_600 = vector.broadcast %mul3A_599 : i32 to vector<16xi32>
      %mul3A_601 = arith.muli %get3A_580, %mul3A_600 : vector<16xi32>
      %add3A_602 = arith.constant 0 : i32
      %add3A_603 = vector.broadcast %add3A_602 : i32 to vector<16xi32>
      %add3A_604 = arith.addi %mul3A_601, %add3A_603 : vector<16xi32>
      %gather3A_605 = tpu.vector_load_idx %arg12[%add3A_604] : memref<20032xf32, #tpu.memory_space<vmem>>[vector<16xi32>], vector<16xf32>,
      tpu.vector_store_idx %arg11[%add3A_586, %add3A_598], %gather3A_605 : memref<512x4xf32, #tpu.memory_space<vmem>>[vector<16xi32>, vector<16xi32>], vector<16xf32>,
      %broadcast_in_dim3A_606 = arith.constant 1 : i32
      %broadcast_in_dim3A_607 = vector.broadcast %broadcast_in_dim3A_606 : i32 to vector<16xi32>
      %mul3A_608 = arith.constant 2 : i32
      %mul3A_609 = vector.broadcast %mul3A_608 : i32 to vector<16xi32>
      %mul3A_610 = arith.muli %get3A_580, %mul3A_609 : vector<16xi32>
      %add3A_611 = arith.constant 1 : i32
      %add3A_612 = vector.broadcast %add3A_611 : i32 to vector<16xi32>
      %add3A_613 = arith.addi %mul3A_610, %add3A_612 : vector<16xi32>
      %gather3A_614 = tpu.vector_load_idx %arg13[%add3A_613] : memref<20032xf32, #tpu.memory_space<vmem>>[vector<16xi32>], vector<16xf32>,
      tpu.vector_store_idx %arg11[%add3A_586, %broadcast_in_dim3A_607], %gather3A_614 : memref<512x4xf32, #tpu.memory_space<vmem>>[vector<16xi32>, vector<16xi32>], vector<16xf32>,
      %add3A_615 = arith.constant 2 : i32
      %add3A_616 = vector.broadcast %add3A_615 : i32 to vector<16xi32>
      %add3A_617 = arith.addi %broadcast_in_dim3A_607, %add3A_616 : vector<16xi32>
      %mul3A_618 = arith.constant 2 : i32
      %mul3A_619 = vector.broadcast %mul3A_618 : i32 to vector<16xi32>
      %mul3A_620 = arith.muli %get3A_580, %mul3A_619 : vector<16xi32>
      %add3A_621 = arith.constant 1 : i32
      %add3A_622 = vector.broadcast %add3A_621 : i32 to vector<16xi32>
      %add3A_623 = arith.addi %mul3A_620, %add3A_622 : vector<16xi32>
      %gather3A_624 = tpu.vector_load_idx %arg12[%add3A_623] : memref<20032xf32, #tpu.memory_space<vmem>>[vector<16xi32>], vector<16xf32>,
      tpu.vector_store_idx %arg11[%add3A_586, %add3A_617], %gather3A_624 : memref<512x4xf32, #tpu.memory_space<vmem>>[vector<16xi32>, vector<16xi32>], vector<16xf32>,
      %get3A_625 = arith.constant 160 : index
      %get3A_626 = tpu.vector_load %arg8[%get3A_625] {strides = array<i32>} : memref<512xi32, #tpu.memory_space<vmem>>, vector<16xi32>,
      %gather3A_627 = tpu.vector_load_idx %arg9[%get3A_626] : memref<10016xi32, #tpu.memory_space<vmem>>[vector<16xi32>], vector<16xi32>,
      %swap3A_628 = arith.constant 160 : index
      %swap3A_629 = tpu.vector_load %arg10[%swap3A_628] {strides = array<i32>} : memref<512xi32, #tpu.memory_space<vmem>>, vector<16xi32>,
      tpu.vector_store %arg10[%swap3A_628], %gather3A_627 {strides = array<i32>} : memref<512xi32, #tpu.memory_space<vmem>>, vector<16xi32>,
      %add3A_630 = arith.constant 160 : i32
      %add3A_631 = vector.broadcast %add3A_630 : i32 to vector<16xi32>
      %add3A_632 = arith.addi %add3A_631, %iota3A : vector<16xi32>
      %broadcast_in_dim3A_633 = arith.constant 0 : i32
      %broadcast_in_dim3A_634 = vector.broadcast %broadcast_in_dim3A_633 : i32 to vector<16xi32>
      %mul3A_635 = arith.constant 2 : i32
      %mul3A_636 = vector.broadcast %mul3A_635 : i32 to vector<16xi32>
      %mul3A_637 = arith.muli %get3A_626, %mul3A_636 : vector<16xi32>
      %add3A_638 = arith.constant 0 : i32
      %add3A_639 = vector.broadcast %add3A_638 : i32 to vector<16xi32>
      %add3A_640 = arith.addi %mul3A_637, %add3A_639 : vector<16xi32>
      %gather3A_641 = tpu.vector_load_idx %arg13[%add3A_640] : memref<20032xf32, #tpu.memory_space<vmem>>[vector<16xi32>], vector<16xf32>,
      tpu.vector_store_idx %arg11[%add3A_632, %broadcast_in_dim3A_634], %gather3A_641 : memref<512x4xf32, #tpu.memory_space<vmem>>[vector<16xi32>, vector<16xi32>], vector<16xf32>,
      %add3A_642 = arith.constant 2 : i32
      %add3A_643 = vector.broadcast %add3A_642 : i32 to vector<16xi32>
      %add3A_644 = arith.addi %broadcast_in_dim3A_634, %add3A_643 : vector<16xi32>
      %mul3A_645 = arith.constant 2 : i32
      %mul3A_646 = vector.broadcast %mul3A_645 : i32 to vector<16xi32>
      %mul3A_647 = arith.muli %get3A_626, %mul3A_646 : vector<16xi32>
      %add3A_648 = arith.constant 0 : i32
      %add3A_649 = vector.broadcast %add3A_648 : i32 to vector<16xi32>
      %add3A_650 = arith.addi %mul3A_647, %add3A_649 : vector<16xi32>
      %gather3A_651 = tpu.vector_load_idx %arg12[%add3A_650] : memref<20032xf32, #tpu.memory_space<vmem>>[vector<16xi32>], vector<16xf32>,
      tpu.vector_store_idx %arg11[%add3A_632, %add3A_644], %gather3A_651 : memref<512x4xf32, #tpu.memory_space<vmem>>[vector<16xi32>, vector<16xi32>], vector<16xf32>,
      %broadcast_in_dim3A_652 = arith.constant 1 : i32
      %broadcast_in_dim3A_653 = vector.broadcast %broadcast_in_dim3A_652 : i32 to vector<16xi32>
      %mul3A_654 = arith.constant 2 : i32
      %mul3A_655 = vector.broadcast %mul3A_654 : i32 to vector<16xi32>
      %mul3A_656 = arith.muli %get3A_626, %mul3A_655 : vector<16xi32>
      %add3A_657 = arith.constant 1 : i32
      %add3A_658 = vector.broadcast %add3A_657 : i32 to vector<16xi32>
      %add3A_659 = arith.addi %mul3A_656, %add3A_658 : vector<16xi32>
      %gather3A_660 = tpu.vector_load_idx %arg13[%add3A_659] : memref<20032xf32, #tpu.memory_space<vmem>>[vector<16xi32>], vector<16xf32>,
      tpu.vector_store_idx %arg11[%add3A_632, %broadcast_in_dim3A_653], %gather3A_660 : memref<512x4xf32, #tpu.memory_space<vmem>>[vector<16xi32>, vector<16xi32>], vector<16xf32>,
      %add3A_661 = arith.constant 2 : i32
      %add3A_662 = vector.broadcast %add3A_661 : i32 to vector<16xi32>
      %add3A_663 = arith.addi %broadcast_in_dim3A_653, %add3A_662 : vector<16xi32>
      %mul3A_664 = arith.constant 2 : i32
      %mul3A_665 = vector.broadcast %mul3A_664 : i32 to vector<16xi32>
      %mul3A_666 = arith.muli %get3A_626, %mul3A_665 : vector<16xi32>
      %add3A_667 = arith.constant 1 : i32
      %add3A_668 = vector.broadcast %add3A_667 : i32 to vector<16xi32>
      %add3A_669 = arith.addi %mul3A_666, %add3A_668 : vector<16xi32>
      %gather3A_670 = tpu.vector_load_idx %arg12[%add3A_669] : memref<20032xf32, #tpu.memory_space<vmem>>[vector<16xi32>], vector<16xf32>,
      tpu.vector_store_idx %arg11[%add3A_632, %add3A_663], %gather3A_670 : memref<512x4xf32, #tpu.memory_space<vmem>>[vector<16xi32>, vector<16xi32>], vector<16xf32>,
      %get3A_671 = arith.constant 176 : index
      %get3A_672 = tpu.vector_load %arg8[%get3A_671] {strides = array<i32>} : memref<512xi32, #tpu.memory_space<vmem>>, vector<16xi32>,
      %gather3A_673 = tpu.vector_load_idx %arg9[%get3A_672] : memref<10016xi32, #tpu.memory_space<vmem>>[vector<16xi32>], vector<16xi32>,
      %swap3A_674 = arith.constant 176 : index
      %swap3A_675 = tpu.vector_load %arg10[%swap3A_674] {strides = array<i32>} : memref<512xi32, #tpu.memory_space<vmem>>, vector<16xi32>,
      tpu.vector_store %arg10[%swap3A_674], %gather3A_673 {strides = array<i32>} : memref<512xi32, #tpu.memory_space<vmem>>, vector<16xi32>,
      %add3A_676 = arith.constant 176 : i32
      %add3A_677 = vector.broadcast %add3A_676 : i32 to vector<16xi32>
      %add3A_678 = arith.addi %add3A_677, %iota3A : vector<16xi32>
      %broadcast_in_dim3A_679 = arith.constant 0 : i32
      %broadcast_in_dim3A_680 = vector.broadcast %broadcast_in_dim3A_679 : i32 to vector<16xi32>
      %mul3A_681 = arith.constant 2 : i32
      %mul3A_682 = vector.broadcast %mul3A_681 : i32 to vector<16xi32>
      %mul3A_683 = arith.muli %get3A_672, %mul3A_682 : vector<16xi32>
      %add3A_684 = arith.constant 0 : i32
      %add3A_685 = vector.broadcast %add3A_684 : i32 to vector<16xi32>
      %add3A_686 = arith.addi %mul3A_683, %add3A_685 : vector<16xi32>
      %gather3A_687 = tpu.vector_load_idx %arg13[%add3A_686] : memref<20032xf32, #tpu.memory_space<vmem>>[vector<16xi32>], vector<16xf32>,
      tpu.vector_store_idx %arg11[%add3A_678, %broadcast_in_dim3A_680], %gather3A_687 : memref<512x4xf32, #tpu.memory_space<vmem>>[vector<16xi32>, vector<16xi32>], vector<16xf32>,
      %add3A_688 = arith.constant 2 : i32
      %add3A_689 = vector.broadcast %add3A_688 : i32 to vector<16xi32>
      %add3A_690 = arith.addi %broadcast_in_dim3A_680, %add3A_689 : vector<16xi32>
      %mul3A_691 = arith.constant 2 : i32
      %mul3A_692 = vector.broadcast %mul3A_691 : i32 to vector<16xi32>
      %mul3A_693 = arith.muli %get3A_672, %mul3A_692 : vector<16xi32>
      %add3A_694 = arith.constant 0 : i32
      %add3A_695 = vector.broadcast %add3A_694 : i32 to vector<16xi32>
      %add3A_696 = arith.addi %mul3A_693, %add3A_695 : vector<16xi32>
      %gather3A_697 = tpu.vector_load_idx %arg12[%add3A_696] : memref<20032xf32, #tpu.memory_space<vmem>>[vector<16xi32>], vector<16xf32>,
      tpu.vector_store_idx %arg11[%add3A_678, %add3A_690], %gather3A_697 : memref<512x4xf32, #tpu.memory_space<vmem>>[vector<16xi32>, vector<16xi32>], vector<16xf32>,
      %broadcast_in_dim3A_698 = arith.constant 1 : i32
      %broadcast_in_dim3A_699 = vector.broadcast %broadcast_in_dim3A_698 : i32 to vector<16xi32>
      %mul3A_700 = arith.constant 2 : i32
      %mul3A_701 = vector.broadcast %mul3A_700 : i32 to vector<16xi32>
      %mul3A_702 = arith.muli %get3A_672, %mul3A_701 : vector<16xi32>
      %add3A_703 = arith.constant 1 : i32
      %add3A_704 = vector.broadcast %add3A_703 : i32 to vector<16xi32>
      %add3A_705 = arith.addi %mul3A_702, %add3A_704 : vector<16xi32>
      %gather3A_706 = tpu.vector_load_idx %arg13[%add3A_705] : memref<20032xf32, #tpu.memory_space<vmem>>[vector<16xi32>], vector<16xf32>,
      tpu.vector_store_idx %arg11[%add3A_678, %broadcast_in_dim3A_699], %gather3A_706 : memref<512x4xf32, #tpu.memory_space<vmem>>[vector<16xi32>, vector<16xi32>], vector<16xf32>,
      %add3A_707 = arith.constant 2 : i32
      %add3A_708 = vector.broadcast %add3A_707 : i32 to vector<16xi32>
      %add3A_709 = arith.addi %broadcast_in_dim3A_699, %add3A_708 : vector<16xi32>
      %mul3A_710 = arith.constant 2 : i32
      %mul3A_711 = vector.broadcast %mul3A_710 : i32 to vector<16xi32>
      %mul3A_712 = arith.muli %get3A_672, %mul3A_711 : vector<16xi32>
      %add3A_713 = arith.constant 1 : i32
      %add3A_714 = vector.broadcast %add3A_713 : i32 to vector<16xi32>
      %add3A_715 = arith.addi %mul3A_712, %add3A_714 : vector<16xi32>
      %gather3A_716 = tpu.vector_load_idx %arg12[%add3A_715] : memref<20032xf32, #tpu.memory_space<vmem>>[vector<16xi32>], vector<16xf32>,
      tpu.vector_store_idx %arg11[%add3A_678, %add3A_709], %gather3A_716 : memref<512x4xf32, #tpu.memory_space<vmem>>[vector<16xi32>, vector<16xi32>], vector<16xf32>,
      %get3A_717 = arith.constant 192 : index
      %get3A_718 = tpu.vector_load %arg8[%get3A_717] {strides = array<i32>} : memref<512xi32, #tpu.memory_space<vmem>>, vector<16xi32>,
      %gather3A_719 = tpu.vector_load_idx %arg9[%get3A_718] : memref<10016xi32, #tpu.memory_space<vmem>>[vector<16xi32>], vector<16xi32>,
      %swap3A_720 = arith.constant 192 : index
      %swap3A_721 = tpu.vector_load %arg10[%swap3A_720] {strides = array<i32>} : memref<512xi32, #tpu.memory_space<vmem>>, vector<16xi32>,
      tpu.vector_store %arg10[%swap3A_720], %gather3A_719 {strides = array<i32>} : memref<512xi32, #tpu.memory_space<vmem>>, vector<16xi32>,
      %add3A_722 = arith.constant 192 : i32
      %add3A_723 = vector.broadcast %add3A_722 : i32 to vector<16xi32>
      %add3A_724 = arith.addi %add3A_723, %iota3A : vector<16xi32>
      %broadcast_in_dim3A_725 = arith.constant 0 : i32
      %broadcast_in_dim3A_726 = vector.broadcast %broadcast_in_dim3A_725 : i32 to vector<16xi32>
      %mul3A_727 = arith.constant 2 : i32
      %mul3A_728 = vector.broadcast %mul3A_727 : i32 to vector<16xi32>
      %mul3A_729 = arith.muli %get3A_718, %mul3A_728 : vector<16xi32>
      %add3A_730 = arith.constant 0 : i32
      %add3A_731 = vector.broadcast %add3A_730 : i32 to vector<16xi32>
      %add3A_732 = arith.addi %mul3A_729, %add3A_731 : vector<16xi32>
      %gather3A_733 = tpu.vector_load_idx %arg13[%add3A_732] : memref<20032xf32, #tpu.memory_space<vmem>>[vector<16xi32>], vector<16xf32>,
      tpu.vector_store_idx %arg11[%add3A_724, %broadcast_in_dim3A_726], %gather3A_733 : memref<512x4xf32, #tpu.memory_space<vmem>>[vector<16xi32>, vector<16xi32>], vector<16xf32>,
      %add3A_734 = arith.constant 2 : i32
      %add3A_735 = vector.broadcast %add3A_734 : i32 to vector<16xi32>
      %add3A_736 = arith.addi %broadcast_in_dim3A_726, %add3A_735 : vector<16xi32>
      %mul3A_737 = arith.constant 2 : i32
      %mul3A_738 = vector.broadcast %mul3A_737 : i32 to vector<16xi32>
      %mul3A_739 = arith.muli %get3A_718, %mul3A_738 : vector<16xi32>
      %add3A_740 = arith.constant 0 : i32
      %add3A_741 = vector.broadcast %add3A_740 : i32 to vector<16xi32>
      %add3A_742 = arith.addi %mul3A_739, %add3A_741 : vector<16xi32>
      %gather3A_743 = tpu.vector_load_idx %arg12[%add3A_742] : memref<20032xf32, #tpu.memory_space<vmem>>[vector<16xi32>], vector<16xf32>,
      tpu.vector_store_idx %arg11[%add3A_724, %add3A_736], %gather3A_743 : memref<512x4xf32, #tpu.memory_space<vmem>>[vector<16xi32>, vector<16xi32>], vector<16xf32>,
      %broadcast_in_dim3A_744 = arith.constant 1 : i32
      %broadcast_in_dim3A_745 = vector.broadcast %broadcast_in_dim3A_744 : i32 to vector<16xi32>
      %mul3A_746 = arith.constant 2 : i32
      %mul3A_747 = vector.broadcast %mul3A_746 : i32 to vector<16xi32>
      %mul3A_748 = arith.muli %get3A_718, %mul3A_747 : vector<16xi32>
      %add3A_749 = arith.constant 1 : i32
      %add3A_750 = vector.broadcast %add3A_749 : i32 to vector<16xi32>
      %add3A_751 = arith.addi %mul3A_748, %add3A_750 : vector<16xi32>
      %gather3A_752 = tpu.vector_load_idx %arg13[%add3A_751] : memref<20032xf32, #tpu.memory_space<vmem>>[vector<16xi32>], vector<16xf32>,
      tpu.vector_store_idx %arg11[%add3A_724, %broadcast_in_dim3A_745], %gather3A_752 : memref<512x4xf32, #tpu.memory_space<vmem>>[vector<16xi32>, vector<16xi32>], vector<16xf32>,
      %add3A_753 = arith.constant 2 : i32
      %add3A_754 = vector.broadcast %add3A_753 : i32 to vector<16xi32>
      %add3A_755 = arith.addi %broadcast_in_dim3A_745, %add3A_754 : vector<16xi32>
      %mul3A_756 = arith.constant 2 : i32
      %mul3A_757 = vector.broadcast %mul3A_756 : i32 to vector<16xi32>
      %mul3A_758 = arith.muli %get3A_718, %mul3A_757 : vector<16xi32>
      %add3A_759 = arith.constant 1 : i32
      %add3A_760 = vector.broadcast %add3A_759 : i32 to vector<16xi32>
      %add3A_761 = arith.addi %mul3A_758, %add3A_760 : vector<16xi32>
      %gather3A_762 = tpu.vector_load_idx %arg12[%add3A_761] : memref<20032xf32, #tpu.memory_space<vmem>>[vector<16xi32>], vector<16xf32>,
      tpu.vector_store_idx %arg11[%add3A_724, %add3A_755], %gather3A_762 : memref<512x4xf32, #tpu.memory_space<vmem>>[vector<16xi32>, vector<16xi32>], vector<16xf32>,
      %get3A_763 = arith.constant 208 : index
      %get3A_764 = tpu.vector_load %arg8[%get3A_763] {strides = array<i32>} : memref<512xi32, #tpu.memory_space<vmem>>, vector<16xi32>,
      %gather3A_765 = tpu.vector_load_idx %arg9[%get3A_764] : memref<10016xi32, #tpu.memory_space<vmem>>[vector<16xi32>], vector<16xi32>,
      %swap3A_766 = arith.constant 208 : index
      %swap3A_767 = tpu.vector_load %arg10[%swap3A_766] {strides = array<i32>} : memref<512xi32, #tpu.memory_space<vmem>>, vector<16xi32>,
      tpu.vector_store %arg10[%swap3A_766], %gather3A_765 {strides = array<i32>} : memref<512xi32, #tpu.memory_space<vmem>>, vector<16xi32>,
      %add3A_768 = arith.constant 208 : i32
      %add3A_769 = vector.broadcast %add3A_768 : i32 to vector<16xi32>
      %add3A_770 = arith.addi %add3A_769, %iota3A : vector<16xi32>
      %broadcast_in_dim3A_771 = arith.constant 0 : i32
      %broadcast_in_dim3A_772 = vector.broadcast %broadcast_in_dim3A_771 : i32 to vector<16xi32>
      %mul3A_773 = arith.constant 2 : i32
      %mul3A_774 = vector.broadcast %mul3A_773 : i32 to vector<16xi32>
      %mul3A_775 = arith.muli %get3A_764, %mul3A_774 : vector<16xi32>
      %add3A_776 = arith.constant 0 : i32
      %add3A_777 = vector.broadcast %add3A_776 : i32 to vector<16xi32>
      %add3A_778 = arith.addi %mul3A_775, %add3A_777 : vector<16xi32>
      %gather3A_779 = tpu.vector_load_idx %arg13[%add3A_778] : memref<20032xf32, #tpu.memory_space<vmem>>[vector<16xi32>], vector<16xf32>,
      tpu.vector_store_idx %arg11[%add3A_770, %broadcast_in_dim3A_772], %gather3A_779 : memref<512x4xf32, #tpu.memory_space<vmem>>[vector<16xi32>, vector<16xi32>], vector<16xf32>,
      %add3A_780 = arith.constant 2 : i32
      %add3A_781 = vector.broadcast %add3A_780 : i32 to vector<16xi32>
      %add3A_782 = arith.addi %broadcast_in_dim3A_772, %add3A_781 : vector<16xi32>
      %mul3A_783 = arith.constant 2 : i32
      %mul3A_784 = vector.broadcast %mul3A_783 : i32 to vector<16xi32>
      %mul3A_785 = arith.muli %get3A_764, %mul3A_784 : vector<16xi32>
      %add3A_786 = arith.constant 0 : i32
      %add3A_787 = vector.broadcast %add3A_786 : i32 to vector<16xi32>
      %add3A_788 = arith.addi %mul3A_785, %add3A_787 : vector<16xi32>
      %gather3A_789 = tpu.vector_load_idx %arg12[%add3A_788] : memref<20032xf32, #tpu.memory_space<vmem>>[vector<16xi32>], vector<16xf32>,
      tpu.vector_store_idx %arg11[%add3A_770, %add3A_782], %gather3A_789 : memref<512x4xf32, #tpu.memory_space<vmem>>[vector<16xi32>, vector<16xi32>], vector<16xf32>,
      %broadcast_in_dim3A_790 = arith.constant 1 : i32
      %broadcast_in_dim3A_791 = vector.broadcast %broadcast_in_dim3A_790 : i32 to vector<16xi32>
      %mul3A_792 = arith.constant 2 : i32
      %mul3A_793 = vector.broadcast %mul3A_792 : i32 to vector<16xi32>
      %mul3A_794 = arith.muli %get3A_764, %mul3A_793 : vector<16xi32>
      %add3A_795 = arith.constant 1 : i32
      %add3A_796 = vector.broadcast %add3A_795 : i32 to vector<16xi32>
      %add3A_797 = arith.addi %mul3A_794, %add3A_796 : vector<16xi32>
      %gather3A_798 = tpu.vector_load_idx %arg13[%add3A_797] : memref<20032xf32, #tpu.memory_space<vmem>>[vector<16xi32>], vector<16xf32>,
      tpu.vector_store_idx %arg11[%add3A_770, %broadcast_in_dim3A_791], %gather3A_798 : memref<512x4xf32, #tpu.memory_space<vmem>>[vector<16xi32>, vector<16xi32>], vector<16xf32>,
      %add3A_799 = arith.constant 2 : i32
      %add3A_800 = vector.broadcast %add3A_799 : i32 to vector<16xi32>
      %add3A_801 = arith.addi %broadcast_in_dim3A_791, %add3A_800 : vector<16xi32>
      %mul3A_802 = arith.constant 2 : i32
      %mul3A_803 = vector.broadcast %mul3A_802 : i32 to vector<16xi32>
      %mul3A_804 = arith.muli %get3A_764, %mul3A_803 : vector<16xi32>
      %add3A_805 = arith.constant 1 : i32
      %add3A_806 = vector.broadcast %add3A_805 : i32 to vector<16xi32>
      %add3A_807 = arith.addi %mul3A_804, %add3A_806 : vector<16xi32>
      %gather3A_808 = tpu.vector_load_idx %arg12[%add3A_807] : memref<20032xf32, #tpu.memory_space<vmem>>[vector<16xi32>], vector<16xf32>,
      tpu.vector_store_idx %arg11[%add3A_770, %add3A_801], %gather3A_808 : memref<512x4xf32, #tpu.memory_space<vmem>>[vector<16xi32>, vector<16xi32>], vector<16xf32>,
      %get3A_809 = arith.constant 224 : index
      %get3A_810 = tpu.vector_load %arg8[%get3A_809] {strides = array<i32>} : memref<512xi32, #tpu.memory_space<vmem>>, vector<16xi32>,
      %gather3A_811 = tpu.vector_load_idx %arg9[%get3A_810] : memref<10016xi32, #tpu.memory_space<vmem>>[vector<16xi32>], vector<16xi32>,
      %swap3A_812 = arith.constant 224 : index
      %swap3A_813 = tpu.vector_load %arg10[%swap3A_812] {strides = array<i32>} : memref<512xi32, #tpu.memory_space<vmem>>, vector<16xi32>,
      tpu.vector_store %arg10[%swap3A_812], %gather3A_811 {strides = array<i32>} : memref<512xi32, #tpu.memory_space<vmem>>, vector<16xi32>,
      %add3A_814 = arith.constant 224 : i32
      %add3A_815 = vector.broadcast %add3A_814 : i32 to vector<16xi32>
      %add3A_816 = arith.addi %add3A_815, %iota3A : vector<16xi32>
      %broadcast_in_dim3A_817 = arith.constant 0 : i32
      %broadcast_in_dim3A_818 = vector.broadcast %broadcast_in_dim3A_817 : i32 to vector<16xi32>
      %mul3A_819 = arith.constant 2 : i32
      %mul3A_820 = vector.broadcast %mul3A_819 : i32 to vector<16xi32>
      %mul3A_821 = arith.muli %get3A_810, %mul3A_820 : vector<16xi32>
      %add3A_822 = arith.constant 0 : i32
      %add3A_823 = vector.broadcast %add3A_822 : i32 to vector<16xi32>
      %add3A_824 = arith.addi %mul3A_821, %add3A_823 : vector<16xi32>
      %gather3A_825 = tpu.vector_load_idx %arg13[%add3A_824] : memref<20032xf32, #tpu.memory_space<vmem>>[vector<16xi32>], vector<16xf32>,
      tpu.vector_store_idx %arg11[%add3A_816, %broadcast_in_dim3A_818], %gather3A_825 : memref<512x4xf32, #tpu.memory_space<vmem>>[vector<16xi32>, vector<16xi32>], vector<16xf32>,
      %add3A_826 = arith.constant 2 : i32
      %add3A_827 = vector.broadcast %add3A_826 : i32 to vector<16xi32>
      %add3A_828 = arith.addi %broadcast_in_dim3A_818, %add3A_827 : vector<16xi32>
      %mul3A_829 = arith.constant 2 : i32
      %mul3A_830 = vector.broadcast %mul3A_829 : i32 to vector<16xi32>
      %mul3A_831 = arith.muli %get3A_810, %mul3A_830 : vector<16xi32>
      %add3A_832 = arith.constant 0 : i32
      %add3A_833 = vector.broadcast %add3A_832 : i32 to vector<16xi32>
      %add3A_834 = arith.addi %mul3A_831, %add3A_833 : vector<16xi32>
      %gather3A_835 = tpu.vector_load_idx %arg12[%add3A_834] : memref<20032xf32, #tpu.memory_space<vmem>>[vector<16xi32>], vector<16xf32>,
      tpu.vector_store_idx %arg11[%add3A_816, %add3A_828], %gather3A_835 : memref<512x4xf32, #tpu.memory_space<vmem>>[vector<16xi32>, vector<16xi32>], vector<16xf32>,
      %broadcast_in_dim3A_836 = arith.constant 1 : i32
      %broadcast_in_dim3A_837 = vector.broadcast %broadcast_in_dim3A_836 : i32 to vector<16xi32>
      %mul3A_838 = arith.constant 2 : i32
      %mul3A_839 = vector.broadcast %mul3A_838 : i32 to vector<16xi32>
      %mul3A_840 = arith.muli %get3A_810, %mul3A_839 : vector<16xi32>
      %add3A_841 = arith.constant 1 : i32
      %add3A_842 = vector.broadcast %add3A_841 : i32 to vector<16xi32>
      %add3A_843 = arith.addi %mul3A_840, %add3A_842 : vector<16xi32>
      %gather3A_844 = tpu.vector_load_idx %arg13[%add3A_843] : memref<20032xf32, #tpu.memory_space<vmem>>[vector<16xi32>], vector<16xf32>,
      tpu.vector_store_idx %arg11[%add3A_816, %broadcast_in_dim3A_837], %gather3A_844 : memref<512x4xf32, #tpu.memory_space<vmem>>[vector<16xi32>, vector<16xi32>], vector<16xf32>,
      %add3A_845 = arith.constant 2 : i32
      %add3A_846 = vector.broadcast %add3A_845 : i32 to vector<16xi32>
      %add3A_847 = arith.addi %broadcast_in_dim3A_837, %add3A_846 : vector<16xi32>
      %mul3A_848 = arith.constant 2 : i32
      %mul3A_849 = vector.broadcast %mul3A_848 : i32 to vector<16xi32>
      %mul3A_850 = arith.muli %get3A_810, %mul3A_849 : vector<16xi32>
      %add3A_851 = arith.constant 1 : i32
      %add3A_852 = vector.broadcast %add3A_851 : i32 to vector<16xi32>
      %add3A_853 = arith.addi %mul3A_850, %add3A_852 : vector<16xi32>
      %gather3A_854 = tpu.vector_load_idx %arg12[%add3A_853] : memref<20032xf32, #tpu.memory_space<vmem>>[vector<16xi32>], vector<16xf32>,
      tpu.vector_store_idx %arg11[%add3A_816, %add3A_847], %gather3A_854 : memref<512x4xf32, #tpu.memory_space<vmem>>[vector<16xi32>, vector<16xi32>], vector<16xf32>,
      %get3A_855 = arith.constant 240 : index
      %get3A_856 = tpu.vector_load %arg8[%get3A_855] {strides = array<i32>} : memref<512xi32, #tpu.memory_space<vmem>>, vector<16xi32>,
      %gather3A_857 = tpu.vector_load_idx %arg9[%get3A_856] : memref<10016xi32, #tpu.memory_space<vmem>>[vector<16xi32>], vector<16xi32>,
      %swap3A_858 = arith.constant 240 : index
      %swap3A_859 = tpu.vector_load %arg10[%swap3A_858] {strides = array<i32>} : memref<512xi32, #tpu.memory_space<vmem>>, vector<16xi32>,
      tpu.vector_store %arg10[%swap3A_858], %gather3A_857 {strides = array<i32>} : memref<512xi32, #tpu.memory_space<vmem>>, vector<16xi32>,
      %add3A_860 = arith.constant 240 : i32
      %add3A_861 = vector.broadcast %add3A_860 : i32 to vector<16xi32>
      %add3A_862 = arith.addi %add3A_861, %iota3A : vector<16xi32>
      %broadcast_in_dim3A_863 = arith.constant 0 : i32
      %broadcast_in_dim3A_864 = vector.broadcast %broadcast_in_dim3A_863 : i32 to vector<16xi32>
      %mul3A_865 = arith.constant 2 : i32
      %mul3A_866 = vector.broadcast %mul3A_865 : i32 to vector<16xi32>
      %mul3A_867 = arith.muli %get3A_856, %mul3A_866 : vector<16xi32>
      %add3A_868 = arith.constant 0 : i32
      %add3A_869 = vector.broadcast %add3A_868 : i32 to vector<16xi32>
      %add3A_870 = arith.addi %mul3A_867, %add3A_869 : vector<16xi32>
      %gather3A_871 = tpu.vector_load_idx %arg13[%add3A_870] : memref<20032xf32, #tpu.memory_space<vmem>>[vector<16xi32>], vector<16xf32>,
      tpu.vector_store_idx %arg11[%add3A_862, %broadcast_in_dim3A_864], %gather3A_871 : memref<512x4xf32, #tpu.memory_space<vmem>>[vector<16xi32>, vector<16xi32>], vector<16xf32>,
      %add3A_872 = arith.constant 2 : i32
      %add3A_873 = vector.broadcast %add3A_872 : i32 to vector<16xi32>
      %add3A_874 = arith.addi %broadcast_in_dim3A_864, %add3A_873 : vector<16xi32>
      %mul3A_875 = arith.constant 2 : i32
      %mul3A_876 = vector.broadcast %mul3A_875 : i32 to vector<16xi32>
      %mul3A_877 = arith.muli %get3A_856, %mul3A_876 : vector<16xi32>
      %add3A_878 = arith.constant 0 : i32
      %add3A_879 = vector.broadcast %add3A_878 : i32 to vector<16xi32>
      %add3A_880 = arith.addi %mul3A_877, %add3A_879 : vector<16xi32>
      %gather3A_881 = tpu.vector_load_idx %arg12[%add3A_880] : memref<20032xf32, #tpu.memory_space<vmem>>[vector<16xi32>], vector<16xf32>,
      tpu.vector_store_idx %arg11[%add3A_862, %add3A_874], %gather3A_881 : memref<512x4xf32, #tpu.memory_space<vmem>>[vector<16xi32>, vector<16xi32>], vector<16xf32>,
      %broadcast_in_dim3A_882 = arith.constant 1 : i32
      %broadcast_in_dim3A_883 = vector.broadcast %broadcast_in_dim3A_882 : i32 to vector<16xi32>
      %mul3A_884 = arith.constant 2 : i32
      %mul3A_885 = vector.broadcast %mul3A_884 : i32 to vector<16xi32>
      %mul3A_886 = arith.muli %get3A_856, %mul3A_885 : vector<16xi32>
      %add3A_887 = arith.constant 1 : i32
      %add3A_888 = vector.broadcast %add3A_887 : i32 to vector<16xi32>
      %add3A_889 = arith.addi %mul3A_886, %add3A_888 : vector<16xi32>
      %gather3A_890 = tpu.vector_load_idx %arg13[%add3A_889] : memref<20032xf32, #tpu.memory_space<vmem>>[vector<16xi32>], vector<16xf32>,
      tpu.vector_store_idx %arg11[%add3A_862, %broadcast_in_dim3A_883], %gather3A_890 : memref<512x4xf32, #tpu.memory_space<vmem>>[vector<16xi32>, vector<16xi32>], vector<16xf32>,
      %add3A_891 = arith.constant 2 : i32
      %add3A_892 = vector.broadcast %add3A_891 : i32 to vector<16xi32>
      %add3A_893 = arith.addi %broadcast_in_dim3A_883, %add3A_892 : vector<16xi32>
      %mul3A_894 = arith.constant 2 : i32
      %mul3A_895 = vector.broadcast %mul3A_894 : i32 to vector<16xi32>
      %mul3A_896 = arith.muli %get3A_856, %mul3A_895 : vector<16xi32>
      %add3A_897 = arith.constant 1 : i32
      %add3A_898 = vector.broadcast %add3A_897 : i32 to vector<16xi32>
      %add3A_899 = arith.addi %mul3A_896, %add3A_898 : vector<16xi32>
      %gather3A_900 = tpu.vector_load_idx %arg12[%add3A_899] : memref<20032xf32, #tpu.memory_space<vmem>>[vector<16xi32>], vector<16xf32>,
      tpu.vector_store_idx %arg11[%add3A_862, %add3A_893], %gather3A_900 : memref<512x4xf32, #tpu.memory_space<vmem>>[vector<16xi32>, vector<16xi32>], vector<16xf32>,
      %get3A_901 = arith.constant 256 : index
      %get3A_902 = tpu.vector_load %arg8[%get3A_901] {strides = array<i32>} : memref<512xi32, #tpu.memory_space<vmem>>, vector<16xi32>,
      %gather3A_903 = tpu.vector_load_idx %arg9[%get3A_902] : memref<10016xi32, #tpu.memory_space<vmem>>[vector<16xi32>], vector<16xi32>,
      %swap3A_904 = arith.constant 256 : index
      %swap3A_905 = tpu.vector_load %arg10[%swap3A_904] {strides = array<i32>} : memref<512xi32, #tpu.memory_space<vmem>>, vector<16xi32>,
      tpu.vector_store %arg10[%swap3A_904], %gather3A_903 {strides = array<i32>} : memref<512xi32, #tpu.memory_space<vmem>>, vector<16xi32>,
      %add3A_906 = arith.constant 256 : i32
      %add3A_907 = vector.broadcast %add3A_906 : i32 to vector<16xi32>
      %add3A_908 = arith.addi %add3A_907, %iota3A : vector<16xi32>
      %broadcast_in_dim3A_909 = arith.constant 0 : i32
      %broadcast_in_dim3A_910 = vector.broadcast %broadcast_in_dim3A_909 : i32 to vector<16xi32>
      %mul3A_911 = arith.constant 2 : i32
      %mul3A_912 = vector.broadcast %mul3A_911 : i32 to vector<16xi32>
      %mul3A_913 = arith.muli %get3A_902, %mul3A_912 : vector<16xi32>
      %add3A_914 = arith.constant 0 : i32
      %add3A_915 = vector.broadcast %add3A_914 : i32 to vector<16xi32>
      %add3A_916 = arith.addi %mul3A_913, %add3A_915 : vector<16xi32>
      %gather3A_917 = tpu.vector_load_idx %arg13[%add3A_916] : memref<20032xf32, #tpu.memory_space<vmem>>[vector<16xi32>], vector<16xf32>,
      tpu.vector_store_idx %arg11[%add3A_908, %broadcast_in_dim3A_910], %gather3A_917 : memref<512x4xf32, #tpu.memory_space<vmem>>[vector<16xi32>, vector<16xi32>], vector<16xf32>,
      %add3A_918 = arith.constant 2 : i32
      %add3A_919 = vector.broadcast %add3A_918 : i32 to vector<16xi32>
      %add3A_920 = arith.addi %broadcast_in_dim3A_910, %add3A_919 : vector<16xi32>
      %mul3A_921 = arith.constant 2 : i32
      %mul3A_922 = vector.broadcast %mul3A_921 : i32 to vector<16xi32>
      %mul3A_923 = arith.muli %get3A_902, %mul3A_922 : vector<16xi32>
      %add3A_924 = arith.constant 0 : i32
      %add3A_925 = vector.broadcast %add3A_924 : i32 to vector<16xi32>
      %add3A_926 = arith.addi %mul3A_923, %add3A_925 : vector<16xi32>
      %gather3A_927 = tpu.vector_load_idx %arg12[%add3A_926] : memref<20032xf32, #tpu.memory_space<vmem>>[vector<16xi32>], vector<16xf32>,
      tpu.vector_store_idx %arg11[%add3A_908, %add3A_920], %gather3A_927 : memref<512x4xf32, #tpu.memory_space<vmem>>[vector<16xi32>, vector<16xi32>], vector<16xf32>,
      %broadcast_in_dim3A_928 = arith.constant 1 : i32
      %broadcast_in_dim3A_929 = vector.broadcast %broadcast_in_dim3A_928 : i32 to vector<16xi32>
      %mul3A_930 = arith.constant 2 : i32
      %mul3A_931 = vector.broadcast %mul3A_930 : i32 to vector<16xi32>
      %mul3A_932 = arith.muli %get3A_902, %mul3A_931 : vector<16xi32>
      %add3A_933 = arith.constant 1 : i32
      %add3A_934 = vector.broadcast %add3A_933 : i32 to vector<16xi32>
      %add3A_935 = arith.addi %mul3A_932, %add3A_934 : vector<16xi32>
      %gather3A_936 = tpu.vector_load_idx %arg13[%add3A_935] : memref<20032xf32, #tpu.memory_space<vmem>>[vector<16xi32>], vector<16xf32>,
      tpu.vector_store_idx %arg11[%add3A_908, %broadcast_in_dim3A_929], %gather3A_936 : memref<512x4xf32, #tpu.memory_space<vmem>>[vector<16xi32>, vector<16xi32>], vector<16xf32>,
      %add3A_937 = arith.constant 2 : i32
      %add3A_938 = vector.broadcast %add3A_937 : i32 to vector<16xi32>
      %add3A_939 = arith.addi %broadcast_in_dim3A_929, %add3A_938 : vector<16xi32>
      %mul3A_940 = arith.constant 2 : i32
      %mul3A_941 = vector.broadcast %mul3A_940 : i32 to vector<16xi32>
      %mul3A_942 = arith.muli %get3A_902, %mul3A_941 : vector<16xi32>
      %add3A_943 = arith.constant 1 : i32
      %add3A_944 = vector.broadcast %add3A_943 : i32 to vector<16xi32>
      %add3A_945 = arith.addi %mul3A_942, %add3A_944 : vector<16xi32>
      %gather3A_946 = tpu.vector_load_idx %arg12[%add3A_945] : memref<20032xf32, #tpu.memory_space<vmem>>[vector<16xi32>], vector<16xf32>,
      tpu.vector_store_idx %arg11[%add3A_908, %add3A_939], %gather3A_946 : memref<512x4xf32, #tpu.memory_space<vmem>>[vector<16xi32>, vector<16xi32>], vector<16xf32>,
      %get3A_947 = arith.constant 272 : index
      %get3A_948 = tpu.vector_load %arg8[%get3A_947] {strides = array<i32>} : memref<512xi32, #tpu.memory_space<vmem>>, vector<16xi32>,
      %gather3A_949 = tpu.vector_load_idx %arg9[%get3A_948] : memref<10016xi32, #tpu.memory_space<vmem>>[vector<16xi32>], vector<16xi32>,
      %swap3A_950 = arith.constant 272 : index
      %swap3A_951 = tpu.vector_load %arg10[%swap3A_950] {strides = array<i32>} : memref<512xi32, #tpu.memory_space<vmem>>, vector<16xi32>,
      tpu.vector_store %arg10[%swap3A_950], %gather3A_949 {strides = array<i32>} : memref<512xi32, #tpu.memory_space<vmem>>, vector<16xi32>,
      %add3A_952 = arith.constant 272 : i32
      %add3A_953 = vector.broadcast %add3A_952 : i32 to vector<16xi32>
      %add3A_954 = arith.addi %add3A_953, %iota3A : vector<16xi32>
      %broadcast_in_dim3A_955 = arith.constant 0 : i32
      %broadcast_in_dim3A_956 = vector.broadcast %broadcast_in_dim3A_955 : i32 to vector<16xi32>
      %mul3A_957 = arith.constant 2 : i32
      %mul3A_958 = vector.broadcast %mul3A_957 : i32 to vector<16xi32>
      %mul3A_959 = arith.muli %get3A_948, %mul3A_958 : vector<16xi32>
      %add3A_960 = arith.constant 0 : i32
      %add3A_961 = vector.broadcast %add3A_960 : i32 to vector<16xi32>
      %add3A_962 = arith.addi %mul3A_959, %add3A_961 : vector<16xi32>
      %gather3A_963 = tpu.vector_load_idx %arg13[%add3A_962] : memref<20032xf32, #tpu.memory_space<vmem>>[vector<16xi32>], vector<16xf32>,
      tpu.vector_store_idx %arg11[%add3A_954, %broadcast_in_dim3A_956], %gather3A_963 : memref<512x4xf32, #tpu.memory_space<vmem>>[vector<16xi32>, vector<16xi32>], vector<16xf32>,
      %add3A_964 = arith.constant 2 : i32
      %add3A_965 = vector.broadcast %add3A_964 : i32 to vector<16xi32>
      %add3A_966 = arith.addi %broadcast_in_dim3A_956, %add3A_965 : vector<16xi32>
      %mul3A_967 = arith.constant 2 : i32
      %mul3A_968 = vector.broadcast %mul3A_967 : i32 to vector<16xi32>
      %mul3A_969 = arith.muli %get3A_948, %mul3A_968 : vector<16xi32>
      %add3A_970 = arith.constant 0 : i32
      %add3A_971 = vector.broadcast %add3A_970 : i32 to vector<16xi32>
      %add3A_972 = arith.addi %mul3A_969, %add3A_971 : vector<16xi32>
      %gather3A_973 = tpu.vector_load_idx %arg12[%add3A_972] : memref<20032xf32, #tpu.memory_space<vmem>>[vector<16xi32>], vector<16xf32>,
      tpu.vector_store_idx %arg11[%add3A_954, %add3A_966], %gather3A_973 : memref<512x4xf32, #tpu.memory_space<vmem>>[vector<16xi32>, vector<16xi32>], vector<16xf32>,
      %broadcast_in_dim3A_974 = arith.constant 1 : i32
      %broadcast_in_dim3A_975 = vector.broadcast %broadcast_in_dim3A_974 : i32 to vector<16xi32>
      %mul3A_976 = arith.constant 2 : i32
      %mul3A_977 = vector.broadcast %mul3A_976 : i32 to vector<16xi32>
      %mul3A_978 = arith.muli %get3A_948, %mul3A_977 : vector<16xi32>
      %add3A_979 = arith.constant 1 : i32
      %add3A_980 = vector.broadcast %add3A_979 : i32 to vector<16xi32>
      %add3A_981 = arith.addi %mul3A_978, %add3A_980 : vector<16xi32>
      %gather3A_982 = tpu.vector_load_idx %arg13[%add3A_981] : memref<20032xf32, #tpu.memory_space<vmem>>[vector<16xi32>], vector<16xf32>,
      tpu.vector_store_idx %arg11[%add3A_954, %broadcast_in_dim3A_975], %gather3A_982 : memref<512x4xf32, #tpu.memory_space<vmem>>[vector<16xi32>, vector<16xi32>], vector<16xf32>,
      %add3A_983 = arith.constant 2 : i32
      %add3A_984 = vector.broadcast %add3A_983 : i32 to vector<16xi32>
      %add3A_985 = arith.addi %broadcast_in_dim3A_975, %add3A_984 : vector<16xi32>
      %mul3A_986 = arith.constant 2 : i32
      %mul3A_987 = vector.broadcast %mul3A_986 : i32 to vector<16xi32>
      %mul3A_988 = arith.muli %get3A_948, %mul3A_987 : vector<16xi32>
      %add3A_989 = arith.constant 1 : i32
      %add3A_990 = vector.broadcast %add3A_989 : i32 to vector<16xi32>
      %add3A_991 = arith.addi %mul3A_988, %add3A_990 : vector<16xi32>
      %gather3A_992 = tpu.vector_load_idx %arg12[%add3A_991] : memref<20032xf32, #tpu.memory_space<vmem>>[vector<16xi32>], vector<16xf32>,
      tpu.vector_store_idx %arg11[%add3A_954, %add3A_985], %gather3A_992 : memref<512x4xf32, #tpu.memory_space<vmem>>[vector<16xi32>, vector<16xi32>], vector<16xf32>,
      %get3A_993 = arith.constant 288 : index
      %get3A_994 = tpu.vector_load %arg8[%get3A_993] {strides = array<i32>} : memref<512xi32, #tpu.memory_space<vmem>>, vector<16xi32>,
      %gather3A_995 = tpu.vector_load_idx %arg9[%get3A_994] : memref<10016xi32, #tpu.memory_space<vmem>>[vector<16xi32>], vector<16xi32>,
      %swap3A_996 = arith.constant 288 : index
      %swap3A_997 = tpu.vector_load %arg10[%swap3A_996] {strides = array<i32>} : memref<512xi32, #tpu.memory_space<vmem>>, vector<16xi32>,
      tpu.vector_store %arg10[%swap3A_996], %gather3A_995 {strides = array<i32>} : memref<512xi32, #tpu.memory_space<vmem>>, vector<16xi32>,
      %add3A_998 = arith.constant 288 : i32
      %add3A_999 = vector.broadcast %add3A_998 : i32 to vector<16xi32>
      %add3A_1000 = arith.addi %add3A_999, %iota3A : vector<16xi32>
      %broadcast_in_dim3A_1001 = arith.constant 0 : i32
      %broadcast_in_dim3A_1002 = vector.broadcast %broadcast_in_dim3A_1001 : i32 to vector<16xi32>
      %mul3A_1003 = arith.constant 2 : i32
      %mul3A_1004 = vector.broadcast %mul3A_1003 : i32 to vector<16xi32>
      %mul3A_1005 = arith.muli %get3A_994, %mul3A_1004 : vector<16xi32>
      %add3A_1006 = arith.constant 0 : i32
      %add3A_1007 = vector.broadcast %add3A_1006 : i32 to vector<16xi32>
      %add3A_1008 = arith.addi %mul3A_1005, %add3A_1007 : vector<16xi32>
      %gather3A_1009 = tpu.vector_load_idx %arg13[%add3A_1008] : memref<20032xf32, #tpu.memory_space<vmem>>[vector<16xi32>], vector<16xf32>,
      tpu.vector_store_idx %arg11[%add3A_1000, %broadcast_in_dim3A_1002], %gather3A_1009 : memref<512x4xf32, #tpu.memory_space<vmem>>[vector<16xi32>, vector<16xi32>], vector<16xf32>,
      %add3A_1010 = arith.constant 2 : i32
      %add3A_1011 = vector.broadcast %add3A_1010 : i32 to vector<16xi32>
      %add3A_1012 = arith.addi %broadcast_in_dim3A_1002, %add3A_1011 : vector<16xi32>
      %mul3A_1013 = arith.constant 2 : i32
      %mul3A_1014 = vector.broadcast %mul3A_1013 : i32 to vector<16xi32>
      %mul3A_1015 = arith.muli %get3A_994, %mul3A_1014 : vector<16xi32>
      %add3A_1016 = arith.constant 0 : i32
      %add3A_1017 = vector.broadcast %add3A_1016 : i32 to vector<16xi32>
      %add3A_1018 = arith.addi %mul3A_1015, %add3A_1017 : vector<16xi32>
      %gather3A_1019 = tpu.vector_load_idx %arg12[%add3A_1018] : memref<20032xf32, #tpu.memory_space<vmem>>[vector<16xi32>], vector<16xf32>,
      tpu.vector_store_idx %arg11[%add3A_1000, %add3A_1012], %gather3A_1019 : memref<512x4xf32, #tpu.memory_space<vmem>>[vector<16xi32>, vector<16xi32>], vector<16xf32>,
      %broadcast_in_dim3A_1020 = arith.constant 1 : i32
      %broadcast_in_dim3A_1021 = vector.broadcast %broadcast_in_dim3A_1020 : i32 to vector<16xi32>
      %mul3A_1022 = arith.constant 2 : i32
      %mul3A_1023 = vector.broadcast %mul3A_1022 : i32 to vector<16xi32>
      %mul3A_1024 = arith.muli %get3A_994, %mul3A_1023 : vector<16xi32>
      %add3A_1025 = arith.constant 1 : i32
      %add3A_1026 = vector.broadcast %add3A_1025 : i32 to vector<16xi32>
      %add3A_1027 = arith.addi %mul3A_1024, %add3A_1026 : vector<16xi32>
      %gather3A_1028 = tpu.vector_load_idx %arg13[%add3A_1027] : memref<20032xf32, #tpu.memory_space<vmem>>[vector<16xi32>], vector<16xf32>,
      tpu.vector_store_idx %arg11[%add3A_1000, %broadcast_in_dim3A_1021], %gather3A_1028 : memref<512x4xf32, #tpu.memory_space<vmem>>[vector<16xi32>, vector<16xi32>], vector<16xf32>,
      %add3A_1029 = arith.constant 2 : i32
      %add3A_1030 = vector.broadcast %add3A_1029 : i32 to vector<16xi32>
      %add3A_1031 = arith.addi %broadcast_in_dim3A_1021, %add3A_1030 : vector<16xi32>
      %mul3A_1032 = arith.constant 2 : i32
      %mul3A_1033 = vector.broadcast %mul3A_1032 : i32 to vector<16xi32>
      %mul3A_1034 = arith.muli %get3A_994, %mul3A_1033 : vector<16xi32>
      %add3A_1035 = arith.constant 1 : i32
      %add3A_1036 = vector.broadcast %add3A_1035 : i32 to vector<16xi32>
      %add3A_1037 = arith.addi %mul3A_1034, %add3A_1036 : vector<16xi32>
      %gather3A_1038 = tpu.vector_load_idx %arg12[%add3A_1037] : memref<20032xf32, #tpu.memory_space<vmem>>[vector<16xi32>], vector<16xf32>,
      tpu.vector_store_idx %arg11[%add3A_1000, %add3A_1031], %gather3A_1038 : memref<512x4xf32, #tpu.memory_space<vmem>>[vector<16xi32>, vector<16xi32>], vector<16xf32>,
      %get3A_1039 = arith.constant 304 : index
      %get3A_1040 = tpu.vector_load %arg8[%get3A_1039] {strides = array<i32>} : memref<512xi32, #tpu.memory_space<vmem>>, vector<16xi32>,
      %gather3A_1041 = tpu.vector_load_idx %arg9[%get3A_1040] : memref<10016xi32, #tpu.memory_space<vmem>>[vector<16xi32>], vector<16xi32>,
      %swap3A_1042 = arith.constant 304 : index
      %swap3A_1043 = tpu.vector_load %arg10[%swap3A_1042] {strides = array<i32>} : memref<512xi32, #tpu.memory_space<vmem>>, vector<16xi32>,
      tpu.vector_store %arg10[%swap3A_1042], %gather3A_1041 {strides = array<i32>} : memref<512xi32, #tpu.memory_space<vmem>>, vector<16xi32>,
      %add3A_1044 = arith.constant 304 : i32
      %add3A_1045 = vector.broadcast %add3A_1044 : i32 to vector<16xi32>
      %add3A_1046 = arith.addi %add3A_1045, %iota3A : vector<16xi32>
      %broadcast_in_dim3A_1047 = arith.constant 0 : i32
      %broadcast_in_dim3A_1048 = vector.broadcast %broadcast_in_dim3A_1047 : i32 to vector<16xi32>
      %mul3A_1049 = arith.constant 2 : i32
      %mul3A_1050 = vector.broadcast %mul3A_1049 : i32 to vector<16xi32>
      %mul3A_1051 = arith.muli %get3A_1040, %mul3A_1050 : vector<16xi32>
      %add3A_1052 = arith.constant 0 : i32
      %add3A_1053 = vector.broadcast %add3A_1052 : i32 to vector<16xi32>
      %add3A_1054 = arith.addi %mul3A_1051, %add3A_1053 : vector<16xi32>
      %gather3A_1055 = tpu.vector_load_idx %arg13[%add3A_1054] : memref<20032xf32, #tpu.memory_space<vmem>>[vector<16xi32>], vector<16xf32>,
      tpu.vector_store_idx %arg11[%add3A_1046, %broadcast_in_dim3A_1048], %gather3A_1055 : memref<512x4xf32, #tpu.memory_space<vmem>>[vector<16xi32>, vector<16xi32>], vector<16xf32>,
      %add3A_1056 = arith.constant 2 : i32
      %add3A_1057 = vector.broadcast %add3A_1056 : i32 to vector<16xi32>
      %add3A_1058 = arith.addi %broadcast_in_dim3A_1048, %add3A_1057 : vector<16xi32>
      %mul3A_1059 = arith.constant 2 : i32
      %mul3A_1060 = vector.broadcast %mul3A_1059 : i32 to vector<16xi32>
      %mul3A_1061 = arith.muli %get3A_1040, %mul3A_1060 : vector<16xi32>
      %add3A_1062 = arith.constant 0 : i32
      %add3A_1063 = vector.broadcast %add3A_1062 : i32 to vector<16xi32>
      %add3A_1064 = arith.addi %mul3A_1061, %add3A_1063 : vector<16xi32>
      %gather3A_1065 = tpu.vector_load_idx %arg12[%add3A_1064] : memref<20032xf32, #tpu.memory_space<vmem>>[vector<16xi32>], vector<16xf32>,
      tpu.vector_store_idx %arg11[%add3A_1046, %add3A_1058], %gather3A_1065 : memref<512x4xf32, #tpu.memory_space<vmem>>[vector<16xi32>, vector<16xi32>], vector<16xf32>,
      %broadcast_in_dim3A_1066 = arith.constant 1 : i32
      %broadcast_in_dim3A_1067 = vector.broadcast %broadcast_in_dim3A_1066 : i32 to vector<16xi32>
      %mul3A_1068 = arith.constant 2 : i32
      %mul3A_1069 = vector.broadcast %mul3A_1068 : i32 to vector<16xi32>
      %mul3A_1070 = arith.muli %get3A_1040, %mul3A_1069 : vector<16xi32>
      %add3A_1071 = arith.constant 1 : i32
      %add3A_1072 = vector.broadcast %add3A_1071 : i32 to vector<16xi32>
      %add3A_1073 = arith.addi %mul3A_1070, %add3A_1072 : vector<16xi32>
      %gather3A_1074 = tpu.vector_load_idx %arg13[%add3A_1073] : memref<20032xf32, #tpu.memory_space<vmem>>[vector<16xi32>], vector<16xf32>,
      tpu.vector_store_idx %arg11[%add3A_1046, %broadcast_in_dim3A_1067], %gather3A_1074 : memref<512x4xf32, #tpu.memory_space<vmem>>[vector<16xi32>, vector<16xi32>], vector<16xf32>,
      %add3A_1075 = arith.constant 2 : i32
      %add3A_1076 = vector.broadcast %add3A_1075 : i32 to vector<16xi32>
      %add3A_1077 = arith.addi %broadcast_in_dim3A_1067, %add3A_1076 : vector<16xi32>
      %mul3A_1078 = arith.constant 2 : i32
      %mul3A_1079 = vector.broadcast %mul3A_1078 : i32 to vector<16xi32>
      %mul3A_1080 = arith.muli %get3A_1040, %mul3A_1079 : vector<16xi32>
      %add3A_1081 = arith.constant 1 : i32
      %add3A_1082 = vector.broadcast %add3A_1081 : i32 to vector<16xi32>
      %add3A_1083 = arith.addi %mul3A_1080, %add3A_1082 : vector<16xi32>
      %gather3A_1084 = tpu.vector_load_idx %arg12[%add3A_1083] : memref<20032xf32, #tpu.memory_space<vmem>>[vector<16xi32>], vector<16xf32>,
      tpu.vector_store_idx %arg11[%add3A_1046, %add3A_1077], %gather3A_1084 : memref<512x4xf32, #tpu.memory_space<vmem>>[vector<16xi32>, vector<16xi32>], vector<16xf32>,
      %get3A_1085 = arith.constant 320 : index
      %get3A_1086 = tpu.vector_load %arg8[%get3A_1085] {strides = array<i32>} : memref<512xi32, #tpu.memory_space<vmem>>, vector<16xi32>,
      %gather3A_1087 = tpu.vector_load_idx %arg9[%get3A_1086] : memref<10016xi32, #tpu.memory_space<vmem>>[vector<16xi32>], vector<16xi32>,
      %swap3A_1088 = arith.constant 320 : index
      %swap3A_1089 = tpu.vector_load %arg10[%swap3A_1088] {strides = array<i32>} : memref<512xi32, #tpu.memory_space<vmem>>, vector<16xi32>,
      tpu.vector_store %arg10[%swap3A_1088], %gather3A_1087 {strides = array<i32>} : memref<512xi32, #tpu.memory_space<vmem>>, vector<16xi32>,
      %add3A_1090 = arith.constant 320 : i32
      %add3A_1091 = vector.broadcast %add3A_1090 : i32 to vector<16xi32>
      %add3A_1092 = arith.addi %add3A_1091, %iota3A : vector<16xi32>
      %broadcast_in_dim3A_1093 = arith.constant 0 : i32
      %broadcast_in_dim3A_1094 = vector.broadcast %broadcast_in_dim3A_1093 : i32 to vector<16xi32>
      %mul3A_1095 = arith.constant 2 : i32
      %mul3A_1096 = vector.broadcast %mul3A_1095 : i32 to vector<16xi32>
      %mul3A_1097 = arith.muli %get3A_1086, %mul3A_1096 : vector<16xi32>
      %add3A_1098 = arith.constant 0 : i32
      %add3A_1099 = vector.broadcast %add3A_1098 : i32 to vector<16xi32>
      %add3A_1100 = arith.addi %mul3A_1097, %add3A_1099 : vector<16xi32>
      %gather3A_1101 = tpu.vector_load_idx %arg13[%add3A_1100] : memref<20032xf32, #tpu.memory_space<vmem>>[vector<16xi32>], vector<16xf32>,
      tpu.vector_store_idx %arg11[%add3A_1092, %broadcast_in_dim3A_1094], %gather3A_1101 : memref<512x4xf32, #tpu.memory_space<vmem>>[vector<16xi32>, vector<16xi32>], vector<16xf32>,
      %add3A_1102 = arith.constant 2 : i32
      %add3A_1103 = vector.broadcast %add3A_1102 : i32 to vector<16xi32>
      %add3A_1104 = arith.addi %broadcast_in_dim3A_1094, %add3A_1103 : vector<16xi32>
      %mul3A_1105 = arith.constant 2 : i32
      %mul3A_1106 = vector.broadcast %mul3A_1105 : i32 to vector<16xi32>
      %mul3A_1107 = arith.muli %get3A_1086, %mul3A_1106 : vector<16xi32>
      %add3A_1108 = arith.constant 0 : i32
      %add3A_1109 = vector.broadcast %add3A_1108 : i32 to vector<16xi32>
      %add3A_1110 = arith.addi %mul3A_1107, %add3A_1109 : vector<16xi32>
      %gather3A_1111 = tpu.vector_load_idx %arg12[%add3A_1110] : memref<20032xf32, #tpu.memory_space<vmem>>[vector<16xi32>], vector<16xf32>,
      tpu.vector_store_idx %arg11[%add3A_1092, %add3A_1104], %gather3A_1111 : memref<512x4xf32, #tpu.memory_space<vmem>>[vector<16xi32>, vector<16xi32>], vector<16xf32>,
      %broadcast_in_dim3A_1112 = arith.constant 1 : i32
      %broadcast_in_dim3A_1113 = vector.broadcast %broadcast_in_dim3A_1112 : i32 to vector<16xi32>
      %mul3A_1114 = arith.constant 2 : i32
      %mul3A_1115 = vector.broadcast %mul3A_1114 : i32 to vector<16xi32>
      %mul3A_1116 = arith.muli %get3A_1086, %mul3A_1115 : vector<16xi32>
      %add3A_1117 = arith.constant 1 : i32
      %add3A_1118 = vector.broadcast %add3A_1117 : i32 to vector<16xi32>
      %add3A_1119 = arith.addi %mul3A_1116, %add3A_1118 : vector<16xi32>
      %gather3A_1120 = tpu.vector_load_idx %arg13[%add3A_1119] : memref<20032xf32, #tpu.memory_space<vmem>>[vector<16xi32>], vector<16xf32>,
      tpu.vector_store_idx %arg11[%add3A_1092, %broadcast_in_dim3A_1113], %gather3A_1120 : memref<512x4xf32, #tpu.memory_space<vmem>>[vector<16xi32>, vector<16xi32>], vector<16xf32>,
      %add3A_1121 = arith.constant 2 : i32
      %add3A_1122 = vector.broadcast %add3A_1121 : i32 to vector<16xi32>
      %add3A_1123 = arith.addi %broadcast_in_dim3A_1113, %add3A_1122 : vector<16xi32>
      %mul3A_1124 = arith.constant 2 : i32
      %mul3A_1125 = vector.broadcast %mul3A_1124 : i32 to vector<16xi32>
      %mul3A_1126 = arith.muli %get3A_1086, %mul3A_1125 : vector<16xi32>
      %add3A_1127 = arith.constant 1 : i32
      %add3A_1128 = vector.broadcast %add3A_1127 : i32 to vector<16xi32>
      %add3A_1129 = arith.addi %mul3A_1126, %add3A_1128 : vector<16xi32>
      %gather3A_1130 = tpu.vector_load_idx %arg12[%add3A_1129] : memref<20032xf32, #tpu.memory_space<vmem>>[vector<16xi32>], vector<16xf32>,
      tpu.vector_store_idx %arg11[%add3A_1092, %add3A_1123], %gather3A_1130 : memref<512x4xf32, #tpu.memory_space<vmem>>[vector<16xi32>, vector<16xi32>], vector<16xf32>,
      %get3A_1131 = arith.constant 336 : index
      %get3A_1132 = tpu.vector_load %arg8[%get3A_1131] {strides = array<i32>} : memref<512xi32, #tpu.memory_space<vmem>>, vector<16xi32>,
      %gather3A_1133 = tpu.vector_load_idx %arg9[%get3A_1132] : memref<10016xi32, #tpu.memory_space<vmem>>[vector<16xi32>], vector<16xi32>,
      %swap3A_1134 = arith.constant 336 : index
      %swap3A_1135 = tpu.vector_load %arg10[%swap3A_1134] {strides = array<i32>} : memref<512xi32, #tpu.memory_space<vmem>>, vector<16xi32>,
      tpu.vector_store %arg10[%swap3A_1134], %gather3A_1133 {strides = array<i32>} : memref<512xi32, #tpu.memory_space<vmem>>, vector<16xi32>,
      %add3A_1136 = arith.constant 336 : i32
      %add3A_1137 = vector.broadcast %add3A_1136 : i32 to vector<16xi32>
      %add3A_1138 = arith.addi %add3A_1137, %iota3A : vector<16xi32>
      %broadcast_in_dim3A_1139 = arith.constant 0 : i32
      %broadcast_in_dim3A_1140 = vector.broadcast %broadcast_in_dim3A_1139 : i32 to vector<16xi32>
      %mul3A_1141 = arith.constant 2 : i32
      %mul3A_1142 = vector.broadcast %mul3A_1141 : i32 to vector<16xi32>
      %mul3A_1143 = arith.muli %get3A_1132, %mul3A_1142 : vector<16xi32>
      %add3A_1144 = arith.constant 0 : i32
      %add3A_1145 = vector.broadcast %add3A_1144 : i32 to vector<16xi32>
      %add3A_1146 = arith.addi %mul3A_1143, %add3A_1145 : vector<16xi32>
      %gather3A_1147 = tpu.vector_load_idx %arg13[%add3A_1146] : memref<20032xf32, #tpu.memory_space<vmem>>[vector<16xi32>], vector<16xf32>,
      tpu.vector_store_idx %arg11[%add3A_1138, %broadcast_in_dim3A_1140], %gather3A_1147 : memref<512x4xf32, #tpu.memory_space<vmem>>[vector<16xi32>, vector<16xi32>], vector<16xf32>,
      %add3A_1148 = arith.constant 2 : i32
      %add3A_1149 = vector.broadcast %add3A_1148 : i32 to vector<16xi32>
      %add3A_1150 = arith.addi %broadcast_in_dim3A_1140, %add3A_1149 : vector<16xi32>
      %mul3A_1151 = arith.constant 2 : i32
      %mul3A_1152 = vector.broadcast %mul3A_1151 : i32 to vector<16xi32>
      %mul3A_1153 = arith.muli %get3A_1132, %mul3A_1152 : vector<16xi32>
      %add3A_1154 = arith.constant 0 : i32
      %add3A_1155 = vector.broadcast %add3A_1154 : i32 to vector<16xi32>
      %add3A_1156 = arith.addi %mul3A_1153, %add3A_1155 : vector<16xi32>
      %gather3A_1157 = tpu.vector_load_idx %arg12[%add3A_1156] : memref<20032xf32, #tpu.memory_space<vmem>>[vector<16xi32>], vector<16xf32>,
      tpu.vector_store_idx %arg11[%add3A_1138, %add3A_1150], %gather3A_1157 : memref<512x4xf32, #tpu.memory_space<vmem>>[vector<16xi32>, vector<16xi32>], vector<16xf32>,
      %broadcast_in_dim3A_1158 = arith.constant 1 : i32
      %broadcast_in_dim3A_1159 = vector.broadcast %broadcast_in_dim3A_1158 : i32 to vector<16xi32>
      %mul3A_1160 = arith.constant 2 : i32
      %mul3A_1161 = vector.broadcast %mul3A_1160 : i32 to vector<16xi32>
      %mul3A_1162 = arith.muli %get3A_1132, %mul3A_1161 : vector<16xi32>
      %add3A_1163 = arith.constant 1 : i32
      %add3A_1164 = vector.broadcast %add3A_1163 : i32 to vector<16xi32>
      %add3A_1165 = arith.addi %mul3A_1162, %add3A_1164 : vector<16xi32>
      %gather3A_1166 = tpu.vector_load_idx %arg13[%add3A_1165] : memref<20032xf32, #tpu.memory_space<vmem>>[vector<16xi32>], vector<16xf32>,
      tpu.vector_store_idx %arg11[%add3A_1138, %broadcast_in_dim3A_1159], %gather3A_1166 : memref<512x4xf32, #tpu.memory_space<vmem>>[vector<16xi32>, vector<16xi32>], vector<16xf32>,
      %add3A_1167 = arith.constant 2 : i32
      %add3A_1168 = vector.broadcast %add3A_1167 : i32 to vector<16xi32>
      %add3A_1169 = arith.addi %broadcast_in_dim3A_1159, %add3A_1168 : vector<16xi32>
      %mul3A_1170 = arith.constant 2 : i32
      %mul3A_1171 = vector.broadcast %mul3A_1170 : i32 to vector<16xi32>
      %mul3A_1172 = arith.muli %get3A_1132, %mul3A_1171 : vector<16xi32>
      %add3A_1173 = arith.constant 1 : i32
      %add3A_1174 = vector.broadcast %add3A_1173 : i32 to vector<16xi32>
      %add3A_1175 = arith.addi %mul3A_1172, %add3A_1174 : vector<16xi32>
      %gather3A_1176 = tpu.vector_load_idx %arg12[%add3A_1175] : memref<20032xf32, #tpu.memory_space<vmem>>[vector<16xi32>], vector<16xf32>,
      tpu.vector_store_idx %arg11[%add3A_1138, %add3A_1169], %gather3A_1176 : memref<512x4xf32, #tpu.memory_space<vmem>>[vector<16xi32>, vector<16xi32>], vector<16xf32>,
      %get3A_1177 = arith.constant 352 : index
      %get3A_1178 = tpu.vector_load %arg8[%get3A_1177] {strides = array<i32>} : memref<512xi32, #tpu.memory_space<vmem>>, vector<16xi32>,
      %gather3A_1179 = tpu.vector_load_idx %arg9[%get3A_1178] : memref<10016xi32, #tpu.memory_space<vmem>>[vector<16xi32>], vector<16xi32>,
      %swap3A_1180 = arith.constant 352 : index
      %swap3A_1181 = tpu.vector_load %arg10[%swap3A_1180] {strides = array<i32>} : memref<512xi32, #tpu.memory_space<vmem>>, vector<16xi32>,
      tpu.vector_store %arg10[%swap3A_1180], %gather3A_1179 {strides = array<i32>} : memref<512xi32, #tpu.memory_space<vmem>>, vector<16xi32>,
      %add3A_1182 = arith.constant 352 : i32
      %add3A_1183 = vector.broadcast %add3A_1182 : i32 to vector<16xi32>
      %add3A_1184 = arith.addi %add3A_1183, %iota3A : vector<16xi32>
      %broadcast_in_dim3A_1185 = arith.constant 0 : i32
      %broadcast_in_dim3A_1186 = vector.broadcast %broadcast_in_dim3A_1185 : i32 to vector<16xi32>
      %mul3A_1187 = arith.constant 2 : i32
      %mul3A_1188 = vector.broadcast %mul3A_1187 : i32 to vector<16xi32>
      %mul3A_1189 = arith.muli %get3A_1178, %mul3A_1188 : vector<16xi32>
      %add3A_1190 = arith.constant 0 : i32
      %add3A_1191 = vector.broadcast %add3A_1190 : i32 to vector<16xi32>
      %add3A_1192 = arith.addi %mul3A_1189, %add3A_1191 : vector<16xi32>
      %gather3A_1193 = tpu.vector_load_idx %arg13[%add3A_1192] : memref<20032xf32, #tpu.memory_space<vmem>>[vector<16xi32>], vector<16xf32>,
      tpu.vector_store_idx %arg11[%add3A_1184, %broadcast_in_dim3A_1186], %gather3A_1193 : memref<512x4xf32, #tpu.memory_space<vmem>>[vector<16xi32>, vector<16xi32>], vector<16xf32>,
      %add3A_1194 = arith.constant 2 : i32
      %add3A_1195 = vector.broadcast %add3A_1194 : i32 to vector<16xi32>
      %add3A_1196 = arith.addi %broadcast_in_dim3A_1186, %add3A_1195 : vector<16xi32>
      %mul3A_1197 = arith.constant 2 : i32
      %mul3A_1198 = vector.broadcast %mul3A_1197 : i32 to vector<16xi32>
      %mul3A_1199 = arith.muli %get3A_1178, %mul3A_1198 : vector<16xi32>
      %add3A_1200 = arith.constant 0 : i32
      %add3A_1201 = vector.broadcast %add3A_1200 : i32 to vector<16xi32>
      %add3A_1202 = arith.addi %mul3A_1199, %add3A_1201 : vector<16xi32>
      %gather3A_1203 = tpu.vector_load_idx %arg12[%add3A_1202] : memref<20032xf32, #tpu.memory_space<vmem>>[vector<16xi32>], vector<16xf32>,
      tpu.vector_store_idx %arg11[%add3A_1184, %add3A_1196], %gather3A_1203 : memref<512x4xf32, #tpu.memory_space<vmem>>[vector<16xi32>, vector<16xi32>], vector<16xf32>,
      %broadcast_in_dim3A_1204 = arith.constant 1 : i32
      %broadcast_in_dim3A_1205 = vector.broadcast %broadcast_in_dim3A_1204 : i32 to vector<16xi32>
      %mul3A_1206 = arith.constant 2 : i32
      %mul3A_1207 = vector.broadcast %mul3A_1206 : i32 to vector<16xi32>
      %mul3A_1208 = arith.muli %get3A_1178, %mul3A_1207 : vector<16xi32>
      %add3A_1209 = arith.constant 1 : i32
      %add3A_1210 = vector.broadcast %add3A_1209 : i32 to vector<16xi32>
      %add3A_1211 = arith.addi %mul3A_1208, %add3A_1210 : vector<16xi32>
      %gather3A_1212 = tpu.vector_load_idx %arg13[%add3A_1211] : memref<20032xf32, #tpu.memory_space<vmem>>[vector<16xi32>], vector<16xf32>,
      tpu.vector_store_idx %arg11[%add3A_1184, %broadcast_in_dim3A_1205], %gather3A_1212 : memref<512x4xf32, #tpu.memory_space<vmem>>[vector<16xi32>, vector<16xi32>], vector<16xf32>,
      %add3A_1213 = arith.constant 2 : i32
      %add3A_1214 = vector.broadcast %add3A_1213 : i32 to vector<16xi32>
      %add3A_1215 = arith.addi %broadcast_in_dim3A_1205, %add3A_1214 : vector<16xi32>
      %mul3A_1216 = arith.constant 2 : i32
      %mul3A_1217 = vector.broadcast %mul3A_1216 : i32 to vector<16xi32>
      %mul3A_1218 = arith.muli %get3A_1178, %mul3A_1217 : vector<16xi32>
      %add3A_1219 = arith.constant 1 : i32
      %add3A_1220 = vector.broadcast %add3A_1219 : i32 to vector<16xi32>
      %add3A_1221 = arith.addi %mul3A_1218, %add3A_1220 : vector<16xi32>
      %gather3A_1222 = tpu.vector_load_idx %arg12[%add3A_1221] : memref<20032xf32, #tpu.memory_space<vmem>>[vector<16xi32>], vector<16xf32>,
      tpu.vector_store_idx %arg11[%add3A_1184, %add3A_1215], %gather3A_1222 : memref<512x4xf32, #tpu.memory_space<vmem>>[vector<16xi32>, vector<16xi32>], vector<16xf32>,
      %get3A_1223 = arith.constant 368 : index
      %get3A_1224 = tpu.vector_load %arg8[%get3A_1223] {strides = array<i32>} : memref<512xi32, #tpu.memory_space<vmem>>, vector<16xi32>,
      %gather3A_1225 = tpu.vector_load_idx %arg9[%get3A_1224] : memref<10016xi32, #tpu.memory_space<vmem>>[vector<16xi32>], vector<16xi32>,
      %swap3A_1226 = arith.constant 368 : index
      %swap3A_1227 = tpu.vector_load %arg10[%swap3A_1226] {strides = array<i32>} : memref<512xi32, #tpu.memory_space<vmem>>, vector<16xi32>,
      tpu.vector_store %arg10[%swap3A_1226], %gather3A_1225 {strides = array<i32>} : memref<512xi32, #tpu.memory_space<vmem>>, vector<16xi32>,
      %add3A_1228 = arith.constant 368 : i32
      %add3A_1229 = vector.broadcast %add3A_1228 : i32 to vector<16xi32>
      %add3A_1230 = arith.addi %add3A_1229, %iota3A : vector<16xi32>
      %broadcast_in_dim3A_1231 = arith.constant 0 : i32
      %broadcast_in_dim3A_1232 = vector.broadcast %broadcast_in_dim3A_1231 : i32 to vector<16xi32>
      %mul3A_1233 = arith.constant 2 : i32
      %mul3A_1234 = vector.broadcast %mul3A_1233 : i32 to vector<16xi32>
      %mul3A_1235 = arith.muli %get3A_1224, %mul3A_1234 : vector<16xi32>
      %add3A_1236 = arith.constant 0 : i32
      %add3A_1237 = vector.broadcast %add3A_1236 : i32 to vector<16xi32>
      %add3A_1238 = arith.addi %mul3A_1235, %add3A_1237 : vector<16xi32>
      %gather3A_1239 = tpu.vector_load_idx %arg13[%add3A_1238] : memref<20032xf32, #tpu.memory_space<vmem>>[vector<16xi32>], vector<16xf32>,
      tpu.vector_store_idx %arg11[%add3A_1230, %broadcast_in_dim3A_1232], %gather3A_1239 : memref<512x4xf32, #tpu.memory_space<vmem>>[vector<16xi32>, vector<16xi32>], vector<16xf32>,
      %add3A_1240 = arith.constant 2 : i32
      %add3A_1241 = vector.broadcast %add3A_1240 : i32 to vector<16xi32>
      %add3A_1242 = arith.addi %broadcast_in_dim3A_1232, %add3A_1241 : vector<16xi32>
      %mul3A_1243 = arith.constant 2 : i32
      %mul3A_1244 = vector.broadcast %mul3A_1243 : i32 to vector<16xi32>
      %mul3A_1245 = arith.muli %get3A_1224, %mul3A_1244 : vector<16xi32>
      %add3A_1246 = arith.constant 0 : i32
      %add3A_1247 = vector.broadcast %add3A_1246 : i32 to vector<16xi32>
      %add3A_1248 = arith.addi %mul3A_1245, %add3A_1247 : vector<16xi32>
      %gather3A_1249 = tpu.vector_load_idx %arg12[%add3A_1248] : memref<20032xf32, #tpu.memory_space<vmem>>[vector<16xi32>], vector<16xf32>,
      tpu.vector_store_idx %arg11[%add3A_1230, %add3A_1242], %gather3A_1249 : memref<512x4xf32, #tpu.memory_space<vmem>>[vector<16xi32>, vector<16xi32>], vector<16xf32>,
      %broadcast_in_dim3A_1250 = arith.constant 1 : i32
      %broadcast_in_dim3A_1251 = vector.broadcast %broadcast_in_dim3A_1250 : i32 to vector<16xi32>
      %mul3A_1252 = arith.constant 2 : i32
      %mul3A_1253 = vector.broadcast %mul3A_1252 : i32 to vector<16xi32>
      %mul3A_1254 = arith.muli %get3A_1224, %mul3A_1253 : vector<16xi32>
      %add3A_1255 = arith.constant 1 : i32
      %add3A_1256 = vector.broadcast %add3A_1255 : i32 to vector<16xi32>
      %add3A_1257 = arith.addi %mul3A_1254, %add3A_1256 : vector<16xi32>
      %gather3A_1258 = tpu.vector_load_idx %arg13[%add3A_1257] : memref<20032xf32, #tpu.memory_space<vmem>>[vector<16xi32>], vector<16xf32>,
      tpu.vector_store_idx %arg11[%add3A_1230, %broadcast_in_dim3A_1251], %gather3A_1258 : memref<512x4xf32, #tpu.memory_space<vmem>>[vector<16xi32>, vector<16xi32>], vector<16xf32>,
      %add3A_1259 = arith.constant 2 : i32
      %add3A_1260 = vector.broadcast %add3A_1259 : i32 to vector<16xi32>
      %add3A_1261 = arith.addi %broadcast_in_dim3A_1251, %add3A_1260 : vector<16xi32>
      %mul3A_1262 = arith.constant 2 : i32
      %mul3A_1263 = vector.broadcast %mul3A_1262 : i32 to vector<16xi32>
      %mul3A_1264 = arith.muli %get3A_1224, %mul3A_1263 : vector<16xi32>
      %add3A_1265 = arith.constant 1 : i32
      %add3A_1266 = vector.broadcast %add3A_1265 : i32 to vector<16xi32>
      %add3A_1267 = arith.addi %mul3A_1264, %add3A_1266 : vector<16xi32>
      %gather3A_1268 = tpu.vector_load_idx %arg12[%add3A_1267] : memref<20032xf32, #tpu.memory_space<vmem>>[vector<16xi32>], vector<16xf32>,
      tpu.vector_store_idx %arg11[%add3A_1230, %add3A_1261], %gather3A_1268 : memref<512x4xf32, #tpu.memory_space<vmem>>[vector<16xi32>, vector<16xi32>], vector<16xf32>,
      %get3A_1269 = arith.constant 384 : index
      %get3A_1270 = tpu.vector_load %arg8[%get3A_1269] {strides = array<i32>} : memref<512xi32, #tpu.memory_space<vmem>>, vector<16xi32>,
      %gather3A_1271 = tpu.vector_load_idx %arg9[%get3A_1270] : memref<10016xi32, #tpu.memory_space<vmem>>[vector<16xi32>], vector<16xi32>,
      %swap3A_1272 = arith.constant 384 : index
      %swap3A_1273 = tpu.vector_load %arg10[%swap3A_1272] {strides = array<i32>} : memref<512xi32, #tpu.memory_space<vmem>>, vector<16xi32>,
      tpu.vector_store %arg10[%swap3A_1272], %gather3A_1271 {strides = array<i32>} : memref<512xi32, #tpu.memory_space<vmem>>, vector<16xi32>,
      %add3A_1274 = arith.constant 384 : i32
      %add3A_1275 = vector.broadcast %add3A_1274 : i32 to vector<16xi32>
      %add3A_1276 = arith.addi %add3A_1275, %iota3A : vector<16xi32>
      %broadcast_in_dim3A_1277 = arith.constant 0 : i32
      %broadcast_in_dim3A_1278 = vector.broadcast %broadcast_in_dim3A_1277 : i32 to vector<16xi32>
      %mul3A_1279 = arith.constant 2 : i32
      %mul3A_1280 = vector.broadcast %mul3A_1279 : i32 to vector<16xi32>
      %mul3A_1281 = arith.muli %get3A_1270, %mul3A_1280 : vector<16xi32>
      %add3A_1282 = arith.constant 0 : i32
      %add3A_1283 = vector.broadcast %add3A_1282 : i32 to vector<16xi32>
      %add3A_1284 = arith.addi %mul3A_1281, %add3A_1283 : vector<16xi32>
      %gather3A_1285 = tpu.vector_load_idx %arg13[%add3A_1284] : memref<20032xf32, #tpu.memory_space<vmem>>[vector<16xi32>], vector<16xf32>,
      tpu.vector_store_idx %arg11[%add3A_1276, %broadcast_in_dim3A_1278], %gather3A_1285 : memref<512x4xf32, #tpu.memory_space<vmem>>[vector<16xi32>, vector<16xi32>], vector<16xf32>,
      %add3A_1286 = arith.constant 2 : i32
      %add3A_1287 = vector.broadcast %add3A_1286 : i32 to vector<16xi32>
      %add3A_1288 = arith.addi %broadcast_in_dim3A_1278, %add3A_1287 : vector<16xi32>
      %mul3A_1289 = arith.constant 2 : i32
      %mul3A_1290 = vector.broadcast %mul3A_1289 : i32 to vector<16xi32>
      %mul3A_1291 = arith.muli %get3A_1270, %mul3A_1290 : vector<16xi32>
      %add3A_1292 = arith.constant 0 : i32
      %add3A_1293 = vector.broadcast %add3A_1292 : i32 to vector<16xi32>
      %add3A_1294 = arith.addi %mul3A_1291, %add3A_1293 : vector<16xi32>
      %gather3A_1295 = tpu.vector_load_idx %arg12[%add3A_1294] : memref<20032xf32, #tpu.memory_space<vmem>>[vector<16xi32>], vector<16xf32>,
      tpu.vector_store_idx %arg11[%add3A_1276, %add3A_1288], %gather3A_1295 : memref<512x4xf32, #tpu.memory_space<vmem>>[vector<16xi32>, vector<16xi32>], vector<16xf32>,
      %broadcast_in_dim3A_1296 = arith.constant 1 : i32
      %broadcast_in_dim3A_1297 = vector.broadcast %broadcast_in_dim3A_1296 : i32 to vector<16xi32>
      %mul3A_1298 = arith.constant 2 : i32
      %mul3A_1299 = vector.broadcast %mul3A_1298 : i32 to vector<16xi32>
      %mul3A_1300 = arith.muli %get3A_1270, %mul3A_1299 : vector<16xi32>
      %add3A_1301 = arith.constant 1 : i32
      %add3A_1302 = vector.broadcast %add3A_1301 : i32 to vector<16xi32>
      %add3A_1303 = arith.addi %mul3A_1300, %add3A_1302 : vector<16xi32>
      %gather3A_1304 = tpu.vector_load_idx %arg13[%add3A_1303] : memref<20032xf32, #tpu.memory_space<vmem>>[vector<16xi32>], vector<16xf32>,
      tpu.vector_store_idx %arg11[%add3A_1276, %broadcast_in_dim3A_1297], %gather3A_1304 : memref<512x4xf32, #tpu.memory_space<vmem>>[vector<16xi32>, vector<16xi32>], vector<16xf32>,
      %add3A_1305 = arith.constant 2 : i32
      %add3A_1306 = vector.broadcast %add3A_1305 : i32 to vector<16xi32>
      %add3A_1307 = arith.addi %broadcast_in_dim3A_1297, %add3A_1306 : vector<16xi32>
      %mul3A_1308 = arith.constant 2 : i32
      %mul3A_1309 = vector.broadcast %mul3A_1308 : i32 to vector<16xi32>
      %mul3A_1310 = arith.muli %get3A_1270, %mul3A_1309 : vector<16xi32>
      %add3A_1311 = arith.constant 1 : i32
      %add3A_1312 = vector.broadcast %add3A_1311 : i32 to vector<16xi32>
      %add3A_1313 = arith.addi %mul3A_1310, %add3A_1312 : vector<16xi32>
      %gather3A_1314 = tpu.vector_load_idx %arg12[%add3A_1313] : memref<20032xf32, #tpu.memory_space<vmem>>[vector<16xi32>], vector<16xf32>,
      tpu.vector_store_idx %arg11[%add3A_1276, %add3A_1307], %gather3A_1314 : memref<512x4xf32, #tpu.memory_space<vmem>>[vector<16xi32>, vector<16xi32>], vector<16xf32>,
      %get3A_1315 = arith.constant 400 : index
      %get3A_1316 = tpu.vector_load %arg8[%get3A_1315] {strides = array<i32>} : memref<512xi32, #tpu.memory_space<vmem>>, vector<16xi32>,
      %gather3A_1317 = tpu.vector_load_idx %arg9[%get3A_1316] : memref<10016xi32, #tpu.memory_space<vmem>>[vector<16xi32>], vector<16xi32>,
      %swap3A_1318 = arith.constant 400 : index
      %swap3A_1319 = tpu.vector_load %arg10[%swap3A_1318] {strides = array<i32>} : memref<512xi32, #tpu.memory_space<vmem>>, vector<16xi32>,
      tpu.vector_store %arg10[%swap3A_1318], %gather3A_1317 {strides = array<i32>} : memref<512xi32, #tpu.memory_space<vmem>>, vector<16xi32>,
      %add3A_1320 = arith.constant 400 : i32
      %add3A_1321 = vector.broadcast %add3A_1320 : i32 to vector<16xi32>
      %add3A_1322 = arith.addi %add3A_1321, %iota3A : vector<16xi32>
      %broadcast_in_dim3A_1323 = arith.constant 0 : i32
      %broadcast_in_dim3A_1324 = vector.broadcast %broadcast_in_dim3A_1323 : i32 to vector<16xi32>
      %mul3A_1325 = arith.constant 2 : i32
      %mul3A_1326 = vector.broadcast %mul3A_1325 : i32 to vector<16xi32>
      %mul3A_1327 = arith.muli %get3A_1316, %mul3A_1326 : vector<16xi32>
      %add3A_1328 = arith.constant 0 : i32
      %add3A_1329 = vector.broadcast %add3A_1328 : i32 to vector<16xi32>
      %add3A_1330 = arith.addi %mul3A_1327, %add3A_1329 : vector<16xi32>
      %gather3A_1331 = tpu.vector_load_idx %arg13[%add3A_1330] : memref<20032xf32, #tpu.memory_space<vmem>>[vector<16xi32>], vector<16xf32>,
      tpu.vector_store_idx %arg11[%add3A_1322, %broadcast_in_dim3A_1324], %gather3A_1331 : memref<512x4xf32, #tpu.memory_space<vmem>>[vector<16xi32>, vector<16xi32>], vector<16xf32>,
      %add3A_1332 = arith.constant 2 : i32
      %add3A_1333 = vector.broadcast %add3A_1332 : i32 to vector<16xi32>
      %add3A_1334 = arith.addi %broadcast_in_dim3A_1324, %add3A_1333 : vector<16xi32>
      %mul3A_1335 = arith.constant 2 : i32
      %mul3A_1336 = vector.broadcast %mul3A_1335 : i32 to vector<16xi32>
      %mul3A_1337 = arith.muli %get3A_1316, %mul3A_1336 : vector<16xi32>
      %add3A_1338 = arith.constant 0 : i32
      %add3A_1339 = vector.broadcast %add3A_1338 : i32 to vector<16xi32>
      %add3A_1340 = arith.addi %mul3A_1337, %add3A_1339 : vector<16xi32>
      %gather3A_1341 = tpu.vector_load_idx %arg12[%add3A_1340] : memref<20032xf32, #tpu.memory_space<vmem>>[vector<16xi32>], vector<16xf32>,
      tpu.vector_store_idx %arg11[%add3A_1322, %add3A_1334], %gather3A_1341 : memref<512x4xf32, #tpu.memory_space<vmem>>[vector<16xi32>, vector<16xi32>], vector<16xf32>,
      %broadcast_in_dim3A_1342 = arith.constant 1 : i32
      %broadcast_in_dim3A_1343 = vector.broadcast %broadcast_in_dim3A_1342 : i32 to vector<16xi32>
      %mul3A_1344 = arith.constant 2 : i32
      %mul3A_1345 = vector.broadcast %mul3A_1344 : i32 to vector<16xi32>
      %mul3A_1346 = arith.muli %get3A_1316, %mul3A_1345 : vector<16xi32>
      %add3A_1347 = arith.constant 1 : i32
      %add3A_1348 = vector.broadcast %add3A_1347 : i32 to vector<16xi32>
      %add3A_1349 = arith.addi %mul3A_1346, %add3A_1348 : vector<16xi32>
      %gather3A_1350 = tpu.vector_load_idx %arg13[%add3A_1349] : memref<20032xf32, #tpu.memory_space<vmem>>[vector<16xi32>], vector<16xf32>,
      tpu.vector_store_idx %arg11[%add3A_1322, %broadcast_in_dim3A_1343], %gather3A_1350 : memref<512x4xf32, #tpu.memory_space<vmem>>[vector<16xi32>, vector<16xi32>], vector<16xf32>,
      %add3A_1351 = arith.constant 2 : i32
      %add3A_1352 = vector.broadcast %add3A_1351 : i32 to vector<16xi32>
      %add3A_1353 = arith.addi %broadcast_in_dim3A_1343, %add3A_1352 : vector<16xi32>
      %mul3A_1354 = arith.constant 2 : i32
      %mul3A_1355 = vector.broadcast %mul3A_1354 : i32 to vector<16xi32>
      %mul3A_1356 = arith.muli %get3A_1316, %mul3A_1355 : vector<16xi32>
      %add3A_1357 = arith.constant 1 : i32
      %add3A_1358 = vector.broadcast %add3A_1357 : i32 to vector<16xi32>
      %add3A_1359 = arith.addi %mul3A_1356, %add3A_1358 : vector<16xi32>
      %gather3A_1360 = tpu.vector_load_idx %arg12[%add3A_1359] : memref<20032xf32, #tpu.memory_space<vmem>>[vector<16xi32>], vector<16xf32>,
      tpu.vector_store_idx %arg11[%add3A_1322, %add3A_1353], %gather3A_1360 : memref<512x4xf32, #tpu.memory_space<vmem>>[vector<16xi32>, vector<16xi32>], vector<16xf32>,
      %get3A_1361 = arith.constant 416 : index
      %get3A_1362 = tpu.vector_load %arg8[%get3A_1361] {strides = array<i32>} : memref<512xi32, #tpu.memory_space<vmem>>, vector<16xi32>,
      %gather3A_1363 = tpu.vector_load_idx %arg9[%get3A_1362] : memref<10016xi32, #tpu.memory_space<vmem>>[vector<16xi32>], vector<16xi32>,
      %swap3A_1364 = arith.constant 416 : index
      %swap3A_1365 = tpu.vector_load %arg10[%swap3A_1364] {strides = array<i32>} : memref<512xi32, #tpu.memory_space<vmem>>, vector<16xi32>,
      tpu.vector_store %arg10[%swap3A_1364], %gather3A_1363 {strides = array<i32>} : memref<512xi32, #tpu.memory_space<vmem>>, vector<16xi32>,
      %add3A_1366 = arith.constant 416 : i32
      %add3A_1367 = vector.broadcast %add3A_1366 : i32 to vector<16xi32>
      %add3A_1368 = arith.addi %add3A_1367, %iota3A : vector<16xi32>
      %broadcast_in_dim3A_1369 = arith.constant 0 : i32
      %broadcast_in_dim3A_1370 = vector.broadcast %broadcast_in_dim3A_1369 : i32 to vector<16xi32>
      %mul3A_1371 = arith.constant 2 : i32
      %mul3A_1372 = vector.broadcast %mul3A_1371 : i32 to vector<16xi32>
      %mul3A_1373 = arith.muli %get3A_1362, %mul3A_1372 : vector<16xi32>
      %add3A_1374 = arith.constant 0 : i32
      %add3A_1375 = vector.broadcast %add3A_1374 : i32 to vector<16xi32>
      %add3A_1376 = arith.addi %mul3A_1373, %add3A_1375 : vector<16xi32>
      %gather3A_1377 = tpu.vector_load_idx %arg13[%add3A_1376] : memref<20032xf32, #tpu.memory_space<vmem>>[vector<16xi32>], vector<16xf32>,
      tpu.vector_store_idx %arg11[%add3A_1368, %broadcast_in_dim3A_1370], %gather3A_1377 : memref<512x4xf32, #tpu.memory_space<vmem>>[vector<16xi32>, vector<16xi32>], vector<16xf32>,
      %add3A_1378 = arith.constant 2 : i32
      %add3A_1379 = vector.broadcast %add3A_1378 : i32 to vector<16xi32>
      %add3A_1380 = arith.addi %broadcast_in_dim3A_1370, %add3A_1379 : vector<16xi32>
      %mul3A_1381 = arith.constant 2 : i32
      %mul3A_1382 = vector.broadcast %mul3A_1381 : i32 to vector<16xi32>
      %mul3A_1383 = arith.muli %get3A_1362, %mul3A_1382 : vector<16xi32>
      %add3A_1384 = arith.constant 0 : i32
      %add3A_1385 = vector.broadcast %add3A_1384 : i32 to vector<16xi32>
      %add3A_1386 = arith.addi %mul3A_1383, %add3A_1385 : vector<16xi32>
      %gather3A_1387 = tpu.vector_load_idx %arg12[%add3A_1386] : memref<20032xf32, #tpu.memory_space<vmem>>[vector<16xi32>], vector<16xf32>,
      tpu.vector_store_idx %arg11[%add3A_1368, %add3A_1380], %gather3A_1387 : memref<512x4xf32, #tpu.memory_space<vmem>>[vector<16xi32>, vector<16xi32>], vector<16xf32>,
      %broadcast_in_dim3A_1388 = arith.constant 1 : i32
      %broadcast_in_dim3A_1389 = vector.broadcast %broadcast_in_dim3A_1388 : i32 to vector<16xi32>
      %mul3A_1390 = arith.constant 2 : i32
      %mul3A_1391 = vector.broadcast %mul3A_1390 : i32 to vector<16xi32>
      %mul3A_1392 = arith.muli %get3A_1362, %mul3A_1391 : vector<16xi32>
      %add3A_1393 = arith.constant 1 : i32
      %add3A_1394 = vector.broadcast %add3A_1393 : i32 to vector<16xi32>
      %add3A_1395 = arith.addi %mul3A_1392, %add3A_1394 : vector<16xi32>
      %gather3A_1396 = tpu.vector_load_idx %arg13[%add3A_1395] : memref<20032xf32, #tpu.memory_space<vmem>>[vector<16xi32>], vector<16xf32>,
      tpu.vector_store_idx %arg11[%add3A_1368, %broadcast_in_dim3A_1389], %gather3A_1396 : memref<512x4xf32, #tpu.memory_space<vmem>>[vector<16xi32>, vector<16xi32>], vector<16xf32>,
      %add3A_1397 = arith.constant 2 : i32
      %add3A_1398 = vector.broadcast %add3A_1397 : i32 to vector<16xi32>
      %add3A_1399 = arith.addi %broadcast_in_dim3A_1389, %add3A_1398 : vector<16xi32>
      %mul3A_1400 = arith.constant 2 : i32
      %mul3A_1401 = vector.broadcast %mul3A_1400 : i32 to vector<16xi32>
      %mul3A_1402 = arith.muli %get3A_1362, %mul3A_1401 : vector<16xi32>
      %add3A_1403 = arith.constant 1 : i32
      %add3A_1404 = vector.broadcast %add3A_1403 : i32 to vector<16xi32>
      %add3A_1405 = arith.addi %mul3A_1402, %add3A_1404 : vector<16xi32>
      %gather3A_1406 = tpu.vector_load_idx %arg12[%add3A_1405] : memref<20032xf32, #tpu.memory_space<vmem>>[vector<16xi32>], vector<16xf32>,
      tpu.vector_store_idx %arg11[%add3A_1368, %add3A_1399], %gather3A_1406 : memref<512x4xf32, #tpu.memory_space<vmem>>[vector<16xi32>, vector<16xi32>], vector<16xf32>,
      %get3A_1407 = arith.constant 432 : index
      %get3A_1408 = tpu.vector_load %arg8[%get3A_1407] {strides = array<i32>} : memref<512xi32, #tpu.memory_space<vmem>>, vector<16xi32>,
      %gather3A_1409 = tpu.vector_load_idx %arg9[%get3A_1408] : memref<10016xi32, #tpu.memory_space<vmem>>[vector<16xi32>], vector<16xi32>,
      %swap3A_1410 = arith.constant 432 : index
      %swap3A_1411 = tpu.vector_load %arg10[%swap3A_1410] {strides = array<i32>} : memref<512xi32, #tpu.memory_space<vmem>>, vector<16xi32>,
      tpu.vector_store %arg10[%swap3A_1410], %gather3A_1409 {strides = array<i32>} : memref<512xi32, #tpu.memory_space<vmem>>, vector<16xi32>,
      %add3A_1412 = arith.constant 432 : i32
      %add3A_1413 = vector.broadcast %add3A_1412 : i32 to vector<16xi32>
      %add3A_1414 = arith.addi %add3A_1413, %iota3A : vector<16xi32>
      %broadcast_in_dim3A_1415 = arith.constant 0 : i32
      %broadcast_in_dim3A_1416 = vector.broadcast %broadcast_in_dim3A_1415 : i32 to vector<16xi32>
      %mul3A_1417 = arith.constant 2 : i32
      %mul3A_1418 = vector.broadcast %mul3A_1417 : i32 to vector<16xi32>
      %mul3A_1419 = arith.muli %get3A_1408, %mul3A_1418 : vector<16xi32>
      %add3A_1420 = arith.constant 0 : i32
      %add3A_1421 = vector.broadcast %add3A_1420 : i32 to vector<16xi32>
      %add3A_1422 = arith.addi %mul3A_1419, %add3A_1421 : vector<16xi32>
      %gather3A_1423 = tpu.vector_load_idx %arg13[%add3A_1422] : memref<20032xf32, #tpu.memory_space<vmem>>[vector<16xi32>], vector<16xf32>,
      tpu.vector_store_idx %arg11[%add3A_1414, %broadcast_in_dim3A_1416], %gather3A_1423 : memref<512x4xf32, #tpu.memory_space<vmem>>[vector<16xi32>, vector<16xi32>], vector<16xf32>,
      %add3A_1424 = arith.constant 2 : i32
      %add3A_1425 = vector.broadcast %add3A_1424 : i32 to vector<16xi32>
      %add3A_1426 = arith.addi %broadcast_in_dim3A_1416, %add3A_1425 : vector<16xi32>
      %mul3A_1427 = arith.constant 2 : i32
      %mul3A_1428 = vector.broadcast %mul3A_1427 : i32 to vector<16xi32>
      %mul3A_1429 = arith.muli %get3A_1408, %mul3A_1428 : vector<16xi32>
      %add3A_1430 = arith.constant 0 : i32
      %add3A_1431 = vector.broadcast %add3A_1430 : i32 to vector<16xi32>
      %add3A_1432 = arith.addi %mul3A_1429, %add3A_1431 : vector<16xi32>
      %gather3A_1433 = tpu.vector_load_idx %arg12[%add3A_1432] : memref<20032xf32, #tpu.memory_space<vmem>>[vector<16xi32>], vector<16xf32>,
      tpu.vector_store_idx %arg11[%add3A_1414, %add3A_1426], %gather3A_1433 : memref<512x4xf32, #tpu.memory_space<vmem>>[vector<16xi32>, vector<16xi32>], vector<16xf32>,
      %broadcast_in_dim3A_1434 = arith.constant 1 : i32
      %broadcast_in_dim3A_1435 = vector.broadcast %broadcast_in_dim3A_1434 : i32 to vector<16xi32>
      %mul3A_1436 = arith.constant 2 : i32
      %mul3A_1437 = vector.broadcast %mul3A_1436 : i32 to vector<16xi32>
      %mul3A_1438 = arith.muli %get3A_1408, %mul3A_1437 : vector<16xi32>
      %add3A_1439 = arith.constant 1 : i32
      %add3A_1440 = vector.broadcast %add3A_1439 : i32 to vector<16xi32>
      %add3A_1441 = arith.addi %mul3A_1438, %add3A_1440 : vector<16xi32>
      %gather3A_1442 = tpu.vector_load_idx %arg13[%add3A_1441] : memref<20032xf32, #tpu.memory_space<vmem>>[vector<16xi32>], vector<16xf32>,
      tpu.vector_store_idx %arg11[%add3A_1414, %broadcast_in_dim3A_1435], %gather3A_1442 : memref<512x4xf32, #tpu.memory_space<vmem>>[vector<16xi32>, vector<16xi32>], vector<16xf32>,
      %add3A_1443 = arith.constant 2 : i32
      %add3A_1444 = vector.broadcast %add3A_1443 : i32 to vector<16xi32>
      %add3A_1445 = arith.addi %broadcast_in_dim3A_1435, %add3A_1444 : vector<16xi32>
      %mul3A_1446 = arith.constant 2 : i32
      %mul3A_1447 = vector.broadcast %mul3A_1446 : i32 to vector<16xi32>
      %mul3A_1448 = arith.muli %get3A_1408, %mul3A_1447 : vector<16xi32>
      %add3A_1449 = arith.constant 1 : i32
      %add3A_1450 = vector.broadcast %add3A_1449 : i32 to vector<16xi32>
      %add3A_1451 = arith.addi %mul3A_1448, %add3A_1450 : vector<16xi32>
      %gather3A_1452 = tpu.vector_load_idx %arg12[%add3A_1451] : memref<20032xf32, #tpu.memory_space<vmem>>[vector<16xi32>], vector<16xf32>,
      tpu.vector_store_idx %arg11[%add3A_1414, %add3A_1445], %gather3A_1452 : memref<512x4xf32, #tpu.memory_space<vmem>>[vector<16xi32>, vector<16xi32>], vector<16xf32>,
      %get3A_1453 = arith.constant 448 : index
      %get3A_1454 = tpu.vector_load %arg8[%get3A_1453] {strides = array<i32>} : memref<512xi32, #tpu.memory_space<vmem>>, vector<16xi32>,
      %gather3A_1455 = tpu.vector_load_idx %arg9[%get3A_1454] : memref<10016xi32, #tpu.memory_space<vmem>>[vector<16xi32>], vector<16xi32>,
      %swap3A_1456 = arith.constant 448 : index
      %swap3A_1457 = tpu.vector_load %arg10[%swap3A_1456] {strides = array<i32>} : memref<512xi32, #tpu.memory_space<vmem>>, vector<16xi32>,
      tpu.vector_store %arg10[%swap3A_1456], %gather3A_1455 {strides = array<i32>} : memref<512xi32, #tpu.memory_space<vmem>>, vector<16xi32>,
      %add3A_1458 = arith.constant 448 : i32
      %add3A_1459 = vector.broadcast %add3A_1458 : i32 to vector<16xi32>
      %add3A_1460 = arith.addi %add3A_1459, %iota3A : vector<16xi32>
      %broadcast_in_dim3A_1461 = arith.constant 0 : i32
      %broadcast_in_dim3A_1462 = vector.broadcast %broadcast_in_dim3A_1461 : i32 to vector<16xi32>
      %mul3A_1463 = arith.constant 2 : i32
      %mul3A_1464 = vector.broadcast %mul3A_1463 : i32 to vector<16xi32>
      %mul3A_1465 = arith.muli %get3A_1454, %mul3A_1464 : vector<16xi32>
      %add3A_1466 = arith.constant 0 : i32
      %add3A_1467 = vector.broadcast %add3A_1466 : i32 to vector<16xi32>
      %add3A_1468 = arith.addi %mul3A_1465, %add3A_1467 : vector<16xi32>
      %gather3A_1469 = tpu.vector_load_idx %arg13[%add3A_1468] : memref<20032xf32, #tpu.memory_space<vmem>>[vector<16xi32>], vector<16xf32>,
      tpu.vector_store_idx %arg11[%add3A_1460, %broadcast_in_dim3A_1462], %gather3A_1469 : memref<512x4xf32, #tpu.memory_space<vmem>>[vector<16xi32>, vector<16xi32>], vector<16xf32>,
      %add3A_1470 = arith.constant 2 : i32
      %add3A_1471 = vector.broadcast %add3A_1470 : i32 to vector<16xi32>
      %add3A_1472 = arith.addi %broadcast_in_dim3A_1462, %add3A_1471 : vector<16xi32>
      %mul3A_1473 = arith.constant 2 : i32
      %mul3A_1474 = vector.broadcast %mul3A_1473 : i32 to vector<16xi32>
      %mul3A_1475 = arith.muli %get3A_1454, %mul3A_1474 : vector<16xi32>
      %add3A_1476 = arith.constant 0 : i32
      %add3A_1477 = vector.broadcast %add3A_1476 : i32 to vector<16xi32>
      %add3A_1478 = arith.addi %mul3A_1475, %add3A_1477 : vector<16xi32>
      %gather3A_1479 = tpu.vector_load_idx %arg12[%add3A_1478] : memref<20032xf32, #tpu.memory_space<vmem>>[vector<16xi32>], vector<16xf32>,
      tpu.vector_store_idx %arg11[%add3A_1460, %add3A_1472], %gather3A_1479 : memref<512x4xf32, #tpu.memory_space<vmem>>[vector<16xi32>, vector<16xi32>], vector<16xf32>,
      %broadcast_in_dim3A_1480 = arith.constant 1 : i32
      %broadcast_in_dim3A_1481 = vector.broadcast %broadcast_in_dim3A_1480 : i32 to vector<16xi32>
      %mul3A_1482 = arith.constant 2 : i32
      %mul3A_1483 = vector.broadcast %mul3A_1482 : i32 to vector<16xi32>
      %mul3A_1484 = arith.muli %get3A_1454, %mul3A_1483 : vector<16xi32>
      %add3A_1485 = arith.constant 1 : i32
      %add3A_1486 = vector.broadcast %add3A_1485 : i32 to vector<16xi32>
      %add3A_1487 = arith.addi %mul3A_1484, %add3A_1486 : vector<16xi32>
      %gather3A_1488 = tpu.vector_load_idx %arg13[%add3A_1487] : memref<20032xf32, #tpu.memory_space<vmem>>[vector<16xi32>], vector<16xf32>,
      tpu.vector_store_idx %arg11[%add3A_1460, %broadcast_in_dim3A_1481], %gather3A_1488 : memref<512x4xf32, #tpu.memory_space<vmem>>[vector<16xi32>, vector<16xi32>], vector<16xf32>,
      %add3A_1489 = arith.constant 2 : i32
      %add3A_1490 = vector.broadcast %add3A_1489 : i32 to vector<16xi32>
      %add3A_1491 = arith.addi %broadcast_in_dim3A_1481, %add3A_1490 : vector<16xi32>
      %mul3A_1492 = arith.constant 2 : i32
      %mul3A_1493 = vector.broadcast %mul3A_1492 : i32 to vector<16xi32>
      %mul3A_1494 = arith.muli %get3A_1454, %mul3A_1493 : vector<16xi32>
      %add3A_1495 = arith.constant 1 : i32
      %add3A_1496 = vector.broadcast %add3A_1495 : i32 to vector<16xi32>
      %add3A_1497 = arith.addi %mul3A_1494, %add3A_1496 : vector<16xi32>
      %gather3A_1498 = tpu.vector_load_idx %arg12[%add3A_1497] : memref<20032xf32, #tpu.memory_space<vmem>>[vector<16xi32>], vector<16xf32>,
      tpu.vector_store_idx %arg11[%add3A_1460, %add3A_1491], %gather3A_1498 : memref<512x4xf32, #tpu.memory_space<vmem>>[vector<16xi32>, vector<16xi32>], vector<16xf32>,
      %get3A_1499 = arith.constant 464 : index
      %get3A_1500 = tpu.vector_load %arg8[%get3A_1499] {strides = array<i32>} : memref<512xi32, #tpu.memory_space<vmem>>, vector<16xi32>,
      %gather3A_1501 = tpu.vector_load_idx %arg9[%get3A_1500] : memref<10016xi32, #tpu.memory_space<vmem>>[vector<16xi32>], vector<16xi32>,
      %swap3A_1502 = arith.constant 464 : index
      %swap3A_1503 = tpu.vector_load %arg10[%swap3A_1502] {strides = array<i32>} : memref<512xi32, #tpu.memory_space<vmem>>, vector<16xi32>,
      tpu.vector_store %arg10[%swap3A_1502], %gather3A_1501 {strides = array<i32>} : memref<512xi32, #tpu.memory_space<vmem>>, vector<16xi32>,
      %add3A_1504 = arith.constant 464 : i32
      %add3A_1505 = vector.broadcast %add3A_1504 : i32 to vector<16xi32>
      %add3A_1506 = arith.addi %add3A_1505, %iota3A : vector<16xi32>
      %broadcast_in_dim3A_1507 = arith.constant 0 : i32
      %broadcast_in_dim3A_1508 = vector.broadcast %broadcast_in_dim3A_1507 : i32 to vector<16xi32>
      %mul3A_1509 = arith.constant 2 : i32
      %mul3A_1510 = vector.broadcast %mul3A_1509 : i32 to vector<16xi32>
      %mul3A_1511 = arith.muli %get3A_1500, %mul3A_1510 : vector<16xi32>
      %add3A_1512 = arith.constant 0 : i32
      %add3A_1513 = vector.broadcast %add3A_1512 : i32 to vector<16xi32>
      %add3A_1514 = arith.addi %mul3A_1511, %add3A_1513 : vector<16xi32>
      %gather3A_1515 = tpu.vector_load_idx %arg13[%add3A_1514] : memref<20032xf32, #tpu.memory_space<vmem>>[vector<16xi32>], vector<16xf32>,
      tpu.vector_store_idx %arg11[%add3A_1506, %broadcast_in_dim3A_1508], %gather3A_1515 : memref<512x4xf32, #tpu.memory_space<vmem>>[vector<16xi32>, vector<16xi32>], vector<16xf32>,
      %add3A_1516 = arith.constant 2 : i32
      %add3A_1517 = vector.broadcast %add3A_1516 : i32 to vector<16xi32>
      %add3A_1518 = arith.addi %broadcast_in_dim3A_1508, %add3A_1517 : vector<16xi32>
      %mul3A_1519 = arith.constant 2 : i32
      %mul3A_1520 = vector.broadcast %mul3A_1519 : i32 to vector<16xi32>
      %mul3A_1521 = arith.muli %get3A_1500, %mul3A_1520 : vector<16xi32>
      %add3A_1522 = arith.constant 0 : i32
      %add3A_1523 = vector.broadcast %add3A_1522 : i32 to vector<16xi32>
      %add3A_1524 = arith.addi %mul3A_1521, %add3A_1523 : vector<16xi32>
      %gather3A_1525 = tpu.vector_load_idx %arg12[%add3A_1524] : memref<20032xf32, #tpu.memory_space<vmem>>[vector<16xi32>], vector<16xf32>,
      tpu.vector_store_idx %arg11[%add3A_1506, %add3A_1518], %gather3A_1525 : memref<512x4xf32, #tpu.memory_space<vmem>>[vector<16xi32>, vector<16xi32>], vector<16xf32>,
      %broadcast_in_dim3A_1526 = arith.constant 1 : i32
      %broadcast_in_dim3A_1527 = vector.broadcast %broadcast_in_dim3A_1526 : i32 to vector<16xi32>
      %mul3A_1528 = arith.constant 2 : i32
      %mul3A_1529 = vector.broadcast %mul3A_1528 : i32 to vector<16xi32>
      %mul3A_1530 = arith.muli %get3A_1500, %mul3A_1529 : vector<16xi32>
      %add3A_1531 = arith.constant 1 : i32
      %add3A_1532 = vector.broadcast %add3A_1531 : i32 to vector<16xi32>
      %add3A_1533 = arith.addi %mul3A_1530, %add3A_1532 : vector<16xi32>
      %gather3A_1534 = tpu.vector_load_idx %arg13[%add3A_1533] : memref<20032xf32, #tpu.memory_space<vmem>>[vector<16xi32>], vector<16xf32>,
      tpu.vector_store_idx %arg11[%add3A_1506, %broadcast_in_dim3A_1527], %gather3A_1534 : memref<512x4xf32, #tpu.memory_space<vmem>>[vector<16xi32>, vector<16xi32>], vector<16xf32>,
      %add3A_1535 = arith.constant 2 : i32
      %add3A_1536 = vector.broadcast %add3A_1535 : i32 to vector<16xi32>
      %add3A_1537 = arith.addi %broadcast_in_dim3A_1527, %add3A_1536 : vector<16xi32>
      %mul3A_1538 = arith.constant 2 : i32
      %mul3A_1539 = vector.broadcast %mul3A_1538 : i32 to vector<16xi32>
      %mul3A_1540 = arith.muli %get3A_1500, %mul3A_1539 : vector<16xi32>
      %add3A_1541 = arith.constant 1 : i32
      %add3A_1542 = vector.broadcast %add3A_1541 : i32 to vector<16xi32>
      %add3A_1543 = arith.addi %mul3A_1540, %add3A_1542 : vector<16xi32>
      %gather3A_1544 = tpu.vector_load_idx %arg12[%add3A_1543] : memref<20032xf32, #tpu.memory_space<vmem>>[vector<16xi32>], vector<16xf32>,
      tpu.vector_store_idx %arg11[%add3A_1506, %add3A_1537], %gather3A_1544 : memref<512x4xf32, #tpu.memory_space<vmem>>[vector<16xi32>, vector<16xi32>], vector<16xf32>,
      %get3A_1545 = arith.constant 480 : index
      %get3A_1546 = tpu.vector_load %arg8[%get3A_1545] {strides = array<i32>} : memref<512xi32, #tpu.memory_space<vmem>>, vector<16xi32>,
      %gather3A_1547 = tpu.vector_load_idx %arg9[%get3A_1546] : memref<10016xi32, #tpu.memory_space<vmem>>[vector<16xi32>], vector<16xi32>,
      %swap3A_1548 = arith.constant 480 : index
      %swap3A_1549 = tpu.vector_load %arg10[%swap3A_1548] {strides = array<i32>} : memref<512xi32, #tpu.memory_space<vmem>>, vector<16xi32>,
      tpu.vector_store %arg10[%swap3A_1548], %gather3A_1547 {strides = array<i32>} : memref<512xi32, #tpu.memory_space<vmem>>, vector<16xi32>,
      %add3A_1550 = arith.constant 480 : i32
      %add3A_1551 = vector.broadcast %add3A_1550 : i32 to vector<16xi32>
      %add3A_1552 = arith.addi %add3A_1551, %iota3A : vector<16xi32>
      %broadcast_in_dim3A_1553 = arith.constant 0 : i32
      %broadcast_in_dim3A_1554 = vector.broadcast %broadcast_in_dim3A_1553 : i32 to vector<16xi32>
      %mul3A_1555 = arith.constant 2 : i32
      %mul3A_1556 = vector.broadcast %mul3A_1555 : i32 to vector<16xi32>
      %mul3A_1557 = arith.muli %get3A_1546, %mul3A_1556 : vector<16xi32>
      %add3A_1558 = arith.constant 0 : i32
      %add3A_1559 = vector.broadcast %add3A_1558 : i32 to vector<16xi32>
      %add3A_1560 = arith.addi %mul3A_1557, %add3A_1559 : vector<16xi32>
      %gather3A_1561 = tpu.vector_load_idx %arg13[%add3A_1560] : memref<20032xf32, #tpu.memory_space<vmem>>[vector<16xi32>], vector<16xf32>,
      tpu.vector_store_idx %arg11[%add3A_1552, %broadcast_in_dim3A_1554], %gather3A_1561 : memref<512x4xf32, #tpu.memory_space<vmem>>[vector<16xi32>, vector<16xi32>], vector<16xf32>,
      %add3A_1562 = arith.constant 2 : i32
      %add3A_1563 = vector.broadcast %add3A_1562 : i32 to vector<16xi32>
      %add3A_1564 = arith.addi %broadcast_in_dim3A_1554, %add3A_1563 : vector<16xi32>
      %mul3A_1565 = arith.constant 2 : i32
      %mul3A_1566 = vector.broadcast %mul3A_1565 : i32 to vector<16xi32>
      %mul3A_1567 = arith.muli %get3A_1546, %mul3A_1566 : vector<16xi32>
      %add3A_1568 = arith.constant 0 : i32
      %add3A_1569 = vector.broadcast %add3A_1568 : i32 to vector<16xi32>
      %add3A_1570 = arith.addi %mul3A_1567, %add3A_1569 : vector<16xi32>
      %gather3A_1571 = tpu.vector_load_idx %arg12[%add3A_1570] : memref<20032xf32, #tpu.memory_space<vmem>>[vector<16xi32>], vector<16xf32>,
      tpu.vector_store_idx %arg11[%add3A_1552, %add3A_1564], %gather3A_1571 : memref<512x4xf32, #tpu.memory_space<vmem>>[vector<16xi32>, vector<16xi32>], vector<16xf32>,
      %broadcast_in_dim3A_1572 = arith.constant 1 : i32
      %broadcast_in_dim3A_1573 = vector.broadcast %broadcast_in_dim3A_1572 : i32 to vector<16xi32>
      %mul3A_1574 = arith.constant 2 : i32
      %mul3A_1575 = vector.broadcast %mul3A_1574 : i32 to vector<16xi32>
      %mul3A_1576 = arith.muli %get3A_1546, %mul3A_1575 : vector<16xi32>
      %add3A_1577 = arith.constant 1 : i32
      %add3A_1578 = vector.broadcast %add3A_1577 : i32 to vector<16xi32>
      %add3A_1579 = arith.addi %mul3A_1576, %add3A_1578 : vector<16xi32>
      %gather3A_1580 = tpu.vector_load_idx %arg13[%add3A_1579] : memref<20032xf32, #tpu.memory_space<vmem>>[vector<16xi32>], vector<16xf32>,
      tpu.vector_store_idx %arg11[%add3A_1552, %broadcast_in_dim3A_1573], %gather3A_1580 : memref<512x4xf32, #tpu.memory_space<vmem>>[vector<16xi32>, vector<16xi32>], vector<16xf32>,
      %add3A_1581 = arith.constant 2 : i32
      %add3A_1582 = vector.broadcast %add3A_1581 : i32 to vector<16xi32>
      %add3A_1583 = arith.addi %broadcast_in_dim3A_1573, %add3A_1582 : vector<16xi32>
      %mul3A_1584 = arith.constant 2 : i32
      %mul3A_1585 = vector.broadcast %mul3A_1584 : i32 to vector<16xi32>
      %mul3A_1586 = arith.muli %get3A_1546, %mul3A_1585 : vector<16xi32>
      %add3A_1587 = arith.constant 1 : i32
      %add3A_1588 = vector.broadcast %add3A_1587 : i32 to vector<16xi32>
      %add3A_1589 = arith.addi %mul3A_1586, %add3A_1588 : vector<16xi32>
      %gather3A_1590 = tpu.vector_load_idx %arg12[%add3A_1589] : memref<20032xf32, #tpu.memory_space<vmem>>[vector<16xi32>], vector<16xf32>,
      tpu.vector_store_idx %arg11[%add3A_1552, %add3A_1583], %gather3A_1590 : memref<512x4xf32, #tpu.memory_space<vmem>>[vector<16xi32>, vector<16xi32>], vector<16xf32>,
      %get3A_1591 = arith.constant 496 : index
      %get3A_1592 = tpu.vector_load %arg8[%get3A_1591] {strides = array<i32>} : memref<512xi32, #tpu.memory_space<vmem>>, vector<16xi32>,
      %gather3A_1593 = tpu.vector_load_idx %arg9[%get3A_1592] : memref<10016xi32, #tpu.memory_space<vmem>>[vector<16xi32>], vector<16xi32>,
      %swap3A_1594 = arith.constant 496 : index
      %swap3A_1595 = tpu.vector_load %arg10[%swap3A_1594] {strides = array<i32>} : memref<512xi32, #tpu.memory_space<vmem>>, vector<16xi32>,
      tpu.vector_store %arg10[%swap3A_1594], %gather3A_1593 {strides = array<i32>} : memref<512xi32, #tpu.memory_space<vmem>>, vector<16xi32>,
      %add3A_1596 = arith.constant 496 : i32
      %add3A_1597 = vector.broadcast %add3A_1596 : i32 to vector<16xi32>
      %add3A_1598 = arith.addi %add3A_1597, %iota3A : vector<16xi32>
      %broadcast_in_dim3A_1599 = arith.constant 0 : i32
      %broadcast_in_dim3A_1600 = vector.broadcast %broadcast_in_dim3A_1599 : i32 to vector<16xi32>
      %mul3A_1601 = arith.constant 2 : i32
      %mul3A_1602 = vector.broadcast %mul3A_1601 : i32 to vector<16xi32>
      %mul3A_1603 = arith.muli %get3A_1592, %mul3A_1602 : vector<16xi32>
      %add3A_1604 = arith.constant 0 : i32
      %add3A_1605 = vector.broadcast %add3A_1604 : i32 to vector<16xi32>
      %add3A_1606 = arith.addi %mul3A_1603, %add3A_1605 : vector<16xi32>
      %gather3A_1607 = tpu.vector_load_idx %arg13[%add3A_1606] : memref<20032xf32, #tpu.memory_space<vmem>>[vector<16xi32>], vector<16xf32>,
      tpu.vector_store_idx %arg11[%add3A_1598, %broadcast_in_dim3A_1600], %gather3A_1607 : memref<512x4xf32, #tpu.memory_space<vmem>>[vector<16xi32>, vector<16xi32>], vector<16xf32>,
      %add3A_1608 = arith.constant 2 : i32
      %add3A_1609 = vector.broadcast %add3A_1608 : i32 to vector<16xi32>
      %add3A_1610 = arith.addi %broadcast_in_dim3A_1600, %add3A_1609 : vector<16xi32>
      %mul3A_1611 = arith.constant 2 : i32
      %mul3A_1612 = vector.broadcast %mul3A_1611 : i32 to vector<16xi32>
      %mul3A_1613 = arith.muli %get3A_1592, %mul3A_1612 : vector<16xi32>
      %add3A_1614 = arith.constant 0 : i32
      %add3A_1615 = vector.broadcast %add3A_1614 : i32 to vector<16xi32>
      %add3A_1616 = arith.addi %mul3A_1613, %add3A_1615 : vector<16xi32>
      %gather3A_1617 = tpu.vector_load_idx %arg12[%add3A_1616] : memref<20032xf32, #tpu.memory_space<vmem>>[vector<16xi32>], vector<16xf32>,
      tpu.vector_store_idx %arg11[%add3A_1598, %add3A_1610], %gather3A_1617 : memref<512x4xf32, #tpu.memory_space<vmem>>[vector<16xi32>, vector<16xi32>], vector<16xf32>,
      %broadcast_in_dim3A_1618 = arith.constant 1 : i32
      %broadcast_in_dim3A_1619 = vector.broadcast %broadcast_in_dim3A_1618 : i32 to vector<16xi32>
      %mul3A_1620 = arith.constant 2 : i32
      %mul3A_1621 = vector.broadcast %mul3A_1620 : i32 to vector<16xi32>
      %mul3A_1622 = arith.muli %get3A_1592, %mul3A_1621 : vector<16xi32>
      %add3A_1623 = arith.constant 1 : i32
      %add3A_1624 = vector.broadcast %add3A_1623 : i32 to vector<16xi32>
      %add3A_1625 = arith.addi %mul3A_1622, %add3A_1624 : vector<16xi32>
      %gather3A_1626 = tpu.vector_load_idx %arg13[%add3A_1625] : memref<20032xf32, #tpu.memory_space<vmem>>[vector<16xi32>], vector<16xf32>,
      tpu.vector_store_idx %arg11[%add3A_1598, %broadcast_in_dim3A_1619], %gather3A_1626 : memref<512x4xf32, #tpu.memory_space<vmem>>[vector<16xi32>, vector<16xi32>], vector<16xf32>,
      %add3A_1627 = arith.constant 2 : i32
      %add3A_1628 = vector.broadcast %add3A_1627 : i32 to vector<16xi32>
      %add3A_1629 = arith.addi %broadcast_in_dim3A_1619, %add3A_1628 : vector<16xi32>
      %mul3A_1630 = arith.constant 2 : i32
      %mul3A_1631 = vector.broadcast %mul3A_1630 : i32 to vector<16xi32>
      %mul3A_1632 = arith.muli %get3A_1592, %mul3A_1631 : vector<16xi32>
      %add3A_1633 = arith.constant 1 : i32
      %add3A_1634 = vector.broadcast %add3A_1633 : i32 to vector<16xi32>
      %add3A_1635 = arith.addi %mul3A_1632, %add3A_1634 : vector<16xi32>
      %gather3A_1636 = tpu.vector_load_idx %arg12[%add3A_1635] : memref<20032xf32, #tpu.memory_space<vmem>>[vector<16xi32>], vector<16xf32>,
      tpu.vector_store_idx %arg11[%add3A_1598, %add3A_1629], %gather3A_1636 : memref<512x4xf32, #tpu.memory_space<vmem>>[vector<16xi32>, vector<16xi32>], vector<16xf32>,
      "tpu.region"() ({
        %run_scoped3A = tpu.sem_alloc : memref<!tpu.dma_semaphore, #tpu.memory_space<semaphore_mem>>
        tpu.enqueue_dma source(%arg9 : memref<10016xi32, #tpu.memory_space<vmem>>) target(%arg5 : memref<10016xi32, #tpu.memory_space<hbm>>) target_semaphore(%run_scoped3A : memref<!tpu.dma_semaphore, #tpu.memory_space<semaphore_mem>>)
        tpu.wait_dma2 semaphore(%run_scoped3A : memref<!tpu.dma_semaphore, #tpu.memory_space<semaphore_mem>>) src(%arg9 : memref<10016xi32, #tpu.memory_space<vmem>>) dst(%arg5 : memref<10016xi32, #tpu.memory_space<hbm>>)
        tpu.yield
      }) : () -> ()
      "tpu.region"() ({
        %run_scoped3A = tpu.sem_alloc : memref<!tpu.dma_semaphore, #tpu.memory_space<semaphore_mem>>
        tpu.enqueue_dma source(%arg10 : memref<512xi32, #tpu.memory_space<vmem>>) target(%arg6 : memref<512xi32, #tpu.memory_space<hbm>>) target_semaphore(%run_scoped3A : memref<!tpu.dma_semaphore, #tpu.memory_space<semaphore_mem>>)
        tpu.wait_dma2 semaphore(%run_scoped3A : memref<!tpu.dma_semaphore, #tpu.memory_space<semaphore_mem>>) src(%arg10 : memref<512xi32, #tpu.memory_space<vmem>>) dst(%arg6 : memref<512xi32, #tpu.memory_space<hbm>>)
        tpu.yield
      }) : () -> ()
      "tpu.region"() ({
        %run_scoped3A = tpu.sem_alloc : memref<!tpu.dma_semaphore, #tpu.memory_space<semaphore_mem>>
        tpu.enqueue_dma source(%arg11 : memref<512x4xf32, #tpu.memory_space<vmem>>) target(%arg7 : memref<512x4xf32, #tpu.memory_space<hbm>>) target_semaphore(%run_scoped3A : memref<!tpu.dma_semaphore, #tpu.memory_space<semaphore_mem>>)
        tpu.wait_dma2 semaphore(%run_scoped3A : memref<!tpu.dma_semaphore, #tpu.memory_space<semaphore_mem>>) src(%arg11 : memref<512x4xf32, #tpu.memory_space<vmem>>) dst(%arg7 : memref<512x4xf32, #tpu.memory_space<hbm>>)
        tpu.yield
      }) : () -> ()
    } else {
    }
    return
  }
}

#map = affine_map<(d0, d1) -> (0, 0)>
#map1 = affine_map<(d0, d1) -> (0)>
#map2 = affine_map<(d0, d1) -> (0, 0, 0)>
module attributes {stable_mosaic.version = 14 : i64} {
  func.func @_sc_stage_b(%arg0: i32, %arg1: i32, %arg2: memref<10016x16xf32, #tpu.memory_space<hbm>>, %arg3: memref<10016xi32, #tpu.memory_space<hbm>>, %arg4: memref<320x1024xi32, #tpu.memory_space<hbm>>, %arg5: memref<320x1024xi32, #tpu.memory_space<hbm>>, %arg6: memref<10016x16xf32, #tpu.memory_space<hbm>>, %arg7: memref<2x520x16xf32, #tpu.memory_space<hbm>>, %arg8: memref<10016xi32, #tpu.memory_space<vmem>>, %arg9: memref<10x1024xi32, #tpu.memory_space<vmem>>, %arg10: memref<10x1024xi32, #tpu.memory_space<vmem>>, %arg11: memref<1024x16xf32, #tpu.memory_space<vmem>>, %arg12: memref<1024x16xf32, #tpu.memory_space<vmem>>, %arg13: memref<1024xi32, #tpu.memory_space<vmem>>, %arg14: memref<1024xi32, #tpu.memory_space<vmem>>, %arg15: memref<1552x16xf32, #tpu.memory_space<vmem_shared>>, %arg16: memref<!tpu.dma_semaphore, #tpu.memory_space<semaphore_mem>>, %arg17: memref<!tpu.dma_semaphore, #tpu.memory_space<semaphore_mem>>) attributes {dimension_semantics = [#tpu.dimension_semantics<core_parallel>, #tpu.dimension_semantics<subcore_parallel>], iteration_bounds = array<i64: 2, 16>, scalar_prefetch = 0 : i64, scratch_operands = 10 : i64, tpu.core_type = #tpu.core_type<sc_vector_subcore>, window_params = [{transform_indices = #map}, {transform_indices = #map1}, {transform_indices = #map}, {transform_indices = #map}, {transform_indices = #map}, {transform_indices = #map2}]} {
    %mul3A = arith.constant 2 : i32
    %mul3A_0 = arith.muli %arg1, %mul3A : i32
    %add3A = arith.addi %mul3A_0, %arg0 : i32
    %mul3A_1 = arith.constant 10 : i32
    %mul3A_2 = arith.muli %add3A, %mul3A_1 : i32
    %mul3A_3 = arith.constant 97 : i32
    %mul3A_4 = arith.muli %arg1, %mul3A_3 : i32
    %mul3A_5 = arith.constant 97 : i32
    %mul3A_6 = arith.muli %arg1, %mul3A_5 : i32
    "tpu.region"() ({
      %run_scoped3A = tpu.sem_alloc : memref<!tpu.dma_semaphore, #tpu.memory_space<semaphore_mem>>
      %dma_start3A_27 = arith.constant 0 : i32
      %dma_start3A_28 = tpu.memref_slice %arg15[%mul3A_6, %dma_start3A_27] : memref<1552x16xf32, #tpu.memory_space<vmem_shared>> -> memref<97x16xf32, #tpu.memory_space<vmem_shared>>
      %dma_start3A_29 = arith.constant 0 : i32
      %dma_start3A_30 = tpu.memref_slice %arg6[%mul3A_4, %dma_start3A_29] : memref<10016x16xf32, #tpu.memory_space<hbm>> -> memref<97x16xf32, #tpu.memory_space<hbm>>
      tpu.enqueue_dma source(%dma_start3A_30 : memref<97x16xf32, #tpu.memory_space<hbm>>) target(%dma_start3A_28 : memref<97x16xf32, #tpu.memory_space<vmem_shared>>) target_semaphore(%run_scoped3A : memref<!tpu.dma_semaphore, #tpu.memory_space<semaphore_mem>>)
      %dma_wait3A = arith.constant 0 : i32
      %dma_wait3A_31 = tpu.memref_slice %arg15[%mul3A_6, %dma_wait3A] : memref<1552x16xf32, #tpu.memory_space<vmem_shared>> -> memref<97x16xf32, #tpu.memory_space<vmem_shared>>
      %dma_wait3A_32 = arith.constant 0 : i32
      %dma_wait3A_33 = tpu.memref_slice %arg6[%mul3A_4, %dma_wait3A_32] : memref<10016x16xf32, #tpu.memory_space<hbm>> -> memref<97x16xf32, #tpu.memory_space<hbm>>
      tpu.wait_dma2 semaphore(%run_scoped3A : memref<!tpu.dma_semaphore, #tpu.memory_space<semaphore_mem>>) src(%dma_wait3A_33 : memref<97x16xf32, #tpu.memory_space<hbm>>) dst(%dma_wait3A_31 : memref<97x16xf32, #tpu.memory_space<vmem_shared>>)
      tpu.yield
    }) : () -> ()
    "tpu.region"() ({
      %run_scoped3A = tpu.sem_alloc : memref<!tpu.dma_semaphore, #tpu.memory_space<semaphore_mem>>
      tpu.enqueue_dma source(%arg3 : memref<10016xi32, #tpu.memory_space<hbm>>) target(%arg8 : memref<10016xi32, #tpu.memory_space<vmem>>) target_semaphore(%run_scoped3A : memref<!tpu.dma_semaphore, #tpu.memory_space<semaphore_mem>>)
      tpu.wait_dma2 semaphore(%run_scoped3A : memref<!tpu.dma_semaphore, #tpu.memory_space<semaphore_mem>>) src(%arg3 : memref<10016xi32, #tpu.memory_space<hbm>>) dst(%arg8 : memref<10016xi32, #tpu.memory_space<vmem>>)
      tpu.yield
    }) : () -> ()
    "tpu.region"() ({
      %run_scoped3A = tpu.sem_alloc : memref<!tpu.dma_semaphore, #tpu.memory_space<semaphore_mem>>
      %dma_start3A_27 = arith.constant 0 : i32
      %dma_start3A_28 = tpu.memref_slice %arg4[%mul3A_2, %dma_start3A_27] : memref<320x1024xi32, #tpu.memory_space<hbm>> -> memref<10x1024xi32, #tpu.memory_space<hbm>>
      %dma_start3A_29 = arith.constant 0 : i32
      %dma_start3A_30 = tpu.memref_slice %arg4[%mul3A_2, %dma_start3A_29] : memref<320x1024xi32, #tpu.memory_space<hbm>> -> memref<10x1024xi32, #tpu.memory_space<hbm>>
      tpu.enqueue_dma source(%dma_start3A_30 : memref<10x1024xi32, #tpu.memory_space<hbm>>) target(%arg9 : memref<10x1024xi32, #tpu.memory_space<vmem>>) target_semaphore(%run_scoped3A : memref<!tpu.dma_semaphore, #tpu.memory_space<semaphore_mem>>)
      %dma_wait3A = arith.constant 0 : i32
      %dma_wait3A_31 = tpu.memref_slice %arg4[%mul3A_2, %dma_wait3A] : memref<320x1024xi32, #tpu.memory_space<hbm>> -> memref<10x1024xi32, #tpu.memory_space<hbm>>
      %dma_wait3A_32 = arith.constant 0 : i32
      %dma_wait3A_33 = tpu.memref_slice %arg4[%mul3A_2, %dma_wait3A_32] : memref<320x1024xi32, #tpu.memory_space<hbm>> -> memref<10x1024xi32, #tpu.memory_space<hbm>>
      tpu.wait_dma2 semaphore(%run_scoped3A : memref<!tpu.dma_semaphore, #tpu.memory_space<semaphore_mem>>) src(%dma_wait3A_33 : memref<10x1024xi32, #tpu.memory_space<hbm>>) dst(%arg9 : memref<10x1024xi32, #tpu.memory_space<vmem>>)
      tpu.yield
    }) : () -> ()
    "tpu.region"() ({
      %run_scoped3A = tpu.sem_alloc : memref<!tpu.dma_semaphore, #tpu.memory_space<semaphore_mem>>
      %dma_start3A_27 = arith.constant 0 : i32
      %dma_start3A_28 = tpu.memref_slice %arg5[%mul3A_2, %dma_start3A_27] : memref<320x1024xi32, #tpu.memory_space<hbm>> -> memref<10x1024xi32, #tpu.memory_space<hbm>>
      %dma_start3A_29 = arith.constant 0 : i32
      %dma_start3A_30 = tpu.memref_slice %arg5[%mul3A_2, %dma_start3A_29] : memref<320x1024xi32, #tpu.memory_space<hbm>> -> memref<10x1024xi32, #tpu.memory_space<hbm>>
      tpu.enqueue_dma source(%dma_start3A_30 : memref<10x1024xi32, #tpu.memory_space<hbm>>) target(%arg10 : memref<10x1024xi32, #tpu.memory_space<vmem>>) target_semaphore(%run_scoped3A : memref<!tpu.dma_semaphore, #tpu.memory_space<semaphore_mem>>)
      %dma_wait3A = arith.constant 0 : i32
      %dma_wait3A_31 = tpu.memref_slice %arg5[%mul3A_2, %dma_wait3A] : memref<320x1024xi32, #tpu.memory_space<hbm>> -> memref<10x1024xi32, #tpu.memory_space<hbm>>
      %dma_wait3A_32 = arith.constant 0 : i32
      %dma_wait3A_33 = tpu.memref_slice %arg5[%mul3A_2, %dma_wait3A_32] : memref<320x1024xi32, #tpu.memory_space<hbm>> -> memref<10x1024xi32, #tpu.memory_space<hbm>>
      tpu.wait_dma2 semaphore(%run_scoped3A : memref<!tpu.dma_semaphore, #tpu.memory_space<semaphore_mem>>) src(%dma_wait3A_33 : memref<10x1024xi32, #tpu.memory_space<hbm>>) dst(%arg10 : memref<10x1024xi32, #tpu.memory_space<vmem>>)
      tpu.yield
    }) : () -> ()
    %barrier3A = arith.constant 0 : index
    tpu.barrier barrier_id(%barrier3A)
    %dma_start3A = arith.constant 0 : i32
    %dma_start3A_7 = arith.constant 0 : i32
    %dma_start3A_8 = tpu.memref_slice %arg10[%dma_start3A, %dma_start3A_7] : memref<10x1024xi32, #tpu.memory_space<vmem>> -> memref<1x1024xi32, #tpu.memory_space<vmem>>
    %dma_start3A_9 = tpu.memref_squeeze %dma_start3A_8 : memref<1x1024xi32, #tpu.memory_space<vmem>> -> memref<1024xi32, #tpu.memory_space<vmem>>
    %dma_start3A_10 = arith.constant 0 : i32
    %dma_start3A_11 = arith.constant 0 : i32
    %dma_start3A_12 = tpu.memref_slice %arg2[%dma_start3A_10, %dma_start3A_11] : memref<10016x16xf32, #tpu.memory_space<hbm>> -> memref<10016x16xf32, #tpu.memory_space<hbm>>
    tpu.enqueue_indirect_dma source(%dma_start3A_12 : memref<10016x16xf32, #tpu.memory_space<hbm>>) target(%arg11 : memref<1024x16xf32, #tpu.memory_space<vmem>>) offsets(%dma_start3A_9 : memref<1024xi32, #tpu.memory_space<vmem>>) semaphore(%arg16 : memref<!tpu.dma_semaphore, #tpu.memory_space<semaphore_mem>>)
    %scan3A = arith.constant 0 : i32
    %scan3A_13 = arith.constant 0 : i32
    %scan3A_14 = arith.constant 64 : i32
    %scan3A_15 = arith.addi %scan3A_13, %scan3A_14 : i32
    %scan3A_16 = arith.constant 1 : i32
    scf.for %scan3A_27 = %scan3A_13 to %scan3A_15 step %scan3A_16  : i32 {
      %mul3A_28 = arith.constant 16 : i32
      %mul3A_29 = arith.muli %scan3A_27, %mul3A_28 : i32
      %get3A = arith.constant 0 : i32
      %get3A_30 = arith.index_cast %get3A : i32 to index
      %get3A_31 = arith.index_cast %mul3A_29 : i32 to index
      %get3A_32 = tpu.vector_load %arg9[%get3A_30, %get3A_31] {strides = array<i32>} : memref<10x1024xi32, #tpu.memory_space<vmem>>, vector<16xi32>,
      %gather3A = tpu.vector_load_idx %arg8[%get3A_32] : memref<10016xi32, #tpu.memory_space<vmem>>[vector<16xi32>], vector<16xi32>,
      %eq3A = arith.constant 512 : i32
      %eq3A_33 = vector.broadcast %eq3A : i32 to vector<16xi32>
      %eq3A_34 = arith.cmpi eq, %gather3A, %eq3A_33 : vector<16xi32>
      %and3A = arith.constant 1023 : i32
      %and3A_35 = vector.broadcast %and3A : i32 to vector<16xi32>
      %and3A_36 = arith.andi %get3A_32, %and3A_35 : vector<16xi32>
      %add3A_37 = arith.constant 512 : i32
      %add3A_38 = vector.broadcast %add3A_37 : i32 to vector<16xi32>
      %add3A_39 = arith.addi %add3A_38, %and3A_36 : vector<16xi32>
      %select_n3A = arith.select %eq3A_34, %add3A_39, %gather3A : vector<16xi1>, vector<16xi32>
      %mul3A_40 = arith.constant 16 : i32
      %mul3A_41 = arith.muli %scan3A_27, %mul3A_40 : i32
      %swap3A = arith.index_cast %mul3A_41 : i32 to index
      %swap3A_42 = tpu.vector_load %arg13[%swap3A] {strides = array<i32>} : memref<1024xi32, #tpu.memory_space<vmem>>, vector<16xi32>,
      tpu.vector_store %arg13[%swap3A], %select_n3A {strides = array<i32>} : memref<1024xi32, #tpu.memory_space<vmem>>, vector<16xi32>,
    }
    %scan3A_17 = arith.constant 64 : i32
    %scan3A_18 = arith.constant 0 : i32
    %scan3A_19 = arith.constant 0 : i32
    %scan3A_20 = arith.constant 5 : i32
    %scan3A_21 = arith.addi %scan3A_19, %scan3A_20 : i32
    %scan3A_22 = arith.constant 1 : i32
    scf.for %scan3A_27 = %scan3A_19 to %scan3A_21 step %scan3A_22  : i32 {
      %mul3A_28 = arith.constant 2 : i32
      %mul3A_29 = arith.muli %scan3A_27, %mul3A_28 : i32
      %add3A_30 = arith.constant 1 : i32
      %add3A_31 = arith.addi %mul3A_29, %add3A_30 : i32
      %dma_start3A_32 = arith.constant 0 : i32
      %dma_start3A_33 = tpu.memref_slice %arg10[%add3A_31, %dma_start3A_32] : memref<10x1024xi32, #tpu.memory_space<vmem>> -> memref<1x1024xi32, #tpu.memory_space<vmem>>
      %dma_start3A_34 = tpu.memref_squeeze %dma_start3A_33 : memref<1x1024xi32, #tpu.memory_space<vmem>> -> memref<1024xi32, #tpu.memory_space<vmem>>
      %dma_start3A_35 = arith.constant 0 : i32
      %dma_start3A_36 = arith.constant 0 : i32
      %dma_start3A_37 = tpu.memref_slice %arg2[%dma_start3A_35, %dma_start3A_36] : memref<10016x16xf32, #tpu.memory_space<hbm>> -> memref<10016x16xf32, #tpu.memory_space<hbm>>
      tpu.enqueue_indirect_dma source(%dma_start3A_37 : memref<10016x16xf32, #tpu.memory_space<hbm>>) target(%arg12 : memref<1024x16xf32, #tpu.memory_space<vmem>>) offsets(%dma_start3A_34 : memref<1024xi32, #tpu.memory_space<vmem>>) semaphore(%arg17 : memref<!tpu.dma_semaphore, #tpu.memory_space<semaphore_mem>>)
      %scan3A_38 = arith.constant 0 : i32
      %scan3A_39 = arith.constant 0 : i32
      %scan3A_40 = arith.constant 64 : i32
      %scan3A_41 = arith.addi %scan3A_39, %scan3A_40 : i32
      %scan3A_42 = arith.constant 1 : i32
      scf.for %scan3A_60 = %scan3A_39 to %scan3A_41 step %scan3A_42  : i32 {
        %mul3A_61 = arith.constant 16 : i32
        %mul3A_62 = arith.muli %scan3A_60, %mul3A_61 : i32
        %get3A = arith.index_cast %add3A_31 : i32 to index
        %get3A_63 = arith.index_cast %mul3A_62 : i32 to index
        %get3A_64 = tpu.vector_load %arg9[%get3A, %get3A_63] {strides = array<i32>} : memref<10x1024xi32, #tpu.memory_space<vmem>>, vector<16xi32>,
        %gather3A = tpu.vector_load_idx %arg8[%get3A_64] : memref<10016xi32, #tpu.memory_space<vmem>>[vector<16xi32>], vector<16xi32>,
        %eq3A = arith.constant 512 : i32
        %eq3A_65 = vector.broadcast %eq3A : i32 to vector<16xi32>
        %eq3A_66 = arith.cmpi eq, %gather3A, %eq3A_65 : vector<16xi32>
        %and3A = arith.constant 1023 : i32
        %and3A_67 = vector.broadcast %and3A : i32 to vector<16xi32>
        %and3A_68 = arith.andi %get3A_64, %and3A_67 : vector<16xi32>
        %add3A_69 = arith.constant 512 : i32
        %add3A_70 = vector.broadcast %add3A_69 : i32 to vector<16xi32>
        %add3A_71 = arith.addi %add3A_70, %and3A_68 : vector<16xi32>
        %select_n3A = arith.select %eq3A_66, %add3A_71, %gather3A : vector<16xi1>, vector<16xi32>
        %mul3A_72 = arith.constant 16 : i32
        %mul3A_73 = arith.muli %scan3A_60, %mul3A_72 : i32
        %swap3A = arith.index_cast %mul3A_73 : i32 to index
        %swap3A_74 = tpu.vector_load %arg14[%swap3A] {strides = array<i32>} : memref<1024xi32, #tpu.memory_space<vmem>>, vector<16xi32>,
        tpu.vector_store %arg14[%swap3A], %select_n3A {strides = array<i32>} : memref<1024xi32, #tpu.memory_space<vmem>>, vector<16xi32>,
      }
      %scan3A_43 = arith.constant 64 : i32
      %dma_wait3A = arith.constant 0 : i32
      %dma_wait3A_44 = tpu.memref_slice %arg10[%mul3A_29, %dma_wait3A] : memref<10x1024xi32, #tpu.memory_space<vmem>> -> memref<1x1024xi32, #tpu.memory_space<vmem>>
      %dma_wait3A_45 = tpu.memref_squeeze %dma_wait3A_44 : memref<1x1024xi32, #tpu.memory_space<vmem>> -> memref<1024xi32, #tpu.memory_space<vmem>>
      %dma_wait3A_46 = arith.constant 0 : i32
      %dma_wait3A_47 = arith.constant 0 : i32
      %dma_wait3A_48 = tpu.memref_slice %arg2[%dma_wait3A_46, %dma_wait3A_47] : memref<10016x16xf32, #tpu.memory_space<hbm>> -> memref<10016x16xf32, #tpu.memory_space<hbm>>
      tpu.wait_indirect_dma semaphore(%arg16 : memref<!tpu.dma_semaphore, #tpu.memory_space<semaphore_mem>>) src(%dma_wait3A_48 : memref<10016x16xf32, #tpu.memory_space<hbm>>) dst(%arg11 : memref<1024x16xf32, #tpu.memory_space<vmem>>)
      "tpu.region"() ({
        %run_scoped3A = tpu.sem_alloc : memref<!tpu.dma_semaphore, #tpu.memory_space<semaphore_mem>>
        %dma_start3A_60 = arith.constant 0 : i32
        %dma_start3A_61 = arith.constant 0 : i32
        %dma_start3A_62 = tpu.memref_slice %arg15[%dma_start3A_60, %dma_start3A_61] : memref<1552x16xf32, #tpu.memory_space<vmem_shared>> -> memref<1552x16xf32, #tpu.memory_space<vmem_shared>>
        tpu.enqueue_indirect_dma source(%arg11 : memref<1024x16xf32, #tpu.memory_space<vmem>>) target(%dma_start3A_62 : memref<1552x16xf32, #tpu.memory_space<vmem_shared>>) offsets(%arg13 : memref<1024xi32, #tpu.memory_space<vmem>>) semaphore(%run_scoped3A : memref<!tpu.dma_semaphore, #tpu.memory_space<semaphore_mem>>) {add = true}
        %dma_wait3A_63 = arith.constant 0 : i32
        %dma_wait3A_64 = arith.constant 0 : i32
        %dma_wait3A_65 = tpu.memref_slice %arg15[%dma_wait3A_63, %dma_wait3A_64] : memref<1552x16xf32, #tpu.memory_space<vmem_shared>> -> memref<1552x16xf32, #tpu.memory_space<vmem_shared>>
        tpu.wait_indirect_dma semaphore(%run_scoped3A : memref<!tpu.dma_semaphore, #tpu.memory_space<semaphore_mem>>) src(%arg11 : memref<1024x16xf32, #tpu.memory_space<vmem>>) dst(%dma_wait3A_65 : memref<1552x16xf32, #tpu.memory_space<vmem_shared>>)
        tpu.yield
      }) : () -> ()
      %lt3A_49 = arith.constant 4 : i32
      %lt3A_50 = arith.cmpi slt, %scan3A_27, %lt3A_49 : i32
      %convert_element_type3A_51 = arith.extui %lt3A_50 : i1 to i32
      %cond3A_52 = arith.constant 0 : i32
      %cond3A_53 = arith.cmpi ne, %convert_element_type3A_51, %cond3A_52 : i32
      scf.if %cond3A_53 {
        %add3A_60 = arith.constant 2 : i32
        %add3A_61 = arith.addi %mul3A_29, %add3A_60 : i32
        %dma_start3A_62 = arith.constant 0 : i32
        %dma_start3A_63 = tpu.memref_slice %arg10[%add3A_61, %dma_start3A_62] : memref<10x1024xi32, #tpu.memory_space<vmem>> -> memref<1x1024xi32, #tpu.memory_space<vmem>>
        %dma_start3A_64 = tpu.memref_squeeze %dma_start3A_63 : memref<1x1024xi32, #tpu.memory_space<vmem>> -> memref<1024xi32, #tpu.memory_space<vmem>>
        %dma_start3A_65 = arith.constant 0 : i32
        %dma_start3A_66 = arith.constant 0 : i32
        %dma_start3A_67 = tpu.memref_slice %arg2[%dma_start3A_65, %dma_start3A_66] : memref<10016x16xf32, #tpu.memory_space<hbm>> -> memref<10016x16xf32, #tpu.memory_space<hbm>>
        tpu.enqueue_indirect_dma source(%dma_start3A_67 : memref<10016x16xf32, #tpu.memory_space<hbm>>) target(%arg11 : memref<1024x16xf32, #tpu.memory_space<vmem>>) offsets(%dma_start3A_64 : memref<1024xi32, #tpu.memory_space<vmem>>) semaphore(%arg16 : memref<!tpu.dma_semaphore, #tpu.memory_space<semaphore_mem>>)
        %scan3A_68 = arith.constant 0 : i32
        %scan3A_69 = arith.constant 0 : i32
        %scan3A_70 = arith.constant 64 : i32
        %scan3A_71 = arith.addi %scan3A_69, %scan3A_70 : i32
        %scan3A_72 = arith.constant 1 : i32
        scf.for %scan3A_74 = %scan3A_69 to %scan3A_71 step %scan3A_72  : i32 {
          %mul3A_75 = arith.constant 16 : i32
          %mul3A_76 = arith.muli %scan3A_74, %mul3A_75 : i32
          %get3A = arith.index_cast %add3A_61 : i32 to index
          %get3A_77 = arith.index_cast %mul3A_76 : i32 to index
          %get3A_78 = tpu.vector_load %arg9[%get3A, %get3A_77] {strides = array<i32>} : memref<10x1024xi32, #tpu.memory_space<vmem>>, vector<16xi32>,
          %gather3A = tpu.vector_load_idx %arg8[%get3A_78] : memref<10016xi32, #tpu.memory_space<vmem>>[vector<16xi32>], vector<16xi32>,
          %eq3A = arith.constant 512 : i32
          %eq3A_79 = vector.broadcast %eq3A : i32 to vector<16xi32>
          %eq3A_80 = arith.cmpi eq, %gather3A, %eq3A_79 : vector<16xi32>
          %and3A = arith.constant 1023 : i32
          %and3A_81 = vector.broadcast %and3A : i32 to vector<16xi32>
          %and3A_82 = arith.andi %get3A_78, %and3A_81 : vector<16xi32>
          %add3A_83 = arith.constant 512 : i32
          %add3A_84 = vector.broadcast %add3A_83 : i32 to vector<16xi32>
          %add3A_85 = arith.addi %add3A_84, %and3A_82 : vector<16xi32>
          %select_n3A = arith.select %eq3A_80, %add3A_85, %gather3A : vector<16xi1>, vector<16xi32>
          %mul3A_86 = arith.constant 16 : i32
          %mul3A_87 = arith.muli %scan3A_74, %mul3A_86 : i32
          %swap3A = arith.index_cast %mul3A_87 : i32 to index
          %swap3A_88 = tpu.vector_load %arg13[%swap3A] {strides = array<i32>} : memref<1024xi32, #tpu.memory_space<vmem>>, vector<16xi32>,
          tpu.vector_store %arg13[%swap3A], %select_n3A {strides = array<i32>} : memref<1024xi32, #tpu.memory_space<vmem>>, vector<16xi32>,
        }
        %scan3A_73 = arith.constant 64 : i32
      } else {
      }
      %dma_wait3A_54 = arith.constant 0 : i32
      %dma_wait3A_55 = tpu.memref_slice %arg10[%add3A_31, %dma_wait3A_54] : memref<10x1024xi32, #tpu.memory_space<vmem>> -> memref<1x1024xi32, #tpu.memory_space<vmem>>
      %dma_wait3A_56 = tpu.memref_squeeze %dma_wait3A_55 : memref<1x1024xi32, #tpu.memory_space<vmem>> -> memref<1024xi32, #tpu.memory_space<vmem>>
      %dma_wait3A_57 = arith.constant 0 : i32
      %dma_wait3A_58 = arith.constant 0 : i32
      %dma_wait3A_59 = tpu.memref_slice %arg2[%dma_wait3A_57, %dma_wait3A_58] : memref<10016x16xf32, #tpu.memory_space<hbm>> -> memref<10016x16xf32, #tpu.memory_space<hbm>>
      tpu.wait_indirect_dma semaphore(%arg17 : memref<!tpu.dma_semaphore, #tpu.memory_space<semaphore_mem>>) src(%dma_wait3A_59 : memref<10016x16xf32, #tpu.memory_space<hbm>>) dst(%arg12 : memref<1024x16xf32, #tpu.memory_space<vmem>>)
      "tpu.region"() ({
        %run_scoped3A = tpu.sem_alloc : memref<!tpu.dma_semaphore, #tpu.memory_space<semaphore_mem>>
        %dma_start3A_60 = arith.constant 0 : i32
        %dma_start3A_61 = arith.constant 0 : i32
        %dma_start3A_62 = tpu.memref_slice %arg15[%dma_start3A_60, %dma_start3A_61] : memref<1552x16xf32, #tpu.memory_space<vmem_shared>> -> memref<1552x16xf32, #tpu.memory_space<vmem_shared>>
        tpu.enqueue_indirect_dma source(%arg12 : memref<1024x16xf32, #tpu.memory_space<vmem>>) target(%dma_start3A_62 : memref<1552x16xf32, #tpu.memory_space<vmem_shared>>) offsets(%arg14 : memref<1024xi32, #tpu.memory_space<vmem>>) semaphore(%run_scoped3A : memref<!tpu.dma_semaphore, #tpu.memory_space<semaphore_mem>>) {add = true}
        %dma_wait3A_63 = arith.constant 0 : i32
        %dma_wait3A_64 = arith.constant 0 : i32
        %dma_wait3A_65 = tpu.memref_slice %arg15[%dma_wait3A_63, %dma_wait3A_64] : memref<1552x16xf32, #tpu.memory_space<vmem_shared>> -> memref<1552x16xf32, #tpu.memory_space<vmem_shared>>
        tpu.wait_indirect_dma semaphore(%run_scoped3A : memref<!tpu.dma_semaphore, #tpu.memory_space<semaphore_mem>>) src(%arg12 : memref<1024x16xf32, #tpu.memory_space<vmem>>) dst(%dma_wait3A_65 : memref<1552x16xf32, #tpu.memory_space<vmem_shared>>)
        tpu.yield
      }) : () -> ()
    }
    %scan3A_23 = arith.constant 5 : i32
    %barrier3A_24 = arith.constant 0 : index
    tpu.barrier barrier_id(%barrier3A_24)
    %lt3A = arith.constant 13 : i32
    %lt3A_25 = arith.cmpi slt, %arg1, %lt3A : i32
    %convert_element_type3A = arith.extui %lt3A_25 : i1 to i32
    %cond3A = arith.constant 0 : i32
    %cond3A_26 = arith.cmpi ne, %convert_element_type3A, %cond3A : i32
    scf.if %cond3A_26 {
      %mul3A_27 = arith.constant 40 : i32
      %mul3A_28 = arith.muli %arg1, %mul3A_27 : i32
      %mul3A_29 = arith.constant 40 : i32
      %mul3A_30 = arith.muli %arg1, %mul3A_29 : i32
      "tpu.region"() ({
        %run_scoped3A = tpu.sem_alloc : memref<!tpu.dma_semaphore, #tpu.memory_space<semaphore_mem>>
        %dma_start3A_31 = arith.constant 0 : i32
        %dma_start3A_32 = tpu.memref_slice %arg7[%arg0, %mul3A_30, %dma_start3A_31] : memref<2x520x16xf32, #tpu.memory_space<hbm>> -> memref<1x40x16xf32, #tpu.memory_space<hbm>>
        %dma_start3A_33 = tpu.memref_squeeze %dma_start3A_32 : memref<1x40x16xf32, #tpu.memory_space<hbm>> -> memref<40x16xf32, #tpu.memory_space<hbm>>
        %dma_start3A_34 = arith.constant 0 : i32
        %dma_start3A_35 = tpu.memref_slice %arg15[%mul3A_28, %dma_start3A_34] : memref<1552x16xf32, #tpu.memory_space<vmem_shared>> -> memref<40x16xf32, #tpu.memory_space<vmem_shared>>
        tpu.enqueue_dma source(%dma_start3A_35 : memref<40x16xf32, #tpu.memory_space<vmem_shared>>) target(%dma_start3A_33 : memref<40x16xf32, #tpu.memory_space<hbm>>) target_semaphore(%run_scoped3A : memref<!tpu.dma_semaphore, #tpu.memory_space<semaphore_mem>>)
        %dma_wait3A = arith.constant 0 : i32
        %dma_wait3A_36 = tpu.memref_slice %arg7[%arg0, %mul3A_30, %dma_wait3A] : memref<2x520x16xf32, #tpu.memory_space<hbm>> -> memref<1x40x16xf32, #tpu.memory_space<hbm>>
        %dma_wait3A_37 = tpu.memref_squeeze %dma_wait3A_36 : memref<1x40x16xf32, #tpu.memory_space<hbm>> -> memref<40x16xf32, #tpu.memory_space<hbm>>
        %dma_wait3A_38 = arith.constant 0 : i32
        %dma_wait3A_39 = tpu.memref_slice %arg15[%mul3A_28, %dma_wait3A_38] : memref<1552x16xf32, #tpu.memory_space<vmem_shared>> -> memref<40x16xf32, #tpu.memory_space<vmem_shared>>
        tpu.wait_dma2 semaphore(%run_scoped3A : memref<!tpu.dma_semaphore, #tpu.memory_space<semaphore_mem>>) src(%dma_wait3A_39 : memref<40x16xf32, #tpu.memory_space<vmem_shared>>) dst(%dma_wait3A_37 : memref<40x16xf32, #tpu.memory_space<hbm>>)
        tpu.yield
      }) : () -> ()
    } else {
    }
    return
  }
}

#map = affine_map<(d0, d1) -> (0, 0)>
#map1 = affine_map<(d0, d1) -> (0, 0, 0)>
module attributes {stable_mosaic.version = 14 : i64} {
  func.func @_sc_stage_a(%arg0: i32, %arg1: i32, %arg2: memref<10016x16xf32, #tpu.memory_space<hbm>>, %arg3: memref<327680x16xf32, #tpu.memory_space<hbm>>, %arg4: memref<320x1024xi32, #tpu.memory_space<hbm>>, %arg5: memref<320x1024xi32, #tpu.memory_space<hbm>>, %arg6: memref<10016x16xf32, #tpu.memory_space<hbm>>, %arg7: memref<2x10016x16xf32, #tpu.memory_space<hbm>>, %arg8: memref<10x1024xi32, #tpu.memory_space<vmem>>, %arg9: memref<10x1024xi32, #tpu.memory_space<vmem>>, %arg10: memref<1024x16xf32, #tpu.memory_space<vmem>>, %arg11: memref<1024x16xf32, #tpu.memory_space<vmem>>, %arg12: memref<1024x16xf32, #tpu.memory_space<vmem>>, %arg13: memref<1024x16xf32, #tpu.memory_space<vmem>>, %arg14: memref<10016x16xf32, #tpu.memory_space<vmem_shared>>, %arg15: memref<!tpu.dma_semaphore, #tpu.memory_space<semaphore_mem>>, %arg16: memref<!tpu.dma_semaphore, #tpu.memory_space<semaphore_mem>>, %arg17: memref<!tpu.dma_semaphore, #tpu.memory_space<semaphore_mem>>, %arg18: memref<!tpu.dma_semaphore, #tpu.memory_space<semaphore_mem>>) attributes {dimension_semantics = [#tpu.dimension_semantics<core_parallel>, #tpu.dimension_semantics<subcore_parallel>], iteration_bounds = array<i64: 2, 16>, scalar_prefetch = 0 : i64, scratch_operands = 11 : i64, tpu.core_type = #tpu.core_type<sc_vector_subcore>, window_params = [{transform_indices = #map}, {transform_indices = #map}, {transform_indices = #map}, {transform_indices = #map}, {transform_indices = #map}, {transform_indices = #map1}]} {
    %mul3A = arith.constant 2 : i32
    %mul3A_0 = arith.muli %arg1, %mul3A : i32
    %add3A = arith.addi %mul3A_0, %arg0 : i32
    %mul3A_1 = arith.constant 10 : i32
    %mul3A_2 = arith.muli %add3A, %mul3A_1 : i32
    %mul3A_3 = arith.constant 10240 : i32
    %mul3A_4 = arith.muli %add3A, %mul3A_3 : i32
    %mul3A_5 = arith.constant 626 : i32
    %mul3A_6 = arith.muli %arg1, %mul3A_5 : i32
    %mul3A_7 = arith.constant 626 : i32
    %mul3A_8 = arith.muli %arg1, %mul3A_7 : i32
    "tpu.region"() ({
      %run_scoped3A = tpu.sem_alloc : memref<!tpu.dma_semaphore, #tpu.memory_space<semaphore_mem>>
      %dma_start3A_31 = arith.constant 0 : i32
      %dma_start3A_32 = tpu.memref_slice %arg14[%mul3A_8, %dma_start3A_31] : memref<10016x16xf32, #tpu.memory_space<vmem_shared>> -> memref<626x16xf32, #tpu.memory_space<vmem_shared>>
      %dma_start3A_33 = arith.constant 0 : i32
      %dma_start3A_34 = tpu.memref_slice %arg6[%mul3A_6, %dma_start3A_33] : memref<10016x16xf32, #tpu.memory_space<hbm>> -> memref<626x16xf32, #tpu.memory_space<hbm>>
      tpu.enqueue_dma source(%dma_start3A_34 : memref<626x16xf32, #tpu.memory_space<hbm>>) target(%dma_start3A_32 : memref<626x16xf32, #tpu.memory_space<vmem_shared>>) target_semaphore(%run_scoped3A : memref<!tpu.dma_semaphore, #tpu.memory_space<semaphore_mem>>)
      %dma_wait3A = arith.constant 0 : i32
      %dma_wait3A_35 = tpu.memref_slice %arg14[%mul3A_8, %dma_wait3A] : memref<10016x16xf32, #tpu.memory_space<vmem_shared>> -> memref<626x16xf32, #tpu.memory_space<vmem_shared>>
      %dma_wait3A_36 = arith.constant 0 : i32
      %dma_wait3A_37 = tpu.memref_slice %arg6[%mul3A_6, %dma_wait3A_36] : memref<10016x16xf32, #tpu.memory_space<hbm>> -> memref<626x16xf32, #tpu.memory_space<hbm>>
      tpu.wait_dma2 semaphore(%run_scoped3A : memref<!tpu.dma_semaphore, #tpu.memory_space<semaphore_mem>>) src(%dma_wait3A_37 : memref<626x16xf32, #tpu.memory_space<hbm>>) dst(%dma_wait3A_35 : memref<626x16xf32, #tpu.memory_space<vmem_shared>>)
      tpu.yield
    }) : () -> ()
    "tpu.region"() ({
      %run_scoped3A = tpu.sem_alloc : memref<!tpu.dma_semaphore, #tpu.memory_space<semaphore_mem>>
      %dma_start3A_31 = arith.constant 0 : i32
      %dma_start3A_32 = tpu.memref_slice %arg4[%mul3A_2, %dma_start3A_31] : memref<320x1024xi32, #tpu.memory_space<hbm>> -> memref<10x1024xi32, #tpu.memory_space<hbm>>
      %dma_start3A_33 = arith.constant 0 : i32
      %dma_start3A_34 = tpu.memref_slice %arg4[%mul3A_2, %dma_start3A_33] : memref<320x1024xi32, #tpu.memory_space<hbm>> -> memref<10x1024xi32, #tpu.memory_space<hbm>>
      tpu.enqueue_dma source(%dma_start3A_34 : memref<10x1024xi32, #tpu.memory_space<hbm>>) target(%arg8 : memref<10x1024xi32, #tpu.memory_space<vmem>>) target_semaphore(%run_scoped3A : memref<!tpu.dma_semaphore, #tpu.memory_space<semaphore_mem>>)
      %dma_wait3A = arith.constant 0 : i32
      %dma_wait3A_35 = tpu.memref_slice %arg4[%mul3A_2, %dma_wait3A] : memref<320x1024xi32, #tpu.memory_space<hbm>> -> memref<10x1024xi32, #tpu.memory_space<hbm>>
      %dma_wait3A_36 = arith.constant 0 : i32
      %dma_wait3A_37 = tpu.memref_slice %arg4[%mul3A_2, %dma_wait3A_36] : memref<320x1024xi32, #tpu.memory_space<hbm>> -> memref<10x1024xi32, #tpu.memory_space<hbm>>
      tpu.wait_dma2 semaphore(%run_scoped3A : memref<!tpu.dma_semaphore, #tpu.memory_space<semaphore_mem>>) src(%dma_wait3A_37 : memref<10x1024xi32, #tpu.memory_space<hbm>>) dst(%arg8 : memref<10x1024xi32, #tpu.memory_space<vmem>>)
      tpu.yield
    }) : () -> ()
    "tpu.region"() ({
      %run_scoped3A = tpu.sem_alloc : memref<!tpu.dma_semaphore, #tpu.memory_space<semaphore_mem>>
      %dma_start3A_31 = arith.constant 0 : i32
      %dma_start3A_32 = tpu.memref_slice %arg5[%mul3A_2, %dma_start3A_31] : memref<320x1024xi32, #tpu.memory_space<hbm>> -> memref<10x1024xi32, #tpu.memory_space<hbm>>
      %dma_start3A_33 = arith.constant 0 : i32
      %dma_start3A_34 = tpu.memref_slice %arg5[%mul3A_2, %dma_start3A_33] : memref<320x1024xi32, #tpu.memory_space<hbm>> -> memref<10x1024xi32, #tpu.memory_space<hbm>>
      tpu.enqueue_dma source(%dma_start3A_34 : memref<10x1024xi32, #tpu.memory_space<hbm>>) target(%arg9 : memref<10x1024xi32, #tpu.memory_space<vmem>>) target_semaphore(%run_scoped3A : memref<!tpu.dma_semaphore, #tpu.memory_space<semaphore_mem>>)
      %dma_wait3A = arith.constant 0 : i32
      %dma_wait3A_35 = tpu.memref_slice %arg5[%mul3A_2, %dma_wait3A] : memref<320x1024xi32, #tpu.memory_space<hbm>> -> memref<10x1024xi32, #tpu.memory_space<hbm>>
      %dma_wait3A_36 = arith.constant 0 : i32
      %dma_wait3A_37 = tpu.memref_slice %arg5[%mul3A_2, %dma_wait3A_36] : memref<320x1024xi32, #tpu.memory_space<hbm>> -> memref<10x1024xi32, #tpu.memory_space<hbm>>
      tpu.wait_dma2 semaphore(%run_scoped3A : memref<!tpu.dma_semaphore, #tpu.memory_space<semaphore_mem>>) src(%dma_wait3A_37 : memref<10x1024xi32, #tpu.memory_space<hbm>>) dst(%arg9 : memref<10x1024xi32, #tpu.memory_space<vmem>>)
      tpu.yield
    }) : () -> ()
    %barrier3A = arith.constant 0 : index
    tpu.barrier barrier_id(%barrier3A)
    %dma_start3A = arith.constant 0 : i32
    %dma_start3A_9 = arith.constant 0 : i32
    %dma_start3A_10 = tpu.memref_slice %arg8[%dma_start3A, %dma_start3A_9] : memref<10x1024xi32, #tpu.memory_space<vmem>> -> memref<1x1024xi32, #tpu.memory_space<vmem>>
    %dma_start3A_11 = tpu.memref_squeeze %dma_start3A_10 : memref<1x1024xi32, #tpu.memory_space<vmem>> -> memref<1024xi32, #tpu.memory_space<vmem>>
    %dma_start3A_12 = arith.constant 0 : i32
    %dma_start3A_13 = arith.constant 0 : i32
    %dma_start3A_14 = tpu.memref_slice %arg2[%dma_start3A_12, %dma_start3A_13] : memref<10016x16xf32, #tpu.memory_space<hbm>> -> memref<10016x16xf32, #tpu.memory_space<hbm>>
    tpu.enqueue_indirect_dma source(%dma_start3A_14 : memref<10016x16xf32, #tpu.memory_space<hbm>>) target(%arg10 : memref<1024x16xf32, #tpu.memory_space<vmem>>) offsets(%dma_start3A_11 : memref<1024xi32, #tpu.memory_space<vmem>>) semaphore(%arg15 : memref<!tpu.dma_semaphore, #tpu.memory_space<semaphore_mem>>)
    %add3A_15 = arith.constant 0 : i32
    %add3A_16 = arith.addi %mul3A_4, %add3A_15 : i32
    %dma_start3A_17 = arith.constant 0 : i32
    %dma_start3A_18 = tpu.memref_slice %arg3[%add3A_16, %dma_start3A_17] : memref<327680x16xf32, #tpu.memory_space<hbm>> -> memref<1024x16xf32, #tpu.memory_space<hbm>>
    %dma_start3A_19 = arith.constant 0 : i32
    %dma_start3A_20 = tpu.memref_slice %arg3[%add3A_16, %dma_start3A_19] : memref<327680x16xf32, #tpu.memory_space<hbm>> -> memref<1024x16xf32, #tpu.memory_space<hbm>>
    tpu.enqueue_dma source(%dma_start3A_20 : memref<1024x16xf32, #tpu.memory_space<hbm>>) target(%arg12 : memref<1024x16xf32, #tpu.memory_space<vmem>>) target_semaphore(%arg17 : memref<!tpu.dma_semaphore, #tpu.memory_space<semaphore_mem>>)
    %scan3A = arith.constant 0 : i32
    %scan3A_21 = arith.constant 0 : i32
    %scan3A_22 = arith.constant 5 : i32
    %scan3A_23 = arith.addi %scan3A_21, %scan3A_22 : i32
    %scan3A_24 = arith.constant 1 : i32
    scf.for %scan3A_31 = %scan3A_21 to %scan3A_23 step %scan3A_24  : i32 {
      %mul3A_32 = arith.constant 2 : i32
      %mul3A_33 = arith.muli %scan3A_31, %mul3A_32 : i32
      %add3A_34 = arith.constant 1 : i32
      %add3A_35 = arith.addi %mul3A_33, %add3A_34 : i32
      %dma_start3A_36 = arith.constant 0 : i32
      %dma_start3A_37 = tpu.memref_slice %arg8[%add3A_35, %dma_start3A_36] : memref<10x1024xi32, #tpu.memory_space<vmem>> -> memref<1x1024xi32, #tpu.memory_space<vmem>>
      %dma_start3A_38 = tpu.memref_squeeze %dma_start3A_37 : memref<1x1024xi32, #tpu.memory_space<vmem>> -> memref<1024xi32, #tpu.memory_space<vmem>>
      %dma_start3A_39 = arith.constant 0 : i32
      %dma_start3A_40 = arith.constant 0 : i32
      %dma_start3A_41 = tpu.memref_slice %arg2[%dma_start3A_39, %dma_start3A_40] : memref<10016x16xf32, #tpu.memory_space<hbm>> -> memref<10016x16xf32, #tpu.memory_space<hbm>>
      tpu.enqueue_indirect_dma source(%dma_start3A_41 : memref<10016x16xf32, #tpu.memory_space<hbm>>) target(%arg11 : memref<1024x16xf32, #tpu.memory_space<vmem>>) offsets(%dma_start3A_38 : memref<1024xi32, #tpu.memory_space<vmem>>) semaphore(%arg16 : memref<!tpu.dma_semaphore, #tpu.memory_space<semaphore_mem>>)
      %mul3A_42 = arith.constant 1024 : i32
      %mul3A_43 = arith.muli %add3A_35, %mul3A_42 : i32
      %add3A_44 = arith.addi %mul3A_4, %mul3A_43 : i32
      %dma_start3A_45 = arith.constant 0 : i32
      %dma_start3A_46 = tpu.memref_slice %arg3[%add3A_44, %dma_start3A_45] : memref<327680x16xf32, #tpu.memory_space<hbm>> -> memref<1024x16xf32, #tpu.memory_space<hbm>>
      %dma_start3A_47 = arith.constant 0 : i32
      %dma_start3A_48 = tpu.memref_slice %arg3[%add3A_44, %dma_start3A_47] : memref<327680x16xf32, #tpu.memory_space<hbm>> -> memref<1024x16xf32, #tpu.memory_space<hbm>>
      tpu.enqueue_dma source(%dma_start3A_48 : memref<1024x16xf32, #tpu.memory_space<hbm>>) target(%arg13 : memref<1024x16xf32, #tpu.memory_space<vmem>>) target_semaphore(%arg18 : memref<!tpu.dma_semaphore, #tpu.memory_space<semaphore_mem>>)
      %dma_wait3A = arith.constant 0 : i32
      %dma_wait3A_49 = tpu.memref_slice %arg8[%mul3A_33, %dma_wait3A] : memref<10x1024xi32, #tpu.memory_space<vmem>> -> memref<1x1024xi32, #tpu.memory_space<vmem>>
      %dma_wait3A_50 = tpu.memref_squeeze %dma_wait3A_49 : memref<1x1024xi32, #tpu.memory_space<vmem>> -> memref<1024xi32, #tpu.memory_space<vmem>>
      %dma_wait3A_51 = arith.constant 0 : i32
      %dma_wait3A_52 = arith.constant 0 : i32
      %dma_wait3A_53 = tpu.memref_slice %arg2[%dma_wait3A_51, %dma_wait3A_52] : memref<10016x16xf32, #tpu.memory_space<hbm>> -> memref<10016x16xf32, #tpu.memory_space<hbm>>
      tpu.wait_indirect_dma semaphore(%arg15 : memref<!tpu.dma_semaphore, #tpu.memory_space<semaphore_mem>>) src(%dma_wait3A_53 : memref<10016x16xf32, #tpu.memory_space<hbm>>) dst(%arg10 : memref<1024x16xf32, #tpu.memory_space<vmem>>)
      %mul3A_54 = arith.constant 1024 : i32
      %mul3A_55 = arith.muli %mul3A_33, %mul3A_54 : i32
      %add3A_56 = arith.addi %mul3A_4, %mul3A_55 : i32
      %dma_wait3A_57 = arith.constant 0 : i32
      %dma_wait3A_58 = tpu.memref_slice %arg3[%add3A_56, %dma_wait3A_57] : memref<327680x16xf32, #tpu.memory_space<hbm>> -> memref<1024x16xf32, #tpu.memory_space<hbm>>
      %dma_wait3A_59 = arith.constant 0 : i32
      %dma_wait3A_60 = tpu.memref_slice %arg3[%add3A_56, %dma_wait3A_59] : memref<327680x16xf32, #tpu.memory_space<hbm>> -> memref<1024x16xf32, #tpu.memory_space<hbm>>
      tpu.wait_dma2 semaphore(%arg17 : memref<!tpu.dma_semaphore, #tpu.memory_space<semaphore_mem>>) src(%dma_wait3A_60 : memref<1024x16xf32, #tpu.memory_space<hbm>>) dst(%arg12 : memref<1024x16xf32, #tpu.memory_space<vmem>>)
      "tpu.region"() ({
        %run_scoped3A = tpu.sem_alloc : memref<!tpu.dma_semaphore, #tpu.memory_space<semaphore_mem>>
        %dma_start3A_76 = arith.constant 0 : i32
        %dma_start3A_77 = tpu.memref_slice %arg9[%mul3A_33, %dma_start3A_76] : memref<10x1024xi32, #tpu.memory_space<vmem>> -> memref<1x1024xi32, #tpu.memory_space<vmem>>
        %dma_start3A_78 = tpu.memref_squeeze %dma_start3A_77 : memref<1x1024xi32, #tpu.memory_space<vmem>> -> memref<1024xi32, #tpu.memory_space<vmem>>
        %dma_start3A_79 = arith.constant 0 : i32
        %dma_start3A_80 = arith.constant 0 : i32
        %dma_start3A_81 = tpu.memref_slice %arg14[%dma_start3A_79, %dma_start3A_80] : memref<10016x16xf32, #tpu.memory_space<vmem_shared>> -> memref<10016x16xf32, #tpu.memory_space<vmem_shared>>
        tpu.enqueue_indirect_dma source(%arg10 : memref<1024x16xf32, #tpu.memory_space<vmem>>) target(%dma_start3A_81 : memref<10016x16xf32, #tpu.memory_space<vmem_shared>>) offsets(%dma_start3A_78 : memref<1024xi32, #tpu.memory_space<vmem>>) semaphore(%run_scoped3A : memref<!tpu.dma_semaphore, #tpu.memory_space<semaphore_mem>>) {add = true}
        %dma_wait3A_82 = arith.constant 0 : i32
        %dma_wait3A_83 = tpu.memref_slice %arg9[%mul3A_33, %dma_wait3A_82] : memref<10x1024xi32, #tpu.memory_space<vmem>> -> memref<1x1024xi32, #tpu.memory_space<vmem>>
        %dma_wait3A_84 = tpu.memref_squeeze %dma_wait3A_83 : memref<1x1024xi32, #tpu.memory_space<vmem>> -> memref<1024xi32, #tpu.memory_space<vmem>>
        %dma_wait3A_85 = arith.constant 0 : i32
        %dma_wait3A_86 = arith.constant 0 : i32
        %dma_wait3A_87 = tpu.memref_slice %arg14[%dma_wait3A_85, %dma_wait3A_86] : memref<10016x16xf32, #tpu.memory_space<vmem_shared>> -> memref<10016x16xf32, #tpu.memory_space<vmem_shared>>
        tpu.wait_indirect_dma semaphore(%run_scoped3A : memref<!tpu.dma_semaphore, #tpu.memory_space<semaphore_mem>>) src(%arg10 : memref<1024x16xf32, #tpu.memory_space<vmem>>) dst(%dma_wait3A_87 : memref<10016x16xf32, #tpu.memory_space<vmem_shared>>)
        tpu.yield
      }) : () -> ()
      "tpu.region"() ({
        %run_scoped3A = tpu.sem_alloc : memref<!tpu.dma_semaphore, #tpu.memory_space<semaphore_mem>>
        %dma_start3A_76 = arith.constant 0 : i32
        %dma_start3A_77 = tpu.memref_slice %arg9[%mul3A_33, %dma_start3A_76] : memref<10x1024xi32, #tpu.memory_space<vmem>> -> memref<1x1024xi32, #tpu.memory_space<vmem>>
        %dma_start3A_78 = tpu.memref_squeeze %dma_start3A_77 : memref<1x1024xi32, #tpu.memory_space<vmem>> -> memref<1024xi32, #tpu.memory_space<vmem>>
        %dma_start3A_79 = arith.constant 0 : i32
        %dma_start3A_80 = arith.constant 0 : i32
        %dma_start3A_81 = tpu.memref_slice %arg14[%dma_start3A_79, %dma_start3A_80] : memref<10016x16xf32, #tpu.memory_space<vmem_shared>> -> memref<10016x16xf32, #tpu.memory_space<vmem_shared>>
        tpu.enqueue_indirect_dma source(%arg12 : memref<1024x16xf32, #tpu.memory_space<vmem>>) target(%dma_start3A_81 : memref<10016x16xf32, #tpu.memory_space<vmem_shared>>) offsets(%dma_start3A_78 : memref<1024xi32, #tpu.memory_space<vmem>>) semaphore(%run_scoped3A : memref<!tpu.dma_semaphore, #tpu.memory_space<semaphore_mem>>) {add = true}
        %dma_wait3A_82 = arith.constant 0 : i32
        %dma_wait3A_83 = tpu.memref_slice %arg9[%mul3A_33, %dma_wait3A_82] : memref<10x1024xi32, #tpu.memory_space<vmem>> -> memref<1x1024xi32, #tpu.memory_space<vmem>>
        %dma_wait3A_84 = tpu.memref_squeeze %dma_wait3A_83 : memref<1x1024xi32, #tpu.memory_space<vmem>> -> memref<1024xi32, #tpu.memory_space<vmem>>
        %dma_wait3A_85 = arith.constant 0 : i32
        %dma_wait3A_86 = arith.constant 0 : i32
        %dma_wait3A_87 = tpu.memref_slice %arg14[%dma_wait3A_85, %dma_wait3A_86] : memref<10016x16xf32, #tpu.memory_space<vmem_shared>> -> memref<10016x16xf32, #tpu.memory_space<vmem_shared>>
        tpu.wait_indirect_dma semaphore(%run_scoped3A : memref<!tpu.dma_semaphore, #tpu.memory_space<semaphore_mem>>) src(%arg12 : memref<1024x16xf32, #tpu.memory_space<vmem>>) dst(%dma_wait3A_87 : memref<10016x16xf32, #tpu.memory_space<vmem_shared>>)
        tpu.yield
      }) : () -> ()
      %lt3A = arith.constant 4 : i32
      %lt3A_61 = arith.cmpi slt, %scan3A_31, %lt3A : i32
      %convert_element_type3A = arith.extui %lt3A_61 : i1 to i32
      %cond3A = arith.constant 0 : i32
      %cond3A_62 = arith.cmpi ne, %convert_element_type3A, %cond3A : i32
      scf.if %cond3A_62 {
        %add3A_76 = arith.constant 2 : i32
        %add3A_77 = arith.addi %mul3A_33, %add3A_76 : i32
        %dma_start3A_78 = arith.constant 0 : i32
        %dma_start3A_79 = tpu.memref_slice %arg8[%add3A_77, %dma_start3A_78] : memref<10x1024xi32, #tpu.memory_space<vmem>> -> memref<1x1024xi32, #tpu.memory_space<vmem>>
        %dma_start3A_80 = tpu.memref_squeeze %dma_start3A_79 : memref<1x1024xi32, #tpu.memory_space<vmem>> -> memref<1024xi32, #tpu.memory_space<vmem>>
        %dma_start3A_81 = arith.constant 0 : i32
        %dma_start3A_82 = arith.constant 0 : i32
        %dma_start3A_83 = tpu.memref_slice %arg2[%dma_start3A_81, %dma_start3A_82] : memref<10016x16xf32, #tpu.memory_space<hbm>> -> memref<10016x16xf32, #tpu.memory_space<hbm>>
        tpu.enqueue_indirect_dma source(%dma_start3A_83 : memref<10016x16xf32, #tpu.memory_space<hbm>>) target(%arg10 : memref<1024x16xf32, #tpu.memory_space<vmem>>) offsets(%dma_start3A_80 : memref<1024xi32, #tpu.memory_space<vmem>>) semaphore(%arg15 : memref<!tpu.dma_semaphore, #tpu.memory_space<semaphore_mem>>)
        %mul3A_84 = arith.constant 1024 : i32
        %mul3A_85 = arith.muli %add3A_77, %mul3A_84 : i32
        %add3A_86 = arith.addi %mul3A_4, %mul3A_85 : i32
        %dma_start3A_87 = arith.constant 0 : i32
        %dma_start3A_88 = tpu.memref_slice %arg3[%add3A_86, %dma_start3A_87] : memref<327680x16xf32, #tpu.memory_space<hbm>> -> memref<1024x16xf32, #tpu.memory_space<hbm>>
        %dma_start3A_89 = arith.constant 0 : i32
        %dma_start3A_90 = tpu.memref_slice %arg3[%add3A_86, %dma_start3A_89] : memref<327680x16xf32, #tpu.memory_space<hbm>> -> memref<1024x16xf32, #tpu.memory_space<hbm>>
        tpu.enqueue_dma source(%dma_start3A_90 : memref<1024x16xf32, #tpu.memory_space<hbm>>) target(%arg12 : memref<1024x16xf32, #tpu.memory_space<vmem>>) target_semaphore(%arg17 : memref<!tpu.dma_semaphore, #tpu.memory_space<semaphore_mem>>)
      } else {
      }
      %dma_wait3A_63 = arith.constant 0 : i32
      %dma_wait3A_64 = tpu.memref_slice %arg8[%add3A_35, %dma_wait3A_63] : memref<10x1024xi32, #tpu.memory_space<vmem>> -> memref<1x1024xi32, #tpu.memory_space<vmem>>
      %dma_wait3A_65 = tpu.memref_squeeze %dma_wait3A_64 : memref<1x1024xi32, #tpu.memory_space<vmem>> -> memref<1024xi32, #tpu.memory_space<vmem>>
      %dma_wait3A_66 = arith.constant 0 : i32
      %dma_wait3A_67 = arith.constant 0 : i32
      %dma_wait3A_68 = tpu.memref_slice %arg2[%dma_wait3A_66, %dma_wait3A_67] : memref<10016x16xf32, #tpu.memory_space<hbm>> -> memref<10016x16xf32, #tpu.memory_space<hbm>>
      tpu.wait_indirect_dma semaphore(%arg16 : memref<!tpu.dma_semaphore, #tpu.memory_space<semaphore_mem>>) src(%dma_wait3A_68 : memref<10016x16xf32, #tpu.memory_space<hbm>>) dst(%arg11 : memref<1024x16xf32, #tpu.memory_space<vmem>>)
      %mul3A_69 = arith.constant 1024 : i32
      %mul3A_70 = arith.muli %add3A_35, %mul3A_69 : i32
      %add3A_71 = arith.addi %mul3A_4, %mul3A_70 : i32
      %dma_wait3A_72 = arith.constant 0 : i32
      %dma_wait3A_73 = tpu.memref_slice %arg3[%add3A_71, %dma_wait3A_72] : memref<327680x16xf32, #tpu.memory_space<hbm>> -> memref<1024x16xf32, #tpu.memory_space<hbm>>
      %dma_wait3A_74 = arith.constant 0 : i32
      %dma_wait3A_75 = tpu.memref_slice %arg3[%add3A_71, %dma_wait3A_74] : memref<327680x16xf32, #tpu.memory_space<hbm>> -> memref<1024x16xf32, #tpu.memory_space<hbm>>
      tpu.wait_dma2 semaphore(%arg18 : memref<!tpu.dma_semaphore, #tpu.memory_space<semaphore_mem>>) src(%dma_wait3A_75 : memref<1024x16xf32, #tpu.memory_space<hbm>>) dst(%arg13 : memref<1024x16xf32, #tpu.memory_space<vmem>>)
      "tpu.region"() ({
        %run_scoped3A = tpu.sem_alloc : memref<!tpu.dma_semaphore, #tpu.memory_space<semaphore_mem>>
        %dma_start3A_76 = arith.constant 0 : i32
        %dma_start3A_77 = tpu.memref_slice %arg9[%add3A_35, %dma_start3A_76] : memref<10x1024xi32, #tpu.memory_space<vmem>> -> memref<1x1024xi32, #tpu.memory_space<vmem>>
        %dma_start3A_78 = tpu.memref_squeeze %dma_start3A_77 : memref<1x1024xi32, #tpu.memory_space<vmem>> -> memref<1024xi32, #tpu.memory_space<vmem>>
        %dma_start3A_79 = arith.constant 0 : i32
        %dma_start3A_80 = arith.constant 0 : i32
        %dma_start3A_81 = tpu.memref_slice %arg14[%dma_start3A_79, %dma_start3A_80] : memref<10016x16xf32, #tpu.memory_space<vmem_shared>> -> memref<10016x16xf32, #tpu.memory_space<vmem_shared>>
        tpu.enqueue_indirect_dma source(%arg11 : memref<1024x16xf32, #tpu.memory_space<vmem>>) target(%dma_start3A_81 : memref<10016x16xf32, #tpu.memory_space<vmem_shared>>) offsets(%dma_start3A_78 : memref<1024xi32, #tpu.memory_space<vmem>>) semaphore(%run_scoped3A : memref<!tpu.dma_semaphore, #tpu.memory_space<semaphore_mem>>) {add = true}
        %dma_wait3A_82 = arith.constant 0 : i32
        %dma_wait3A_83 = tpu.memref_slice %arg9[%add3A_35, %dma_wait3A_82] : memref<10x1024xi32, #tpu.memory_space<vmem>> -> memref<1x1024xi32, #tpu.memory_space<vmem>>
        %dma_wait3A_84 = tpu.memref_squeeze %dma_wait3A_83 : memref<1x1024xi32, #tpu.memory_space<vmem>> -> memref<1024xi32, #tpu.memory_space<vmem>>
        %dma_wait3A_85 = arith.constant 0 : i32
        %dma_wait3A_86 = arith.constant 0 : i32
        %dma_wait3A_87 = tpu.memref_slice %arg14[%dma_wait3A_85, %dma_wait3A_86] : memref<10016x16xf32, #tpu.memory_space<vmem_shared>> -> memref<10016x16xf32, #tpu.memory_space<vmem_shared>>
        tpu.wait_indirect_dma semaphore(%run_scoped3A : memref<!tpu.dma_semaphore, #tpu.memory_space<semaphore_mem>>) src(%arg11 : memref<1024x16xf32, #tpu.memory_space<vmem>>) dst(%dma_wait3A_87 : memref<10016x16xf32, #tpu.memory_space<vmem_shared>>)
        tpu.yield
      }) : () -> ()
      "tpu.region"() ({
        %run_scoped3A = tpu.sem_alloc : memref<!tpu.dma_semaphore, #tpu.memory_space<semaphore_mem>>
        %dma_start3A_76 = arith.constant 0 : i32
        %dma_start3A_77 = tpu.memref_slice %arg9[%add3A_35, %dma_start3A_76] : memref<10x1024xi32, #tpu.memory_space<vmem>> -> memref<1x1024xi32, #tpu.memory_space<vmem>>
        %dma_start3A_78 = tpu.memref_squeeze %dma_start3A_77 : memref<1x1024xi32, #tpu.memory_space<vmem>> -> memref<1024xi32, #tpu.memory_space<vmem>>
        %dma_start3A_79 = arith.constant 0 : i32
        %dma_start3A_80 = arith.constant 0 : i32
        %dma_start3A_81 = tpu.memref_slice %arg14[%dma_start3A_79, %dma_start3A_80] : memref<10016x16xf32, #tpu.memory_space<vmem_shared>> -> memref<10016x16xf32, #tpu.memory_space<vmem_shared>>
        tpu.enqueue_indirect_dma source(%arg13 : memref<1024x16xf32, #tpu.memory_space<vmem>>) target(%dma_start3A_81 : memref<10016x16xf32, #tpu.memory_space<vmem_shared>>) offsets(%dma_start3A_78 : memref<1024xi32, #tpu.memory_space<vmem>>) semaphore(%run_scoped3A : memref<!tpu.dma_semaphore, #tpu.memory_space<semaphore_mem>>) {add = true}
        %dma_wait3A_82 = arith.constant 0 : i32
        %dma_wait3A_83 = tpu.memref_slice %arg9[%add3A_35, %dma_wait3A_82] : memref<10x1024xi32, #tpu.memory_space<vmem>> -> memref<1x1024xi32, #tpu.memory_space<vmem>>
        %dma_wait3A_84 = tpu.memref_squeeze %dma_wait3A_83 : memref<1x1024xi32, #tpu.memory_space<vmem>> -> memref<1024xi32, #tpu.memory_space<vmem>>
        %dma_wait3A_85 = arith.constant 0 : i32
        %dma_wait3A_86 = arith.constant 0 : i32
        %dma_wait3A_87 = tpu.memref_slice %arg14[%dma_wait3A_85, %dma_wait3A_86] : memref<10016x16xf32, #tpu.memory_space<vmem_shared>> -> memref<10016x16xf32, #tpu.memory_space<vmem_shared>>
        tpu.wait_indirect_dma semaphore(%run_scoped3A : memref<!tpu.dma_semaphore, #tpu.memory_space<semaphore_mem>>) src(%arg13 : memref<1024x16xf32, #tpu.memory_space<vmem>>) dst(%dma_wait3A_87 : memref<10016x16xf32, #tpu.memory_space<vmem_shared>>)
        tpu.yield
      }) : () -> ()
    }
    %scan3A_25 = arith.constant 5 : i32
    %barrier3A_26 = arith.constant 0 : index
    tpu.barrier barrier_id(%barrier3A_26)
    %mul3A_27 = arith.constant 626 : i32
    %mul3A_28 = arith.muli %arg1, %mul3A_27 : i32
    %mul3A_29 = arith.constant 626 : i32
    %mul3A_30 = arith.muli %arg1, %mul3A_29 : i32
    "tpu.region"() ({
      %run_scoped3A = tpu.sem_alloc : memref<!tpu.dma_semaphore, #tpu.memory_space<semaphore_mem>>
      %dma_start3A_31 = arith.constant 0 : i32
      %dma_start3A_32 = tpu.memref_slice %arg7[%arg0, %mul3A_30, %dma_start3A_31] : memref<2x10016x16xf32, #tpu.memory_space<hbm>> -> memref<1x626x16xf32, #tpu.memory_space<hbm>>
      %dma_start3A_33 = tpu.memref_squeeze %dma_start3A_32 : memref<1x626x16xf32, #tpu.memory_space<hbm>> -> memref<626x16xf32, #tpu.memory_space<hbm>>
      %dma_start3A_34 = arith.constant 0 : i32
      %dma_start3A_35 = tpu.memref_slice %arg14[%mul3A_28, %dma_start3A_34] : memref<10016x16xf32, #tpu.memory_space<vmem_shared>> -> memref<626x16xf32, #tpu.memory_space<vmem_shared>>
      tpu.enqueue_dma source(%dma_start3A_35 : memref<626x16xf32, #tpu.memory_space<vmem_shared>>) target(%dma_start3A_33 : memref<626x16xf32, #tpu.memory_space<hbm>>) target_semaphore(%run_scoped3A : memref<!tpu.dma_semaphore, #tpu.memory_space<semaphore_mem>>)
      %dma_wait3A = arith.constant 0 : i32
      %dma_wait3A_36 = tpu.memref_slice %arg7[%arg0, %mul3A_30, %dma_wait3A] : memref<2x10016x16xf32, #tpu.memory_space<hbm>> -> memref<1x626x16xf32, #tpu.memory_space<hbm>>
      %dma_wait3A_37 = tpu.memref_squeeze %dma_wait3A_36 : memref<1x626x16xf32, #tpu.memory_space<hbm>> -> memref<626x16xf32, #tpu.memory_space<hbm>>
      %dma_wait3A_38 = arith.constant 0 : i32
      %dma_wait3A_39 = tpu.memref_slice %arg14[%mul3A_28, %dma_wait3A_38] : memref<10016x16xf32, #tpu.memory_space<vmem_shared>> -> memref<626x16xf32, #tpu.memory_space<vmem_shared>>
      tpu.wait_dma2 semaphore(%run_scoped3A : memref<!tpu.dma_semaphore, #tpu.memory_space<semaphore_mem>>) src(%dma_wait3A_39 : memref<626x16xf32, #tpu.memory_space<vmem_shared>>) dst(%dma_wait3A_37 : memref<626x16xf32, #tpu.memory_space<hbm>>)
      tpu.yield
    }) : () -> ()
    return
  }
}

module attributes {stable_mosaic.version = 14 : i64} {
  func.func @_tc_xin_body(%arg0: memref<10016x2xf32, #tpu.memory_space<vmem>>, %arg1: memref<10016x2xf32, #tpu.memory_space<vmem>>, %arg2: memref<10016x1xi32, #tpu.memory_space<vmem>>, %arg3: memref<10016x16xf32, #tpu.memory_space<vmem>>) attributes {dimension_semantics = [], scalar_prefetch = 0 : i64, scratch_operands = 0 : i64, tpu.core_type = #tpu.core_type<tc>} {
    %get3A = arith.constant 0 : index
    %get3A_0 = arith.constant 0 : index
    %get3A_1 = vector.load %arg2[%get3A, %get3A_0] : memref<10016x1xi32, #tpu.memory_space<vmem>>, vector<10016x1xi32>
    %ne3A = arith.constant 512 : i32
    %ne3A_2 = vector.broadcast %ne3A : i32 to vector<10016x1xi32>
    %ne3A_3 = arith.cmpi ne, %get3A_1, %ne3A_2 : vector<10016x1xi32>
    %convert_element_type3A = arith.extui %ne3A_3 : vector<10016x1xi1> to vector<10016x1xi32>
    %convert_element_type3A_4 = arith.sitofp %convert_element_type3A : vector<10016x1xi32> to vector<10016x1xf32>
    %broadcast_in_dim3A = arith.constant 0.000000e+00 : f32
    %broadcast_in_dim3A_5 = vector.broadcast %broadcast_in_dim3A : f32 to vector<10016x1xf32>
    %broadcast_in_dim3A_6 = arith.constant 1.000000e+00 : f32
    %broadcast_in_dim3A_7 = vector.broadcast %broadcast_in_dim3A_6 : f32 to vector<10016x1xf32>
    %get3A_8 = arith.constant 0 : index
    %get3A_9 = arith.constant 0 : index
    %get3A_10 = vector.load %arg0[%get3A_8, %get3A_9] : memref<10016x2xf32, #tpu.memory_space<vmem>>, vector<10016x2xf32>
    %get3A_11 = arith.constant 0 : index
    %get3A_12 = arith.constant 0 : index
    %get3A_13 = vector.load %arg1[%get3A_11, %get3A_12] : memref<10016x2xf32, #tpu.memory_space<vmem>>, vector<10016x2xf32>
    %concatenate3A = tpu.concatenate %get3A_10, %get3A_13, %convert_element_type3A_4, %broadcast_in_dim3A_5, %broadcast_in_dim3A_5, %broadcast_in_dim3A_5, %broadcast_in_dim3A_5, %broadcast_in_dim3A_7, %broadcast_in_dim3A_5, %broadcast_in_dim3A_5, %broadcast_in_dim3A_5, %broadcast_in_dim3A_5, %broadcast_in_dim3A_5, %broadcast_in_dim3A_5 in 1 : vector<10016x2xf32>, vector<10016x2xf32>, vector<10016x1xf32>, vector<10016x1xf32>, vector<10016x1xf32>, vector<10016x1xf32>, vector<10016x1xf32>, vector<10016x1xf32>, vector<10016x1xf32>, vector<10016x1xf32>, vector<10016x1xf32>, vector<10016x1xf32>, vector<10016x1xf32>, vector<10016x1xf32> -> vector<10016x16xf32>
    %swap3A = arith.constant 0 : index
    %swap3A_14 = arith.constant 0 : index
    %swap3A_15 = vector.load %arg3[%swap3A, %swap3A_14] : memref<10016x16xf32, #tpu.memory_space<vmem>>, vector<10016x16xf32>
    tpu.vector_store %arg3[%swap3A, %swap3A_14], %concatenate3A {strides = array<i32>} : memref<10016x16xf32, #tpu.memory_space<vmem>>, vector<10016x16xf32>,
    return
  }
}

module attributes {stable_mosaic.version = 14 : i64} {
  func.func @_tc_ubar_body(%arg0: memref<2x10016x16xf32, #tpu.memory_space<vmem>>, %arg1: memref<10016x16xf32, #tpu.memory_space<vmem>>) attributes {dimension_semantics = [], scalar_prefetch = 0 : i64, scratch_operands = 0 : i64, tpu.core_type = #tpu.core_type<tc>} {
    %get3A = arith.constant 0 : index
    %get3A_0 = arith.constant 0 : index
    %get3A_1 = arith.constant 0 : index
    %get3A_2 = vector.load %arg0[%get3A, %get3A_0, %get3A_1] : memref<2x10016x16xf32, #tpu.memory_space<vmem>>, vector<1x10016x16xf32>
    %get3A_3 = vector.shape_cast %get3A_2 : vector<1x10016x16xf32> to vector<10016x16xf32>
    %get3A_4 = arith.constant 1 : index
    %get3A_5 = arith.constant 0 : index
    %get3A_6 = arith.constant 0 : index
    %get3A_7 = vector.load %arg0[%get3A_4, %get3A_5, %get3A_6] : memref<2x10016x16xf32, #tpu.memory_space<vmem>>, vector<1x10016x16xf32>
    %get3A_8 = vector.shape_cast %get3A_7 : vector<1x10016x16xf32> to vector<10016x16xf32>
    %add3A = arith.addf %get3A_3, %get3A_8 : vector<10016x16xf32>
    %slice3A = vector.extract_strided_slice %add3A {offsets = [0, 9], sizes = [10016, 1], strides = [1, 1]} : vector<10016x16xf32> to vector<10016x1xf32>
    %max3A = arith.constant 1.000000e+00 : f32
    %max3A_9 = vector.broadcast %max3A : f32 to vector<10016x1xf32>
    %max3A_10 = arith.maximumf %slice3A, %max3A_9 : vector<10016x1xf32>
    %div3A = arith.constant 1.000000e+00 : f32
    %div3A_11 = vector.broadcast %div3A : f32 to vector<10016x1xf32>
    %div3A_12 = arith.divf %div3A_11, %max3A_10 : vector<10016x1xf32>
    %gt3A = arith.constant 5.000000e-01 : f32
    %gt3A_13 = vector.broadcast %gt3A : f32 to vector<10016x1xf32>
    %gt3A_14 = arith.cmpf ogt, %slice3A, %gt3A_13 : vector<10016x1xf32>
    %jit3A = arith.constant 1.000000e+00 : f32
    %jit3A_15 = arith.constant 0.000000e+00 : f32
    %broadcast_in_dim3A = vector.broadcast %jit3A : f32 to vector<10016x1xf32>
    %broadcast_in_dim3A_16 = vector.broadcast %jit3A_15 : f32 to vector<10016x1xf32>
    %select_n3A = arith.select %gt3A_14, %broadcast_in_dim3A, %broadcast_in_dim3A_16 : vector<10016x1xi1>, vector<10016x1xf32>
    %slice3A_17 = vector.extract_strided_slice %add3A {offsets = [0, 0], sizes = [10016, 9], strides = [1, 1]} : vector<10016x16xf32> to vector<10016x9xf32>
    %mul3A = vector.broadcast %div3A_12 : vector<10016x1xf32> to vector<10016x9xf32>
    %mul3A_18 = arith.mulf %slice3A_17, %mul3A : vector<10016x9xf32>
    %broadcast_in_dim3A_19 = arith.constant 0.000000e+00 : f32
    %broadcast_in_dim3A_20 = vector.broadcast %broadcast_in_dim3A_19 : f32 to vector<10016x1xf32>
    %broadcast_in_dim3A_21 = arith.constant 1.000000e+00 : f32
    %broadcast_in_dim3A_22 = vector.broadcast %broadcast_in_dim3A_21 : f32 to vector<10016x1xf32>
    %concatenate3A = tpu.concatenate %mul3A_18, %select_n3A, %broadcast_in_dim3A_22, %broadcast_in_dim3A_20, %broadcast_in_dim3A_20, %broadcast_in_dim3A_20, %broadcast_in_dim3A_20, %broadcast_in_dim3A_20 in 1 : vector<10016x9xf32>, vector<10016x1xf32>, vector<10016x1xf32>, vector<10016x1xf32>, vector<10016x1xf32>, vector<10016x1xf32>, vector<10016x1xf32>, vector<10016x1xf32> -> vector<10016x16xf32>
    %swap3A = arith.constant 0 : index
    %swap3A_23 = arith.constant 0 : index
    %swap3A_24 = vector.load %arg1[%swap3A, %swap3A_23] : memref<10016x16xf32, #tpu.memory_space<vmem>>, vector<10016x16xf32>
    tpu.vector_store %arg1[%swap3A, %swap3A_23], %concatenate3A {strides = array<i32>} : memref<10016x16xf32, #tpu.memory_space<vmem>>, vector<10016x16xf32>,
    return
  }
}

module attributes {stable_mosaic.version = 14 : i64} {
  func.func @_tc_macro_body(%arg0: memref<2x520x16xf32, #tpu.memory_space<vmem>>, %arg1: memref<512x1xi32, #tpu.memory_space<vmem>>, %arg2: memref<512x4xf32, #tpu.memory_space<vmem>>, %arg3: memref<5x128xf32, #tpu.memory_space<vmem>>, %arg4: memref<1x128xf32, #tpu.memory_space<vmem>>, %arg5: memref<4x128xf32, #tpu.memory_space<vmem>>, %arg6: memref<128x128xf32, #tpu.memory_space<vmem>>, %arg7: memref<1x128xf32, #tpu.memory_space<vmem>>, %arg8: memref<128x128xf32, #tpu.memory_space<vmem>>, %arg9: memref<256x128xf32, #tpu.memory_space<vmem>>, %arg10: memref<1x128xf32, #tpu.memory_space<vmem>>, %arg11: memref<256x128xf32, #tpu.memory_space<vmem>>, %arg12: memref<256x128xf32, #tpu.memory_space<vmem>>, %arg13: memref<1x128xf32, #tpu.memory_space<vmem>>, %arg14: memref<128x64xf32, #tpu.memory_space<vmem>>, %arg15: memref<1x64xf32, #tpu.memory_space<vmem>>, %arg16: memref<64x4xf32, #tpu.memory_space<vmem>>, %arg17: memref<1x4xf32, #tpu.memory_space<vmem>>, %arg18: memref<512x4xf32, #tpu.memory_space<vmem>>) attributes {dimension_semantics = [], scalar_prefetch = 0 : i64, scratch_operands = 0 : i64, tpu.core_type = #tpu.core_type<tc>} {
    %get3A = arith.constant 0 : index
    %get3A_0 = arith.constant 0 : index
    %get3A_1 = arith.constant 0 : index
    %get3A_2 = vector.load %arg0[%get3A, %get3A_0, %get3A_1] : memref<2x520x16xf32, #tpu.memory_space<vmem>>, vector<1x520x16xf32>
    %get3A_3 = vector.shape_cast %get3A_2 : vector<1x520x16xf32> to vector<520x16xf32>
    %get3A_4 = arith.constant 1 : index
    %get3A_5 = arith.constant 0 : index
    %get3A_6 = arith.constant 0 : index
    %get3A_7 = vector.load %arg0[%get3A_4, %get3A_5, %get3A_6] : memref<2x520x16xf32, #tpu.memory_space<vmem>>, vector<1x520x16xf32>
    %get3A_8 = vector.shape_cast %get3A_7 : vector<1x520x16xf32> to vector<520x16xf32>
    %add3A = arith.addf %get3A_3, %get3A_8 : vector<520x16xf32>
    %iota3A = tpu.iota {dimensions = array<i32: 1>} : vector<512x520xi32>
    %get3A_9 = arith.constant 0 : index
    %get3A_10 = arith.constant 0 : index
    %get3A_11 = vector.load %arg1[%get3A_9, %get3A_10] : memref<512x1xi32, #tpu.memory_space<vmem>>, vector<512x1xi32>
    %eq3A = vector.broadcast %get3A_11 : vector<512x1xi32> to vector<512x520xi32>
    %eq3A_12 = arith.cmpi eq, %iota3A, %eq3A : vector<512x520xi32>
    %convert_element_type3A = arith.extui %eq3A_12 : vector<512x520xi1> to vector<512x520xi32>
    %convert_element_type3A_13 = arith.sitofp %convert_element_type3A : vector<512x520xi32> to vector<512x520xf32>
    %dot_general3A = arith.constant dense<0.000000e+00> : vector<512x16xf32>
    %dot_general3A_14 = tpu.matmul %convert_element_type3A_13, %add3A, %dot_general3A {dimension_numbers = #tpu.dot_dimension_numbers<[1], [0], [0], [1], [0, 0, 1, 1], [], []>, precision = #tpu.contract_precision<fp32>, transpose_lhs_hint = false} : vector<512x520xf32>, vector<520x16xf32>, vector<512x16xf32> -> vector<512x16xf32>
    %slice3A = vector.extract_strided_slice %dot_general3A_14 {offsets = [0, 0], sizes = [512, 5], strides = [1, 1]} : vector<512x16xf32> to vector<512x5xf32>
    %slice3A_15 = vector.extract_strided_slice %dot_general3A_14 {offsets = [0, 5], sizes = [512, 4], strides = [1, 1]} : vector<512x16xf32> to vector<512x4xf32>
    %slice3A_16 = vector.extract_strided_slice %dot_general3A_14 {offsets = [0, 9], sizes = [512, 1], strides = [1, 1]} : vector<512x16xf32> to vector<512x1xf32>
    %slice3A_17 = vector.extract_strided_slice %dot_general3A_14 {offsets = [0, 10], sizes = [512, 1], strides = [1, 1]} : vector<512x16xf32> to vector<512x1xf32>
    %get3A_18 = arith.constant 0 : index
    %get3A_19 = arith.constant 0 : index
    %get3A_20 = vector.load %arg3[%get3A_18, %get3A_19] : memref<5x128xf32, #tpu.memory_space<vmem>>, vector<5x128xf32>
    %dot_general3A_21 = arith.constant dense<0.000000e+00> : vector<512x128xf32>
    %dot_general3A_22 = tpu.matmul %slice3A, %get3A_20, %dot_general3A_21 {dimension_numbers = #tpu.dot_dimension_numbers<[1], [0], [0], [1], [0, 0, 1, 1], [], []>, precision = #tpu.contract_precision<fp32>, transpose_lhs_hint = false} : vector<512x5xf32>, vector<5x128xf32>, vector<512x128xf32> -> vector<512x128xf32>
    %get3A_23 = arith.constant 0 : index
    %get3A_24 = arith.constant 0 : index
    %get3A_25 = vector.load %arg4[%get3A_23, %get3A_24] : memref<1x128xf32, #tpu.memory_space<vmem>>, vector<1x128xf32>
    %mul3A = vector.broadcast %slice3A_16 : vector<512x1xf32> to vector<512x128xf32>
    %mul3A_26 = vector.broadcast %get3A_25 : vector<1x128xf32> to vector<512x128xf32>
    %mul3A_27 = arith.mulf %mul3A, %mul3A_26 : vector<512x128xf32>
    %add3A_28 = arith.addf %dot_general3A_22, %mul3A_27 : vector<512x128xf32>
    %get3A_29 = arith.constant 0 : index
    %get3A_30 = arith.constant 0 : index
    %get3A_31 = vector.load %arg5[%get3A_29, %get3A_30] : memref<4x128xf32, #tpu.memory_space<vmem>>, vector<4x128xf32>
    %dot_general3A_32 = arith.constant dense<0.000000e+00> : vector<512x128xf32>
    %dot_general3A_33 = tpu.matmul %slice3A_15, %get3A_31, %dot_general3A_32 {dimension_numbers = #tpu.dot_dimension_numbers<[1], [0], [0], [1], [0, 0, 1, 1], [], []>, precision = #tpu.contract_precision<fp32>, transpose_lhs_hint = false} : vector<512x4xf32>, vector<4x128xf32>, vector<512x128xf32> -> vector<512x128xf32>
    %add3A_34 = arith.addf %add3A_28, %dot_general3A_33 : vector<512x128xf32>
    %max3A = arith.constant 1.000000e+00 : f32
    %max3A_35 = vector.broadcast %max3A : f32 to vector<512x1xf32>
    %max3A_36 = arith.maximumf %slice3A_17, %max3A_35 : vector<512x1xf32>
    %div3A = vector.broadcast %max3A_36 : vector<512x1xf32> to vector<512x128xf32>
    %div3A_37 = arith.divf %add3A_34, %div3A : vector<512x128xf32>
    %ge3A = arith.constant 0.000000e+00 : f32
    %ge3A_38 = vector.broadcast %ge3A : f32 to vector<512x128xf32>
    %ge3A_39 = arith.cmpf oge, %div3A_37, %ge3A_38 : vector<512x128xf32>
    %mul3A_40 = arith.constant 1.000000e-01 : f32
    %mul3A_41 = vector.broadcast %mul3A_40 : f32 to vector<512x128xf32>
    %mul3A_42 = arith.mulf %mul3A_41, %div3A_37 : vector<512x128xf32>
    %select_n3A = arith.select %ge3A_39, %div3A_37, %mul3A_42 : vector<512x128xi1>, vector<512x128xf32>
    %get3A_43 = arith.constant 0 : index
    %get3A_44 = arith.constant 0 : index
    %get3A_45 = vector.load %arg2[%get3A_43, %get3A_44] : memref<512x4xf32, #tpu.memory_space<vmem>>, vector<512x4xf32>
    %slice3A_46 = vector.extract_strided_slice %get3A_45 {offsets = [0, 0], sizes = [512, 1], strides = [1, 1]} : vector<512x4xf32> to vector<512x1xf32>
    %slice3A_47 = vector.extract_strided_slice %get3A_45 {offsets = [0, 1], sizes = [512, 1], strides = [1, 1]} : vector<512x4xf32> to vector<512x1xf32>
    %slice3A_48 = vector.extract_strided_slice %get3A_45 {offsets = [0, 2], sizes = [512, 1], strides = [1, 1]} : vector<512x4xf32> to vector<512x1xf32>
    %slice3A_49 = vector.extract_strided_slice %get3A_45 {offsets = [0, 3], sizes = [512, 1], strides = [1, 1]} : vector<512x4xf32> to vector<512x1xf32>
    %iota3A_50 = tpu.iota {dimensions = array<i32: 0>} : vector<512x512xi32>
    %iota3A_51 = tpu.iota {dimensions = array<i32: 1>} : vector<512x512xi32>
    %eq3A_52 = arith.cmpi eq, %iota3A_50, %iota3A_51 : vector<512x512xi32>
    %convert_element_type3A_53 = arith.extui %eq3A_52 : vector<512x512xi1> to vector<512x512xi32>
    %convert_element_type3A_54 = arith.sitofp %convert_element_type3A_53 : vector<512x512xi32> to vector<512x512xf32>
    %sub3A = arith.constant 1.000000e+00 : f32
    %sub3A_55 = vector.broadcast %sub3A : f32 to vector<512x512xf32>
    %sub3A_56 = arith.subf %sub3A_55, %convert_element_type3A_54 : vector<512x512xf32>
    %dot_general3A_57 = arith.constant dense<0.000000e+00> : vector<1x512xf32>
    %dot_general3A_58 = tpu.matmul %slice3A_46, %convert_element_type3A_54, %dot_general3A_57 {dimension_numbers = #tpu.dot_dimension_numbers<[0], [0], [1], [1], [0, 1, 1, 1], [], []>, precision = #tpu.contract_precision<fp32>, transpose_lhs_hint = false} : vector<512x1xf32>, vector<512x512xf32>, vector<1x512xf32> -> vector<1x512xf32>
    %dot_general3A_59 = arith.constant dense<0.000000e+00> : vector<1x512xf32>
    %dot_general3A_60 = tpu.matmul %slice3A_47, %convert_element_type3A_54, %dot_general3A_59 {dimension_numbers = #tpu.dot_dimension_numbers<[0], [0], [1], [1], [0, 1, 1, 1], [], []>, precision = #tpu.contract_precision<fp32>, transpose_lhs_hint = false} : vector<512x1xf32>, vector<512x512xf32>, vector<1x512xf32> -> vector<1x512xf32>
    %add3A_61 = arith.addf %slice3A_46, %slice3A_48 : vector<512x1xf32>
    %le3A = vector.broadcast %add3A_61 : vector<512x1xf32> to vector<512x512xf32>
    %le3A_62 = vector.broadcast %dot_general3A_58 : vector<1x512xf32> to vector<512x512xf32>
    %le3A_63 = arith.cmpf ole, %le3A, %le3A_62 : vector<512x512xf32>
    %convert_element_type3A_64 = arith.extui %le3A_63 : vector<512x512xi1> to vector<512x512xi32>
    %convert_element_type3A_65 = arith.sitofp %convert_element_type3A_64 : vector<512x512xi32> to vector<512x512xf32>
    %mul3A_66 = arith.mulf %convert_element_type3A_65, %sub3A_56 : vector<512x512xf32>
    %add3A_67 = arith.addf %slice3A_47, %slice3A_49 : vector<512x1xf32>
    %le3A_68 = vector.broadcast %add3A_67 : vector<512x1xf32> to vector<512x512xf32>
    %le3A_69 = vector.broadcast %dot_general3A_60 : vector<1x512xf32> to vector<512x512xf32>
    %le3A_70 = arith.cmpf ole, %le3A_68, %le3A_69 : vector<512x512xf32>
    %convert_element_type3A_71 = arith.extui %le3A_70 : vector<512x512xi1> to vector<512x512xi32>
    %convert_element_type3A_72 = arith.sitofp %convert_element_type3A_71 : vector<512x512xi32> to vector<512x512xf32>
    %mul3A_73 = arith.mulf %convert_element_type3A_72, %sub3A_56 : vector<512x512xf32>
    %broadcast_in_dim3A = arith.constant 1.000000e+00 : f32
    %broadcast_in_dim3A_74 = vector.broadcast %broadcast_in_dim3A : f32 to vector<512x1xf32>
    %get3A_75 = arith.constant 0 : index
    %get3A_76 = arith.constant 0 : index
    %get3A_77 = vector.load %arg6[%get3A_75, %get3A_76] : memref<128x128xf32, #tpu.memory_space<vmem>>, vector<128x128xf32>
    %get3A_78 = arith.constant 0 : index
    %get3A_79 = arith.constant 0 : index
    %get3A_80 = vector.load %arg7[%get3A_78, %get3A_79] : memref<1x128xf32, #tpu.memory_space<vmem>>, vector<1x128xf32>
    %get3A_81 = arith.constant 0 : index
    %get3A_82 = arith.constant 0 : index
    %get3A_83 = vector.load %arg8[%get3A_81, %get3A_82] : memref<128x128xf32, #tpu.memory_space<vmem>>, vector<128x128xf32>
    %dot_general3A_84 = arith.constant dense<0.000000e+00> : vector<512x1xf32>
    %dot_general3A_85 = tpu.matmul %mul3A_66, %broadcast_in_dim3A_74, %dot_general3A_84 {dimension_numbers = #tpu.dot_dimension_numbers<[0], [0], [1], [1], [0, 1, 1, 1], [], []>, precision = #tpu.contract_precision<fp32>, transpose_lhs_hint = false} : vector<512x512xf32>, vector<512x1xf32>, vector<512x1xf32> -> vector<512x1xf32>
    %dot_general3A_86 = arith.constant dense<0.000000e+00> : vector<512x128xf32>
    %dot_general3A_87 = tpu.matmul %mul3A_66, %select_n3A, %dot_general3A_86 {dimension_numbers = #tpu.dot_dimension_numbers<[0], [0], [1], [1], [0, 1, 1, 1], [], []>, transpose_lhs_hint = false} : vector<512x512xf32>, vector<512x128xf32>, vector<512x128xf32> -> vector<512x128xf32>
    %max3A_88 = arith.constant 1.000000e+00 : f32
    %max3A_89 = vector.broadcast %max3A_88 : f32 to vector<512x1xf32>
    %max3A_90 = arith.maximumf %dot_general3A_85, %max3A_89 : vector<512x1xf32>
    %div3A_91 = vector.broadcast %max3A_90 : vector<512x1xf32> to vector<512x128xf32>
    %div3A_92 = arith.divf %dot_general3A_87, %div3A_91 : vector<512x128xf32>
    %dot_general3A_93 = arith.constant dense<0.000000e+00> : vector<512x128xf32>
    %dot_general3A_94 = tpu.matmul %div3A_92, %get3A_77, %dot_general3A_93 {dimension_numbers = #tpu.dot_dimension_numbers<[1], [0], [0], [1], [0, 0, 1, 1], [], []>, transpose_lhs_hint = false} : vector<512x128xf32>, vector<128x128xf32>, vector<512x128xf32> -> vector<512x128xf32>
    %add3A_95 = vector.broadcast %get3A_80 : vector<1x128xf32> to vector<512x128xf32>
    %add3A_96 = arith.addf %dot_general3A_94, %add3A_95 : vector<512x128xf32>
    %dot_general3A_97 = arith.constant dense<0.000000e+00> : vector<512x128xf32>
    %dot_general3A_98 = tpu.matmul %select_n3A, %get3A_83, %dot_general3A_97 {dimension_numbers = #tpu.dot_dimension_numbers<[1], [0], [0], [1], [0, 0, 1, 1], [], []>, transpose_lhs_hint = false} : vector<512x128xf32>, vector<128x128xf32>, vector<512x128xf32> -> vector<512x128xf32>
    %add3A_99 = arith.addf %add3A_96, %dot_general3A_98 : vector<512x128xf32>
    %ge3A_100 = arith.constant 0.000000e+00 : f32
    %ge3A_101 = vector.broadcast %ge3A_100 : f32 to vector<512x128xf32>
    %ge3A_102 = arith.cmpf oge, %add3A_99, %ge3A_101 : vector<512x128xf32>
    %mul3A_103 = arith.constant 1.000000e-01 : f32
    %mul3A_104 = vector.broadcast %mul3A_103 : f32 to vector<512x128xf32>
    %mul3A_105 = arith.mulf %mul3A_104, %add3A_99 : vector<512x128xf32>
    %select_n3A_106 = arith.select %ge3A_102, %add3A_99, %mul3A_105 : vector<512x128xi1>, vector<512x128xf32>
    %get3A_107 = arith.constant 0 : index
    %get3A_108 = arith.constant 0 : index
    %get3A_109 = vector.load %arg6[%get3A_107, %get3A_108] : memref<128x128xf32, #tpu.memory_space<vmem>>, vector<128x128xf32>
    %get3A_110 = arith.constant 0 : index
    %get3A_111 = arith.constant 0 : index
    %get3A_112 = vector.load %arg7[%get3A_110, %get3A_111] : memref<1x128xf32, #tpu.memory_space<vmem>>, vector<1x128xf32>
    %get3A_113 = arith.constant 0 : index
    %get3A_114 = arith.constant 0 : index
    %get3A_115 = vector.load %arg8[%get3A_113, %get3A_114] : memref<128x128xf32, #tpu.memory_space<vmem>>, vector<128x128xf32>
    %dot_general3A_116 = arith.constant dense<0.000000e+00> : vector<512x1xf32>
    %dot_general3A_117 = tpu.matmul %mul3A_73, %broadcast_in_dim3A_74, %dot_general3A_116 {dimension_numbers = #tpu.dot_dimension_numbers<[0], [0], [1], [1], [0, 1, 1, 1], [], []>, precision = #tpu.contract_precision<fp32>, transpose_lhs_hint = false} : vector<512x512xf32>, vector<512x1xf32>, vector<512x1xf32> -> vector<512x1xf32>
    %dot_general3A_118 = arith.constant dense<0.000000e+00> : vector<512x128xf32>
    %dot_general3A_119 = tpu.matmul %mul3A_73, %select_n3A, %dot_general3A_118 {dimension_numbers = #tpu.dot_dimension_numbers<[0], [0], [1], [1], [0, 1, 1, 1], [], []>, transpose_lhs_hint = false} : vector<512x512xf32>, vector<512x128xf32>, vector<512x128xf32> -> vector<512x128xf32>
    %max3A_120 = arith.constant 1.000000e+00 : f32
    %max3A_121 = vector.broadcast %max3A_120 : f32 to vector<512x1xf32>
    %max3A_122 = arith.maximumf %dot_general3A_117, %max3A_121 : vector<512x1xf32>
    %div3A_123 = vector.broadcast %max3A_122 : vector<512x1xf32> to vector<512x128xf32>
    %div3A_124 = arith.divf %dot_general3A_119, %div3A_123 : vector<512x128xf32>
    %dot_general3A_125 = arith.constant dense<0.000000e+00> : vector<512x128xf32>
    %dot_general3A_126 = tpu.matmul %div3A_124, %get3A_109, %dot_general3A_125 {dimension_numbers = #tpu.dot_dimension_numbers<[1], [0], [0], [1], [0, 0, 1, 1], [], []>, transpose_lhs_hint = false} : vector<512x128xf32>, vector<128x128xf32>, vector<512x128xf32> -> vector<512x128xf32>
    %add3A_127 = vector.broadcast %get3A_112 : vector<1x128xf32> to vector<512x128xf32>
    %add3A_128 = arith.addf %dot_general3A_126, %add3A_127 : vector<512x128xf32>
    %dot_general3A_129 = arith.constant dense<0.000000e+00> : vector<512x128xf32>
    %dot_general3A_130 = tpu.matmul %select_n3A, %get3A_115, %dot_general3A_129 {dimension_numbers = #tpu.dot_dimension_numbers<[1], [0], [0], [1], [0, 0, 1, 1], [], []>, transpose_lhs_hint = false} : vector<512x128xf32>, vector<128x128xf32>, vector<512x128xf32> -> vector<512x128xf32>
    %add3A_131 = arith.addf %add3A_128, %dot_general3A_130 : vector<512x128xf32>
    %ge3A_132 = arith.constant 0.000000e+00 : f32
    %ge3A_133 = vector.broadcast %ge3A_132 : f32 to vector<512x128xf32>
    %ge3A_134 = arith.cmpf oge, %add3A_131, %ge3A_133 : vector<512x128xf32>
    %mul3A_135 = arith.constant 1.000000e-01 : f32
    %mul3A_136 = vector.broadcast %mul3A_135 : f32 to vector<512x128xf32>
    %mul3A_137 = arith.mulf %mul3A_136, %add3A_131 : vector<512x128xf32>
    %select_n3A_138 = arith.select %ge3A_134, %add3A_131, %mul3A_137 : vector<512x128xi1>, vector<512x128xf32>
    %concatenate3A = tpu.concatenate %select_n3A_106, %select_n3A_138 in 1 : vector<512x128xf32>, vector<512x128xf32> -> vector<512x256xf32>
    %get3A_139 = arith.constant 0 : index
    %get3A_140 = arith.constant 0 : index
    %get3A_141 = vector.load %arg9[%get3A_139, %get3A_140] : memref<256x128xf32, #tpu.memory_space<vmem>>, vector<256x128xf32>
    %get3A_142 = arith.constant 0 : index
    %get3A_143 = arith.constant 0 : index
    %get3A_144 = vector.load %arg10[%get3A_142, %get3A_143] : memref<1x128xf32, #tpu.memory_space<vmem>>, vector<1x128xf32>
    %get3A_145 = arith.constant 0 : index
    %get3A_146 = arith.constant 0 : index
    %get3A_147 = vector.load %arg11[%get3A_145, %get3A_146] : memref<256x128xf32, #tpu.memory_space<vmem>>, vector<256x128xf32>
    %dot_general3A_148 = arith.constant dense<0.000000e+00> : vector<512x1xf32>
    %dot_general3A_149 = tpu.matmul %mul3A_66, %broadcast_in_dim3A_74, %dot_general3A_148 {dimension_numbers = #tpu.dot_dimension_numbers<[0], [0], [1], [1], [0, 1, 1, 1], [], []>, precision = #tpu.contract_precision<fp32>, transpose_lhs_hint = false} : vector<512x512xf32>, vector<512x1xf32>, vector<512x1xf32> -> vector<512x1xf32>
    %dot_general3A_150 = arith.constant dense<0.000000e+00> : vector<512x256xf32>
    %dot_general3A_151 = tpu.matmul %mul3A_66, %concatenate3A, %dot_general3A_150 {dimension_numbers = #tpu.dot_dimension_numbers<[0], [0], [1], [1], [0, 1, 1, 1], [], []>, transpose_lhs_hint = false} : vector<512x512xf32>, vector<512x256xf32>, vector<512x256xf32> -> vector<512x256xf32>
    %max3A_152 = arith.constant 1.000000e+00 : f32
    %max3A_153 = vector.broadcast %max3A_152 : f32 to vector<512x1xf32>
    %max3A_154 = arith.maximumf %dot_general3A_149, %max3A_153 : vector<512x1xf32>
    %div3A_155 = vector.broadcast %max3A_154 : vector<512x1xf32> to vector<512x256xf32>
    %div3A_156 = arith.divf %dot_general3A_151, %div3A_155 : vector<512x256xf32>
    %dot_general3A_157 = arith.constant dense<0.000000e+00> : vector<512x128xf32>
    %dot_general3A_158 = tpu.matmul %div3A_156, %get3A_141, %dot_general3A_157 {dimension_numbers = #tpu.dot_dimension_numbers<[1], [0], [0], [1], [0, 0, 1, 1], [], []>, transpose_lhs_hint = false} : vector<512x256xf32>, vector<256x128xf32>, vector<512x128xf32> -> vector<512x128xf32>
    %add3A_159 = vector.broadcast %get3A_144 : vector<1x128xf32> to vector<512x128xf32>
    %add3A_160 = arith.addf %dot_general3A_158, %add3A_159 : vector<512x128xf32>
    %dot_general3A_161 = arith.constant dense<0.000000e+00> : vector<512x128xf32>
    %dot_general3A_162 = tpu.matmul %concatenate3A, %get3A_147, %dot_general3A_161 {dimension_numbers = #tpu.dot_dimension_numbers<[1], [0], [0], [1], [0, 0, 1, 1], [], []>, transpose_lhs_hint = false} : vector<512x256xf32>, vector<256x128xf32>, vector<512x128xf32> -> vector<512x128xf32>
    %add3A_163 = arith.addf %add3A_160, %dot_general3A_162 : vector<512x128xf32>
    %ge3A_164 = arith.constant 0.000000e+00 : f32
    %ge3A_165 = vector.broadcast %ge3A_164 : f32 to vector<512x128xf32>
    %ge3A_166 = arith.cmpf oge, %add3A_163, %ge3A_165 : vector<512x128xf32>
    %mul3A_167 = arith.constant 1.000000e-01 : f32
    %mul3A_168 = vector.broadcast %mul3A_167 : f32 to vector<512x128xf32>
    %mul3A_169 = arith.mulf %mul3A_168, %add3A_163 : vector<512x128xf32>
    %select_n3A_170 = arith.select %ge3A_166, %add3A_163, %mul3A_169 : vector<512x128xi1>, vector<512x128xf32>
    %get3A_171 = arith.constant 0 : index
    %get3A_172 = arith.constant 0 : index
    %get3A_173 = vector.load %arg9[%get3A_171, %get3A_172] : memref<256x128xf32, #tpu.memory_space<vmem>>, vector<256x128xf32>
    %get3A_174 = arith.constant 0 : index
    %get3A_175 = arith.constant 0 : index
    %get3A_176 = vector.load %arg10[%get3A_174, %get3A_175] : memref<1x128xf32, #tpu.memory_space<vmem>>, vector<1x128xf32>
    %get3A_177 = arith.constant 0 : index
    %get3A_178 = arith.constant 0 : index
    %get3A_179 = vector.load %arg11[%get3A_177, %get3A_178] : memref<256x128xf32, #tpu.memory_space<vmem>>, vector<256x128xf32>
    %dot_general3A_180 = arith.constant dense<0.000000e+00> : vector<512x1xf32>
    %dot_general3A_181 = tpu.matmul %mul3A_73, %broadcast_in_dim3A_74, %dot_general3A_180 {dimension_numbers = #tpu.dot_dimension_numbers<[0], [0], [1], [1], [0, 1, 1, 1], [], []>, precision = #tpu.contract_precision<fp32>, transpose_lhs_hint = false} : vector<512x512xf32>, vector<512x1xf32>, vector<512x1xf32> -> vector<512x1xf32>
    %dot_general3A_182 = arith.constant dense<0.000000e+00> : vector<512x256xf32>
    %dot_general3A_183 = tpu.matmul %mul3A_73, %concatenate3A, %dot_general3A_182 {dimension_numbers = #tpu.dot_dimension_numbers<[0], [0], [1], [1], [0, 1, 1, 1], [], []>, transpose_lhs_hint = false} : vector<512x512xf32>, vector<512x256xf32>, vector<512x256xf32> -> vector<512x256xf32>
    %max3A_184 = arith.constant 1.000000e+00 : f32
    %max3A_185 = vector.broadcast %max3A_184 : f32 to vector<512x1xf32>
    %max3A_186 = arith.maximumf %dot_general3A_181, %max3A_185 : vector<512x1xf32>
    %div3A_187 = vector.broadcast %max3A_186 : vector<512x1xf32> to vector<512x256xf32>
    %div3A_188 = arith.divf %dot_general3A_183, %div3A_187 : vector<512x256xf32>
    %dot_general3A_189 = arith.constant dense<0.000000e+00> : vector<512x128xf32>
    %dot_general3A_190 = tpu.matmul %div3A_188, %get3A_173, %dot_general3A_189 {dimension_numbers = #tpu.dot_dimension_numbers<[1], [0], [0], [1], [0, 0, 1, 1], [], []>, transpose_lhs_hint = false} : vector<512x256xf32>, vector<256x128xf32>, vector<512x128xf32> -> vector<512x128xf32>
    %add3A_191 = vector.broadcast %get3A_176 : vector<1x128xf32> to vector<512x128xf32>
    %add3A_192 = arith.addf %dot_general3A_190, %add3A_191 : vector<512x128xf32>
    %dot_general3A_193 = arith.constant dense<0.000000e+00> : vector<512x128xf32>
    %dot_general3A_194 = tpu.matmul %concatenate3A, %get3A_179, %dot_general3A_193 {dimension_numbers = #tpu.dot_dimension_numbers<[1], [0], [0], [1], [0, 0, 1, 1], [], []>, transpose_lhs_hint = false} : vector<512x256xf32>, vector<256x128xf32>, vector<512x128xf32> -> vector<512x128xf32>
    %add3A_195 = arith.addf %add3A_192, %dot_general3A_194 : vector<512x128xf32>
    %ge3A_196 = arith.constant 0.000000e+00 : f32
    %ge3A_197 = vector.broadcast %ge3A_196 : f32 to vector<512x128xf32>
    %ge3A_198 = arith.cmpf oge, %add3A_195, %ge3A_197 : vector<512x128xf32>
    %mul3A_199 = arith.constant 1.000000e-01 : f32
    %mul3A_200 = vector.broadcast %mul3A_199 : f32 to vector<512x128xf32>
    %mul3A_201 = arith.mulf %mul3A_200, %add3A_195 : vector<512x128xf32>
    %select_n3A_202 = arith.select %ge3A_198, %add3A_195, %mul3A_201 : vector<512x128xi1>, vector<512x128xf32>
    %concatenate3A_203 = tpu.concatenate %select_n3A_170, %select_n3A_202 in 1 : vector<512x128xf32>, vector<512x128xf32> -> vector<512x256xf32>
    %get3A_204 = arith.constant 0 : index
    %get3A_205 = arith.constant 0 : index
    %get3A_206 = vector.load %arg12[%get3A_204, %get3A_205] : memref<256x128xf32, #tpu.memory_space<vmem>>, vector<256x128xf32>
    %dot_general3A_207 = arith.constant dense<0.000000e+00> : vector<512x128xf32>
    %dot_general3A_208 = tpu.matmul %concatenate3A_203, %get3A_206, %dot_general3A_207 {dimension_numbers = #tpu.dot_dimension_numbers<[1], [0], [0], [1], [0, 0, 1, 1], [], []>, transpose_lhs_hint = false} : vector<512x256xf32>, vector<256x128xf32>, vector<512x128xf32> -> vector<512x128xf32>
    %get3A_209 = arith.constant 0 : index
    %get3A_210 = arith.constant 0 : index
    %get3A_211 = vector.load %arg13[%get3A_209, %get3A_210] : memref<1x128xf32, #tpu.memory_space<vmem>>, vector<1x128xf32>
    %add3A_212 = vector.broadcast %get3A_211 : vector<1x128xf32> to vector<512x128xf32>
    %add3A_213 = arith.addf %dot_general3A_208, %add3A_212 : vector<512x128xf32>
    %ge3A_214 = arith.constant 0.000000e+00 : f32
    %ge3A_215 = vector.broadcast %ge3A_214 : f32 to vector<512x128xf32>
    %ge3A_216 = arith.cmpf oge, %add3A_213, %ge3A_215 : vector<512x128xf32>
    %mul3A_217 = arith.constant 1.000000e-01 : f32
    %mul3A_218 = vector.broadcast %mul3A_217 : f32 to vector<512x128xf32>
    %mul3A_219 = arith.mulf %mul3A_218, %add3A_213 : vector<512x128xf32>
    %select_n3A_220 = arith.select %ge3A_216, %add3A_213, %mul3A_219 : vector<512x128xi1>, vector<512x128xf32>
    %get3A_221 = arith.constant 0 : index
    %get3A_222 = arith.constant 0 : index
    %get3A_223 = vector.load %arg14[%get3A_221, %get3A_222] : memref<128x64xf32, #tpu.memory_space<vmem>>, vector<128x64xf32>
    %dot_general3A_224 = arith.constant dense<0.000000e+00> : vector<512x64xf32>
    %dot_general3A_225 = tpu.matmul %select_n3A_220, %get3A_223, %dot_general3A_224 {dimension_numbers = #tpu.dot_dimension_numbers<[1], [0], [0], [1], [0, 0, 1, 1], [], []>, transpose_lhs_hint = false} : vector<512x128xf32>, vector<128x64xf32>, vector<512x64xf32> -> vector<512x64xf32>
    %get3A_226 = arith.constant 0 : index
    %get3A_227 = arith.constant 0 : index
    %get3A_228 = vector.load %arg15[%get3A_226, %get3A_227] : memref<1x64xf32, #tpu.memory_space<vmem>>, vector<1x64xf32>
    %add3A_229 = vector.broadcast %get3A_228 : vector<1x64xf32> to vector<512x64xf32>
    %add3A_230 = arith.addf %dot_general3A_225, %add3A_229 : vector<512x64xf32>
    %ge3A_231 = arith.constant 0.000000e+00 : f32
    %ge3A_232 = vector.broadcast %ge3A_231 : f32 to vector<512x64xf32>
    %ge3A_233 = arith.cmpf oge, %add3A_230, %ge3A_232 : vector<512x64xf32>
    %mul3A_234 = arith.constant 1.000000e-01 : f32
    %mul3A_235 = vector.broadcast %mul3A_234 : f32 to vector<512x64xf32>
    %mul3A_236 = arith.mulf %mul3A_235, %add3A_230 : vector<512x64xf32>
    %select_n3A_237 = arith.select %ge3A_233, %add3A_230, %mul3A_236 : vector<512x64xi1>, vector<512x64xf32>
    %get3A_238 = arith.constant 0 : index
    %get3A_239 = arith.constant 0 : index
    %get3A_240 = vector.load %arg16[%get3A_238, %get3A_239] : memref<64x4xf32, #tpu.memory_space<vmem>>, vector<64x4xf32>
    %dot_general3A_241 = arith.constant dense<0.000000e+00> : vector<512x4xf32>
    %dot_general3A_242 = tpu.matmul %select_n3A_237, %get3A_240, %dot_general3A_241 {dimension_numbers = #tpu.dot_dimension_numbers<[1], [0], [0], [1], [0, 0, 1, 1], [], []>, transpose_lhs_hint = false} : vector<512x64xf32>, vector<64x4xf32>, vector<512x4xf32> -> vector<512x4xf32>
    %get3A_243 = arith.constant 0 : index
    %get3A_244 = arith.constant 0 : index
    %get3A_245 = vector.load %arg17[%get3A_243, %get3A_244] : memref<1x4xf32, #tpu.memory_space<vmem>>, vector<1x4xf32>
    %add3A_246 = vector.broadcast %get3A_245 : vector<1x4xf32> to vector<512x4xf32>
    %add3A_247 = arith.addf %dot_general3A_242, %add3A_246 : vector<512x4xf32>
    %swap3A = arith.constant 0 : index
    %swap3A_248 = arith.constant 0 : index
    %swap3A_249 = vector.load %arg18[%swap3A, %swap3A_248] : memref<512x4xf32, #tpu.memory_space<vmem>>, vector<512x4xf32>
    tpu.vector_store %arg18[%swap3A, %swap3A_248], %add3A_247 {strides = array<i32>} : memref<512x4xf32, #tpu.memory_space<vmem>>, vector<512x4xf32>,
    return
  }
}

</mosaic_0001>

<sc_bundles>
// kernel: kernel.11.cloned.1.call-start
scs
__scs_entry_jumppad:
0x0: {  	(pc) =	sbr.rel $0x88, $3  }
0x1: {  	(tag) =	ssettag $0x0;
	lr =	simm.s32 $0x1  }
0x2: {  	[smem:$0x3F8D] =	sst lr;
	_ =	strace $0xD0000000  }
0x3: {  	_ = 	snop  }
0x4: {  	_ = 	snop  }
0x5: {  	_ = 	snop  }
0x6: {  	_ = 	snop  }
0x7: {  	_ = 	snop  }
__scs_overlays_trampoline_lowered:
0x8: {  	[smem:$0x3F9C] =	sst s0  }
0x9: {  	[smem:$0x3F9D] =	sst s1  }
0xa: {  	[smem:$0x3F9E] =	sst s2  }
0xb: {  	[smem:$0x3F9F] =	sst s3  }
0xc: {  	[smem:$0x3FA0] =	sst s4  }
0xd: {  	[smem:$0x3FA1] =	sst s5  }
0xe: {  	[smem:$0x3FA2] =	sst s6  }
0xf: {  	[smem:$0x3FA3] =	sst s7  }
0x10: {  	[smem:$0x3FA4] =	sst s8  }
0x11: {  	[smem:$0x3FA5] =	sst s9;
	s0 =	simm.s32 @!p0 $0x0  }
0x12: {  	s1 =	sld [smem:$0x3F8B];
	s0 =	simm.s32 @p0 $0x1  }
0x13: {  	[smem:$0x3FA6] =	sst s0;
	s0 =	simm.s32 @!p1 $0x0  }
0x14: {  	s2 =	sld [smem:$0x3F8A];
	s0 =	simm.s32 @p1 $0x1  }
0x15: {  	[smem:$0x3FA7] =	sst s0;
	s0 =	simm.s32 @!p2 $0x0  }
0x16: {  	s3 =	sld [smem:$0x3FDB];
	s0 =	simm.s32 @p2 $0x1  }
0x17: {  	s4 =	simm.s32 $0x1BF5;
	[smem:$0x3FA9] =	sst s0  }
0x18: {  	s0 =	sld [smem:$0x3F8C];
	_ =	swait.ge [sflag:s4], $0x0  }
0x19: {  	s7 =	sld [smem:$0x3F8D]  }
0x1a: {  	s8 =	sadd.s32 $0xFFFFE003, lr  }
0x1b: {  	s9 =	sadd.s32 $0xFFFFFEF7, lr;
	s5 =	simm.s32 $0xFFFFFFFF;
	p2 =	slt.u32 s8, $0xFFFFF086  }
0x1c: {  	p1 =	slt.u32 s9, $0xF7A;
	s5 =	simm.s32 @!p2 $0x0  }
0x1d: {  	s5 =	simm.s32 @p1 $0x1;
	p0 =	seq.s32 s7, s2  }
0x1e: {  	s7 =	smul.u32 @!p0 $0xF7A, s2;
	p2 =	seq.s32 @!p0 s5, $0x0  }
0x1f: {  	s9 =	smul.u32 $0xF7A, s1;
	s8 =	simm.s32 @!p0 $0x1BF5;
	p2 =	por !p2, p0  }
0x20: {  	[sflag:s8] =	ssyncset.s32 @!p0 $0xFFFFF086;
	s6 =	sadd.s32 @!p0 s3, s7;
	s7 =	simm.s32 @!p0 $0x108  }
0x21: {  	s3 =	sadd.s32 s3, s9;
	s6 =	sadd.s32 @!p0 $0x88, s6;
	s7 =	simm.s32 @p2 $0x1082  }
0x22: {  	[simem:s7], [sflag:s8] =	dma.local @!p0 [hbm:s6], $0xF7A  }
0x23: {  	s9 =	sor.u32 $0xD0000000, s2;
	s6 =	simm.s32 $0x108;
	_ =	swait.ge @!p0 [sflag:s8], $0x0  }
0x24: {  	s3 =	sadd.s32 $0x88, s3;
	s6 =	simm.s32 @!p1 $0x1082;
	[sflag:s4] =	ssyncset.s32 $0xFFFFF086  }
0x25: {  	[simem:s6], [sflag:s4] =	dma.local [hbm:s3], $0xF7A  }
0x26: {  	[smem:$0x3F8D] =	sst s1;
	(tag) =	ssettag s2;
	_ =	strace s9  }
0x27: {  	s1 =	sld [smem:$0x3F9D]  }
0x28: {  	s2 =	sld [smem:$0x3F9E]  }
0x29: {  	s4 =	sld [smem:$0x3FA0]  }
0x2a: {  	p0 =	seq.s32 s5, $0x0;
	s5 =	sld [smem:$0x3FA1]  }
0x2b: {  	s6 =	sld [smem:$0x3FA2]  }
0x2c: {  	s7 =	sld [smem:$0x3FA3]  }
0x2d: {  	s3 =	simm.s32 $0x108;
	s8 =	sld [smem:$0x3FA4]  }
0x2e: {  	s3 =	simm.s32 @!p0 $0x1082;
	s9 =	sld [smem:$0x3FA5]  }
0x2f: {  	lr =	sadd.s32 s0, s3;
	s0 =	sld [smem:$0x3F9C]  }
0x30: {  	s3 =	sld [smem:$0x3F9F]  }
0x31: {  	[smem:$0x3FA8] =	sst s10  }
0x32: {  	s10 =	sld [smem:$0x3FA6];
	_ =	sdelay $0x3  }
0x33: {  	p0 =	seq.s32 s10, $0x1;
	s10 =	sld [smem:$0x3FA8];
	_ =	sdelay $0x3  }
0x34: {  	[smem:$0x3FA8] =	sst s10  }
0x35: {  	s10 =	sld [smem:$0x3FA7];
	_ =	sdelay $0x3  }
0x36: {  	p1 =	seq.s32 s10, $0x1;
	s10 =	sld [smem:$0x3FA8];
	_ =	sdelay $0x3  }
0x37: {  	[smem:$0x3FA8] =	sst s10  }
0x38: {  	s10 =	sld [smem:$0x3FA9]  }
0x39: {  	_ = 	snop;
	(pc) =	sbr.ind lr, $3  }
0x3a: {  	_ = 	snop  }
0x3b: {  	_ = 	snop  }
0x3c: {  	p2 =	seq.s32 s10, $0x1;
	s10 =	sld [smem:$0x3FA8]  }
0x3d: {  	_ =	shalt  }
0x3e: {  	_ =	shalt  }
0x3f: {  	_ =	shalt  }
0x40: {  	_ =	shalt  }
0x41: {  	_ =	shalt  }
0x42: {  	_ =	shalt  }
0x43: {  	_ =	shalt  }
0x44: {  	_ =	shalt  }
0x45: {  	_ =	shalt  }
0x46: {  	_ =	shalt  }
0x47: {  	_ =	shalt  }
0x48: {  	_ =	shalt  }
0x49: {  	_ =	shalt  }
0x4a: {  	_ =	shalt  }
0x4b: {  	_ =	shalt  }
0x4c: {  	_ =	shalt  }
0x4d: {  	_ =	shalt  }
0x4e: {  	_ =	shalt  }
0x4f: {  	_ =	shalt  }
0x50: {  	_ =	shalt  }
0x51: {  	_ =	shalt  }
0x52: {  	_ =	shalt  }
0x53: {  	_ =	shalt  }
0x54: {  	_ =	shalt  }
0x55: {  	_ =	shalt  }
0x56: {  	_ =	shalt  }
0x57: {  	_ =	shalt  }
0x58: {  	_ =	shalt  }
0x59: {  	_ =	shalt  }
0x5a: {  	_ =	shalt  }
0x5b: {  	_ =	shalt  }
0x5c: {  	_ =	shalt  }
0x5d: {  	_ =	shalt  }
0x5e: {  	_ =	shalt  }
0x5f: {  	_ =	shalt  }
0x60: {  	_ =	shalt  }
0x61: {  	_ =	shalt  }
0x62: {  	_ =	shalt  }
0x63: {  	_ =	shalt  }
0x64: {  	_ =	shalt  }
0x65: {  	_ =	shalt  }
0x66: {  	_ =	shalt  }
0x67: {  	_ =	shalt  }
0x68: {  	_ =	shalt  }
0x69: {  	_ =	shalt  }
0x6a: {  	_ =	shalt  }
0x6b: {  	_ =	shalt  }
0x6c: {  	_ =	shalt  }
0x6d: {  	_ =	shalt  }
0x6e: {  	_ =	shalt  }
0x6f: {  	_ =	shalt  }
0x70: {  	_ =	shalt  }
0x71: {  	_ =	shalt  }
0x72: {  	_ =	shalt  }
0x73: {  	_ =	shalt  }
0x74: {  	_ =	shalt  }
0x75: {  	_ =	shalt  }
0x76: {  	_ =	shalt  }
0x77: {  	_ =	shalt  }
0x78: {  	_ =	shalt  }
0x79: {  	_ =	shalt  }
0x7a: {  	_ =	shalt  }
0x7b: {  	_ =	shalt  }
0x7c: {  	_ =	shalt  }
0x7d: {  	_ =	shalt  }
0x7e: {  	_ =	shalt  }
0x7f: {  	_ =	shalt  }
0x80: {  	_ =	shalt  }
0x81: {  	_ =	shalt  }
0x82: {  	_ =	shalt  }
0x83: {  	_ =	shalt  }
0x84: {  	_ =	shalt  }
0x85: {  	_ =	shalt  }
0x86: {  	_ =	shalt  }
0x87: {  	_ =	shalt  }
.Lfunc_end0:
.L_simem_size_0:
called_computation.1_lowered:
.L_overlay_start_0:
0x88: {  	s2 =	sld [smem:$0x3FD9]  }
0x89: {  	s3 =	sld [smem:$0x3FFE];
	_ =	sdelay $0x1  }
0x8a: {  	s1 =	srdreg.scid  }
0x8b: {  	s0 =	sand.u32 $0x1, s1  }
0x8c: {  	s16 =	sshll.u32 s0, $0xA;
	s2 =	sadd.s32 s3, s2  }
0x8d: {  	s2 =	sadd.s32 s2, s16  }
0x8e: {  	[smem:$0x3FB4] =	sst s2  }
0x8f: {  	_ = 	snop  }
0x90: {  	(tm) =	ssettm $0x1  }
0x91: {  	s17 =	sld [smem:$0x3FFB];
	_ =	sdelay $0x3  }
0x92: {  	_ =	strace s17  }
0x93: {  	s2 =	sld [smem:$0x3FFC];
	_ =	sdelay $0x3  }
0x94: {  	_ =	strace s2  }
0x95: {  	s2 =	sld [smem:$0x3FFD];
	_ =	sdelay $0x3  }
0x96: {  	_ =	strace s2  }
0x97: {  	_ =	strace $0x8FFFFFFF  }
0x98: {  	s18 =	sld [smem:$0x3FDB];
	_ =	sdelay $0x1  }
0x99: {  	s19 =	simm.s32 $_scs_section_size  }
0x9a: {  	s4 =	simm.s32 $_size__tile_overlayer_lowered;
	s5 =	simm.s32 $_tile_overlayer_lowered  }
0x9b: {  	s22 =	simm.s32 $0x1BFF;
	s21 =	sshll.u32 s5, $0x1;
	s2 =	sadd.s32 s19, s18  }
0x9c: {  	s6 =	simm.s32 $0x0;
	s20 =	sshll.u32 s4, $0x1;
	s4 =	sadd.s32 s21, s2  }
0x9d: {  	[timem:s6], [sflag:s22] =	dma.local [hbm:s4], s20  }
0x9e: {  	_ =	swait.ge [sflag:s22], s20  }
0x9f: {  	s3 =	ssub.s32 $0x0, s20;
	[sflag:s22] =	ssyncset.done $0x0  }
0xa0: {  	[sflag:s22] =	ssyncadd.s32 s3;
	_ =	sdelay $0x1  }
0xa1: {  	s23 =	simm.s32 $0x1B8B  }
0xa2: {  	_ =	swait.ge [sflag:s23], $0x1  }
0xa3: {  	[sflag:s23] =	ssyncset.done $0x0  }
0xa4: {  	s25 =	simm.s32 $0x1B8E;
	s24 =	sld [smem:$0x3FFE];
	[sflag:s23] =	ssyncadd.s32 $0xFFFFFFFF  }
0xa5: {  	s26 =	simm.s32 $execute0_lowered;
	[smem:$0x3FD2] =	sst s25  }
0xa6: {  	s4 =	sshll.u32 s26, $0x1;
	_ =	strace $0x80000049;
	[dreg:$0x1] =	wrdreg $0xFFFFFFFF  }
0xa7: {  	s28 =	simm.s32 $_size_execute0_lowered;
	s2 =	sadd.s32 s2, s4;
	[dreg:$0x0] =	wrdreg $0x0  }
0xa8: {  	s4 =	sshll.u32 s28, $0x1;
	[dreg:$0x2] =	wrdreg s2  }
0xa9: {  	[dreg:$0x3] =	wrdreg s4  }
0xaa: {  	[dreg:$0x4] =	wrdreg $0xC0  }
0xab: {  	_ =	task [dreg:s6], $0x5FFFF  }
0xac: {  	[dreg:$0x1] =	wrdreg $0xFFFFFFFF  }
0xad: {  	[dreg:$0x0] =	wrdreg $0x60  }
0xae: {  	[dreg:$0x2] =	wrdreg s24  }
0xaf: {  	[dreg:$0x3] =	wrdreg $0x150000  }
0xb0: {  	[dreg:$0x4] =	wrdreg $0x9  }
0xb1: {  	_ =	task.clear_ibuf [dreg:s6], $0x5FFFF;
	_ =	strace $0x90000049  }
0xb2: {  	s29 =	simm.s32 $0x9;
	_ =	strace $0x8000004B  }
0xb3: {  	_ =	swait.ge [sflag:s29], $0x1  }
0xb4: {  	[sflag:s29] =	ssyncadd.s32 $0xFFFFFFFF  }
0xb5: {  	_ =	strace $0x9000004B  }
0xb6: {  	_ =	sfence  }
0xb7: {  	s30 =	sld [smem:$0x0];
	_ =	sdelay $0x2  }
0xb8: {  	s31 =	sshll.u32 s1, $0xD;
	s1 =	sshrl.u32 s1, $0x2  }
0xb9: {  	s3 =	sand.u32 $0x4000, s31;
	s1 =	sadd.s32 s1, s30  }
0xba: {  	s0 =	sor.u32 s3, s0;
	s1 =	sshll.u32 s1, $0x11  }
0xbb: {  	s0 =	sor.u32 s1, s0  }
0xbc: {  	s0 =	sadd.s32 $0x8F2B, s0  }
0xbd: {  	[sflag:s0] =	ssyncadd.remote.s32 $0x1  }
0xbe: {  	_ =	sfence.sel $0xFFFF  }
0xbf: {  	[dreg:$0x0] =	wrdreg $0xFFFFFFFF;
	(pc) =	sbr.abs _section_cstart, $3  }
0xc0: {  	[dreg:$0x1] =	wrdreg $0xFFFFFFFF  }
0xc1: {  	_ =	task.clear_ibuf [dreg:s6], $0x2FFFF;
	_ =	strace $0x9FFFFFFF  }
0xc2: {  	(tm) =	ssettm $0x7FFFFFFF  }
0xc3: {  	_ =	shalt  }
tec
execute0_lowered:
.L_overlay_start_1:
0x0: {  	(tag) =	ssettag $0x1  }
0x1: {  	s0 =	srdreg.scid;
	s1 =	rddreg [dreg:$0x0]  }
0x2: {  	s12 =	stileid.u32;
	s2 =	rddreg [dreg:$0x1];
	s16 =	simm.s32 $0x5  }
0x3: {  	s18 =	simm.s32 $0x400;
	s19 =	simm.s32 $0x5000;
	s20 =	simm.s32 $0xD000  }
0x4: {  	s21 =	simm.s32 $0x9000;
	s22 =	simm.s32 $0x11000;
	s29 =	simm.s32 $0x4800  }
0x5: {  	s30 =	simm.s32 $0x4C00;
	s31 =	simm.s32 $0x0;
	s7 =	smul.u32 $0x2720, s12  }
0x6: {  	s0 =	sand.u32 $0x1, s0;
	s3 =	sshll.u32 s12, $0x1;
	s24 =	smul.u32 $0x5000, s12  }
0x7: {  	s4 =	sadd.s32 $0x4C00, s1;
	s13 =	sadd.s32 $0x54C00, s1;
	s8 =	smul.u32 $0x27200, s0  }
0x8: {  	s5 =	sor.u32 s0, s3;
	s10 =	ssub.s32 $0x2, s0;
	s0 =	smul.u32 $0x2800, s0  }
0x9: {  	s25 =	sshll.u32 s12, $0x6;
	s3 =	simm.s32 $0x0;
	s6 =	smul.u32 $0x500, s5  }
0xa: {  	[smem:$0x7FF] =	sst s3;
	s23 =	sshrl.u32 s7, $0x3;
	s11 =	sshrl.u32 s10, $0x1  }
0xb: {  	s5 =	smul.u32 $0x5000, s5;
	_ =	strace $0x8000004A;
	s8 =	sadd.s32 s7, s8  }
0xc: {  	s11 =	ssub.s32 s10, s11;
	s7 =	sadd.s32 s7, s2;
	s0 =	sadd.s32 s0, s24  }
0xd: {  	s24 =	simm.s32 $0x3;
	s9 =	sadd.s32 s6, s1;
	s6 =	sadd.s32 s23, s1  }
0xe: {  	s8 =	sshrl.u32 s8, $0x3;
	s0 =	sshll.u32 s0, $0x1;
	s11 =	smax.u32 s11, $0x1  }
0xf: {  	s15 =	sshrl.u32 s7, $0x3;
	s23 =	simm.s32 $0x1;
	s6 =	sadd.s32 $0x9C00, s6  }
0x10: {  	s1 =	sadd.s32 s8, s1;
	s26 =	sadd.s32 $0xF4C00, s9;
	[dreg:$0x3] =	wrdreg s6  }
0x11: {  	s28 =	sadd.s32 $0x108C00, s9;
	s9 =	sadd.s32 s13, s5;
	[dreg:$0x4] =	wrdreg s26  }
0x12: {  	s0 =	sadd.s32 s13, s0;
	s6 =	sor.u32 $0x1C05, s25;
	[dreg:$0x5] =	wrdreg s28  }
0x13: {  	s10 =	sadd.s32 $0xEC00, s1;
	s12 =	sadd.s32 $0x4800, s9;
	s13 =	sadd.s32 $0x800, s0  }
0x14: {  	s14 =	sadd.s32 $0x1000, s0;
	s25 =	simm.s32 $0x2;
	s26 =	simm.s32 $0x4  }
.LBB2_1:
0x15: {  	s0 =	rddreg [dreg:$0x3]  }
0x16: {  	[spmem:s15], [sflag:s6] =	dma.local [hbm:s0], $0x4E4  }
0x17: {  	_ =	swait.ge [sflag:s16], $0x4E4  }
0x18: {  	[sflag:s16] =	ssyncset.done $0x0  }
0x19: {  	s8 =	rddreg [dreg:$0x4];
	[sflag:s16] =	ssyncadd.s32 $0xFFFFFB1C  }
0x1a: {  	[tilespmem:s3], [sflag:$0x5] =	stream.linear.gather [hbm4b:s8+s3], $0x2800, $0x38;
	[tilespmem:$0x17720] =	vst v63  }
0x1b: {  	_ =	swait.ge [sflag:s16], $0x2800  }
0x1c: {  	[sflag:s16] =	ssyncset.done $0x0  }
0x1d: {  	s1 =	simm.s32 $0x2800;
	s17 =	rddreg [dreg:$0x5];
	[sflag:s16] =	ssyncadd.s32 $0xFFFFD800  }
0x1e: {  	[tilespmem:s1], [sflag:$0x5] =	stream.linear.gather [hbm4b:s17+s3], $0x2800, $0x38;
	[tilespmem:$0x17720] =	vst v63  }
0x1f: {  	_ =	swait.ge [sflag:s16], $0x2800  }
0x20: {  	[sflag:s16] =	ssyncset.done $0x0  }
0x21: {  	[sflag:s16] =	ssyncadd.s32 $0xFFFFD800  }
0x22: {  	[bflag:$0x0] =	sbarrier.arrive $0xFFFF  }
0x23: {  	[tilespmem:s19], [sflag:$0x1] =	stream.indirect.gather [hbm4b:s4+s18], $0x10, s3, s18, $0xb8;
	[tilespmem:$0x17720] =	vst v63  }
0x24: {  	_ = 	snop  }
0x25: {  	[tilespmem:s20], [sflag:$0x3] =	stream.linear.gather [hbm4b:s9+s3], $0x4000, $0x38;
	[tilespmem:$0x17720] =	vst v63  }
0x26: {  	s5 =	simm.s32 $0x400  }
0x27: {  	[tilespmem:s21], [sflag:$0x2] =	stream.indirect.gather [hbm4b:s4+s18], $0x10, s5, s18, $0xb8;
	[tilespmem:$0x17720] =	vst v63  }
0x28: {  	_ = 	snop  }
0x29: {  	[tilespmem:s22], [sflag:$0x4] =	stream.linear.gather [hbm4b:s13+s3], $0x4000, $0x38;
	[tilespmem:$0x17720] =	vst v63  }
0x2a: {  	_ =	swait.ge [sflag:s23], $0x4000  }
0x2b: {  	[sflag:s23] =	ssyncset.done $0x0  }
0x2c: {  	[sflag:s23] =	ssyncadd.s32 $0xFFFFC000  }
0x2d: {  	_ =	swait.ge [sflag:s24], $0x4000  }
0x2e: {  	[sflag:s24] =	ssyncset.done $0x0  }
0x2f: {  	s7 =	simm.s32 $0x2800;
	[sflag:s24] =	ssyncadd.s32 $0xFFFFC000  }
0x30: {  	[spmem:s2] =	stream.indirect.scatter.add.f32 [tilespmem:s19], [sflag:$0x5], $0x10, s7, s18, $0xb8;
	[tilespmem:$0x17720] =	vst v63  }
0x31: {  	_ =	swait.ge [sflag:s16], $0x4000  }
0x32: {  	[sflag:s16] =	ssyncset.done $0x0  }
0x33: {  	[sflag:s16] =	ssyncadd.s32 $0xFFFFC000  }
0x34: {  	[spmem:s2] =	stream.indirect.scatter.add.f32 [tilespmem:s20], [sflag:$0x5], $0x10, s7, s18, $0xb8;
	[tilespmem:$0x17720] =	vst v63  }
0x35: {  	_ =	swait.ge [sflag:s16], $0x4000  }
0x36: {  	[sflag:s16] =	ssyncset.done $0x0  }
0x37: {  	s8 =	simm.s32 $0x800;
	[sflag:s16] =	ssyncadd.s32 $0xFFFFC000  }
0x38: {  	[tilespmem:s19], [sflag:$0x1] =	stream.indirect.gather [hbm4b:s4+s18], $0x10, s8, s18, $0xb8;
	[tilespmem:$0x17720] =	vst v63  }
0x39: {  	_ = 	snop  }
0x3a: {  	[tilespmem:s20], [sflag:$0x3] =	stream.linear.gather [hbm4b:s14+s3], $0x4000, $0x38;
	[tilespmem:$0x17720] =	vst v63  }
0x3b: {  	_ =	swait.ge [sflag:s25], $0x4000  }
0x3c: {  	[sflag:s25] =	ssyncset.done $0x0  }
0x3d: {  	[sflag:s25] =	ssyncadd.s32 $0xFFFFC000  }
0x3e: {  	_ =	swait.ge [sflag:s26], $0x4000  }
0x3f: {  	[sflag:s26] =	ssyncset.done $0x0  }
0x40: {  	s17 =	simm.s32 $0x2C00;
	[sflag:s26] =	ssyncadd.s32 $0xFFFFC000  }
0x41: {  	[spmem:s2] =	stream.indirect.scatter.add.f32 [tilespmem:s21], [sflag:$0x5], $0x10, s17, s18, $0xb8;
	[tilespmem:$0x17720] =	vst v63  }
0x42: {  	_ =	swait.ge [sflag:s16], $0x4000  }
0x43: {  	[sflag:s16] =	ssyncset.done $0x0  }
0x44: {  	[sflag:s16] =	ssyncadd.s32 $0xFFFFC000  }
0x45: {  	[spmem:s2] =	stream.indirect.scatter.add.f32 [tilespmem:s22], [sflag:$0x5], $0x10, s17, s18, $0xb8;
	[tilespmem:$0x17720] =	vst v63  }
0x46: {  	s28 =	simm.s32 $0x4000;
	s0 =	simm.s32 $0x800;
	_ =	swait.ge [sflag:s16], $0x4000  }
0x47: {  	s1 =	sadd.s32 $0x1000, s14;
	s17 =	sadd.s32 $0x1000, s13;
	[sflag:s16] =	ssyncset.done $0x0  }
.LBB2_2:
0x48: {  	s8 =	sadd.s32 $0x400, s0  }
0x49: {  	[sflag:s16] =	ssyncadd.s32 $0xFFFFC000;
	s5 =	smov.u32 s28;
	s7 =	sadd.s32 $0x2000, s28  }
0x4a: {  	[tilespmem:s21], [sflag:$0x2] =	stream.indirect.gather [hbm4b:s4+s18], $0x10, s8, s18, $0xb8;
	[tilespmem:$0x17720] =	vst v63  }
0x4b: {  	p0 =	sne.s32 s28, $0x6000  }
0x4c: {  	[tilespmem:s22], [sflag:$0x4] =	stream.linear.gather [hbm4b:s17+s3], $0x4000, $0x38;
	[tilespmem:$0x17720] =	vst v63  }
0x4d: {  	_ =	swait.ge [sflag:s23], $0x4000  }
0x4e: {  	[sflag:s23] =	ssyncset.done $0x0  }
0x4f: {  	[sflag:s23] =	ssyncadd.s32 $0xFFFFC000  }
0x50: {  	_ =	swait.ge [sflag:s24], $0x4000  }
0x51: {  	[sflag:s24] =	ssyncset.done $0x0  }
0x52: {  	s8 =	sadd.s32 $0x2800, s0;
	[sflag:s24] =	ssyncadd.s32 $0xFFFFC000  }
0x53: {  	[spmem:s2] =	stream.indirect.scatter.add.f32 [tilespmem:s19], [sflag:$0x5], $0x10, s8, s18, $0xb8;
	[tilespmem:$0x17720] =	vst v63  }
0x54: {  	_ =	swait.ge [sflag:s16], $0x4000  }
0x55: {  	[sflag:s16] =	ssyncset.done $0x0  }
0x56: {  	[sflag:s16] =	ssyncadd.s32 $0xFFFFC000  }
0x57: {  	[spmem:s2] =	stream.indirect.scatter.add.f32 [tilespmem:s20], [sflag:$0x5], $0x10, s8, s18, $0xb8;
	[tilespmem:$0x17720] =	vst v63  }
0x58: {  	_ =	swait.ge [sflag:s16], $0x4000  }
0x59: {  	[sflag:s16] =	ssyncset.done $0x0  }
0x5a: {  	s8 =	sadd.s32 $0x800, s0;
	[sflag:s16] =	ssyncadd.s32 $0xFFFFC000  }
0x5b: {  	[tilespmem:s19], [sflag:$0x1] =	stream.indirect.gather [hbm4b:s4+s18], $0x10, s8, s18, $0xb8;
	[tilespmem:$0x17720] =	vst v63  }
0x5c: {  	_ = 	snop  }
0x5d: {  	[tilespmem:s20], [sflag:$0x3] =	stream.linear.gather [hbm4b:s1+s3], $0x4000, $0x38;
	[tilespmem:$0x17720] =	vst v63  }
0x5e: {  	_ =	swait.ge [sflag:s25], $0x4000  }
0x5f: {  	[sflag:s25] =	ssyncset.done $0x0  }
0x60: {  	[sflag:s25] =	ssyncadd.s32 $0xFFFFC000  }
0x61: {  	_ =	swait.ge [sflag:s26], $0x4000  }
0x62: {  	[sflag:s26] =	ssyncset.done $0x0  }
0x63: {  	s0 =	sadd.s32 $0x2C00, s0;
	[sflag:s26] =	ssyncadd.s32 $0xFFFFC000  }
0x64: {  	[spmem:s2] =	stream.indirect.scatter.add.f32 [tilespmem:s21], [sflag:$0x5], $0x10, s0, s18, $0xb8;
	[tilespmem:$0x17720] =	vst v63  }
0x65: {  	_ =	swait.ge [sflag:s16], $0x4000  }
.Ltmp0:
0x66: {  	[sflag:s16] =	ssyncset.done $0x0;
	(pc) =	sbr.rel @p0 .LBB2_2-.Ltmp0, $4  }
0x67: {  	[sflag:s16] =	ssyncadd.s32 $0xFFFFC000  }
0x68: {  	[spmem:s2] =	stream.indirect.scatter.add.f32 [tilespmem:s22], [sflag:$0x5], $0x10, s0, s18, $0xb8;
	[tilespmem:$0x17720] =	vst v63  }
0x69: {  	s28 =	smov.u32 s7;
	s1 =	sadd.s32 $0x1000, s1;
	_ =	swait.ge [sflag:s16], $0x4000  }
0x6a: {  	s17 =	sadd.s32 $0x1000, s17;
	s0 =	sshra.s32 s5, $0x2;
	[sflag:s16] =	ssyncset.done $0x0  }
0x6b: {  	s5 =	sadd.s32 $0x400, s0;
	[sflag:s16] =	ssyncadd.s32 $0xFFFFC000  }
0x6c: {  	[tilespmem:s21], [sflag:$0x2] =	stream.indirect.gather [hbm4b:s4+s18], $0x10, s5, s18, $0xb8;
	[tilespmem:$0x17720] =	vst v63  }
0x6d: {  	_ = 	snop  }
0x6e: {  	[tilespmem:s22], [sflag:$0x4] =	stream.linear.gather [hbm4b:s17+s3], $0x4000, $0x38;
	[tilespmem:$0x17720] =	vst v63  }
0x6f: {  	_ =	swait.ge [sflag:s23], $0x4000  }
0x70: {  	[sflag:s23] =	ssyncset.done $0x0  }
0x71: {  	[sflag:s23] =	ssyncadd.s32 $0xFFFFC000  }
0x72: {  	_ =	swait.ge [sflag:s24], $0x4000  }
0x73: {  	[sflag:s24] =	ssyncset.done $0x0  }
0x74: {  	s7 =	sadd.s32 $0x2800, s0;
	[sflag:s24] =	ssyncadd.s32 $0xFFFFC000  }
0x75: {  	[spmem:s2] =	stream.indirect.scatter.add.f32 [tilespmem:s19], [sflag:$0x5], $0x10, s7, s18, $0xb8;
	[tilespmem:$0x17720] =	vst v63  }
0x76: {  	_ =	swait.ge [sflag:s16], $0x4000  }
0x77: {  	[sflag:s16] =	ssyncset.done $0x0  }
0x78: {  	[sflag:s16] =	ssyncadd.s32 $0xFFFFC000  }
0x79: {  	[spmem:s2] =	stream.indirect.scatter.add.f32 [tilespmem:s20], [sflag:$0x5], $0x10, s7, s18, $0xb8;
	[tilespmem:$0x17720] =	vst v63  }
0x7a: {  	_ =	swait.ge [sflag:s16], $0x4000  }
0x7b: {  	[sflag:s16] =	ssyncset.done $0x0  }
0x7c: {  	s8 =	sadd.s32 $0x800, s0;
	[sflag:s16] =	ssyncadd.s32 $0xFFFFC000  }
0x7d: {  	[tilespmem:s19], [sflag:$0x1] =	stream.indirect.gather [hbm4b:s4+s18], $0x10, s8, s18, $0xb8;
	[tilespmem:$0x17720] =	vst v63  }
0x7e: {  	_ = 	snop  }
0x7f: {  	[tilespmem:s20], [sflag:$0x3] =	stream.linear.gather [hbm4b:s1+s3], $0x4000, $0x38;
	[tilespmem:$0x17720] =	vst v63  }
0x80: {  	_ =	swait.ge [sflag:s25], $0x4000  }
0x81: {  	[sflag:s25] =	ssyncset.done $0x0  }
0x82: {  	[sflag:s25] =	ssyncadd.s32 $0xFFFFC000  }
0x83: {  	_ =	swait.ge [sflag:s26], $0x4000  }
0x84: {  	[sflag:s26] =	ssyncset.done $0x0  }
0x85: {  	s17 =	sadd.s32 $0x2C00, s0;
	[sflag:s26] =	ssyncadd.s32 $0xFFFFC000  }
0x86: {  	[spmem:s2] =	stream.indirect.scatter.add.f32 [tilespmem:s21], [sflag:$0x5], $0x10, s17, s18, $0xb8;
	[tilespmem:$0x17720] =	vst v63  }
0x87: {  	_ =	swait.ge [sflag:s16], $0x4000  }
0x88: {  	[sflag:s16] =	ssyncset.done $0x0  }
0x89: {  	[sflag:s16] =	ssyncadd.s32 $0xFFFFC000  }
0x8a: {  	[spmem:s2] =	stream.indirect.scatter.add.f32 [tilespmem:s22], [sflag:$0x5], $0x10, s17, s18, $0xb8;
	[tilespmem:$0x17720] =	vst v63  }
0x8b: {  	_ =	swait.ge [sflag:s16], $0x4000  }
0x8c: {  	[sflag:s16] =	ssyncset.done $0x0  }
0x8d: {  	s28 =	simm.s32 $0x2400;
	[sflag:s16] =	ssyncadd.s32 $0xFFFFC000  }
0x8e: {  	[tilespmem:s21], [sflag:$0x2] =	stream.indirect.gather [hbm4b:s4+s18], $0x10, s28, s18, $0xb8;
	[tilespmem:$0x17720] =	vst v63  }
0x8f: {  	_ = 	snop  }
0x90: {  	[tilespmem:s22], [sflag:$0x4] =	stream.linear.gather [hbm4b:s12+s3], $0x4000, $0x38;
	[tilespmem:$0x17720] =	vst v63  }
0x91: {  	_ =	swait.ge [sflag:s23], $0x4000  }
0x92: {  	[sflag:s23] =	ssyncset.done $0x0  }
0x93: {  	[sflag:s23] =	ssyncadd.s32 $0xFFFFC000  }
0x94: {  	_ =	swait.ge [sflag:s24], $0x4000  }
0x95: {  	[sflag:s24] =	ssyncset.done $0x0  }
0x96: {  	[sflag:s24] =	ssyncadd.s32 $0xFFFFC000  }
0x97: {  	[spmem:s2] =	stream.indirect.scatter.add.f32 [tilespmem:s19], [sflag:$0x5], $0x10, s29, s18, $0xb8;
	[tilespmem:$0x17720] =	vst v63  }
0x98: {  	_ =	swait.ge [sflag:s16], $0x4000  }
0x99: {  	[sflag:s16] =	ssyncset.done $0x0  }
0x9a: {  	[sflag:s16] =	ssyncadd.s32 $0xFFFFC000  }
0x9b: {  	[spmem:s2] =	stream.indirect.scatter.add.f32 [tilespmem:s20], [sflag:$0x5], $0x10, s29, s18, $0xb8;
	[tilespmem:$0x17720] =	vst v63  }
0x9c: {  	_ =	swait.ge [sflag:s16], $0x4000  }
0x9d: {  	[sflag:s16] =	ssyncset.done $0x0  }
0x9e: {  	[sflag:s16] =	ssyncadd.s32 $0xFFFFC000  }
0x9f: {  	_ =	swait.ge [sflag:s25], $0x4000  }
0xa0: {  	[sflag:s25] =	ssyncset.done $0x0  }
0xa1: {  	[sflag:s25] =	ssyncadd.s32 $0xFFFFC000  }
0xa2: {  	_ =	swait.ge [sflag:s26], $0x4000  }
0xa3: {  	[sflag:s26] =	ssyncset.done $0x0  }
0xa4: {  	[sflag:s26] =	ssyncadd.s32 $0xFFFFC000  }
0xa5: {  	[spmem:s2] =	stream.indirect.scatter.add.f32 [tilespmem:s21], [sflag:$0x5], $0x10, s30, s18, $0xb8;
	[tilespmem:$0x17720] =	vst v63  }
0xa6: {  	_ =	swait.ge [sflag:s16], $0x4000  }
0xa7: {  	[sflag:s16] =	ssyncset.done $0x0  }
0xa8: {  	[sflag:s16] =	ssyncadd.s32 $0xFFFFC000  }
0xa9: {  	[spmem:s2] =	stream.indirect.scatter.add.f32 [tilespmem:s22], [sflag:$0x5], $0x10, s30, s18, $0xb8;
	[tilespmem:$0x17720] =	vst v63  }
0xaa: {  	_ =	swait.ge [sflag:s16], $0x4000  }
0xab: {  	s31 =	sadd.s32 $0x1, s31;
	[sflag:s16] =	ssyncset.done $0x0  }
0xac: {  	p0 =	sne.s32 s31, s11;
	[sflag:s16] =	ssyncadd.s32 $0xFFFFC000  }
.Ltmp1:
0xad: {  	[bflag:$0x0] =	sbarrier.arrive $0xFFFF;
	(pc) =	sbr.rel @p0 .LBB2_1-.Ltmp1, $4  }
0xae: {  	[hbm:s10], [sflag:s6] =	dma.local [spmem:s15], $0x4E4  }
0xaf: {  	_ =	swait.ge [sflag:s16], $0x4E4  }
0xb0: {  	[sflag:s16] =	ssyncset.done $0x0  }
0xb1: {  	[sflag:s16] =	ssyncadd.s32 $0xFFFFFB1C  }
0xb2: {  	_ =	sfence.sel $0x180000  }
0xb3: {  	[bflag:$0x0] =	sbarrier.arrive $0xFFFF  }
0xb4: {  	_ =	strace $0x9000004A  }
0xb5: {  	s0 =	stileid.u32;
	[bflag:$0x2] =	sbarrier.arrive $0xFFFF  }
0xb6: {  	p0 =	sne.s32 s0, $0x0;
	s0 =	rddreg [dreg:$0x2]  }
0xb7: {  	s0 =	sadd.s32 @!p0 $0x100000, s0  }
0xb8: {  	[sflag:s0] =	ssyncadd.tile.s32 @!p0 $0x1;
	_ =	shalt  }
.Lfunc_end2:
_tile_overlayer_lowered:
.L_overlay_start_2:
0xb9: {  	(tag) =	ssettag $0x2  }
0xba: {  	s0 =	rddreg [dreg:$0x0];
	s2 =	stileid.u32  }
0xbb: {  	s1 =	rddreg [dreg:$0x1];
	p0 =	sne.s32 s2, $0x0  }
0xbc: {  	s3 =	rddreg [dreg:$0x2];
	[bflag:$0x3] =	sbarrier.arrive $0xFFFF;
	s2 =	simm.s32 @!p0 $0x1C05  }
0xbd: {  	[timem:s3], [sflag:s2] =	dma.local @!p0 [hbm:s0], s1  }
0xbe: {  	s0 =	simm.s32 @!p0 $0x5  }
0xbf: {  	_ =	swait.ge @!p0 [sflag:s0], s1  }
0xc0: {  	s1 =	ssub.s32 @!p0 $0x0, s1;
	[sflag:s0] =	ssyncset.done @!p0 $0x0  }
0xc1: {  	[sflag:s0] =	ssyncadd.s32 @!p0 s1  }
0xc2: {  	[bflag:$0x3] =	sbarrier.arrive $0xFFFF  }
0xc3: {  	_ =	shalt  }

// kernel: kernel.14.cloned.1.call-start
scs
__scs_entry_jumppad:
0x0: {  	(pc) =	sbr.rel $0x88, $3  }
0x1: {  	(tag) =	ssettag $0x0;
	lr =	simm.s32 $0x1  }
0x2: {  	[smem:$0x3F8D] =	sst lr;
	_ =	strace $0xD0000000  }
0x3: {  	_ = 	snop  }
0x4: {  	_ = 	snop  }
0x5: {  	_ = 	snop  }
0x6: {  	_ = 	snop  }
0x7: {  	_ = 	snop  }
__scs_overlays_trampoline_lowered:
0x8: {  	[smem:$0x3F9C] =	sst s0  }
0x9: {  	[smem:$0x3F9D] =	sst s1  }
0xa: {  	[smem:$0x3F9E] =	sst s2  }
0xb: {  	[smem:$0x3F9F] =	sst s3  }
0xc: {  	[smem:$0x3FA0] =	sst s4  }
0xd: {  	[smem:$0x3FA1] =	sst s5  }
0xe: {  	[smem:$0x3FA2] =	sst s6  }
0xf: {  	[smem:$0x3FA3] =	sst s7  }
0x10: {  	[smem:$0x3FA4] =	sst s8  }
0x11: {  	[smem:$0x3FA5] =	sst s9;
	s0 =	simm.s32 @!p0 $0x0  }
0x12: {  	s1 =	sld [smem:$0x3F8B];
	s0 =	simm.s32 @p0 $0x1  }
0x13: {  	[smem:$0x3FA6] =	sst s0;
	s0 =	simm.s32 @!p1 $0x0  }
0x14: {  	s2 =	sld [smem:$0x3F8A];
	s0 =	simm.s32 @p1 $0x1  }
0x15: {  	[smem:$0x3FA7] =	sst s0;
	s0 =	simm.s32 @!p2 $0x0  }
0x16: {  	s3 =	sld [smem:$0x3FDB];
	s0 =	simm.s32 @p2 $0x1  }
0x17: {  	s4 =	simm.s32 $0x1BF5;
	[smem:$0x3FA9] =	sst s0  }
0x18: {  	s0 =	sld [smem:$0x3F8C];
	_ =	swait.ge [sflag:s4], $0x0  }
0x19: {  	s7 =	sld [smem:$0x3F8D]  }
0x1a: {  	s8 =	sadd.s32 $0xFFFFE003, lr  }
0x1b: {  	s9 =	sadd.s32 $0xFFFFFEF7, lr;
	s5 =	simm.s32 $0xFFFFFFFF;
	p2 =	slt.u32 s8, $0xFFFFF086  }
0x1c: {  	p1 =	slt.u32 s9, $0xF7A;
	s5 =	simm.s32 @!p2 $0x0  }
0x1d: {  	s5 =	simm.s32 @p1 $0x1;
	p0 =	seq.s32 s7, s2  }
0x1e: {  	s7 =	smul.u32 @!p0 $0xF7A, s2;
	p2 =	seq.s32 @!p0 s5, $0x0  }
0x1f: {  	s9 =	smul.u32 $0xF7A, s1;
	s8 =	simm.s32 @!p0 $0x1BF5;
	p2 =	por !p2, p0  }
0x20: {  	[sflag:s8] =	ssyncset.s32 @!p0 $0xFFFFF086;
	s6 =	sadd.s32 @!p0 s3, s7;
	s7 =	simm.s32 @!p0 $0x108  }
0x21: {  	s3 =	sadd.s32 s3, s9;
	s6 =	sadd.s32 @!p0 $0x88, s6;
	s7 =	simm.s32 @p2 $0x1082  }
0x22: {  	[simem:s7], [sflag:s8] =	dma.local @!p0 [hbm:s6], $0xF7A  }
0x23: {  	s9 =	sor.u32 $0xD0000000, s2;
	s6 =	simm.s32 $0x108;
	_ =	swait.ge @!p0 [sflag:s8], $0x0  }
0x24: {  	s3 =	sadd.s32 $0x88, s3;
	s6 =	simm.s32 @!p1 $0x1082;
	[sflag:s4] =	ssyncset.s32 $0xFFFFF086  }
0x25: {  	[simem:s6], [sflag:s4] =	dma.local [hbm:s3], $0xF7A  }
0x26: {  	[smem:$0x3F8D] =	sst s1;
	(tag) =	ssettag s2;
	_ =	strace s9  }
0x27: {  	s1 =	sld [smem:$0x3F9D]  }
0x28: {  	s2 =	sld [smem:$0x3F9E]  }
0x29: {  	s4 =	sld [smem:$0x3FA0]  }
0x2a: {  	p0 =	seq.s32 s5, $0x0;
	s5 =	sld [smem:$0x3FA1]  }
0x2b: {  	s6 =	sld [smem:$0x3FA2]  }
0x2c: {  	s7 =	sld [smem:$0x3FA3]  }
0x2d: {  	s3 =	simm.s32 $0x108;
	s8 =	sld [smem:$0x3FA4]  }
0x2e: {  	s3 =	simm.s32 @!p0 $0x1082;
	s9 =	sld [smem:$0x3FA5]  }
0x2f: {  	lr =	sadd.s32 s0, s3;
	s0 =	sld [smem:$0x3F9C]  }
0x30: {  	s3 =	sld [smem:$0x3F9F]  }
0x31: {  	[smem:$0x3FA8] =	sst s10  }
0x32: {  	s10 =	sld [smem:$0x3FA6];
	_ =	sdelay $0x3  }
0x33: {  	p0 =	seq.s32 s10, $0x1;
	s10 =	sld [smem:$0x3FA8];
	_ =	sdelay $0x3  }
0x34: {  	[smem:$0x3FA8] =	sst s10  }
0x35: {  	s10 =	sld [smem:$0x3FA7];
	_ =	sdelay $0x3  }
0x36: {  	p1 =	seq.s32 s10, $0x1;
	s10 =	sld [smem:$0x3FA8];
	_ =	sdelay $0x3  }
0x37: {  	[smem:$0x3FA8] =	sst s10  }
0x38: {  	s10 =	sld [smem:$0x3FA9]  }
0x39: {  	_ = 	snop;
	(pc) =	sbr.ind lr, $3  }
0x3a: {  	_ = 	snop  }
0x3b: {  	_ = 	snop  }
0x3c: {  	p2 =	seq.s32 s10, $0x1;
	s10 =	sld [smem:$0x3FA8]  }
0x3d: {  	_ =	shalt  }
0x3e: {  	_ =	shalt  }
0x3f: {  	_ =	shalt  }
0x40: {  	_ =	shalt  }
0x41: {  	_ =	shalt  }
0x42: {  	_ =	shalt  }
0x43: {  	_ =	shalt  }
0x44: {  	_ =	shalt  }
0x45: {  	_ =	shalt  }
0x46: {  	_ =	shalt  }
0x47: {  	_ =	shalt  }
0x48: {  	_ =	shalt  }
0x49: {  	_ =	shalt  }
0x4a: {  	_ =	shalt  }
0x4b: {  	_ =	shalt  }
0x4c: {  	_ =	shalt  }
0x4d: {  	_ =	shalt  }
0x4e: {  	_ =	shalt  }
0x4f: {  	_ =	shalt  }
0x50: {  	_ =	shalt  }
0x51: {  	_ =	shalt  }
0x52: {  	_ =	shalt  }
0x53: {  	_ =	shalt  }
0x54: {  	_ =	shalt  }
0x55: {  	_ =	shalt  }
0x56: {  	_ =	shalt  }
0x57: {  	_ =	shalt  }
0x58: {  	_ =	shalt  }
0x59: {  	_ =	shalt  }
0x5a: {  	_ =	shalt  }
0x5b: {  	_ =	shalt  }
0x5c: {  	_ =	shalt  }
0x5d: {  	_ =	shalt  }
0x5e: {  	_ =	shalt  }
0x5f: {  	_ =	shalt  }
0x60: {  	_ =	shalt  }
0x61: {  	_ =	shalt  }
0x62: {  	_ =	shalt  }
0x63: {  	_ =	shalt  }
0x64: {  	_ =	shalt  }
0x65: {  	_ =	shalt  }
0x66: {  	_ =	shalt  }
0x67: {  	_ =	shalt  }
0x68: {  	_ =	shalt  }
0x69: {  	_ =	shalt  }
0x6a: {  	_ =	shalt  }
0x6b: {  	_ =	shalt  }
0x6c: {  	_ =	shalt  }
0x6d: {  	_ =	shalt  }
0x6e: {  	_ =	shalt  }
0x6f: {  	_ =	shalt  }
0x70: {  	_ =	shalt  }
0x71: {  	_ =	shalt  }
0x72: {  	_ =	shalt  }
0x73: {  	_ =	shalt  }
0x74: {  	_ =	shalt  }
0x75: {  	_ =	shalt  }
0x76: {  	_ =	shalt  }
0x77: {  	_ =	shalt  }
0x78: {  	_ =	shalt  }
0x79: {  	_ =	shalt  }
0x7a: {  	_ =	shalt  }
0x7b: {  	_ =	shalt  }
0x7c: {  	_ =	shalt  }
0x7d: {  	_ =	shalt  }
0x7e: {  	_ =	shalt  }
0x7f: {  	_ =	shalt  }
0x80: {  	_ =	shalt  }
0x81: {  	_ =	shalt  }
0x82: {  	_ =	shalt  }
0x83: {  	_ =	shalt  }
0x84: {  	_ =	shalt  }
0x85: {  	_ =	shalt  }
0x86: {  	_ =	shalt  }
0x87: {  	_ =	shalt  }
.Lfunc_end0:
.L_simem_size_0:
called_computation.2_lowered:
.L_overlay_start_0:
0x88: {  	s2 =	sld [smem:$0x3FD9]  }
0x89: {  	s3 =	sld [smem:$0x3FFE];
	_ =	sdelay $0x1  }
0x8a: {  	s1 =	srdreg.scid  }
0x8b: {  	s0 =	sand.u32 $0x1, s1  }
0x8c: {  	s16 =	sshll.u32 s0, $0xA;
	s2 =	sadd.s32 s3, s2  }
0x8d: {  	s2 =	sadd.s32 s2, s16  }
0x8e: {  	[smem:$0x3FB4] =	sst s2  }
0x8f: {  	_ = 	snop  }
0x90: {  	(tm) =	ssettm $0x1  }
0x91: {  	s17 =	sld [smem:$0x3FFB];
	_ =	sdelay $0x3  }
0x92: {  	_ =	strace s17  }
0x93: {  	s2 =	sld [smem:$0x3FFC];
	_ =	sdelay $0x3  }
0x94: {  	_ =	strace s2  }
0x95: {  	s2 =	sld [smem:$0x3FFD];
	_ =	sdelay $0x3  }
0x96: {  	_ =	strace s2  }
0x97: {  	_ =	strace $0x8FFFFFFF  }
0x98: {  	s18 =	sld [smem:$0x3FDB];
	_ =	sdelay $0x1  }
0x99: {  	s19 =	simm.s32 $_scs_section_size  }
0x9a: {  	s4 =	simm.s32 $_size__tile_overlayer_lowered;
	s5 =	simm.s32 $_tile_overlayer_lowered  }
0x9b: {  	s22 =	simm.s32 $0x1BFF;
	s21 =	sshll.u32 s5, $0x1;
	s2 =	sadd.s32 s19, s18  }
0x9c: {  	s6 =	simm.s32 $0x0;
	s20 =	sshll.u32 s4, $0x1;
	s4 =	sadd.s32 s21, s2  }
0x9d: {  	[timem:s6], [sflag:s22] =	dma.local [hbm:s4], s20  }
0x9e: {  	_ =	swait.ge [sflag:s22], s20  }
0x9f: {  	s3 =	ssub.s32 $0x0, s20;
	[sflag:s22] =	ssyncset.done $0x0  }
0xa0: {  	[sflag:s22] =	ssyncadd.s32 s3;
	_ =	sdelay $0x1  }
0xa1: {  	s23 =	simm.s32 $0x1B8B  }
0xa2: {  	_ =	swait.ge [sflag:s23], $0x1  }
0xa3: {  	[sflag:s23] =	ssyncset.done $0x0  }
0xa4: {  	s25 =	simm.s32 $0x1B8E;
	s24 =	sld [smem:$0x3FFE];
	[sflag:s23] =	ssyncadd.s32 $0xFFFFFFFF  }
0xa5: {  	s26 =	simm.s32 $execute0_lowered;
	[smem:$0x3FD2] =	sst s25  }
0xa6: {  	s4 =	sshll.u32 s26, $0x1;
	_ =	strace $0x8000004C;
	[dreg:$0x1] =	wrdreg $0xFFFFFFFF  }
0xa7: {  	s28 =	simm.s32 $_size_execute0_lowered;
	s2 =	sadd.s32 s2, s4;
	[dreg:$0x0] =	wrdreg $0x0  }
0xa8: {  	s4 =	sshll.u32 s28, $0x1;
	[dreg:$0x2] =	wrdreg s2  }
0xa9: {  	[dreg:$0x3] =	wrdreg s4  }
0xaa: {  	[dreg:$0x4] =	wrdreg $0xC0  }
0xab: {  	_ =	task [dreg:s6], $0x5FFFF  }
0xac: {  	[dreg:$0x1] =	wrdreg $0xFFFFFFFF  }
0xad: {  	[dreg:$0x0] =	wrdreg $0x60  }
0xae: {  	[dreg:$0x2] =	wrdreg s24  }
0xaf: {  	[dreg:$0x3] =	wrdreg $0xFF200  }
0xb0: {  	[dreg:$0x4] =	wrdreg $0x9  }
0xb1: {  	_ =	task.clear_ibuf [dreg:s6], $0x5FFFF;
	_ =	strace $0x9000004C  }
0xb2: {  	s29 =	simm.s32 $0x9;
	_ =	strace $0x8000004E  }
0xb3: {  	_ =	swait.ge [sflag:s29], $0x1  }
0xb4: {  	[sflag:s29] =	ssyncadd.s32 $0xFFFFFFFF  }
0xb5: {  	_ =	strace $0x9000004E  }
0xb6: {  	_ =	sfence  }
0xb7: {  	s30 =	sld [smem:$0x0];
	_ =	sdelay $0x2  }
0xb8: {  	s31 =	sshll.u32 s1, $0xD;
	s1 =	sshrl.u32 s1, $0x2  }
0xb9: {  	s3 =	sand.u32 $0x4000, s31;
	s1 =	sadd.s32 s1, s30  }
0xba: {  	s0 =	sor.u32 s3, s0;
	s1 =	sshll.u32 s1, $0x11  }
0xbb: {  	s0 =	sor.u32 s1, s0  }
0xbc: {  	s0 =	sadd.s32 $0x8F2B, s0  }
0xbd: {  	[sflag:s0] =	ssyncadd.remote.s32 $0x1  }
0xbe: {  	_ =	sfence.sel $0xFFFF  }
0xbf: {  	[dreg:$0x0] =	wrdreg $0xFFFFFFFF;
	(pc) =	sbr.abs _section_cstart, $3  }
0xc0: {  	[dreg:$0x1] =	wrdreg $0xFFFFFFFF  }
0xc1: {  	_ =	task.clear_ibuf [dreg:s6], $0x2FFFF;
	_ =	strace $0x9FFFFFFF  }
0xc2: {  	(tm) =	ssettm $0x7FFFFFFF  }
0xc3: {  	_ =	shalt  }
tec
execute0_lowered:
.L_overlay_start_1:
0x0: {  	(tag) =	ssettag $0x1  }
0x1: {  	s1 =	srdreg.scid;
	s7 =	rddreg [dreg:$0x0]  }
0x2: {  	s0 =	stileid.u32;
	s2 =	rddreg [dreg:$0x1];
	s3 =	simm.s32 $0x0  }
0x3: {  	s16 =	simm.s32 $0x400;
	s17 =	simm.s32 $0x7720;
	s18 =	simm.s32 $0xB720  }
0x4: {  	s19 =	simm.s32 $0x1;
	s20 =	simm.s32 $0xF720;
	s21 =	simm.s32 $0x2  }
0x5: {  	s22 =	simm.s32 $0xFB20;
	s24 =	simm.s32 $0x0;
	s6 =	sand.u32 $0x1, s1  }
0x6: {  	s26 =	sshll.u32 s0, $0x1;
	[smem:$0x7FF] =	sst s3;
	s11 =	smul.u32 $0x280, s0  }
0x7: {  	s4 =	sadd.s32 $0x4C00, s7;
	s10 =	smul.u32 $0x610, s0;
	s5 =	sadd.s32 $0x54600, s7  }
0x8: {  	s31 =	sshll.u32 s0, $0x6;
	s1 =	sor.u32 s6, s26;
	s9 =	smul.u32 $0x2080, s6  }
0x9: {  	p0 =	sgt.u32 s0, $0xC;
	s6 =	ssub.s32 $0x2, s6;
	s8 =	smul.u32 $0x500, s1  }
0xa: {  	s1 =	rddreg [dreg:$0x2];
	_ =	strace $0x8000004D;
	s29 =	sshrl.u32 s10, $0x3  }
0xb: {  	s30 =	sshrl.u32 s6, $0x1;
	s15 =	sadd.s32 s10, s2;
	s23 =	sadd.s32 s11, s2  }
0xc: {  	s28 =	sadd.s32 s11, s9;
	s9 =	sadd.s32 s29, s7;
	s14 =	ssub.s32 s6, s30  }
.Ltmp0:
0xd: {  	s23 =	sshrl.u32 @!p0 s23, $0x3;
	s12 =	sadd.s32 s8, s7;
	(pc) =	sbr.rel .LBB2_1-.Ltmp0, $4  }
0xe: {  	s8 =	sshrl.u32 s28, $0x3;
	s6 =	sadd.s32 $0x9C00, s9;
	s11 =	smax.u32 s14, $0x1  }
0xf: {  	s14 =	simm.s32 $0x2720;
	s13 =	sadd.s32 s8, s7;
	s7 =	sor.u32 $0x1C03, s31  }
0x10: {  	s8 =	sadd.s32 $0xFEC00, s12;
	s9 =	sadd.s32 $0x108C00, s12;
	s12 =	sshrl.u32 s15, $0x3  }
0x11: {  	s15 =	simm.s32 $0x4F20;
	s10 =	sadd.s32 $0xEC00, s13;
	s13 =	simm.s32 $0x3  }
.LBB2_11:
0x12: {  	s24 =	sadd.s32 $0x1, s24  }
0x13: {  	p1 =	sne.s32 s24, s11  }
.Ltmp1:
0x14: {  	[bflag:$0x0] =	sbarrier.arrive $0xFFFF;
	s25 =	simm.s32 @!p0 $0x3;
	(pc) =	sbr.rel @!p1 .LBB2_12-.Ltmp1, $4  }
0x15: {  	[hbm:s10], [sflag:s7] =	dma.local @!p0 [spmem:s23], $0x50  }
0x16: {  	_ =	swait.ge @!p0 [sflag:s25], $0x50  }
0x17: {  	[sflag:s25] =	ssyncset.done @!p0 $0x0  }
0x18: {  	[sflag:s25] =	ssyncadd.s32 @!p0 $0xFFFFFFB0  }
.LBB2_1:
0x19: {  	[spmem:s12], [sflag:s7] =	dma.local [hbm:s6], $0xC2  }
0x1a: {  	_ =	swait.ge [sflag:s13], $0xC2  }
0x1b: {  	[sflag:s13] =	ssyncset.done $0x0  }
0x1c: {  	[sflag:s13] =	ssyncadd.s32 $0xFFFFFF3E  }
0x1d: {  	[tilespmem:s3], [sflag:$0x3] =	stream.linear.gather [hbm4b:s5+s3], $0x2720, $0x38;
	[tilespmem:$0x10530] =	vst v63  }
0x1e: {  	_ =	swait.ge [sflag:s13], $0x2720  }
0x1f: {  	[sflag:s13] =	ssyncset.done $0x0  }
0x20: {  	[sflag:s13] =	ssyncadd.s32 $0xFFFFD8E0  }
0x21: {  	[tilespmem:s14], [sflag:$0x3] =	stream.linear.gather [hbm4b:s8+s3], $0x2800, $0x38;
	[tilespmem:$0x10530] =	vst v63  }
0x22: {  	_ =	swait.ge [sflag:s13], $0x2800  }
0x23: {  	[sflag:s13] =	ssyncset.done $0x0  }
0x24: {  	[sflag:s13] =	ssyncadd.s32 $0xFFFFD800  }
0x25: {  	[tilespmem:s15], [sflag:$0x3] =	stream.linear.gather [hbm4b:s9+s3], $0x2800, $0x38;
	[tilespmem:$0x10530] =	vst v63  }
0x26: {  	_ =	swait.ge [sflag:s13], $0x2800  }
0x27: {  	[sflag:s13] =	ssyncset.done $0x0  }
0x28: {  	[sflag:s13] =	ssyncadd.s32 $0xFFFFD800  }
0x29: {  	s28 =	simm.s32 $0x0;
	[bflag:$0x0] =	sbarrier.arrive $0xFFFF  }
0x2a: {  	[tilespmem:s17], [sflag:$0x1] =	stream.indirect.gather [hbm4b:s4+s16], $0x10, s15, s16, $0xb8;
	[tilespmem:$0x10530] =	vst v63  }
0x2b: {  	v0 =	vld [tilespmem:s28+$0x2720];
	_ =	sdelay $0x7  }
0x2c: {  	s26 =	simm.s32 $0x10;
	s29 =	simm.s32 $0x80;
	v1 =	vld.idx.msk [tilespmem:v0+s3+$0x0], $0xffff  }
.LBB2_2:
0x2d: {  	p1 =	sne.s32 s29, $0xFC0;
	v2 =	vld [tilespmem:s26+$0x2720];
	_ =	sdelay $0x3  }
.Ltmp2:
0x2e: {  	v4 =	vand.u32 $0x3FF, v0;
	(pc) =	sbr.rel @p1 .LBB2_2-.Ltmp2, $4  }
0x2f: {  	v3 =	vadd.s32 $0x200, v4;
	vm0 =	veq.s32 v1, $0x200;
	v0 =	vmov v2  }
0x30: {  	v1 =	vsel vm0, v3, v1  }
0x31: {  	s25 =	simm.s32 $0x0;
	[tilespmem:s28+$0xF720] =	vst v1;
	s28 =	smov.u32 s26  }
0x32: {  	s26 =	sshra.s32 s29, $0x2;
	s29 =	sadd.s32 $0x40, s29;
	v1 =	vld.idx.msk [tilespmem:v2+s25+$0x0], $0xffff  }
0x33: {  	v2 =	vld [tilespmem:s26+$0x2720];
	_ =	sdelay $0x3  }
0x34: {  	v0 =	vand.u32 $0x3FF, v0  }
0x35: {  	v0 =	vadd.s32 $0x200, v0;
	vm0 =	veq.s32 v1, $0x200  }
0x36: {  	v0 =	vsel vm0, v0, v1  }
0x37: {  	[tilespmem:s28+$0xF720] =	vst v0  }
0x38: {  	v0 =	vld.idx.msk [tilespmem:v2+s25+$0x0], $0xffff;
	_ =	sdelay $0x2  }
.Ltmp3:
0x39: {  	_ = 	snop;
	(pc) =	sbr.rel .LBB2_4-.Ltmp3, $4  }
0x3a: {  	v63 =	vand.u32 $0x3FF, v2  }
0x3b: {  	v1 =	vadd.s32 $0x200, v63;
	vm15 =	veq.s32 v0, $0x200  }
0x3c: {  	v0 =	vsel vm15, v1, v0  }
0x3d: {  	s28 =	simm.s32 $0x2F20;
	[tilespmem:s26+$0xF720] =	vst v0;
	s26 =	simm.s32 $0x2B20  }
.LBB2_10:
0x3e: {  	_ =	swait.ge [sflag:s21], $0x4000;
	s25 =	sadd.s32 $0x1, s25  }
0x3f: {  	[sflag:s21] =	ssyncset.done $0x0;
	p1 =	sne.s32 s25, $0x5  }
.Ltmp4:
0x40: {  	[sflag:s21] =	ssyncadd.s32 $0xFFFFC000;
	(pc) =	sbr.rel @!p1 .LBB2_11-.Ltmp4, $4  }
0x41: {  	[spmem:s2] =	stream.indirect.scatter.add.f32 [tilespmem:s18], [sflag:$0x3], $0x10, s22, s16, $0xb8;
	[tilespmem:$0x10530] =	vst v63  }
0x42: {  	_ =	swait.ge [sflag:s13], $0x4000  }
0x43: {  	[sflag:s13] =	ssyncset.done $0x0  }
0x44: {  	s26 =	sadd.s32 $0x800, s26;
	s28 =	sadd.s32 $0x800, s28;
	[sflag:s13] =	ssyncadd.s32 $0xFFFFC000  }
.LBB2_4:
0x45: {  	p1 =	por $0x1, $0x1  }
.Ltmp5:
0x46: {  	v0 =	vmov s26;
	(pc) =	sbr.rel @!p1 .LBB2_6-.Ltmp5, $4  }
0x47: {  	s29 =	sshll.u32 s25, $0xB  }
0x48: {  	s30 =	sadd.s32 $0x5320, s29  }
0x49: {  	[tilespmem:s18], [sflag:$0x2] =	stream.indirect.gather [hbm4b:s4+s16], $0x10, s30, s16, $0xb8;
	[tilespmem:$0x10530] =	vst v63  }
0x4a: {  	s31 =	simm.s32 $0x40;
	s30 =	simm.s32 $0x0  }
.LBB2_5:
0x4b: {  	p1 =	sne.s32 s31, $0xFC0;
	v1 =	vld.idx.msk [tilespmem:v0+s30+$0x0 ss:$0x1], $0xffff;
	_ =	sdelay $0x7  }
0x4c: {  	v2 =	vld.idx.msk [tilespmem:v1+s3+$0x0], $0xffff;
	_ =	sdelay $0x3  }
.Ltmp6:
0x4d: {  	(pc) =	sbr.rel @p1 .LBB2_5-.Ltmp6, $4  }
0x4e: {  	v1 =	vand.u32 $0x3FF, v1  }
0x4f: {  	v1 =	vadd.s32 $0x200, v1;
	vm0 =	veq.s32 v2, $0x200  }
0x50: {  	v1 =	vsel vm0, v1, v2  }
0x51: {  	[tilespmem:s30+$0xFB20] =	vst v1;
	s30 =	sshra.s32 s31, $0x2;
	s31 =	sadd.s32 $0x40, s31  }
.LBB2_6:
0x52: {  	_ =	sdelay $0x3  }
0x53: {  	v0 =	vld.idx.msk [tilespmem:v0+s30+$0x0 ss:$0x1], $0xffff;
	_ =	sdelay $0x7  }
0x54: {  	v1 =	vld.idx.msk [tilespmem:v0+s3+$0x0], $0xffff;
	_ =	sdelay $0x3  }
0x55: {  	v0 =	vand.u32 $0x3FF, v0  }
0x56: {  	v0 =	vadd.s32 $0x200, v0;
	vm0 =	veq.s32 v1, $0x200  }
0x57: {  	v0 =	vsel vm0, v0, v1  }
0x58: {  	[tilespmem:s30+$0xFB20] =	vst v0  }
0x59: {  	_ =	swait.ge [sflag:s19], $0x4000  }
0x5a: {  	p1 =	seq.s32 s25, $0x4;
	[sflag:s19] =	ssyncset.done $0x0  }
.Ltmp7:
0x5b: {  	[sflag:s19] =	ssyncadd.s32 $0xFFFFC000;
	(pc) =	sbr.rel @p1 .LBB2_10-.Ltmp7, $4  }
0x5c: {  	[spmem:s2] =	stream.indirect.scatter.add.f32 [tilespmem:s17], [sflag:$0x3], $0x10, s20, s16, $0xb8;
	[tilespmem:$0x10530] =	vst v63  }
0x5d: {  	_ =	swait.ge [sflag:s13], $0x4000  }
0x5e: {  	[sflag:s13] =	ssyncset.done $0x0  }
0x5f: {  	[sflag:s13] =	ssyncadd.s32 $0xFFFFC000  }
0x60: {  	v0 =	vmov s28;
	_ =	sdelay $0x1  }
0x61: {  	s29 =	sadd.s32 $0x5720, s29  }
0x62: {  	[tilespmem:s17], [sflag:$0x1] =	stream.indirect.gather [hbm4b:s4+s16], $0x10, s29, s16, $0xb8;
	[tilespmem:$0x10530] =	vst v63  }
0x63: {  	s30 =	simm.s32 $0x40;
	s29 =	simm.s32 $0x0  }
.LBB2_8:
0x64: {  	p1 =	sne.s32 s30, $0xFC0;
	v1 =	vld.idx.msk [tilespmem:v0+s29+$0x0 ss:$0x1], $0xffff;
	_ =	sdelay $0x7  }
0x65: {  	v2 =	vld.idx.msk [tilespmem:v1+s3+$0x0], $0xffff;
	_ =	sdelay $0x3  }
.Ltmp8:
0x66: {  	(pc) =	sbr.rel @p1 .LBB2_8-.Ltmp8, $4  }
0x67: {  	v1 =	vand.u32 $0x3FF, v1  }
0x68: {  	v1 =	vadd.s32 $0x200, v1;
	vm0 =	veq.s32 v2, $0x200  }
0x69: {  	v1 =	vsel vm0, v1, v2  }
0x6a: {  	[tilespmem:s29+$0xF720] =	vst v1;
	s29 =	sshra.s32 s30, $0x2;
	s30 =	sadd.s32 $0x40, s30  }
0x6b: {  	_ =	sdelay $0x3  }
0x6c: {  	v0 =	vld.idx.msk [tilespmem:v0+s29+$0x0 ss:$0x1], $0xffff;
	_ =	sdelay $0x7  }
0x6d: {  	v1 =	vld.idx.msk [tilespmem:v0+s3+$0x0], $0xffff;
	_ =	sdelay $0x2  }
.Ltmp9:
0x6e: {  	_ = 	snop;
	(pc) =	sbr.rel .LBB2_10-.Ltmp9, $4  }
0x6f: {  	v0 =	vand.u32 $0x3FF, v0  }
0x70: {  	v0 =	vadd.s32 $0x200, v0;
	vm0 =	veq.s32 v1, $0x200  }
0x71: {  	v0 =	vsel vm0, v0, v1  }
0x72: {  	[tilespmem:s29+$0xF720] =	vst v0  }
.LBB2_12:
0x73: {  	_ =	sfence.sel $0x180000  }
0x74: {  	[bflag:$0x0] =	sbarrier.arrive $0xFFFF  }
0x75: {  	p0 =	sne.s32 s0, $0x0;
	_ =	strace $0x9000004D  }
0x76: {  	s0 =	sadd.s32 @!p0 $0x100000, s1;
	[bflag:$0x2] =	sbarrier.arrive $0xFFFF  }
0x77: {  	[sflag:s0] =	ssyncadd.tile.s32 @!p0 $0x1;
	_ =	shalt  }
.Lfunc_end2:
_tile_overlayer_lowered:
.L_overlay_start_2:
0x78: {  	(tag) =	ssettag $0x2  }
0x79: {  	s0 =	rddreg [dreg:$0x0];
	s2 =	stileid.u32  }
0x7a: {  	s1 =	rddreg [dreg:$0x1];
	p0 =	sne.s32 s2, $0x0  }
0x7b: {  	s3 =	rddreg [dreg:$0x2];
	[bflag:$0x3] =	sbarrier.arrive $0xFFFF;
	s2 =	simm.s32 @!p0 $0x1C03  }
0x7c: {  	[timem:s3], [sflag:s2] =	dma.local @!p0 [hbm:s0], s1  }
0x7d: {  	s0 =	simm.s32 @!p0 $0x3  }
0x7e: {  	_ =	swait.ge @!p0 [sflag:s0], s1  }
0x7f: {  	s1 =	ssub.s32 @!p0 $0x0, s1;
	[sflag:s0] =	ssyncset.done @!p0 $0x0  }
0x80: {  	[sflag:s0] =	ssyncadd.s32 @!p0 s1  }
0x81: {  	[bflag:$0x3] =	sbarrier.arrive $0xFFFF  }
0x82: {  	_ =	shalt  }

// kernel: kernel.8.cloned.1.call-start
scs
__scs_entry_jumppad:
0x0: {  	(pc) =	sbr.rel $0x88, $3  }
0x1: {  	(tag) =	ssettag $0x0;
	lr =	simm.s32 $0x1  }
0x2: {  	[smem:$0x3F8D] =	sst lr;
	_ =	strace $0xD0000000  }
0x3: {  	_ = 	snop  }
0x4: {  	_ = 	snop  }
0x5: {  	_ = 	snop  }
0x6: {  	_ = 	snop  }
0x7: {  	_ = 	snop  }
__scs_overlays_trampoline_lowered:
0x8: {  	[smem:$0x3F9C] =	sst s0  }
0x9: {  	[smem:$0x3F9D] =	sst s1  }
0xa: {  	[smem:$0x3F9E] =	sst s2  }
0xb: {  	[smem:$0x3F9F] =	sst s3  }
0xc: {  	[smem:$0x3FA0] =	sst s4  }
0xd: {  	[smem:$0x3FA1] =	sst s5  }
0xe: {  	[smem:$0x3FA2] =	sst s6  }
0xf: {  	[smem:$0x3FA3] =	sst s7  }
0x10: {  	[smem:$0x3FA4] =	sst s8  }
0x11: {  	[smem:$0x3FA5] =	sst s9;
	s0 =	simm.s32 @!p0 $0x0  }
0x12: {  	s1 =	sld [smem:$0x3F8B];
	s0 =	simm.s32 @p0 $0x1  }
0x13: {  	[smem:$0x3FA6] =	sst s0;
	s0 =	simm.s32 @!p1 $0x0  }
0x14: {  	s2 =	sld [smem:$0x3F8A];
	s0 =	simm.s32 @p1 $0x1  }
0x15: {  	[smem:$0x3FA7] =	sst s0;
	s0 =	simm.s32 @!p2 $0x0  }
0x16: {  	s3 =	sld [smem:$0x3FDB];
	s0 =	simm.s32 @p2 $0x1  }
0x17: {  	s4 =	simm.s32 $0x1BF5;
	[smem:$0x3FA9] =	sst s0  }
0x18: {  	s0 =	sld [smem:$0x3F8C];
	_ =	swait.ge [sflag:s4], $0x0  }
0x19: {  	s7 =	sld [smem:$0x3F8D]  }
0x1a: {  	s8 =	sadd.s32 $0xFFFFE003, lr  }
0x1b: {  	s9 =	sadd.s32 $0xFFFFFEF7, lr;
	s5 =	simm.s32 $0xFFFFFFFF;
	p2 =	slt.u32 s8, $0xFFFFF086  }
0x1c: {  	p1 =	slt.u32 s9, $0xF7A;
	s5 =	simm.s32 @!p2 $0x0  }
0x1d: {  	s5 =	simm.s32 @p1 $0x1;
	p0 =	seq.s32 s7, s2  }
0x1e: {  	s7 =	smul.u32 @!p0 $0xF7A, s2;
	p2 =	seq.s32 @!p0 s5, $0x0  }
0x1f: {  	s9 =	smul.u32 $0xF7A, s1;
	s8 =	simm.s32 @!p0 $0x1BF5;
	p2 =	por !p2, p0  }
0x20: {  	[sflag:s8] =	ssyncset.s32 @!p0 $0xFFFFF086;
	s6 =	sadd.s32 @!p0 s3, s7;
	s7 =	simm.s32 @!p0 $0x108  }
0x21: {  	s3 =	sadd.s32 s3, s9;
	s6 =	sadd.s32 @!p0 $0x88, s6;
	s7 =	simm.s32 @p2 $0x1082  }
0x22: {  	[simem:s7], [sflag:s8] =	dma.local @!p0 [hbm:s6], $0xF7A  }
0x23: {  	s9 =	sor.u32 $0xD0000000, s2;
	s6 =	simm.s32 $0x108;
	_ =	swait.ge @!p0 [sflag:s8], $0x0  }
0x24: {  	s3 =	sadd.s32 $0x88, s3;
	s6 =	simm.s32 @!p1 $0x1082;
	[sflag:s4] =	ssyncset.s32 $0xFFFFF086  }
0x25: {  	[simem:s6], [sflag:s4] =	dma.local [hbm:s3], $0xF7A  }
0x26: {  	[smem:$0x3F8D] =	sst s1;
	(tag) =	ssettag s2;
	_ =	strace s9  }
0x27: {  	s1 =	sld [smem:$0x3F9D]  }
0x28: {  	s2 =	sld [smem:$0x3F9E]  }
0x29: {  	s4 =	sld [smem:$0x3FA0]  }
0x2a: {  	p0 =	seq.s32 s5, $0x0;
	s5 =	sld [smem:$0x3FA1]  }
0x2b: {  	s6 =	sld [smem:$0x3FA2]  }
0x2c: {  	s7 =	sld [smem:$0x3FA3]  }
0x2d: {  	s3 =	simm.s32 $0x108;
	s8 =	sld [smem:$0x3FA4]  }
0x2e: {  	s3 =	simm.s32 @!p0 $0x1082;
	s9 =	sld [smem:$0x3FA5]  }
0x2f: {  	lr =	sadd.s32 s0, s3;
	s0 =	sld [smem:$0x3F9C]  }
0x30: {  	s3 =	sld [smem:$0x3F9F]  }
0x31: {  	[smem:$0x3FA8] =	sst s10  }
0x32: {  	s10 =	sld [smem:$0x3FA6];
	_ =	sdelay $0x3  }
0x33: {  	p0 =	seq.s32 s10, $0x1;
	s10 =	sld [smem:$0x3FA8];
	_ =	sdelay $0x3  }
0x34: {  	[smem:$0x3FA8] =	sst s10  }
0x35: {  	s10 =	sld [smem:$0x3FA7];
	_ =	sdelay $0x3  }
0x36: {  	p1 =	seq.s32 s10, $0x1;
	s10 =	sld [smem:$0x3FA8];
	_ =	sdelay $0x3  }
0x37: {  	[smem:$0x3FA8] =	sst s10  }
0x38: {  	s10 =	sld [smem:$0x3FA9]  }
0x39: {  	_ = 	snop;
	(pc) =	sbr.ind lr, $3  }
0x3a: {  	_ = 	snop  }
0x3b: {  	_ = 	snop  }
0x3c: {  	p2 =	seq.s32 s10, $0x1;
	s10 =	sld [smem:$0x3FA8]  }
0x3d: {  	_ =	shalt  }
0x3e: {  	_ =	shalt  }
0x3f: {  	_ =	shalt  }
0x40: {  	_ =	shalt  }
0x41: {  	_ =	shalt  }
0x42: {  	_ =	shalt  }
0x43: {  	_ =	shalt  }
0x44: {  	_ =	shalt  }
0x45: {  	_ =	shalt  }
0x46: {  	_ =	shalt  }
0x47: {  	_ =	shalt  }
0x48: {  	_ =	shalt  }
0x49: {  	_ =	shalt  }
0x4a: {  	_ =	shalt  }
0x4b: {  	_ =	shalt  }
0x4c: {  	_ =	shalt  }
0x4d: {  	_ =	shalt  }
0x4e: {  	_ =	shalt  }
0x4f: {  	_ =	shalt  }
0x50: {  	_ =	shalt  }
0x51: {  	_ =	shalt  }
0x52: {  	_ =	shalt  }
0x53: {  	_ =	shalt  }
0x54: {  	_ =	shalt  }
0x55: {  	_ =	shalt  }
0x56: {  	_ =	shalt  }
0x57: {  	_ =	shalt  }
0x58: {  	_ =	shalt  }
0x59: {  	_ =	shalt  }
0x5a: {  	_ =	shalt  }
0x5b: {  	_ =	shalt  }
0x5c: {  	_ =	shalt  }
0x5d: {  	_ =	shalt  }
0x5e: {  	_ =	shalt  }
0x5f: {  	_ =	shalt  }
0x60: {  	_ =	shalt  }
0x61: {  	_ =	shalt  }
0x62: {  	_ =	shalt  }
0x63: {  	_ =	shalt  }
0x64: {  	_ =	shalt  }
0x65: {  	_ =	shalt  }
0x66: {  	_ =	shalt  }
0x67: {  	_ =	shalt  }
0x68: {  	_ =	shalt  }
0x69: {  	_ =	shalt  }
0x6a: {  	_ =	shalt  }
0x6b: {  	_ =	shalt  }
0x6c: {  	_ =	shalt  }
0x6d: {  	_ =	shalt  }
0x6e: {  	_ =	shalt  }
0x6f: {  	_ =	shalt  }
0x70: {  	_ =	shalt  }
0x71: {  	_ =	shalt  }
0x72: {  	_ =	shalt  }
0x73: {  	_ =	shalt  }
0x74: {  	_ =	shalt  }
0x75: {  	_ =	shalt  }
0x76: {  	_ =	shalt  }
0x77: {  	_ =	shalt  }
0x78: {  	_ =	shalt  }
0x79: {  	_ =	shalt  }
0x7a: {  	_ =	shalt  }
0x7b: {  	_ =	shalt  }
0x7c: {  	_ =	shalt  }
0x7d: {  	_ =	shalt  }
0x7e: {  	_ =	shalt  }
0x7f: {  	_ =	shalt  }
0x80: {  	_ =	shalt  }
0x81: {  	_ =	shalt  }
0x82: {  	_ =	shalt  }
0x83: {  	_ =	shalt  }
0x84: {  	_ =	shalt  }
0x85: {  	_ =	shalt  }
0x86: {  	_ =	shalt  }
0x87: {  	_ =	shalt  }
.Lfunc_end0:
.L_simem_size_0:
called_computation_lowered:
.L_overlay_start_0:
0x88: {  	s2 =	sld [smem:$0x3FD9]  }
0x89: {  	s3 =	sld [smem:$0x3FFE];
	_ =	sdelay $0x1  }
0x8a: {  	s1 =	srdreg.scid  }
0x8b: {  	s0 =	sand.u32 $0x1, s1  }
0x8c: {  	s17 =	sshll.u32 s0, $0xA;
	s2 =	sadd.s32 s3, s2  }
0x8d: {  	s2 =	sadd.s32 s2, s17  }
0x8e: {  	[smem:$0x3FB4] =	sst s2  }
0x8f: {  	_ = 	snop  }
0x90: {  	s2 =	sld [smem:$0x3FC5]  }
0x91: {  	s18 =	sld [smem:$0x3FD0];
	(tm) =	ssettm $0x1  }
0x92: {  	s4 =	sld [smem:$0x3FFB];
	_ =	sdelay $0x3  }
0x93: {  	_ =	strace s4  }
0x94: {  	s4 =	sld [smem:$0x3FFC];
	_ =	sdelay $0x3  }
0x95: {  	_ =	strace s4  }
0x96: {  	s4 =	sld [smem:$0x3FFD];
	_ =	sdelay $0x3  }
0x97: {  	_ =	strace s4  }
0x98: {  	_ =	strace $0x8FFFFFFF  }
0x99: {  	s19 =	sld [smem:$0x3FDB];
	_ =	sdelay $0x1  }
0x9a: {  	s5 =	simm.s32 $_scs_section_size  }
0x9b: {  	s6 =	simm.s32 $_size__tile_overlayer_lowered;
	s7 =	simm.s32 $_tile_overlayer_lowered  }
0x9c: {  	s22 =	simm.s32 $0x1BFF;
	s21 =	sshll.u32 s7, $0x1;
	s4 =	sadd.s32 s5, s19  }
0x9d: {  	s8 =	simm.s32 $0x0;
	s20 =	sshll.u32 s6, $0x1;
	s6 =	sadd.s32 s21, s4  }
0x9e: {  	[timem:s8], [sflag:s22] =	dma.local [hbm:s6], s20  }
0x9f: {  	_ =	swait.ge [sflag:s22], s20  }
0xa0: {  	s5 =	ssub.s32 $0x0, s20;
	[sflag:s22] =	ssyncset.done $0x0  }
0xa1: {  	[sflag:s22] =	ssyncadd.s32 s5;
	_ =	sdelay $0x1  }
0xa2: {  	s23 =	simm.s32 $0x1B8B  }
0xa3: {  	_ =	swait.ge [sflag:s23], $0x1  }
0xa4: {  	[sflag:s23] =	ssyncset.done $0x0  }
0xa5: {  	s25 =	simm.s32 $0x1B8E;
	s24 =	sld [smem:$0x3FFE];
	[sflag:s23] =	ssyncadd.s32 $0xFFFFFFFF  }
0xa6: {  	s26 =	simm.s32 $execute0_lowered;
	[smem:$0x3FD2] =	sst s25  }
0xa7: {  	s6 =	sshll.u32 s26, $0x1;
	_ =	strace $0x80000046;
	[dreg:$0x1] =	wrdreg $0xFFFFFFFF  }
0xa8: {  	s28 =	simm.s32 $_size_execute0_lowered;
	s4 =	sadd.s32 s4, s6;
	[dreg:$0x0] =	wrdreg $0x0  }
0xa9: {  	s6 =	sshll.u32 s28, $0x1;
	[dreg:$0x2] =	wrdreg s4  }
0xaa: {  	[dreg:$0x3] =	wrdreg s6  }
0xab: {  	[dreg:$0x4] =	wrdreg $0xC0  }
0xac: {  	_ =	task [dreg:s8], $0x5FFFF  }
0xad: {  	[dreg:$0x1] =	wrdreg $0xFFFFFFFF  }
0xae: {  	[dreg:$0x0] =	wrdreg $0x60  }
0xaf: {  	[dreg:$0x2] =	wrdreg s2  }
0xb0: {  	[dreg:$0x3] =	wrdreg s24  }
0xb1: {  	[dreg:$0x4] =	wrdreg s18  }
0xb2: {  	[dreg:$0x5] =	wrdreg $0x9  }
0xb3: {  	_ =	task.clear_ibuf [dreg:s8], $0x6FFFF;
	_ =	strace $0x90000046  }
0xb4: {  	s29 =	simm.s32 $0x9;
	_ =	strace $0x80000048  }
0xb5: {  	_ =	swait.ge [sflag:s29], $0x1  }
0xb6: {  	[sflag:s29] =	ssyncadd.s32 $0xFFFFFFFF  }
0xb7: {  	_ =	strace $0x90000048  }
0xb8: {  	_ =	sfence  }
0xb9: {  	s30 =	sld [smem:$0x0];
	_ =	sdelay $0x2  }
0xba: {  	s31 =	sshll.u32 s1, $0xD;
	s1 =	sshrl.u32 s1, $0x2  }
0xbb: {  	s3 =	sand.u32 $0x4000, s31;
	s1 =	sadd.s32 s1, s30  }
0xbc: {  	s0 =	sor.u32 s3, s0;
	s1 =	sshll.u32 s1, $0x11  }
0xbd: {  	s0 =	sor.u32 s1, s0  }
0xbe: {  	s0 =	sadd.s32 $0x8F2B, s0  }
0xbf: {  	[sflag:s0] =	ssyncadd.remote.s32 $0x1  }
0xc0: {  	_ =	sfence.sel $0xFFFF  }
0xc1: {  	[dreg:$0x0] =	wrdreg $0xFFFFFFFF;
	(pc) =	sbr.abs _section_cstart, $3  }
0xc2: {  	[dreg:$0x1] =	wrdreg $0xFFFFFFFF  }
0xc3: {  	_ =	task.clear_ibuf [dreg:s8], $0x2FFFF;
	_ =	strace $0x9FFFFFFF  }
0xc4: {  	(tm) =	ssettm $0x7FFFFFFF  }
0xc5: {  	_ =	shalt  }
tec
execute0_lowered:
.L_overlay_start_1:
0x0: {  	(tag) =	ssettag $0x1  }
0x1: {  	s0 =	srdreg.scid  }
0x2: {  	s6 =	sand.u32 $0x1, s0;
	s0 =	stileid.u32  }
0x3: {  	s4 =	sor.u32 s0, s6  }
0x4: {  	p0 =	sne.s32 s4, $0x0  }
.Ltmp0:
0x5: {  	_ = 	snop;
	(pc) =	sbr.rel @p0 .LBB2_5-.Ltmp0, $4  }
0x6: {  	s1 =	rddreg [dreg:$0x0]  }
0x7: {  	s7 =	rddreg [dreg:$0x1]  }
0x8: {  	s3 =	rddreg [dreg:$0x2]  }
0x9: {  	s2 =	rddreg [dreg:$0x3];
	_ =	strace $0x80000047  }
0xa: {  	v0 =	vlaneseq.u32  }
0xb: {  	v1 =	vimm.s32 $0x200;
	v2 =	vor.u32 $0x10, v0;
	v4 =	vor.u32 $0x30, v0  }
0xc: {  	v5 =	vor.u32 $0x40, v0;
	v6 =	vor.u32 $0x50, v0;
	v7 =	vor.u32 $0x60, v0  }
0xd: {  	v8 =	vor.u32 $0x70, v0;
	v9 =	vor.u32 $0x80, v0;
	v10 =	vor.u32 $0x90, v0  }
0xe: {  	v11 =	vor.u32 $0xA0, v0;
	v12 =	vor.u32 $0xB0, v0;
	v13 =	vor.u32 $0xC0, v0  }
0xf: {  	v14 =	vor.u32 $0xD0, v0;
	v15 =	vor.u32 $0xE0, v0;
	v16 =	vor.u32 $0xF0, v0  }
0x10: {  	v17 =	vor.u32 $0x100, v0;
	v18 =	vor.u32 $0x110, v0;
	v19 =	vor.u32 $0x120, v0  }
0x11: {  	v20 =	vor.u32 $0x130, v0;
	v21 =	vor.u32 $0x140, v0;
	v22 =	vor.u32 $0x150, v0  }
0x12: {  	v23 =	vor.u32 $0x160, v0;
	v24 =	vor.u32 $0x170, v0;
	v25 =	vor.u32 $0x180, v0  }
0x13: {  	v26 =	vor.u32 $0x190, v0;
	v27 =	vor.u32 $0x1A0, v0;
	v28 =	vor.u32 $0x1B0, v0  }
0x14: {  	v29 =	vor.u32 $0x1C0, v0;
	v30 =	vmul.u32 $0x8, v0;
	v31 =	vor.u32 $0x1D0, v0  }
0x15: {  	v32 =	vor.u32 $0x1E0, v0;
	v33 =	vor.u32 $0x1F0, v0;
	[tilespmem:$0x1FFE0] =	vst v2;
	v2 =	vor.u32 $0x20, v0  }
0x16: {  	v34 =	vor.u32 $0x2, v30;
	v35 =	vor.u32 $0x1, v30;
	v36 =	vor.u32 $0x3, v30  }
0x17: {  	v37 =	vor.u32 $0x80, v30;
	v38 =	vor.u32 $0x82, v30;
	v39 =	vor.u32 $0x81, v30  }
0x18: {  	v40 =	vor.u32 $0x83, v30;
	v41 =	vor.u32 $0x100, v30;
	v42 =	vor.u32 $0x102, v30  }
0x19: {  	v43 =	vor.u32 $0x101, v30;
	v44 =	vor.u32 $0x103, v30;
	v45 =	vor.u32 $0x180, v30  }
0x1a: {  	v46 =	vor.u32 $0x182, v30;
	v47 =	vor.u32 $0x181, v30;
	v48 =	vor.u32 $0x183, v30  }
0x1b: {  	s4 =	sadd.s32 $0x53000, s7;
	s5 =	sadd.s32 $0x53A00, s7;
	s8 =	ssub.s32 $0x2, s6;
	v49 =	vor.u32 $0x200, v30;
	v50 =	vor.u32 $0x202, v30;
	v51 =	vor.u32 $0x201, v30  }
0x1c: {  	s6 =	sadd.s32 $0x54600, s7;
	s7 =	sadd.s32 $0x54400, s7;
	s10 =	simm.s32 $0x1;
	v52 =	vor.u32 $0x203, v30;
	v53 =	vor.u32 $0x280, v30;
	v54 =	vor.u32 $0x282, v30  }
0x1d: {  	s11 =	simm.s32 $0x3B20;
	s12 =	simm.s32 $0x8960;
	s13 =	simm.s32 $0x200;
	v55 =	vor.u32 $0x281, v30;
	v56 =	vor.u32 $0x283, v30;
	v57 =	vor.u32 $0x300, v30  }
0x1e: {  	s14 =	simm.s32 $0x2B20;
	s15 =	simm.s32 $0x2920;
	s9 =	sshrl.u32 s8, $0x1;
	v58 =	vor.u32 $0x302, v30;
	v59 =	vor.u32 $0x301, v30;
	v60 =	vor.u32 $0x303, v30  }
0x1f: {  	s16 =	simm.s32 $0x0;
	s8 =	ssub.s32 s8, s9;
	s9 =	simm.s32 $0x0;
	[tilespmem:$0x1FFF0] =	vst v2;
	v61 =	vor.u32 $0x380, v30;
	v62 =	vor.u32 $0x382, v30;
	v63 =	vor.u32 $0x381, v30  }
.LBB2_2:
0x20: {  	[tilespmem:s9], [sflag:$0x1] =	stream.linear.gather [hbm4b:s1+s9], $0x200, $0x38;
	[tilespmem:$0xD7A0] =	vst v63  }
0x21: {  	_ =	swait.ge [sflag:s10], $0x200  }
0x22: {  	[sflag:s10] =	ssyncset.done $0x0  }
0x23: {  	[sflag:s10] =	ssyncadd.s32 $0xFFFFFE00  }
0x24: {  	[tilespmem:s11], [sflag:$0x1] =	stream.linear.gather [hbm4b:s4+s9], $0x4E40, $0x38;
	[tilespmem:$0xD7A0] =	vst v63  }
0x25: {  	_ =	swait.ge [sflag:s10], $0x4E40  }
0x26: {  	[sflag:s10] =	ssyncset.done $0x0  }
0x27: {  	[sflag:s10] =	ssyncadd.s32 $0xFFFFB1C0  }
0x28: {  	[tilespmem:s12], [sflag:$0x1] =	stream.linear.gather [hbm4b:s5+s9], $0x4E40, $0x38;
	[tilespmem:$0xD7A0] =	vst v63  }
0x29: {  	_ =	swait.ge [sflag:s10], $0x4E40  }
0x2a: {  	[sflag:s10] =	ssyncset.done $0x0  }
0x2b: {  	s17 =	simm.s32 $0x40;
	s18 =	simm.s32 $0x0;
	[sflag:s10] =	ssyncadd.s32 $0xFFFFB1C0  }
.LBB2_3:
0x2c: {  	p0 =	sne.s32 s17, $0x9C40;
	[tilespmem:s18+$0x200] =	vst v1;
	s18 =	smov.u32 s17;
	s17 =	sadd.s32 $0x40, s17  }
.Ltmp1:
0x2d: {  	(pc) =	sbr.rel @p0 .LBB2_3-.Ltmp1, $2  }
0x2e: {  	_ =	sdelay $0x2  }
0x2f: {  	s18 =	sshra.s32 s18, $0x2  }
0x30: {  	[tilespmem:s18+$0x200] =	vst v1  }
0x31: {  	v0 =	vld [tilespmem:$0x0];
	_ =	sdelay $0x6  }
0x32: {  	v2 =	vlaneseq.u32  }
0x33: {  	[tilespmem:v0+s13+$0x0] =	vst.idx.msk $0xffff, v2  }
0x34: {  	v0 =	vld [tilespmem:$0x10];
	_ =	sdelay $0x2  }
0x35: {  	v2 =	vld [tilespmem:$0x1FFE0];
	_ =	sdelay $0x4  }
0x36: {  	[tilespmem:v0+s13+$0x0] =	vst.idx.msk $0xffff, v2  }
0x37: {  	v0 =	vld [tilespmem:$0x20];
	_ =	sdelay $0x2  }
0x38: {  	v2 =	vld [tilespmem:$0x1FFF0];
	_ =	sdelay $0x4  }
0x39: {  	[tilespmem:v0+s13+$0x0] =	vst.idx.msk $0xffff, v2  }
0x3a: {  	v0 =	vld [tilespmem:$0x30];
	_ =	sdelay $0x7  }
0x3b: {  	[tilespmem:v0+s13+$0x0] =	vst.idx.msk $0xffff, v4  }
0x3c: {  	v0 =	vld [tilespmem:$0x40];
	_ =	sdelay $0x7  }
0x3d: {  	[tilespmem:v0+s13+$0x0] =	vst.idx.msk $0xffff, v5  }
0x3e: {  	v0 =	vld [tilespmem:$0x50];
	_ =	sdelay $0x7  }
0x3f: {  	[tilespmem:v0+s13+$0x0] =	vst.idx.msk $0xffff, v6  }
0x40: {  	v0 =	vld [tilespmem:$0x60];
	_ =	sdelay $0x7  }
0x41: {  	[tilespmem:v0+s13+$0x0] =	vst.idx.msk $0xffff, v7  }
0x42: {  	v0 =	vld [tilespmem:$0x70];
	_ =	sdelay $0x7  }
0x43: {  	[tilespmem:v0+s13+$0x0] =	vst.idx.msk $0xffff, v8  }
0x44: {  	v0 =	vld [tilespmem:$0x80];
	_ =	sdelay $0x7  }
0x45: {  	[tilespmem:v0+s13+$0x0] =	vst.idx.msk $0xffff, v9  }
0x46: {  	v0 =	vld [tilespmem:$0x90];
	_ =	sdelay $0x7  }
0x47: {  	[tilespmem:v0+s13+$0x0] =	vst.idx.msk $0xffff, v10  }
0x48: {  	v0 =	vld [tilespmem:$0xA0];
	_ =	sdelay $0x7  }
0x49: {  	[tilespmem:v0+s13+$0x0] =	vst.idx.msk $0xffff, v11  }
0x4a: {  	v0 =	vld [tilespmem:$0xB0];
	_ =	sdelay $0x7  }
0x4b: {  	[tilespmem:v0+s13+$0x0] =	vst.idx.msk $0xffff, v12  }
0x4c: {  	v0 =	vld [tilespmem:$0xC0];
	_ =	sdelay $0x7  }
0x4d: {  	[tilespmem:v0+s13+$0x0] =	vst.idx.msk $0xffff, v13  }
0x4e: {  	v0 =	vld [tilespmem:$0xD0];
	_ =	sdelay $0x7  }
0x4f: {  	[tilespmem:v0+s13+$0x0] =	vst.idx.msk $0xffff, v14  }
0x50: {  	v0 =	vld [tilespmem:$0xE0];
	_ =	sdelay $0x7  }
0x51: {  	[tilespmem:v0+s13+$0x0] =	vst.idx.msk $0xffff, v15  }
0x52: {  	v0 =	vld [tilespmem:$0xF0];
	_ =	sdelay $0x7  }
0x53: {  	[tilespmem:v0+s13+$0x0] =	vst.idx.msk $0xffff, v16  }
0x54: {  	v0 =	vld [tilespmem:$0x100];
	_ =	sdelay $0x7  }
0x55: {  	[tilespmem:v0+s13+$0x0] =	vst.idx.msk $0xffff, v17  }
0x56: {  	v0 =	vld [tilespmem:$0x110];
	_ =	sdelay $0x7  }
0x57: {  	[tilespmem:v0+s13+$0x0] =	vst.idx.msk $0xffff, v18  }
0x58: {  	v0 =	vld [tilespmem:$0x120];
	_ =	sdelay $0x7  }
0x59: {  	[tilespmem:v0+s13+$0x0] =	vst.idx.msk $0xffff, v19  }
0x5a: {  	v0 =	vld [tilespmem:$0x130];
	_ =	sdelay $0x7  }
0x5b: {  	[tilespmem:v0+s13+$0x0] =	vst.idx.msk $0xffff, v20  }
0x5c: {  	v0 =	vld [tilespmem:$0x140];
	_ =	sdelay $0x7  }
0x5d: {  	[tilespmem:v0+s13+$0x0] =	vst.idx.msk $0xffff, v21  }
0x5e: {  	v0 =	vld [tilespmem:$0x150];
	_ =	sdelay $0x7  }
0x5f: {  	[tilespmem:v0+s13+$0x0] =	vst.idx.msk $0xffff, v22  }
0x60: {  	v0 =	vld [tilespmem:$0x160];
	_ =	sdelay $0x7  }
0x61: {  	[tilespmem:v0+s13+$0x0] =	vst.idx.msk $0xffff, v23  }
0x62: {  	v0 =	vld [tilespmem:$0x170];
	_ =	sdelay $0x7  }
0x63: {  	[tilespmem:v0+s13+$0x0] =	vst.idx.msk $0xffff, v24  }
0x64: {  	v0 =	vld [tilespmem:$0x180];
	_ =	sdelay $0x7  }
0x65: {  	[tilespmem:v0+s13+$0x0] =	vst.idx.msk $0xffff, v25  }
0x66: {  	v0 =	vld [tilespmem:$0x190];
	_ =	sdelay $0x7  }
0x67: {  	[tilespmem:v0+s13+$0x0] =	vst.idx.msk $0xffff, v26  }
0x68: {  	v0 =	vld [tilespmem:$0x1A0];
	_ =	sdelay $0x7  }
0x69: {  	[tilespmem:v0+s13+$0x0] =	vst.idx.msk $0xffff, v27  }
0x6a: {  	v0 =	vld [tilespmem:$0x1B0];
	_ =	sdelay $0x7  }
0x6b: {  	[tilespmem:v0+s13+$0x0] =	vst.idx.msk $0xffff, v28  }
0x6c: {  	v0 =	vld [tilespmem:$0x1C0];
	_ =	sdelay $0x7  }
0x6d: {  	[tilespmem:v0+s13+$0x0] =	vst.idx.msk $0xffff, v29  }
0x6e: {  	v0 =	vld [tilespmem:$0x1D0];
	_ =	sdelay $0x7  }
0x6f: {  	[tilespmem:v0+s13+$0x0] =	vst.idx.msk $0xffff, v31  }
0x70: {  	v0 =	vld [tilespmem:$0x1E0];
	_ =	sdelay $0x7  }
0x71: {  	[tilespmem:v0+s13+$0x0] =	vst.idx.msk $0xffff, v32  }
0x72: {  	v0 =	vld [tilespmem:$0x1F0];
	_ =	sdelay $0x7  }
0x73: {  	[tilespmem:v0+s13+$0x0] =	vst.idx.msk $0xffff, v33  }
0x74: {  	v0 =	vld [tilespmem:$0x0];
	_ =	sdelay $0x7  }
0x75: {  	v2 =	vld.idx.msk [tilespmem:v0+s13+$0x0], $0xffff  }
0x76: {  	v0 =	vshll.u32 v0, $0x1;
	_ =	sdelay $0x3  }
0x77: {  	[tilespmem:$0x2920] =	vst v2  }
0x78: {  	v2 =	vld.idx.msk [tilespmem:v0+s12+$0x0], $0xffff;
	_ =	sdelay $0x4  }
0x79: {  	[tilespmem:v30+s14+$0x0] =	vst.idx.msk $0xffff, v2  }
0x7a: {  	v2 =	vld.idx.msk [tilespmem:v0+s11+$0x0], $0xffff  }
0x7b: {  	v0 =	vor.u32 $0x1, v0;
	_ =	sdelay $0x3  }
0x7c: {  	[tilespmem:v34+s14+$0x0] =	vst.idx.msk $0xffff, v2  }
0x7d: {  	v2 =	vld.idx.msk [tilespmem:v0+s12+$0x0], $0xffff;
	_ =	sdelay $0x4  }
0x7e: {  	[tilespmem:v35+s14+$0x0] =	vst.idx.msk $0xffff, v2  }
0x7f: {  	v0 =	vld.idx.msk [tilespmem:v0+s11+$0x0], $0xffff;
	_ =	sdelay $0x4  }
0x80: {  	[tilespmem:v36+s14+$0x0] =	vst.idx.msk $0xffff, v0  }
0x81: {  	v0 =	vld [tilespmem:$0x10];
	_ =	sdelay $0x7  }
0x82: {  	v2 =	vld.idx.msk [tilespmem:v0+s13+$0x0], $0xffff  }
0x83: {  	v0 =	vshll.u32 v0, $0x1;
	_ =	sdelay $0x3  }
0x84: {  	[tilespmem:$0x2930] =	vst v2  }
0x85: {  	v2 =	vld.idx.msk [tilespmem:v0+s12+$0x0], $0xffff;
	_ =	sdelay $0x4  }
0x86: {  	[tilespmem:v37+s14+$0x0] =	vst.idx.msk $0xffff, v2  }
0x87: {  	v2 =	vld.idx.msk [tilespmem:v0+s11+$0x0], $0xffff  }
0x88: {  	v0 =	vor.u32 $0x1, v0;
	_ =	sdelay $0x3  }
0x89: {  	[tilespmem:v38+s14+$0x0] =	vst.idx.msk $0xffff, v2  }
0x8a: {  	v2 =	vld.idx.msk [tilespmem:v0+s12+$0x0], $0xffff;
	_ =	sdelay $0x4  }
0x8b: {  	[tilespmem:v39+s14+$0x0] =	vst.idx.msk $0xffff, v2  }
0x8c: {  	v0 =	vld.idx.msk [tilespmem:v0+s11+$0x0], $0xffff;
	_ =	sdelay $0x4  }
0x8d: {  	[tilespmem:v40+s14+$0x0] =	vst.idx.msk $0xffff, v0  }
0x8e: {  	v0 =	vld [tilespmem:$0x20];
	_ =	sdelay $0x7  }
0x8f: {  	v2 =	vld.idx.msk [tilespmem:v0+s13+$0x0], $0xffff  }
0x90: {  	v0 =	vshll.u32 v0, $0x1;
	_ =	sdelay $0x3  }
0x91: {  	[tilespmem:$0x2940] =	vst v2  }
0x92: {  	v2 =	vld.idx.msk [tilespmem:v0+s12+$0x0], $0xffff;
	_ =	sdelay $0x4  }
0x93: {  	[tilespmem:v41+s14+$0x0] =	vst.idx.msk $0xffff, v2  }
0x94: {  	v2 =	vld.idx.msk [tilespmem:v0+s11+$0x0], $0xffff  }
0x95: {  	v0 =	vor.u32 $0x1, v0;
	_ =	sdelay $0x3  }
0x96: {  	[tilespmem:v42+s14+$0x0] =	vst.idx.msk $0xffff, v2  }
0x97: {  	v2 =	vld.idx.msk [tilespmem:v0+s12+$0x0], $0xffff;
	_ =	sdelay $0x4  }
0x98: {  	[tilespmem:v43+s14+$0x0] =	vst.idx.msk $0xffff, v2  }
0x99: {  	v0 =	vld.idx.msk [tilespmem:v0+s11+$0x0], $0xffff;
	_ =	sdelay $0x4  }
0x9a: {  	[tilespmem:v44+s14+$0x0] =	vst.idx.msk $0xffff, v0  }
0x9b: {  	v0 =	vld [tilespmem:$0x30];
	_ =	sdelay $0x7  }
0x9c: {  	v2 =	vld.idx.msk [tilespmem:v0+s13+$0x0], $0xffff  }
0x9d: {  	v0 =	vshll.u32 v0, $0x1;
	_ =	sdelay $0x3  }
0x9e: {  	[tilespmem:$0x2950] =	vst v2  }
0x9f: {  	v2 =	vld.idx.msk [tilespmem:v0+s12+$0x0], $0xffff;
	_ =	sdelay $0x4  }
0xa0: {  	[tilespmem:v45+s14+$0x0] =	vst.idx.msk $0xffff, v2  }
0xa1: {  	v2 =	vld.idx.msk [tilespmem:v0+s11+$0x0], $0xffff  }
0xa2: {  	v0 =	vor.u32 $0x1, v0;
	_ =	sdelay $0x3  }
0xa3: {  	[tilespmem:v46+s14+$0x0] =	vst.idx.msk $0xffff, v2  }
0xa4: {  	v2 =	vld.idx.msk [tilespmem:v0+s12+$0x0], $0xffff;
	_ =	sdelay $0x4  }
0xa5: {  	[tilespmem:v47+s14+$0x0] =	vst.idx.msk $0xffff, v2  }
0xa6: {  	v0 =	vld.idx.msk [tilespmem:v0+s11+$0x0], $0xffff;
	_ =	sdelay $0x4  }
0xa7: {  	[tilespmem:v48+s14+$0x0] =	vst.idx.msk $0xffff, v0  }
0xa8: {  	v0 =	vld [tilespmem:$0x40];
	_ =	sdelay $0x7  }
0xa9: {  	v2 =	vld.idx.msk [tilespmem:v0+s13+$0x0], $0xffff  }
0xaa: {  	v0 =	vshll.u32 v0, $0x1;
	_ =	sdelay $0x3  }
0xab: {  	[tilespmem:$0x2960] =	vst v2  }
0xac: {  	v2 =	vld.idx.msk [tilespmem:v0+s12+$0x0], $0xffff;
	_ =	sdelay $0x4  }
0xad: {  	[tilespmem:v49+s14+$0x0] =	vst.idx.msk $0xffff, v2  }
0xae: {  	v2 =	vld.idx.msk [tilespmem:v0+s11+$0x0], $0xffff  }
0xaf: {  	v0 =	vor.u32 $0x1, v0;
	_ =	sdelay $0x3  }
0xb0: {  	[tilespmem:v50+s14+$0x0] =	vst.idx.msk $0xffff, v2  }
0xb1: {  	v2 =	vld.idx.msk [tilespmem:v0+s12+$0x0], $0xffff;
	_ =	sdelay $0x4  }
0xb2: {  	[tilespmem:v51+s14+$0x0] =	vst.idx.msk $0xffff, v2  }
0xb3: {  	v0 =	vld.idx.msk [tilespmem:v0+s11+$0x0], $0xffff;
	_ =	sdelay $0x4  }
0xb4: {  	[tilespmem:v52+s14+$0x0] =	vst.idx.msk $0xffff, v0  }
0xb5: {  	v0 =	vld [tilespmem:$0x50];
	_ =	sdelay $0x7  }
0xb6: {  	v2 =	vld.idx.msk [tilespmem:v0+s13+$0x0], $0xffff  }
0xb7: {  	v0 =	vshll.u32 v0, $0x1;
	_ =	sdelay $0x3  }
0xb8: {  	[tilespmem:$0x2970] =	vst v2  }
0xb9: {  	v2 =	vld.idx.msk [tilespmem:v0+s12+$0x0], $0xffff;
	_ =	sdelay $0x4  }
0xba: {  	[tilespmem:v53+s14+$0x0] =	vst.idx.msk $0xffff, v2  }
0xbb: {  	v2 =	vld.idx.msk [tilespmem:v0+s11+$0x0], $0xffff  }
0xbc: {  	v0 =	vor.u32 $0x1, v0;
	_ =	sdelay $0x3  }
0xbd: {  	[tilespmem:v54+s14+$0x0] =	vst.idx.msk $0xffff, v2  }
0xbe: {  	v2 =	vld.idx.msk [tilespmem:v0+s12+$0x0], $0xffff;
	_ =	sdelay $0x4  }
0xbf: {  	[tilespmem:v55+s14+$0x0] =	vst.idx.msk $0xffff, v2  }
0xc0: {  	v0 =	vld.idx.msk [tilespmem:v0+s11+$0x0], $0xffff;
	_ =	sdelay $0x4  }
0xc1: {  	[tilespmem:v56+s14+$0x0] =	vst.idx.msk $0xffff, v0  }
0xc2: {  	v0 =	vld [tilespmem:$0x60];
	_ =	sdelay $0x7  }
0xc3: {  	v2 =	vld.idx.msk [tilespmem:v0+s13+$0x0], $0xffff  }
0xc4: {  	v0 =	vshll.u32 v0, $0x1;
	_ =	sdelay $0x3  }
0xc5: {  	[tilespmem:$0x2980] =	vst v2  }
0xc6: {  	v2 =	vld.idx.msk [tilespmem:v0+s12+$0x0], $0xffff;
	_ =	sdelay $0x4  }
0xc7: {  	[tilespmem:v57+s14+$0x0] =	vst.idx.msk $0xffff, v2  }
0xc8: {  	v2 =	vld.idx.msk [tilespmem:v0+s11+$0x0], $0xffff  }
0xc9: {  	v0 =	vor.u32 $0x1, v0;
	_ =	sdelay $0x3  }
0xca: {  	[tilespmem:v58+s14+$0x0] =	vst.idx.msk $0xffff, v2  }
0xcb: {  	v2 =	vld.idx.msk [tilespmem:v0+s12+$0x0], $0xffff;
	_ =	sdelay $0x4  }
0xcc: {  	[tilespmem:v59+s14+$0x0] =	vst.idx.msk $0xffff, v2  }
0xcd: {  	v0 =	vld.idx.msk [tilespmem:v0+s11+$0x0], $0xffff;
	_ =	sdelay $0x4  }
0xce: {  	[tilespmem:v60+s14+$0x0] =	vst.idx.msk $0xffff, v0  }
0xcf: {  	v0 =	vld [tilespmem:$0x70];
	_ =	sdelay $0x7  }
0xd0: {  	v2 =	vld.idx.msk [tilespmem:v0+s13+$0x0], $0xffff  }
0xd1: {  	v0 =	vshll.u32 v0, $0x1;
	_ =	sdelay $0x3  }
0xd2: {  	[tilespmem:$0x2990] =	vst v2  }
0xd3: {  	v2 =	vld.idx.msk [tilespmem:v0+s12+$0x0], $0xffff;
	_ =	sdelay $0x4  }
0xd4: {  	[tilespmem:v61+s14+$0x0] =	vst.idx.msk $0xffff, v2  }
0xd5: {  	v2 =	vld.idx.msk [tilespmem:v0+s11+$0x0], $0xffff  }
0xd6: {  	v0 =	vor.u32 $0x1, v0;
	_ =	sdelay $0x3  }
0xd7: {  	[tilespmem:v62+s14+$0x0] =	vst.idx.msk $0xffff, v2  }
0xd8: {  	v2 =	vld.idx.msk [tilespmem:v0+s12+$0x0], $0xffff;
	_ =	sdelay $0x4  }
0xd9: {  	[tilespmem:v63+s14+$0x0] =	vst.idx.msk $0xffff, v2  }
0xda: {  	v2 =	vor.u32 $0x383, v30;
	v0 =	vld.idx.msk [tilespmem:v0+s11+$0x0], $0xffff;
	_ =	sdelay $0x4  }
0xdb: {  	[tilespmem:v2+s14+$0x0] =	vst.idx.msk $0xffff, v0  }
0xdc: {  	v0 =	vld [tilespmem:$0x80];
	_ =	sdelay $0x7  }
0xdd: {  	v2 =	vld.idx.msk [tilespmem:v0+s13+$0x0], $0xffff  }
0xde: {  	v0 =	vshll.u32 v0, $0x1;
	_ =	sdelay $0x3  }
0xdf: {  	[tilespmem:$0x29A0] =	vst v2  }
0xe0: {  	v3 =	vor.u32 $0x400, v30;
	v2 =	vld.idx.msk [tilespmem:v0+s12+$0x0], $0xffff;
	_ =	sdelay $0x4  }
0xe1: {  	[tilespmem:v3+s14+$0x0] =	vst.idx.msk $0xffff, v2  }
0xe2: {  	v3 =	vor.u32 $0x402, v30;
	v2 =	vld.idx.msk [tilespmem:v0+s11+$0x0], $0xffff  }
0xe3: {  	v0 =	vor.u32 $0x1, v0;
	_ =	sdelay $0x3  }
0xe4: {  	[tilespmem:v3+s14+$0x0] =	vst.idx.msk $0xffff, v2  }
0xe5: {  	v3 =	vor.u32 $0x401, v30;
	v2 =	vld.idx.msk [tilespmem:v0+s12+$0x0], $0xffff;
	_ =	sdelay $0x4  }
0xe6: {  	[tilespmem:v3+s14+$0x0] =	vst.idx.msk $0xffff, v2  }
0xe7: {  	v2 =	vor.u32 $0x403, v30;
	v0 =	vld.idx.msk [tilespmem:v0+s11+$0x0], $0xffff;
	_ =	sdelay $0x4  }
0xe8: {  	[tilespmem:v2+s14+$0x0] =	vst.idx.msk $0xffff, v0  }
0xe9: {  	v0 =	vld [tilespmem:$0x90];
	_ =	sdelay $0x7  }
0xea: {  	v2 =	vld.idx.msk [tilespmem:v0+s13+$0x0], $0xffff  }
0xeb: {  	v0 =	vshll.u32 v0, $0x1;
	_ =	sdelay $0x3  }
0xec: {  	[tilespmem:$0x29B0] =	vst v2  }
0xed: {  	v3 =	vor.u32 $0x480, v30;
	v2 =	vld.idx.msk [tilespmem:v0+s12+$0x0], $0xffff;
	_ =	sdelay $0x4  }
0xee: {  	[tilespmem:v3+s14+$0x0] =	vst.idx.msk $0xffff, v2  }
0xef: {  	v3 =	vor.u32 $0x482, v30;
	v2 =	vld.idx.msk [tilespmem:v0+s11+$0x0], $0xffff  }
0xf0: {  	v0 =	vor.u32 $0x1, v0;
	_ =	sdelay $0x3  }
0xf1: {  	[tilespmem:v3+s14+$0x0] =	vst.idx.msk $0xffff, v2  }
0xf2: {  	v3 =	vor.u32 $0x481, v30;
	v2 =	vld.idx.msk [tilespmem:v0+s12+$0x0], $0xffff;
	_ =	sdelay $0x4  }
0xf3: {  	[tilespmem:v3+s14+$0x0] =	vst.idx.msk $0xffff, v2  }
0xf4: {  	v2 =	vor.u32 $0x483, v30;
	v0 =	vld.idx.msk [tilespmem:v0+s11+$0x0], $0xffff;
	_ =	sdelay $0x4  }
0xf5: {  	[tilespmem:v2+s14+$0x0] =	vst.idx.msk $0xffff, v0  }
0xf6: {  	v0 =	vld [tilespmem:$0xA0];
	_ =	sdelay $0x7  }
0xf7: {  	v2 =	vld.idx.msk [tilespmem:v0+s13+$0x0], $0xffff  }
0xf8: {  	v0 =	vshll.u32 v0, $0x1;
	_ =	sdelay $0x3  }
0xf9: {  	[tilespmem:$0x29C0] =	vst v2  }
0xfa: {  	v3 =	vor.u32 $0x500, v30;
	v2 =	vld.idx.msk [tilespmem:v0+s12+$0x0], $0xffff;
	_ =	sdelay $0x4  }
0xfb: {  	[tilespmem:v3+s14+$0x0] =	vst.idx.msk $0xffff, v2  }
0xfc: {  	v3 =	vor.u32 $0x502, v30;
	v2 =	vld.idx.msk [tilespmem:v0+s11+$0x0], $0xffff  }
0xfd: {  	v0 =	vor.u32 $0x1, v0;
	_ =	sdelay $0x3  }
0xfe: {  	[tilespmem:v3+s14+$0x0] =	vst.idx.msk $0xffff, v2  }
0xff: {  	v3 =	vor.u32 $0x501, v30;
	v2 =	vld.idx.msk [tilespmem:v0+s12+$0x0], $0xffff;
	_ =	sdelay $0x4  }
0x100: {  	[tilespmem:v3+s14+$0x0] =	vst.idx.msk $0xffff, v2  }
0x101: {  	v2 =	vor.u32 $0x503, v30;
	v0 =	vld.idx.msk [tilespmem:v0+s11+$0x0], $0xffff;
	_ =	sdelay $0x4  }
0x102: {  	[tilespmem:v2+s14+$0x0] =	vst.idx.msk $0xffff, v0  }
0x103: {  	v0 =	vld [tilespmem:$0xB0];
	_ =	sdelay $0x7  }
0x104: {  	v2 =	vld.idx.msk [tilespmem:v0+s13+$0x0], $0xffff  }
0x105: {  	v0 =	vshll.u32 v0, $0x1;
	_ =	sdelay $0x3  }
0x106: {  	[tilespmem:$0x29D0] =	vst v2  }
0x107: {  	v3 =	vor.u32 $0x580, v30;
	v2 =	vld.idx.msk [tilespmem:v0+s12+$0x0], $0xffff;
	_ =	sdelay $0x4  }
0x108: {  	[tilespmem:v3+s14+$0x0] =	vst.idx.msk $0xffff, v2  }
0x109: {  	v3 =	vor.u32 $0x582, v30;
	v2 =	vld.idx.msk [tilespmem:v0+s11+$0x0], $0xffff  }
0x10a: {  	v0 =	vor.u32 $0x1, v0;
	_ =	sdelay $0x3  }
0x10b: {  	[tilespmem:v3+s14+$0x0] =	vst.idx.msk $0xffff, v2  }
0x10c: {  	v3 =	vor.u32 $0x581, v30;
	v2 =	vld.idx.msk [tilespmem:v0+s12+$0x0], $0xffff;
	_ =	sdelay $0x4  }
0x10d: {  	[tilespmem:v3+s14+$0x0] =	vst.idx.msk $0xffff, v2  }
0x10e: {  	v2 =	vor.u32 $0x583, v30;
	v0 =	vld.idx.msk [tilespmem:v0+s11+$0x0], $0xffff;
	_ =	sdelay $0x4  }
0x10f: {  	[tilespmem:v2+s14+$0x0] =	vst.idx.msk $0xffff, v0  }
0x110: {  	v0 =	vld [tilespmem:$0xC0];
	_ =	sdelay $0x7  }
0x111: {  	v2 =	vld.idx.msk [tilespmem:v0+s13+$0x0], $0xffff  }
0x112: {  	v0 =	vshll.u32 v0, $0x1;
	_ =	sdelay $0x3  }
0x113: {  	[tilespmem:$0x29E0] =	vst v2  }
0x114: {  	v3 =	vor.u32 $0x600, v30;
	v2 =	vld.idx.msk [tilespmem:v0+s12+$0x0], $0xffff;
	_ =	sdelay $0x4  }
0x115: {  	[tilespmem:v3+s14+$0x0] =	vst.idx.msk $0xffff, v2  }
0x116: {  	v3 =	vor.u32 $0x602, v30;
	v2 =	vld.idx.msk [tilespmem:v0+s11+$0x0], $0xffff  }
0x117: {  	v0 =	vor.u32 $0x1, v0;
	_ =	sdelay $0x3  }
0x118: {  	[tilespmem:v3+s14+$0x0] =	vst.idx.msk $0xffff, v2  }
0x119: {  	v3 =	vor.u32 $0x601, v30;
	v2 =	vld.idx.msk [tilespmem:v0+s12+$0x0], $0xffff;
	_ =	sdelay $0x4  }
0x11a: {  	[tilespmem:v3+s14+$0x0] =	vst.idx.msk $0xffff, v2  }
0x11b: {  	v2 =	vor.u32 $0x603, v30;
	v0 =	vld.idx.msk [tilespmem:v0+s11+$0x0], $0xffff;
	_ =	sdelay $0x4  }
0x11c: {  	[tilespmem:v2+s14+$0x0] =	vst.idx.msk $0xffff, v0  }
0x11d: {  	v0 =	vld [tilespmem:$0xD0];
	_ =	sdelay $0x7  }
0x11e: {  	v2 =	vld.idx.msk [tilespmem:v0+s13+$0x0], $0xffff  }
0x11f: {  	v0 =	vshll.u32 v0, $0x1;
	_ =	sdelay $0x3  }
0x120: {  	[tilespmem:$0x29F0] =	vst v2  }
0x121: {  	v3 =	vor.u32 $0x680, v30;
	v2 =	vld.idx.msk [tilespmem:v0+s12+$0x0], $0xffff;
	_ =	sdelay $0x4  }
0x122: {  	[tilespmem:v3+s14+$0x0] =	vst.idx.msk $0xffff, v2  }
0x123: {  	v3 =	vor.u32 $0x682, v30;
	v2 =	vld.idx.msk [tilespmem:v0+s11+$0x0], $0xffff  }
0x124: {  	v0 =	vor.u32 $0x1, v0;
	_ =	sdelay $0x3  }
0x125: {  	[tilespmem:v3+s14+$0x0] =	vst.idx.msk $0xffff, v2  }
0x126: {  	v3 =	vor.u32 $0x681, v30;
	v2 =	vld.idx.msk [tilespmem:v0+s12+$0x0], $0xffff;
	_ =	sdelay $0x4  }
0x127: {  	[tilespmem:v3+s14+$0x0] =	vst.idx.msk $0xffff, v2  }
0x128: {  	v2 =	vor.u32 $0x683, v30;
	v0 =	vld.idx.msk [tilespmem:v0+s11+$0x0], $0xffff;
	_ =	sdelay $0x4  }
0x129: {  	[tilespmem:v2+s14+$0x0] =	vst.idx.msk $0xffff, v0  }
0x12a: {  	v0 =	vld [tilespmem:$0xE0];
	_ =	sdelay $0x7  }
0x12b: {  	v2 =	vld.idx.msk [tilespmem:v0+s13+$0x0], $0xffff  }
0x12c: {  	v0 =	vshll.u32 v0, $0x1;
	_ =	sdelay $0x3  }
0x12d: {  	[tilespmem:$0x2A00] =	vst v2  }
0x12e: {  	v3 =	vor.u32 $0x700, v30;
	v2 =	vld.idx.msk [tilespmem:v0+s12+$0x0], $0xffff;
	_ =	sdelay $0x4  }
0x12f: {  	[tilespmem:v3+s14+$0x0] =	vst.idx.msk $0xffff, v2  }
0x130: {  	v3 =	vor.u32 $0x702, v30;
	v2 =	vld.idx.msk [tilespmem:v0+s11+$0x0], $0xffff  }
0x131: {  	v0 =	vor.u32 $0x1, v0;
	_ =	sdelay $0x3  }
0x132: {  	[tilespmem:v3+s14+$0x0] =	vst.idx.msk $0xffff, v2  }
0x133: {  	v3 =	vor.u32 $0x701, v30;
	v2 =	vld.idx.msk [tilespmem:v0+s12+$0x0], $0xffff;
	_ =	sdelay $0x4  }
0x134: {  	[tilespmem:v3+s14+$0x0] =	vst.idx.msk $0xffff, v2  }
0x135: {  	v2 =	vor.u32 $0x703, v30;
	v0 =	vld.idx.msk [tilespmem:v0+s11+$0x0], $0xffff;
	_ =	sdelay $0x4  }
0x136: {  	[tilespmem:v2+s14+$0x0] =	vst.idx.msk $0xffff, v0  }
0x137: {  	v0 =	vld [tilespmem:$0xF0];
	_ =	sdelay $0x7  }
0x138: {  	v2 =	vld.idx.msk [tilespmem:v0+s13+$0x0], $0xffff  }
0x139: {  	v0 =	vshll.u32 v0, $0x1;
	_ =	sdelay $0x3  }
0x13a: {  	[tilespmem:$0x2A10] =	vst v2  }
0x13b: {  	v3 =	vor.u32 $0x780, v30;
	v2 =	vld.idx.msk [tilespmem:v0+s12+$0x0], $0xffff;
	_ =	sdelay $0x4  }
0x13c: {  	[tilespmem:v3+s14+$0x0] =	vst.idx.msk $0xffff, v2  }
0x13d: {  	v3 =	vor.u32 $0x782, v30;
	v2 =	vld.idx.msk [tilespmem:v0+s11+$0x0], $0xffff  }
0x13e: {  	v0 =	vor.u32 $0x1, v0;
	_ =	sdelay $0x3  }
0x13f: {  	[tilespmem:v3+s14+$0x0] =	vst.idx.msk $0xffff, v2  }
0x140: {  	v3 =	vor.u32 $0x781, v30;
	v2 =	vld.idx.msk [tilespmem:v0+s12+$0x0], $0xffff;
	_ =	sdelay $0x4  }
0x141: {  	[tilespmem:v3+s14+$0x0] =	vst.idx.msk $0xffff, v2  }
0x142: {  	v2 =	vor.u32 $0x783, v30;
	v0 =	vld.idx.msk [tilespmem:v0+s11+$0x0], $0xffff;
	_ =	sdelay $0x4  }
0x143: {  	[tilespmem:v2+s14+$0x0] =	vst.idx.msk $0xffff, v0  }
0x144: {  	v0 =	vld [tilespmem:$0x100];
	_ =	sdelay $0x7  }
0x145: {  	v2 =	vld.idx.msk [tilespmem:v0+s13+$0x0], $0xffff  }
0x146: {  	v0 =	vshll.u32 v0, $0x1;
	_ =	sdelay $0x3  }
0x147: {  	[tilespmem:$0x2A20] =	vst v2  }
0x148: {  	v3 =	vor.u32 $0x800, v30;
	v2 =	vld.idx.msk [tilespmem:v0+s12+$0x0], $0xffff;
	_ =	sdelay $0x4  }
0x149: {  	[tilespmem:v3+s14+$0x0] =	vst.idx.msk $0xffff, v2  }
0x14a: {  	v3 =	vor.u32 $0x802, v30;
	v2 =	vld.idx.msk [tilespmem:v0+s11+$0x0], $0xffff  }
0x14b: {  	v0 =	vor.u32 $0x1, v0;
	_ =	sdelay $0x3  }
0x14c: {  	[tilespmem:v3+s14+$0x0] =	vst.idx.msk $0xffff, v2  }
0x14d: {  	v3 =	vor.u32 $0x801, v30;
	v2 =	vld.idx.msk [tilespmem:v0+s12+$0x0], $0xffff;
	_ =	sdelay $0x4  }
0x14e: {  	[tilespmem:v3+s14+$0x0] =	vst.idx.msk $0xffff, v2  }
0x14f: {  	v2 =	vor.u32 $0x803, v30;
	v0 =	vld.idx.msk [tilespmem:v0+s11+$0x0], $0xffff;
	_ =	sdelay $0x4  }
0x150: {  	[tilespmem:v2+s14+$0x0] =	vst.idx.msk $0xffff, v0  }
0x151: {  	v0 =	vld [tilespmem:$0x110];
	_ =	sdelay $0x7  }
0x152: {  	v2 =	vld.idx.msk [tilespmem:v0+s13+$0x0], $0xffff  }
0x153: {  	v0 =	vshll.u32 v0, $0x1;
	_ =	sdelay $0x3  }
0x154: {  	[tilespmem:$0x2A30] =	vst v2  }
0x155: {  	v3 =	vor.u32 $0x880, v30;
	v2 =	vld.idx.msk [tilespmem:v0+s12+$0x0], $0xffff;
	_ =	sdelay $0x4  }
0x156: {  	[tilespmem:v3+s14+$0x0] =	vst.idx.msk $0xffff, v2  }
0x157: {  	v3 =	vor.u32 $0x882, v30;
	v2 =	vld.idx.msk [tilespmem:v0+s11+$0x0], $0xffff  }
0x158: {  	v0 =	vor.u32 $0x1, v0;
	_ =	sdelay $0x3  }
0x159: {  	[tilespmem:v3+s14+$0x0] =	vst.idx.msk $0xffff, v2  }
0x15a: {  	v3 =	vor.u32 $0x881, v30;
	v2 =	vld.idx.msk [tilespmem:v0+s12+$0x0], $0xffff;
	_ =	sdelay $0x4  }
0x15b: {  	[tilespmem:v3+s14+$0x0] =	vst.idx.msk $0xffff, v2  }
0x15c: {  	v2 =	vor.u32 $0x883, v30;
	v0 =	vld.idx.msk [tilespmem:v0+s11+$0x0], $0xffff;
	_ =	sdelay $0x4  }
0x15d: {  	[tilespmem:v2+s14+$0x0] =	vst.idx.msk $0xffff, v0  }
0x15e: {  	v0 =	vld [tilespmem:$0x120];
	_ =	sdelay $0x7  }
0x15f: {  	v2 =	vld.idx.msk [tilespmem:v0+s13+$0x0], $0xffff  }
0x160: {  	v0 =	vshll.u32 v0, $0x1;
	_ =	sdelay $0x3  }
0x161: {  	[tilespmem:$0x2A40] =	vst v2  }
0x162: {  	v3 =	vor.u32 $0x900, v30;
	v2 =	vld.idx.msk [tilespmem:v0+s12+$0x0], $0xffff;
	_ =	sdelay $0x4  }
0x163: {  	[tilespmem:v3+s14+$0x0] =	vst.idx.msk $0xffff, v2  }
0x164: {  	v3 =	vor.u32 $0x902, v30;
	v2 =	vld.idx.msk [tilespmem:v0+s11+$0x0], $0xffff  }
0x165: {  	v0 =	vor.u32 $0x1, v0;
	_ =	sdelay $0x3  }
0x166: {  	[tilespmem:v3+s14+$0x0] =	vst.idx.msk $0xffff, v2  }
0x167: {  	v3 =	vor.u32 $0x901, v30;
	v2 =	vld.idx.msk [tilespmem:v0+s12+$0x0], $0xffff;
	_ =	sdelay $0x4  }
0x168: {  	[tilespmem:v3+s14+$0x0] =	vst.idx.msk $0xffff, v2  }
0x169: {  	v2 =	vor.u32 $0x903, v30;
	v0 =	vld.idx.msk [tilespmem:v0+s11+$0x0], $0xffff;
	_ =	sdelay $0x4  }
0x16a: {  	[tilespmem:v2+s14+$0x0] =	vst.idx.msk $0xffff, v0  }
0x16b: {  	v0 =	vld [tilespmem:$0x130];
	_ =	sdelay $0x7  }
0x16c: {  	v2 =	vld.idx.msk [tilespmem:v0+s13+$0x0], $0xffff  }
0x16d: {  	v0 =	vshll.u32 v0, $0x1;
	_ =	sdelay $0x3  }
0x16e: {  	[tilespmem:$0x2A50] =	vst v2  }
0x16f: {  	v3 =	vor.u32 $0x980, v30;
	v2 =	vld.idx.msk [tilespmem:v0+s12+$0x0], $0xffff;
	_ =	sdelay $0x4  }
0x170: {  	[tilespmem:v3+s14+$0x0] =	vst.idx.msk $0xffff, v2  }
0x171: {  	v3 =	vor.u32 $0x982, v30;
	v2 =	vld.idx.msk [tilespmem:v0+s11+$0x0], $0xffff  }
0x172: {  	v0 =	vor.u32 $0x1, v0;
	_ =	sdelay $0x3  }
0x173: {  	[tilespmem:v3+s14+$0x0] =	vst.idx.msk $0xffff, v2  }
0x174: {  	v3 =	vor.u32 $0x981, v30;
	v2 =	vld.idx.msk [tilespmem:v0+s12+$0x0], $0xffff;
	_ =	sdelay $0x4  }
0x175: {  	[tilespmem:v3+s14+$0x0] =	vst.idx.msk $0xffff, v2  }
0x176: {  	v2 =	vor.u32 $0x983, v30;
	v0 =	vld.idx.msk [tilespmem:v0+s11+$0x0], $0xffff;
	_ =	sdelay $0x4  }
0x177: {  	[tilespmem:v2+s14+$0x0] =	vst.idx.msk $0xffff, v0  }
0x178: {  	v0 =	vld [tilespmem:$0x140];
	_ =	sdelay $0x7  }
0x179: {  	v2 =	vld.idx.msk [tilespmem:v0+s13+$0x0], $0xffff  }
0x17a: {  	v0 =	vshll.u32 v0, $0x1;
	_ =	sdelay $0x3  }
0x17b: {  	[tilespmem:$0x2A60] =	vst v2  }
0x17c: {  	v3 =	vor.u32 $0xA00, v30;
	v2 =	vld.idx.msk [tilespmem:v0+s12+$0x0], $0xffff;
	_ =	sdelay $0x4  }
0x17d: {  	[tilespmem:v3+s14+$0x0] =	vst.idx.msk $0xffff, v2  }
0x17e: {  	v3 =	vor.u32 $0xA02, v30;
	v2 =	vld.idx.msk [tilespmem:v0+s11+$0x0], $0xffff  }
0x17f: {  	v0 =	vor.u32 $0x1, v0;
	_ =	sdelay $0x3  }
0x180: {  	[tilespmem:v3+s14+$0x0] =	vst.idx.msk $0xffff, v2  }
0x181: {  	v3 =	vor.u32 $0xA01, v30;
	v2 =	vld.idx.msk [tilespmem:v0+s12+$0x0], $0xffff;
	_ =	sdelay $0x4  }
0x182: {  	[tilespmem:v3+s14+$0x0] =	vst.idx.msk $0xffff, v2  }
0x183: {  	v2 =	vor.u32 $0xA03, v30;
	v0 =	vld.idx.msk [tilespmem:v0+s11+$0x0], $0xffff;
	_ =	sdelay $0x4  }
0x184: {  	[tilespmem:v2+s14+$0x0] =	vst.idx.msk $0xffff, v0  }
0x185: {  	v0 =	vld [tilespmem:$0x150];
	_ =	sdelay $0x7  }
0x186: {  	v2 =	vld.idx.msk [tilespmem:v0+s13+$0x0], $0xffff  }
0x187: {  	v0 =	vshll.u32 v0, $0x1;
	_ =	sdelay $0x3  }
0x188: {  	[tilespmem:$0x2A70] =	vst v2  }
0x189: {  	v3 =	vor.u32 $0xA80, v30;
	v2 =	vld.idx.msk [tilespmem:v0+s12+$0x0], $0xffff;
	_ =	sdelay $0x4  }
0x18a: {  	[tilespmem:v3+s14+$0x0] =	vst.idx.msk $0xffff, v2  }
0x18b: {  	v3 =	vor.u32 $0xA82, v30;
	v2 =	vld.idx.msk [tilespmem:v0+s11+$0x0], $0xffff  }
0x18c: {  	v0 =	vor.u32 $0x1, v0;
	_ =	sdelay $0x3  }
0x18d: {  	[tilespmem:v3+s14+$0x0] =	vst.idx.msk $0xffff, v2  }
0x18e: {  	v3 =	vor.u32 $0xA81, v30;
	v2 =	vld.idx.msk [tilespmem:v0+s12+$0x0], $0xffff;
	_ =	sdelay $0x4  }
0x18f: {  	[tilespmem:v3+s14+$0x0] =	vst.idx.msk $0xffff, v2  }
0x190: {  	v2 =	vor.u32 $0xA83, v30;
	v0 =	vld.idx.msk [tilespmem:v0+s11+$0x0], $0xffff;
	_ =	sdelay $0x4  }
0x191: {  	[tilespmem:v2+s14+$0x0] =	vst.idx.msk $0xffff, v0  }
0x192: {  	v0 =	vld [tilespmem:$0x160];
	_ =	sdelay $0x7  }
0x193: {  	v2 =	vld.idx.msk [tilespmem:v0+s13+$0x0], $0xffff  }
0x194: {  	v0 =	vshll.u32 v0, $0x1;
	_ =	sdelay $0x3  }
0x195: {  	[tilespmem:$0x2A80] =	vst v2  }
0x196: {  	v3 =	vor.u32 $0xB00, v30;
	v2 =	vld.idx.msk [tilespmem:v0+s12+$0x0], $0xffff;
	_ =	sdelay $0x4  }
0x197: {  	[tilespmem:v3+s14+$0x0] =	vst.idx.msk $0xffff, v2  }
0x198: {  	v3 =	vor.u32 $0xB02, v30;
	v2 =	vld.idx.msk [tilespmem:v0+s11+$0x0], $0xffff  }
0x199: {  	v0 =	vor.u32 $0x1, v0;
	_ =	sdelay $0x3  }
0x19a: {  	[tilespmem:v3+s14+$0x0] =	vst.idx.msk $0xffff, v2  }
0x19b: {  	v3 =	vor.u32 $0xB01, v30;
	v2 =	vld.idx.msk [tilespmem:v0+s12+$0x0], $0xffff;
	_ =	sdelay $0x4  }
0x19c: {  	[tilespmem:v3+s14+$0x0] =	vst.idx.msk $0xffff, v2  }
0x19d: {  	v2 =	vor.u32 $0xB03, v30;
	v0 =	vld.idx.msk [tilespmem:v0+s11+$0x0], $0xffff;
	_ =	sdelay $0x4  }
0x19e: {  	[tilespmem:v2+s14+$0x0] =	vst.idx.msk $0xffff, v0  }
0x19f: {  	v0 =	vld [tilespmem:$0x170];
	_ =	sdelay $0x7  }
0x1a0: {  	v2 =	vld.idx.msk [tilespmem:v0+s13+$0x0], $0xffff  }
0x1a1: {  	v0 =	vshll.u32 v0, $0x1;
	_ =	sdelay $0x3  }
0x1a2: {  	[tilespmem:$0x2A90] =	vst v2  }
0x1a3: {  	v3 =	vor.u32 $0xB80, v30;
	v2 =	vld.idx.msk [tilespmem:v0+s12+$0x0], $0xffff;
	_ =	sdelay $0x4  }
0x1a4: {  	[tilespmem:v3+s14+$0x0] =	vst.idx.msk $0xffff, v2  }
0x1a5: {  	v3 =	vor.u32 $0xB82, v30;
	v2 =	vld.idx.msk [tilespmem:v0+s11+$0x0], $0xffff  }
0x1a6: {  	v0 =	vor.u32 $0x1, v0;
	_ =	sdelay $0x3  }
0x1a7: {  	[tilespmem:v3+s14+$0x0] =	vst.idx.msk $0xffff, v2  }
0x1a8: {  	v3 =	vor.u32 $0xB81, v30;
	v2 =	vld.idx.msk [tilespmem:v0+s12+$0x0], $0xffff;
	_ =	sdelay $0x4  }
0x1a9: {  	[tilespmem:v3+s14+$0x0] =	vst.idx.msk $0xffff, v2  }
0x1aa: {  	v2 =	vor.u32 $0xB83, v30;
	v0 =	vld.idx.msk [tilespmem:v0+s11+$0x0], $0xffff;
	_ =	sdelay $0x4  }
0x1ab: {  	[tilespmem:v2+s14+$0x0] =	vst.idx.msk $0xffff, v0  }
0x1ac: {  	v0 =	vld [tilespmem:$0x180];
	_ =	sdelay $0x7  }
0x1ad: {  	v2 =	vld.idx.msk [tilespmem:v0+s13+$0x0], $0xffff  }
0x1ae: {  	v0 =	vshll.u32 v0, $0x1;
	_ =	sdelay $0x3  }
0x1af: {  	[tilespmem:$0x2AA0] =	vst v2  }
0x1b0: {  	v3 =	vor.u32 $0xC00, v30;
	v2 =	vld.idx.msk [tilespmem:v0+s12+$0x0], $0xffff;
	_ =	sdelay $0x4  }
0x1b1: {  	[tilespmem:v3+s14+$0x0] =	vst.idx.msk $0xffff, v2  }
0x1b2: {  	v3 =	vor.u32 $0xC02, v30;
	v2 =	vld.idx.msk [tilespmem:v0+s11+$0x0], $0xffff  }
0x1b3: {  	v0 =	vor.u32 $0x1, v0;
	_ =	sdelay $0x3  }
0x1b4: {  	[tilespmem:v3+s14+$0x0] =	vst.idx.msk $0xffff, v2  }
0x1b5: {  	v3 =	vor.u32 $0xC01, v30;
	v2 =	vld.idx.msk [tilespmem:v0+s12+$0x0], $0xffff;
	_ =	sdelay $0x4  }
0x1b6: {  	[tilespmem:v3+s14+$0x0] =	vst.idx.msk $0xffff, v2  }
0x1b7: {  	v2 =	vor.u32 $0xC03, v30;
	v0 =	vld.idx.msk [tilespmem:v0+s11+$0x0], $0xffff;
	_ =	sdelay $0x4  }
0x1b8: {  	[tilespmem:v2+s14+$0x0] =	vst.idx.msk $0xffff, v0  }
0x1b9: {  	v0 =	vld [tilespmem:$0x190];
	_ =	sdelay $0x7  }
0x1ba: {  	v2 =	vld.idx.msk [tilespmem:v0+s13+$0x0], $0xffff  }
0x1bb: {  	v0 =	vshll.u32 v0, $0x1;
	_ =	sdelay $0x3  }
0x1bc: {  	[tilespmem:$0x2AB0] =	vst v2  }
0x1bd: {  	v3 =	vor.u32 $0xC80, v30;
	v2 =	vld.idx.msk [tilespmem:v0+s12+$0x0], $0xffff;
	_ =	sdelay $0x4  }
0x1be: {  	[tilespmem:v3+s14+$0x0] =	vst.idx.msk $0xffff, v2  }
0x1bf: {  	v3 =	vor.u32 $0xC82, v30;
	v2 =	vld.idx.msk [tilespmem:v0+s11+$0x0], $0xffff  }
0x1c0: {  	v0 =	vor.u32 $0x1, v0;
	_ =	sdelay $0x3  }
0x1c1: {  	[tilespmem:v3+s14+$0x0] =	vst.idx.msk $0xffff, v2  }
0x1c2: {  	v3 =	vor.u32 $0xC81, v30;
	v2 =	vld.idx.msk [tilespmem:v0+s12+$0x0], $0xffff;
	_ =	sdelay $0x4  }
0x1c3: {  	[tilespmem:v3+s14+$0x0] =	vst.idx.msk $0xffff, v2  }
0x1c4: {  	v2 =	vor.u32 $0xC83, v30;
	v0 =	vld.idx.msk [tilespmem:v0+s11+$0x0], $0xffff;
	_ =	sdelay $0x4  }
0x1c5: {  	[tilespmem:v2+s14+$0x0] =	vst.idx.msk $0xffff, v0  }
0x1c6: {  	v0 =	vld [tilespmem:$0x1A0];
	_ =	sdelay $0x7  }
0x1c7: {  	v2 =	vld.idx.msk [tilespmem:v0+s13+$0x0], $0xffff  }
0x1c8: {  	v0 =	vshll.u32 v0, $0x1;
	_ =	sdelay $0x3  }
0x1c9: {  	[tilespmem:$0x2AC0] =	vst v2  }
0x1ca: {  	v3 =	vor.u32 $0xD00, v30;
	v2 =	vld.idx.msk [tilespmem:v0+s12+$0x0], $0xffff;
	_ =	sdelay $0x4  }
0x1cb: {  	[tilespmem:v3+s14+$0x0] =	vst.idx.msk $0xffff, v2  }
0x1cc: {  	v3 =	vor.u32 $0xD02, v30;
	v2 =	vld.idx.msk [tilespmem:v0+s11+$0x0], $0xffff  }
0x1cd: {  	v0 =	vor.u32 $0x1, v0;
	_ =	sdelay $0x3  }
0x1ce: {  	[tilespmem:v3+s14+$0x0] =	vst.idx.msk $0xffff, v2  }
0x1cf: {  	v3 =	vor.u32 $0xD01, v30;
	v2 =	vld.idx.msk [tilespmem:v0+s12+$0x0], $0xffff;
	_ =	sdelay $0x4  }
0x1d0: {  	[tilespmem:v3+s14+$0x0] =	vst.idx.msk $0xffff, v2  }
0x1d1: {  	v2 =	vor.u32 $0xD03, v30;
	v0 =	vld.idx.msk [tilespmem:v0+s11+$0x0], $0xffff;
	_ =	sdelay $0x4  }
0x1d2: {  	[tilespmem:v2+s14+$0x0] =	vst.idx.msk $0xffff, v0  }
0x1d3: {  	v0 =	vld [tilespmem:$0x1B0];
	_ =	sdelay $0x7  }
0x1d4: {  	v2 =	vld.idx.msk [tilespmem:v0+s13+$0x0], $0xffff  }
0x1d5: {  	v0 =	vshll.u32 v0, $0x1;
	_ =	sdelay $0x3  }
0x1d6: {  	[tilespmem:$0x2AD0] =	vst v2  }
0x1d7: {  	v3 =	vor.u32 $0xD80, v30;
	v2 =	vld.idx.msk [tilespmem:v0+s12+$0x0], $0xffff;
	_ =	sdelay $0x4  }
0x1d8: {  	[tilespmem:v3+s14+$0x0] =	vst.idx.msk $0xffff, v2  }
0x1d9: {  	v3 =	vor.u32 $0xD82, v30;
	v2 =	vld.idx.msk [tilespmem:v0+s11+$0x0], $0xffff  }
0x1da: {  	v0 =	vor.u32 $0x1, v0;
	_ =	sdelay $0x3  }
0x1db: {  	[tilespmem:v3+s14+$0x0] =	vst.idx.msk $0xffff, v2  }
0x1dc: {  	v3 =	vor.u32 $0xD81, v30;
	v2 =	vld.idx.msk [tilespmem:v0+s12+$0x0], $0xffff;
	_ =	sdelay $0x4  }
0x1dd: {  	[tilespmem:v3+s14+$0x0] =	vst.idx.msk $0xffff, v2  }
0x1de: {  	v2 =	vor.u32 $0xD83, v30;
	v0 =	vld.idx.msk [tilespmem:v0+s11+$0x0], $0xffff;
	_ =	sdelay $0x4  }
0x1df: {  	[tilespmem:v2+s14+$0x0] =	vst.idx.msk $0xffff, v0  }
0x1e0: {  	v0 =	vld [tilespmem:$0x1C0];
	_ =	sdelay $0x7  }
0x1e1: {  	v2 =	vld.idx.msk [tilespmem:v0+s13+$0x0], $0xffff  }
0x1e2: {  	v0 =	vshll.u32 v0, $0x1;
	_ =	sdelay $0x3  }
0x1e3: {  	[tilespmem:$0x2AE0] =	vst v2  }
0x1e4: {  	v3 =	vor.u32 $0xE00, v30;
	v2 =	vld.idx.msk [tilespmem:v0+s12+$0x0], $0xffff;
	_ =	sdelay $0x4  }
0x1e5: {  	[tilespmem:v3+s14+$0x0] =	vst.idx.msk $0xffff, v2  }
0x1e6: {  	v3 =	vor.u32 $0xE02, v30;
	v2 =	vld.idx.msk [tilespmem:v0+s11+$0x0], $0xffff  }
0x1e7: {  	v0 =	vor.u32 $0x1, v0;
	_ =	sdelay $0x3  }
0x1e8: {  	[tilespmem:v3+s14+$0x0] =	vst.idx.msk $0xffff, v2  }
0x1e9: {  	v3 =	vor.u32 $0xE01, v30;
	v2 =	vld.idx.msk [tilespmem:v0+s12+$0x0], $0xffff;
	_ =	sdelay $0x4  }
0x1ea: {  	[tilespmem:v3+s14+$0x0] =	vst.idx.msk $0xffff, v2  }
0x1eb: {  	v2 =	vor.u32 $0xE03, v30;
	v0 =	vld.idx.msk [tilespmem:v0+s11+$0x0], $0xffff;
	_ =	sdelay $0x4  }
0x1ec: {  	[tilespmem:v2+s14+$0x0] =	vst.idx.msk $0xffff, v0  }
0x1ed: {  	v0 =	vld [tilespmem:$0x1D0];
	_ =	sdelay $0x7  }
0x1ee: {  	v2 =	vld.idx.msk [tilespmem:v0+s13+$0x0], $0xffff  }
0x1ef: {  	v0 =	vshll.u32 v0, $0x1;
	_ =	sdelay $0x3  }
0x1f0: {  	[tilespmem:$0x2AF0] =	vst v2  }
0x1f1: {  	v3 =	vor.u32 $0xE80, v30;
	v2 =	vld.idx.msk [tilespmem:v0+s12+$0x0], $0xffff;
	_ =	sdelay $0x4  }
0x1f2: {  	[tilespmem:v3+s14+$0x0] =	vst.idx.msk $0xffff, v2  }
0x1f3: {  	v3 =	vor.u32 $0xE82, v30;
	v2 =	vld.idx.msk [tilespmem:v0+s11+$0x0], $0xffff  }
0x1f4: {  	v0 =	vor.u32 $0x1, v0;
	_ =	sdelay $0x3  }
0x1f5: {  	[tilespmem:v3+s14+$0x0] =	vst.idx.msk $0xffff, v2  }
0x1f6: {  	v3 =	vor.u32 $0xE81, v30;
	v2 =	vld.idx.msk [tilespmem:v0+s12+$0x0], $0xffff;
	_ =	sdelay $0x4  }
0x1f7: {  	[tilespmem:v3+s14+$0x0] =	vst.idx.msk $0xffff, v2  }
0x1f8: {  	v2 =	vor.u32 $0xE83, v30;
	v0 =	vld.idx.msk [tilespmem:v0+s11+$0x0], $0xffff;
	_ =	sdelay $0x4  }
0x1f9: {  	[tilespmem:v2+s14+$0x0] =	vst.idx.msk $0xffff, v0  }
0x1fa: {  	v0 =	vld [tilespmem:$0x1E0];
	_ =	sdelay $0x7  }
0x1fb: {  	v2 =	vld.idx.msk [tilespmem:v0+s13+$0x0], $0xffff  }
0x1fc: {  	v0 =	vshll.u32 v0, $0x1;
	_ =	sdelay $0x3  }
0x1fd: {  	[tilespmem:$0x2B00] =	vst v2  }
0x1fe: {  	v3 =	vor.u32 $0xF00, v30;
	v2 =	vld.idx.msk [tilespmem:v0+s12+$0x0], $0xffff;
	_ =	sdelay $0x4  }
0x1ff: {  	[tilespmem:v3+s14+$0x0] =	vst.idx.msk $0xffff, v2  }
0x200: {  	v3 =	vor.u32 $0xF02, v30;
	v2 =	vld.idx.msk [tilespmem:v0+s11+$0x0], $0xffff  }
0x201: {  	v0 =	vor.u32 $0x1, v0;
	_ =	sdelay $0x3  }
0x202: {  	[tilespmem:v3+s14+$0x0] =	vst.idx.msk $0xffff, v2  }
0x203: {  	v3 =	vor.u32 $0xF01, v30;
	v2 =	vld.idx.msk [tilespmem:v0+s12+$0x0], $0xffff;
	_ =	sdelay $0x4  }
0x204: {  	[tilespmem:v3+s14+$0x0] =	vst.idx.msk $0xffff, v2  }
0x205: {  	v2 =	vor.u32 $0xF03, v30;
	v0 =	vld.idx.msk [tilespmem:v0+s11+$0x0], $0xffff;
	_ =	sdelay $0x4  }
0x206: {  	[tilespmem:v2+s14+$0x0] =	vst.idx.msk $0xffff, v0  }
0x207: {  	v0 =	vld [tilespmem:$0x1F0];
	_ =	sdelay $0x7  }
0x208: {  	v2 =	vld.idx.msk [tilespmem:v0+s13+$0x0], $0xffff  }
0x209: {  	v0 =	vshll.u32 v0, $0x1;
	_ =	sdelay $0x3  }
0x20a: {  	[tilespmem:$0x2B10] =	vst v2  }
0x20b: {  	v3 =	vor.u32 $0xF80, v30;
	v2 =	vld.idx.msk [tilespmem:v0+s12+$0x0], $0xffff;
	_ =	sdelay $0x4  }
0x20c: {  	[tilespmem:v3+s14+$0x0] =	vst.idx.msk $0xffff, v2  }
0x20d: {  	v3 =	vor.u32 $0xF82, v30;
	v2 =	vld.idx.msk [tilespmem:v0+s11+$0x0], $0xffff  }
0x20e: {  	v0 =	vor.u32 $0x1, v0;
	_ =	sdelay $0x3  }
0x20f: {  	[tilespmem:v3+s14+$0x0] =	vst.idx.msk $0xffff, v2  }
0x210: {  	v3 =	vor.u32 $0xF81, v30;
	v2 =	vld.idx.msk [tilespmem:v0+s12+$0x0], $0xffff;
	_ =	sdelay $0x4  }
0x211: {  	[tilespmem:v3+s14+$0x0] =	vst.idx.msk $0xffff, v2  }
0x212: {  	v2 =	vor.u32 $0xF83, v30;
	v0 =	vld.idx.msk [tilespmem:v0+s11+$0x0], $0xffff;
	_ =	sdelay $0x4  }
0x213: {  	[tilespmem:v2+s14+$0x0] =	vst.idx.msk $0xffff, v0  }
0x214: {  	[hbm4b:s6+s9] =	stream.linear.scatter [tilespmem:s13], [sflag:$0x1], $0x2720, $0x38;
	[tilespmem:$0xD7A0] =	vst v63  }
0x215: {  	_ =	swait.ge [sflag:s10], $0x2720  }
0x216: {  	[sflag:s10] =	ssyncset.done $0x0  }
0x217: {  	[sflag:s10] =	ssyncadd.s32 $0xFFFFD8E0  }
0x218: {  	[hbm4b:s3+s9] =	stream.linear.scatter [tilespmem:s15], [sflag:$0x1], $0x200, $0x38;
	[tilespmem:$0xD7A0] =	vst v63  }
0x219: {  	s16 =	sadd.s32 $0x1, s16;
	_ =	swait.ge [sflag:s10], $0x200  }
0x21a: {  	p0 =	sne.s32 s16, s8;
	[sflag:s10] =	ssyncset.done $0x0  }
.Ltmp2:
0x21b: {  	[sflag:s10] =	ssyncadd.s32 $0xFFFFFE00;
	(pc) =	sbr.rel @p0 .LBB2_2-.Ltmp2, $4  }
0x21c: {  	[hbm4b:s7+s9] =	stream.linear.scatter [tilespmem:s14], [sflag:$0x1], $0x1000, $0x38;
	[tilespmem:$0xD7A0] =	vst v63  }
0x21d: {  	_ =	swait.ge [sflag:s10], $0x1000  }
0x21e: {  	[sflag:s10] =	ssyncset.done $0x0  }
0x21f: {  	[sflag:s10] =	ssyncadd.s32 $0xFFFFF000  }
.LBB2_5:
0x220: {  	_ =	sfence.sel $0x180000  }
0x221: {  	[bflag:$0x0] =	sbarrier.arrive $0xFFFF  }
0x222: {  	p0 =	sne.s32 s0, $0x0;
	_ =	strace $0x90000047  }
0x223: {  	s0 =	sadd.s32 @!p0 $0x100000, s2;
	[bflag:$0x2] =	sbarrier.arrive $0xFFFF  }
0x224: {  	[sflag:s0] =	ssyncadd.tile.s32 @!p0 $0x1;
	_ =	shalt  }
.Lfunc_end2:
_tile_overlayer_lowered:
.L_overlay_start_2:
0x225: {  	(tag) =	ssettag $0x2  }
0x226: {  	s0 =	rddreg [dreg:$0x0];
	s2 =	stileid.u32  }
0x227: {  	s1 =	rddreg [dreg:$0x1];
	p0 =	sne.s32 s2, $0x0  }
0x228: {  	s3 =	rddreg [dreg:$0x2];
	[bflag:$0x3] =	sbarrier.arrive $0xFFFF;
	s2 =	simm.s32 @!p0 $0x1C01  }
0x229: {  	[timem:s3], [sflag:s2] =	dma.local @!p0 [hbm:s0], s1  }
0x22a: {  	s0 =	simm.s32 @!p0 $0x1  }
0x22b: {  	_ =	swait.ge @!p0 [sflag:s0], s1  }
0x22c: {  	s1 =	ssub.s32 @!p0 $0x0, s1;
	[sflag:s0] =	ssyncset.done @!p0 $0x0  }
0x22d: {  	[sflag:s0] =	ssyncadd.s32 @!p0 s1  }
0x22e: {  	[bflag:$0x3] =	sbarrier.arrive $0xFFFF  }
0x22f: {  	_ =	shalt  }

</sc_bundles>
